<compile_context>
chip_gen: v7x
topology: tpu7x:2x2x1
jax: 0.10.2.dev20260603
libtpu: 0.0.44.dev20260713+nightly
codegen_flags: <defaults>
</compile_context>

<pallas_src>
import jax
import jax.numpy as jnp
from jax import lax
from jax.experimental import pallas as pl
from jax.experimental.pallas import tpu as pltpu
from jax.experimental.pallas import tpu_sc as plsc

_N_IN = 16384
_N_OUT = 16384
_B = 64
_NC = 2
_NS = 16
_NW = _NC * _NS
_G = 128


_NBG = 3


def _sc_body(xT_ref, cols_ref, rows_ref, w_ref, out_ref,
             acc, cols_l, rows_l, w_l,
             buf0, buf1, buf2, obuf0,
             gsem0, gsem1, gsem2, ssem):
    c = lax.axis_index("c")
    s = lax.axis_index("s")
    wid = s * _NC + c
    nchunk = cols_l.shape[0]
    bufs = (buf0, buf1, buf2)
    obufs = (obuf0,)
    gsems = (gsem0, gsem1, gsem2)

    pltpu.sync_copy(cols_ref.at[wid], cols_l)
    pltpu.sync_copy(rows_ref.at[wid], rows_l)
    pltpu.sync_copy(w_ref.at[wid], w_l)

    zero16 = jnp.zeros((16,), jnp.float32)

    def _zb(i, carry):
        for r in bufs + obufs:
            for j in range(_B // 16):
                r[i, pl.ds(j * 16, 16)] = zero16
        return carry

    lax.fori_loop(0, _G, _zb, 0)
    rows_per = _N_OUT // _NS
    for k in range(rows_per // _G):
        pltpu.sync_copy(bufs[k % _NBG], acc.at[pl.ds(s * rows_per + k * _G, _G)])
    plsc.subcore_barrier()
    for b in range(_NBG):
        pltpu.async_copy(xT_ref.at[cols_l.at[b]], bufs[b], gsems[b])

    def _turn(i, b, ob):
        pltpu.make_async_copy(xT_ref.at[cols_l.at[0]], bufs[b], gsems[b]).wait()
        base_i = jnp.full((16,), i * _G, jnp.int32)

        @plsc.parallel_loop(0, _G // 16, unroll=4)
        def _scale(q):
            lane0 = base_i + q * 16
            for l in range(16):
                wb = plsc.load_gather(w_l, [lane0 + l])
                g = q * 16 + l
                for j in range(_B // 16):
                    sl = pl.ds(j * 16, 16)
                    obufs[ob][g, sl] = bufs[b][g, sl] * wb
        pltpu.async_copy(obufs[ob], acc.at[rows_l.at[i]], ssem, add=True)
        pltpu.make_async_copy(obufs[ob], acc.at[rows_l.at[0]], ssem).wait()

        @pl.when(i + _NBG < nchunk)
        def _refill():
            pltpu.async_copy(xT_ref.at[cols_l.at[i + _NBG]], bufs[b], gsems[b])

    def _chunk(k, carry):
        for b in range(_NBG):
            _turn(k * _NBG + b, b, 0)
        return carry

    lax.fori_loop(0, nchunk // _NBG, _chunk, 0)
    plsc.subcore_barrier()

    pltpu.sync_copy(acc.at[pl.ds(s * rows_per, rows_per)],
                    out_ref.at[c, pl.ds(s * rows_per, rows_per)])


def _combine_body(p_ref, b_ref, o_ref):
    t = p_ref[0] + p_ref[1]
    o_ref[...] = t.T + b_ref[...]


def kernel(x, sparse_weight, bias, rows, cols):
    nnz = sparse_weight.shape[0]
    nchunk = -(-nnz // (_NW * _G))
    nchunk = -(-nchunk // _NBG) * _NBG
    total = _NW * nchunk * _G
    pad = total - nnz

    cols_p = jnp.concatenate(
        [cols, jnp.zeros((pad,), jnp.int32)]).reshape(_NW, nchunk, _G)
    rows_p = jnp.concatenate(
        [rows, jnp.zeros((pad,), jnp.int32)]).reshape(_NW, nchunk, _G)
    w_p = jnp.concatenate(
        [sparse_weight, jnp.zeros((pad,), jnp.float32)]).reshape(
            _NW, nchunk * _G)
    xT = x.T

    mesh = plsc.VectorSubcoreMesh(
        core_axis_name="c", subcore_axis_name="s",
        num_cores=_NC, num_subcores=_NS)
    sck = pl.kernel(
        _sc_body,
        out_type=jax.ShapeDtypeStruct((_NC, _N_OUT, _B), jnp.float32),
        mesh=mesh,
        compiler_params=pltpu.CompilerParams(
            needs_layout_passes=False, use_tc_tiling_on_sc=False),
        scratch_types=[
            pltpu.VMEM_SHARED((_N_OUT, _B), jnp.float32),
            pltpu.VMEM((nchunk, _G), jnp.int32),
            pltpu.VMEM((nchunk, _G), jnp.int32),
            pltpu.VMEM((nchunk * _G,), jnp.float32),
        ] + [pltpu.VMEM((_G, _B), jnp.float32)] * (_NBG + 1)
          + [pltpu.SemaphoreType.DMA] * (_NBG + 1),
    )
    partial = sck(xT, cols_p, rows_p, w_p)

    blk = 1024
    out = pl.pallas_call(
        _combine_body,
        grid=(_N_OUT // blk,),
        in_specs=[
            pl.BlockSpec((_NC, blk, _B), lambda i: (0, i, 0)),
            pl.BlockSpec((1, blk), lambda i: (0, i)),
        ],
        out_specs=pl.BlockSpec((_B, blk), lambda i: (0, i)),
        out_shape=jax.ShapeDtypeStruct((_B, _N_OUT), jnp.float32),
    )(partial, bias.reshape(1, _N_OUT))
    return out

# --- scband reference (transcript-rebuilt; emitter-appended) ---
"""Pipeline reference for scband-sparse-linear-6365141533108 (READ-ONLY COPY).

The authoritative reference and input builder live on the scoring server;
editing this copy changes nothing except your own understanding.
"""

import jax, jax.numpy as jnp
import numpy as np

N_IN = 16384
N_OUT = 16384
NNZ = 268435
B = 64

def setup_inputs(seed: int = 0) -> dict:
    key = jax.random.key(seed)
    k1, k2, k3, k4, k5 = jax.random.split(key, 5)
    x = jax.random.normal(k1, (B, N_IN), dtype=jnp.float32)
    # sparse_indices (row=out_channel, col=in_channel) derived from a 0.1% Bernoulli mask
    rows = jax.random.randint(k2, (NNZ,), 0, N_OUT, dtype=jnp.int32)
    cols = jax.random.randint(k3, (NNZ,), 0, N_IN, dtype=jnp.int32)
    # kaiming-uniform-like scale: fan_in ~ N_IN*0.001 ~= 16.4 -> bound ~ sqrt(3)*gain/sqrt(fan_in)
    fan_in = max(N_IN * 0.001, 1.0)
    gain = float(np.sqrt(2.0 / (1.0 + 5.0)))
    bound = float(np.sqrt(3.0) * gain / np.sqrt(fan_in))
    sparse_weight = jax.random.uniform(k4, (NNZ,), dtype=jnp.float32, minval=-bound, maxval=bound)
    bbound = float(1.0 / np.sqrt(fan_in))
    bias = jax.random.uniform(k5, (N_OUT,), dtype=jnp.float32, minval=-bbound, maxval=bbound)
    return {"x": x, "sparse_weight": sparse_weight, "bias": bias, "rows": rows, "cols": cols}

def reference(x, sparse_weight, bias, rows, cols):
    # out = (W_sparse @ x.T).T + bias, where W_sparse is COO with (rows, cols, sparse_weight)
    # gather input columns for every nnz, scale by weight, scatter-add into output rows
    contrib = jnp.take(x, cols, axis=1) * sparse_weight[None, :]          # [B, NNZ]
    out = jax.ops.segment_sum(contrib.T, rows, num_segments=N_OUT).T     # [B, N_OUT]
    return out + bias[None, :]

if __name__ == "__main__":
    import jax
    _d = setup_inputs()
    print(jax.jit(kernel)(*tuple(_d.values())))

</pallas_src>

<mosaic_0001>
#map = affine_map<(d0, d1) -> (0, 0)>
#map1 = affine_map<(d0, d1) -> (0, 0, 0)>
module attributes {stable_mosaic.version = 14 : i64} {
  func.func @_sc_body(%arg0: i32, %arg1: i32, %arg2: memref<16384x64xf32, #tpu.memory_space<hbm>>, %arg3: memref<32x66x128xi32, #tpu.memory_space<hbm>>, %arg4: memref<32x66x128xi32, #tpu.memory_space<hbm>>, %arg5: memref<32x8448xf32, #tpu.memory_space<hbm>>, %arg6: memref<2x16384x64xf32, #tpu.memory_space<hbm>>, %arg7: memref<16384x64xf32, #tpu.memory_space<vmem_shared>>, %arg8: memref<66x128xi32, #tpu.memory_space<vmem>>, %arg9: memref<66x128xi32, #tpu.memory_space<vmem>>, %arg10: memref<8448xf32, #tpu.memory_space<vmem>>, %arg11: memref<128x64xf32, #tpu.memory_space<vmem>>, %arg12: memref<128x64xf32, #tpu.memory_space<vmem>>, %arg13: memref<128x64xf32, #tpu.memory_space<vmem>>, %arg14: memref<128x64xf32, #tpu.memory_space<vmem>>, %arg15: memref<!tpu.dma_semaphore, #tpu.memory_space<semaphore_mem>>, %arg16: memref<!tpu.dma_semaphore, #tpu.memory_space<semaphore_mem>>, %arg17: memref<!tpu.dma_semaphore, #tpu.memory_space<semaphore_mem>>, %arg18: memref<!tpu.dma_semaphore, #tpu.memory_space<semaphore_mem>>) attributes {dimension_semantics = [#tpu.dimension_semantics<core_parallel>, #tpu.dimension_semantics<subcore_parallel>], iteration_bounds = array<i64: 2, 16>, scalar_prefetch = 0 : i64, scratch_operands = 12 : i64, tpu.core_type = #tpu.core_type<sc_vector_subcore>, window_params = [{transform_indices = #map}, {transform_indices = #map1}, {transform_indices = #map1}, {transform_indices = #map}, {transform_indices = #map1}]} {
    %mul3A = arith.constant 2 : i32
    %mul3A_0 = arith.muli %arg1, %mul3A : i32
    %add3A = arith.addi %mul3A_0, %arg0 : i32
    "tpu.region"() ({
      %run_scoped3A = tpu.sem_alloc : memref<!tpu.dma_semaphore, #tpu.memory_space<semaphore_mem>>
      %dma_start3A_70 = arith.constant 0 : i32
      %dma_start3A_71 = arith.constant 0 : i32
      %dma_start3A_72 = tpu.memref_slice %arg3[%add3A, %dma_start3A_70, %dma_start3A_71] : memref<32x66x128xi32, #tpu.memory_space<hbm>> -> memref<1x66x128xi32, #tpu.memory_space<hbm>>
      %dma_start3A_73 = tpu.memref_squeeze %dma_start3A_72 : memref<1x66x128xi32, #tpu.memory_space<hbm>> -> memref<66x128xi32, #tpu.memory_space<hbm>>
      %dma_start3A_74 = arith.constant 0 : i32
      %dma_start3A_75 = arith.constant 0 : i32
      %dma_start3A_76 = tpu.memref_slice %arg3[%add3A, %dma_start3A_74, %dma_start3A_75] : memref<32x66x128xi32, #tpu.memory_space<hbm>> -> memref<1x66x128xi32, #tpu.memory_space<hbm>>
      %dma_start3A_77 = tpu.memref_squeeze %dma_start3A_76 : memref<1x66x128xi32, #tpu.memory_space<hbm>> -> memref<66x128xi32, #tpu.memory_space<hbm>>
      tpu.enqueue_dma source(%dma_start3A_77 : memref<66x128xi32, #tpu.memory_space<hbm>>) target(%arg8 : memref<66x128xi32, #tpu.memory_space<vmem>>) target_semaphore(%run_scoped3A : memref<!tpu.dma_semaphore, #tpu.memory_space<semaphore_mem>>)
      %dma_wait3A = arith.constant 0 : i32
      %dma_wait3A_78 = arith.constant 0 : i32
      %dma_wait3A_79 = tpu.memref_slice %arg3[%add3A, %dma_wait3A, %dma_wait3A_78] : memref<32x66x128xi32, #tpu.memory_space<hbm>> -> memref<1x66x128xi32, #tpu.memory_space<hbm>>
      %dma_wait3A_80 = tpu.memref_squeeze %dma_wait3A_79 : memref<1x66x128xi32, #tpu.memory_space<hbm>> -> memref<66x128xi32, #tpu.memory_space<hbm>>
      %dma_wait3A_81 = arith.constant 0 : i32
      %dma_wait3A_82 = arith.constant 0 : i32
      %dma_wait3A_83 = tpu.memref_slice %arg3[%add3A, %dma_wait3A_81, %dma_wait3A_82] : memref<32x66x128xi32, #tpu.memory_space<hbm>> -> memref<1x66x128xi32, #tpu.memory_space<hbm>>
      %dma_wait3A_84 = tpu.memref_squeeze %dma_wait3A_83 : memref<1x66x128xi32, #tpu.memory_space<hbm>> -> memref<66x128xi32, #tpu.memory_space<hbm>>
      tpu.wait_dma2 semaphore(%run_scoped3A : memref<!tpu.dma_semaphore, #tpu.memory_space<semaphore_mem>>) src(%dma_wait3A_84 : memref<66x128xi32, #tpu.memory_space<hbm>>) dst(%arg8 : memref<66x128xi32, #tpu.memory_space<vmem>>)
      tpu.yield
    }) : () -> ()
    "tpu.region"() ({
      %run_scoped3A = tpu.sem_alloc : memref<!tpu.dma_semaphore, #tpu.memory_space<semaphore_mem>>
      %dma_start3A_70 = arith.constant 0 : i32
      %dma_start3A_71 = arith.constant 0 : i32
      %dma_start3A_72 = tpu.memref_slice %arg4[%add3A, %dma_start3A_70, %dma_start3A_71] : memref<32x66x128xi32, #tpu.memory_space<hbm>> -> memref<1x66x128xi32, #tpu.memory_space<hbm>>
      %dma_start3A_73 = tpu.memref_squeeze %dma_start3A_72 : memref<1x66x128xi32, #tpu.memory_space<hbm>> -> memref<66x128xi32, #tpu.memory_space<hbm>>
      %dma_start3A_74 = arith.constant 0 : i32
      %dma_start3A_75 = arith.constant 0 : i32
      %dma_start3A_76 = tpu.memref_slice %arg4[%add3A, %dma_start3A_74, %dma_start3A_75] : memref<32x66x128xi32, #tpu.memory_space<hbm>> -> memref<1x66x128xi32, #tpu.memory_space<hbm>>
      %dma_start3A_77 = tpu.memref_squeeze %dma_start3A_76 : memref<1x66x128xi32, #tpu.memory_space<hbm>> -> memref<66x128xi32, #tpu.memory_space<hbm>>
      tpu.enqueue_dma source(%dma_start3A_77 : memref<66x128xi32, #tpu.memory_space<hbm>>) target(%arg9 : memref<66x128xi32, #tpu.memory_space<vmem>>) target_semaphore(%run_scoped3A : memref<!tpu.dma_semaphore, #tpu.memory_space<semaphore_mem>>)
      %dma_wait3A = arith.constant 0 : i32
      %dma_wait3A_78 = arith.constant 0 : i32
      %dma_wait3A_79 = tpu.memref_slice %arg4[%add3A, %dma_wait3A, %dma_wait3A_78] : memref<32x66x128xi32, #tpu.memory_space<hbm>> -> memref<1x66x128xi32, #tpu.memory_space<hbm>>
      %dma_wait3A_80 = tpu.memref_squeeze %dma_wait3A_79 : memref<1x66x128xi32, #tpu.memory_space<hbm>> -> memref<66x128xi32, #tpu.memory_space<hbm>>
      %dma_wait3A_81 = arith.constant 0 : i32
      %dma_wait3A_82 = arith.constant 0 : i32
      %dma_wait3A_83 = tpu.memref_slice %arg4[%add3A, %dma_wait3A_81, %dma_wait3A_82] : memref<32x66x128xi32, #tpu.memory_space<hbm>> -> memref<1x66x128xi32, #tpu.memory_space<hbm>>
      %dma_wait3A_84 = tpu.memref_squeeze %dma_wait3A_83 : memref<1x66x128xi32, #tpu.memory_space<hbm>> -> memref<66x128xi32, #tpu.memory_space<hbm>>
      tpu.wait_dma2 semaphore(%run_scoped3A : memref<!tpu.dma_semaphore, #tpu.memory_space<semaphore_mem>>) src(%dma_wait3A_84 : memref<66x128xi32, #tpu.memory_space<hbm>>) dst(%arg9 : memref<66x128xi32, #tpu.memory_space<vmem>>)
      tpu.yield
    }) : () -> ()
    "tpu.region"() ({
      %run_scoped3A = tpu.sem_alloc : memref<!tpu.dma_semaphore, #tpu.memory_space<semaphore_mem>>
      %dma_start3A_70 = arith.constant 0 : i32
      %dma_start3A_71 = tpu.memref_slice %arg5[%add3A, %dma_start3A_70] : memref<32x8448xf32, #tpu.memory_space<hbm>> -> memref<1x8448xf32, #tpu.memory_space<hbm>>
      %dma_start3A_72 = tpu.memref_squeeze %dma_start3A_71 : memref<1x8448xf32, #tpu.memory_space<hbm>> -> memref<8448xf32, #tpu.memory_space<hbm>>
      %dma_start3A_73 = arith.constant 0 : i32
      %dma_start3A_74 = tpu.memref_slice %arg5[%add3A, %dma_start3A_73] : memref<32x8448xf32, #tpu.memory_space<hbm>> -> memref<1x8448xf32, #tpu.memory_space<hbm>>
      %dma_start3A_75 = tpu.memref_squeeze %dma_start3A_74 : memref<1x8448xf32, #tpu.memory_space<hbm>> -> memref<8448xf32, #tpu.memory_space<hbm>>
      tpu.enqueue_dma source(%dma_start3A_75 : memref<8448xf32, #tpu.memory_space<hbm>>) target(%arg10 : memref<8448xf32, #tpu.memory_space<vmem>>) target_semaphore(%run_scoped3A : memref<!tpu.dma_semaphore, #tpu.memory_space<semaphore_mem>>)
      %dma_wait3A = arith.constant 0 : i32
      %dma_wait3A_76 = tpu.memref_slice %arg5[%add3A, %dma_wait3A] : memref<32x8448xf32, #tpu.memory_space<hbm>> -> memref<1x8448xf32, #tpu.memory_space<hbm>>
      %dma_wait3A_77 = tpu.memref_squeeze %dma_wait3A_76 : memref<1x8448xf32, #tpu.memory_space<hbm>> -> memref<8448xf32, #tpu.memory_space<hbm>>
      %dma_wait3A_78 = arith.constant 0 : i32
      %dma_wait3A_79 = tpu.memref_slice %arg5[%add3A, %dma_wait3A_78] : memref<32x8448xf32, #tpu.memory_space<hbm>> -> memref<1x8448xf32, #tpu.memory_space<hbm>>
      %dma_wait3A_80 = tpu.memref_squeeze %dma_wait3A_79 : memref<1x8448xf32, #tpu.memory_space<hbm>> -> memref<8448xf32, #tpu.memory_space<hbm>>
      tpu.wait_dma2 semaphore(%run_scoped3A : memref<!tpu.dma_semaphore, #tpu.memory_space<semaphore_mem>>) src(%dma_wait3A_80 : memref<8448xf32, #tpu.memory_space<hbm>>) dst(%arg10 : memref<8448xf32, #tpu.memory_space<vmem>>)
      tpu.yield
    }) : () -> ()
    %broadcast_in_dim3A = arith.constant 0.000000e+00 : f32
    %broadcast_in_dim3A_1 = vector.broadcast %broadcast_in_dim3A : f32 to vector<16xf32>
    %scan3A = arith.constant 0 : i32
    %scan3A_2 = arith.constant 0 : i32
    %scan3A_3 = arith.constant 128 : i32
    %scan3A_4 = arith.addi %scan3A_2, %scan3A_3 : i32
    %scan3A_5 = arith.constant 1 : i32
    scf.for %scan3A_70 = %scan3A_2 to %scan3A_4 step %scan3A_5  : i32 {
      %swap3A = arith.index_cast %scan3A_70 : i32 to index
      %swap3A_71 = arith.constant 0 : index
      %swap3A_72 = tpu.vector_load %arg11[%swap3A, %swap3A_71] {strides = array<i32>} : memref<128x64xf32, #tpu.memory_space<vmem>>, vector<16xf32>,
      tpu.vector_store %arg11[%swap3A, %swap3A_71], %broadcast_in_dim3A_1 {strides = array<i32>} : memref<128x64xf32, #tpu.memory_space<vmem>>, vector<16xf32>,
      %swap3A_73 = arith.index_cast %scan3A_70 : i32 to index
      %swap3A_74 = arith.constant 16 : index
      %swap3A_75 = tpu.vector_load %arg11[%swap3A_73, %swap3A_74] {strides = array<i32>} : memref<128x64xf32, #tpu.memory_space<vmem>>, vector<16xf32>,
      tpu.vector_store %arg11[%swap3A_73, %swap3A_74], %broadcast_in_dim3A_1 {strides = array<i32>} : memref<128x64xf32, #tpu.memory_space<vmem>>, vector<16xf32>,
      %swap3A_76 = arith.index_cast %scan3A_70 : i32 to index
      %swap3A_77 = arith.constant 32 : index
      %swap3A_78 = tpu.vector_load %arg11[%swap3A_76, %swap3A_77] {strides = array<i32>} : memref<128x64xf32, #tpu.memory_space<vmem>>, vector<16xf32>,
      tpu.vector_store %arg11[%swap3A_76, %swap3A_77], %broadcast_in_dim3A_1 {strides = array<i32>} : memref<128x64xf32, #tpu.memory_space<vmem>>, vector<16xf32>,
      %swap3A_79 = arith.index_cast %scan3A_70 : i32 to index
      %swap3A_80 = arith.constant 48 : index
      %swap3A_81 = tpu.vector_load %arg11[%swap3A_79, %swap3A_80] {strides = array<i32>} : memref<128x64xf32, #tpu.memory_space<vmem>>, vector<16xf32>,
      tpu.vector_store %arg11[%swap3A_79, %swap3A_80], %broadcast_in_dim3A_1 {strides = array<i32>} : memref<128x64xf32, #tpu.memory_space<vmem>>, vector<16xf32>,
      %swap3A_82 = arith.index_cast %scan3A_70 : i32 to index
      %swap3A_83 = arith.constant 0 : index
      %swap3A_84 = tpu.vector_load %arg12[%swap3A_82, %swap3A_83] {strides = array<i32>} : memref<128x64xf32, #tpu.memory_space<vmem>>, vector<16xf32>,
      tpu.vector_store %arg12[%swap3A_82, %swap3A_83], %broadcast_in_dim3A_1 {strides = array<i32>} : memref<128x64xf32, #tpu.memory_space<vmem>>, vector<16xf32>,
      %swap3A_85 = arith.index_cast %scan3A_70 : i32 to index
      %swap3A_86 = arith.constant 16 : index
      %swap3A_87 = tpu.vector_load %arg12[%swap3A_85, %swap3A_86] {strides = array<i32>} : memref<128x64xf32, #tpu.memory_space<vmem>>, vector<16xf32>,
      tpu.vector_store %arg12[%swap3A_85, %swap3A_86], %broadcast_in_dim3A_1 {strides = array<i32>} : memref<128x64xf32, #tpu.memory_space<vmem>>, vector<16xf32>,
      %swap3A_88 = arith.index_cast %scan3A_70 : i32 to index
      %swap3A_89 = arith.constant 32 : index
      %swap3A_90 = tpu.vector_load %arg12[%swap3A_88, %swap3A_89] {strides = array<i32>} : memref<128x64xf32, #tpu.memory_space<vmem>>, vector<16xf32>,
      tpu.vector_store %arg12[%swap3A_88, %swap3A_89], %broadcast_in_dim3A_1 {strides = array<i32>} : memref<128x64xf32, #tpu.memory_space<vmem>>, vector<16xf32>,
      %swap3A_91 = arith.index_cast %scan3A_70 : i32 to index
      %swap3A_92 = arith.constant 48 : index
      %swap3A_93 = tpu.vector_load %arg12[%swap3A_91, %swap3A_92] {strides = array<i32>} : memref<128x64xf32, #tpu.memory_space<vmem>>, vector<16xf32>,
      tpu.vector_store %arg12[%swap3A_91, %swap3A_92], %broadcast_in_dim3A_1 {strides = array<i32>} : memref<128x64xf32, #tpu.memory_space<vmem>>, vector<16xf32>,
      %swap3A_94 = arith.index_cast %scan3A_70 : i32 to index
      %swap3A_95 = arith.constant 0 : index
      %swap3A_96 = tpu.vector_load %arg13[%swap3A_94, %swap3A_95] {strides = array<i32>} : memref<128x64xf32, #tpu.memory_space<vmem>>, vector<16xf32>,
      tpu.vector_store %arg13[%swap3A_94, %swap3A_95], %broadcast_in_dim3A_1 {strides = array<i32>} : memref<128x64xf32, #tpu.memory_space<vmem>>, vector<16xf32>,
      %swap3A_97 = arith.index_cast %scan3A_70 : i32 to index
      %swap3A_98 = arith.constant 16 : index
      %swap3A_99 = tpu.vector_load %arg13[%swap3A_97, %swap3A_98] {strides = array<i32>} : memref<128x64xf32, #tpu.memory_space<vmem>>, vector<16xf32>,
      tpu.vector_store %arg13[%swap3A_97, %swap3A_98], %broadcast_in_dim3A_1 {strides = array<i32>} : memref<128x64xf32, #tpu.memory_space<vmem>>, vector<16xf32>,
      %swap3A_100 = arith.index_cast %scan3A_70 : i32 to index
      %swap3A_101 = arith.constant 32 : index
      %swap3A_102 = tpu.vector_load %arg13[%swap3A_100, %swap3A_101] {strides = array<i32>} : memref<128x64xf32, #tpu.memory_space<vmem>>, vector<16xf32>,
      tpu.vector_store %arg13[%swap3A_100, %swap3A_101], %broadcast_in_dim3A_1 {strides = array<i32>} : memref<128x64xf32, #tpu.memory_space<vmem>>, vector<16xf32>,
      %swap3A_103 = arith.index_cast %scan3A_70 : i32 to index
      %swap3A_104 = arith.constant 48 : index
      %swap3A_105 = tpu.vector_load %arg13[%swap3A_103, %swap3A_104] {strides = array<i32>} : memref<128x64xf32, #tpu.memory_space<vmem>>, vector<16xf32>,
      tpu.vector_store %arg13[%swap3A_103, %swap3A_104], %broadcast_in_dim3A_1 {strides = array<i32>} : memref<128x64xf32, #tpu.memory_space<vmem>>, vector<16xf32>,
      %swap3A_106 = arith.index_cast %scan3A_70 : i32 to index
      %swap3A_107 = arith.constant 0 : index
      %swap3A_108 = tpu.vector_load %arg14[%swap3A_106, %swap3A_107] {strides = array<i32>} : memref<128x64xf32, #tpu.memory_space<vmem>>, vector<16xf32>,
      tpu.vector_store %arg14[%swap3A_106, %swap3A_107], %broadcast_in_dim3A_1 {strides = array<i32>} : memref<128x64xf32, #tpu.memory_space<vmem>>, vector<16xf32>,
      %swap3A_109 = arith.index_cast %scan3A_70 : i32 to index
      %swap3A_110 = arith.constant 16 : index
      %swap3A_111 = tpu.vector_load %arg14[%swap3A_109, %swap3A_110] {strides = array<i32>} : memref<128x64xf32, #tpu.memory_space<vmem>>, vector<16xf32>,
      tpu.vector_store %arg14[%swap3A_109, %swap3A_110], %broadcast_in_dim3A_1 {strides = array<i32>} : memref<128x64xf32, #tpu.memory_space<vmem>>, vector<16xf32>,
      %swap3A_112 = arith.index_cast %scan3A_70 : i32 to index
      %swap3A_113 = arith.constant 32 : index
      %swap3A_114 = tpu.vector_load %arg14[%swap3A_112, %swap3A_113] {strides = array<i32>} : memref<128x64xf32, #tpu.memory_space<vmem>>, vector<16xf32>,
      tpu.vector_store %arg14[%swap3A_112, %swap3A_113], %broadcast_in_dim3A_1 {strides = array<i32>} : memref<128x64xf32, #tpu.memory_space<vmem>>, vector<16xf32>,
      %swap3A_115 = arith.index_cast %scan3A_70 : i32 to index
      %swap3A_116 = arith.constant 48 : index
      %swap3A_117 = tpu.vector_load %arg14[%swap3A_115, %swap3A_116] {strides = array<i32>} : memref<128x64xf32, #tpu.memory_space<vmem>>, vector<16xf32>,
      tpu.vector_store %arg14[%swap3A_115, %swap3A_116], %broadcast_in_dim3A_1 {strides = array<i32>} : memref<128x64xf32, #tpu.memory_space<vmem>>, vector<16xf32>,
    }
    %scan3A_6 = arith.constant 128 : i32
    %mul3A_7 = arith.constant 1024 : i32
    %mul3A_8 = arith.muli %arg1, %mul3A_7 : i32
    %add3A_9 = arith.constant 0 : i32
    %add3A_10 = arith.addi %mul3A_8, %add3A_9 : i32
    "tpu.region"() ({
      %run_scoped3A = tpu.sem_alloc : memref<!tpu.dma_semaphore, #tpu.memory_space<semaphore_mem>>
      %dma_start3A_70 = arith.constant 0 : i32
      %dma_start3A_71 = tpu.memref_slice %arg7[%add3A_10, %dma_start3A_70] : memref<16384x64xf32, #tpu.memory_space<vmem_shared>> -> memref<128x64xf32, #tpu.memory_space<vmem_shared>>
      %dma_start3A_72 = arith.constant 0 : i32
      %dma_start3A_73 = tpu.memref_slice %arg7[%add3A_10, %dma_start3A_72] : memref<16384x64xf32, #tpu.memory_space<vmem_shared>> -> memref<128x64xf32, #tpu.memory_space<vmem_shared>>
      tpu.enqueue_dma source(%arg11 : memref<128x64xf32, #tpu.memory_space<vmem>>) target(%dma_start3A_73 : memref<128x64xf32, #tpu.memory_space<vmem_shared>>) target_semaphore(%run_scoped3A : memref<!tpu.dma_semaphore, #tpu.memory_space<semaphore_mem>>)
      %dma_wait3A = arith.constant 0 : i32
      %dma_wait3A_74 = tpu.memref_slice %arg7[%add3A_10, %dma_wait3A] : memref<16384x64xf32, #tpu.memory_space<vmem_shared>> -> memref<128x64xf32, #tpu.memory_space<vmem_shared>>
      %dma_wait3A_75 = arith.constant 0 : i32
      %dma_wait3A_76 = tpu.memref_slice %arg7[%add3A_10, %dma_wait3A_75] : memref<16384x64xf32, #tpu.memory_space<vmem_shared>> -> memref<128x64xf32, #tpu.memory_space<vmem_shared>>
      tpu.wait_dma2 semaphore(%run_scoped3A : memref<!tpu.dma_semaphore, #tpu.memory_space<semaphore_mem>>) src(%arg11 : memref<128x64xf32, #tpu.memory_space<vmem>>) dst(%dma_wait3A_76 : memref<128x64xf32, #tpu.memory_space<vmem_shared>>)
      tpu.yield
    }) : () -> ()
    %mul3A_11 = arith.constant 1024 : i32
    %mul3A_12 = arith.muli %arg1, %mul3A_11 : i32
    %add3A_13 = arith.constant 128 : i32
    %add3A_14 = arith.addi %mul3A_12, %add3A_13 : i32
    "tpu.region"() ({
      %run_scoped3A = tpu.sem_alloc : memref<!tpu.dma_semaphore, #tpu.memory_space<semaphore_mem>>
      %dma_start3A_70 = arith.constant 0 : i32
      %dma_start3A_71 = tpu.memref_slice %arg7[%add3A_14, %dma_start3A_70] : memref<16384x64xf32, #tpu.memory_space<vmem_shared>> -> memref<128x64xf32, #tpu.memory_space<vmem_shared>>
      %dma_start3A_72 = arith.constant 0 : i32
      %dma_start3A_73 = tpu.memref_slice %arg7[%add3A_14, %dma_start3A_72] : memref<16384x64xf32, #tpu.memory_space<vmem_shared>> -> memref<128x64xf32, #tpu.memory_space<vmem_shared>>
      tpu.enqueue_dma source(%arg12 : memref<128x64xf32, #tpu.memory_space<vmem>>) target(%dma_start3A_73 : memref<128x64xf32, #tpu.memory_space<vmem_shared>>) target_semaphore(%run_scoped3A : memref<!tpu.dma_semaphore, #tpu.memory_space<semaphore_mem>>)
      %dma_wait3A = arith.constant 0 : i32
      %dma_wait3A_74 = tpu.memref_slice %arg7[%add3A_14, %dma_wait3A] : memref<16384x64xf32, #tpu.memory_space<vmem_shared>> -> memref<128x64xf32, #tpu.memory_space<vmem_shared>>
      %dma_wait3A_75 = arith.constant 0 : i32
      %dma_wait3A_76 = tpu.memref_slice %arg7[%add3A_14, %dma_wait3A_75] : memref<16384x64xf32, #tpu.memory_space<vmem_shared>> -> memref<128x64xf32, #tpu.memory_space<vmem_shared>>
      tpu.wait_dma2 semaphore(%run_scoped3A : memref<!tpu.dma_semaphore, #tpu.memory_space<semaphore_mem>>) src(%arg12 : memref<128x64xf32, #tpu.memory_space<vmem>>) dst(%dma_wait3A_76 : memref<128x64xf32, #tpu.memory_space<vmem_shared>>)
      tpu.yield
    }) : () -> ()
    %mul3A_15 = arith.constant 1024 : i32
    %mul3A_16 = arith.muli %arg1, %mul3A_15 : i32
    %add3A_17 = arith.constant 256 : i32
    %add3A_18 = arith.addi %mul3A_16, %add3A_17 : i32
    "tpu.region"() ({
      %run_scoped3A = tpu.sem_alloc : memref<!tpu.dma_semaphore, #tpu.memory_space<semaphore_mem>>
      %dma_start3A_70 = arith.constant 0 : i32
      %dma_start3A_71 = tpu.memref_slice %arg7[%add3A_18, %dma_start3A_70] : memref<16384x64xf32, #tpu.memory_space<vmem_shared>> -> memref<128x64xf32, #tpu.memory_space<vmem_shared>>
      %dma_start3A_72 = arith.constant 0 : i32
      %dma_start3A_73 = tpu.memref_slice %arg7[%add3A_18, %dma_start3A_72] : memref<16384x64xf32, #tpu.memory_space<vmem_shared>> -> memref<128x64xf32, #tpu.memory_space<vmem_shared>>
      tpu.enqueue_dma source(%arg13 : memref<128x64xf32, #tpu.memory_space<vmem>>) target(%dma_start3A_73 : memref<128x64xf32, #tpu.memory_space<vmem_shared>>) target_semaphore(%run_scoped3A : memref<!tpu.dma_semaphore, #tpu.memory_space<semaphore_mem>>)
      %dma_wait3A = arith.constant 0 : i32
      %dma_wait3A_74 = tpu.memref_slice %arg7[%add3A_18, %dma_wait3A] : memref<16384x64xf32, #tpu.memory_space<vmem_shared>> -> memref<128x64xf32, #tpu.memory_space<vmem_shared>>
      %dma_wait3A_75 = arith.constant 0 : i32
      %dma_wait3A_76 = tpu.memref_slice %arg7[%add3A_18, %dma_wait3A_75] : memref<16384x64xf32, #tpu.memory_space<vmem_shared>> -> memref<128x64xf32, #tpu.memory_space<vmem_shared>>
      tpu.wait_dma2 semaphore(%run_scoped3A : memref<!tpu.dma_semaphore, #tpu.memory_space<semaphore_mem>>) src(%arg13 : memref<128x64xf32, #tpu.memory_space<vmem>>) dst(%dma_wait3A_76 : memref<128x64xf32, #tpu.memory_space<vmem_shared>>)
      tpu.yield
    }) : () -> ()
    %mul3A_19 = arith.constant 1024 : i32
    %mul3A_20 = arith.muli %arg1, %mul3A_19 : i32
    %add3A_21 = arith.constant 384 : i32
    %add3A_22 = arith.addi %mul3A_20, %add3A_21 : i32
    "tpu.region"() ({
      %run_scoped3A = tpu.sem_alloc : memref<!tpu.dma_semaphore, #tpu.memory_space<semaphore_mem>>
      %dma_start3A_70 = arith.constant 0 : i32
      %dma_start3A_71 = tpu.memref_slice %arg7[%add3A_22, %dma_start3A_70] : memref<16384x64xf32, #tpu.memory_space<vmem_shared>> -> memref<128x64xf32, #tpu.memory_space<vmem_shared>>
      %dma_start3A_72 = arith.constant 0 : i32
      %dma_start3A_73 = tpu.memref_slice %arg7[%add3A_22, %dma_start3A_72] : memref<16384x64xf32, #tpu.memory_space<vmem_shared>> -> memref<128x64xf32, #tpu.memory_space<vmem_shared>>
      tpu.enqueue_dma source(%arg11 : memref<128x64xf32, #tpu.memory_space<vmem>>) target(%dma_start3A_73 : memref<128x64xf32, #tpu.memory_space<vmem_shared>>) target_semaphore(%run_scoped3A : memref<!tpu.dma_semaphore, #tpu.memory_space<semaphore_mem>>)
      %dma_wait3A = arith.constant 0 : i32
      %dma_wait3A_74 = tpu.memref_slice %arg7[%add3A_22, %dma_wait3A] : memref<16384x64xf32, #tpu.memory_space<vmem_shared>> -> memref<128x64xf32, #tpu.memory_space<vmem_shared>>
      %dma_wait3A_75 = arith.constant 0 : i32
      %dma_wait3A_76 = tpu.memref_slice %arg7[%add3A_22, %dma_wait3A_75] : memref<16384x64xf32, #tpu.memory_space<vmem_shared>> -> memref<128x64xf32, #tpu.memory_space<vmem_shared>>
      tpu.wait_dma2 semaphore(%run_scoped3A : memref<!tpu.dma_semaphore, #tpu.memory_space<semaphore_mem>>) src(%arg11 : memref<128x64xf32, #tpu.memory_space<vmem>>) dst(%dma_wait3A_76 : memref<128x64xf32, #tpu.memory_space<vmem_shared>>)
      tpu.yield
    }) : () -> ()
    %mul3A_23 = arith.constant 1024 : i32
    %mul3A_24 = arith.muli %arg1, %mul3A_23 : i32
    %add3A_25 = arith.constant 512 : i32
    %add3A_26 = arith.addi %mul3A_24, %add3A_25 : i32
    "tpu.region"() ({
      %run_scoped3A = tpu.sem_alloc : memref<!tpu.dma_semaphore, #tpu.memory_space<semaphore_mem>>
      %dma_start3A_70 = arith.constant 0 : i32
      %dma_start3A_71 = tpu.memref_slice %arg7[%add3A_26, %dma_start3A_70] : memref<16384x64xf32, #tpu.memory_space<vmem_shared>> -> memref<128x64xf32, #tpu.memory_space<vmem_shared>>
      %dma_start3A_72 = arith.constant 0 : i32
      %dma_start3A_73 = tpu.memref_slice %arg7[%add3A_26, %dma_start3A_72] : memref<16384x64xf32, #tpu.memory_space<vmem_shared>> -> memref<128x64xf32, #tpu.memory_space<vmem_shared>>
      tpu.enqueue_dma source(%arg12 : memref<128x64xf32, #tpu.memory_space<vmem>>) target(%dma_start3A_73 : memref<128x64xf32, #tpu.memory_space<vmem_shared>>) target_semaphore(%run_scoped3A : memref<!tpu.dma_semaphore, #tpu.memory_space<semaphore_mem>>)
      %dma_wait3A = arith.constant 0 : i32
      %dma_wait3A_74 = tpu.memref_slice %arg7[%add3A_26, %dma_wait3A] : memref<16384x64xf32, #tpu.memory_space<vmem_shared>> -> memref<128x64xf32, #tpu.memory_space<vmem_shared>>
      %dma_wait3A_75 = arith.constant 0 : i32
      %dma_wait3A_76 = tpu.memref_slice %arg7[%add3A_26, %dma_wait3A_75] : memref<16384x64xf32, #tpu.memory_space<vmem_shared>> -> memref<128x64xf32, #tpu.memory_space<vmem_shared>>
      tpu.wait_dma2 semaphore(%run_scoped3A : memref<!tpu.dma_semaphore, #tpu.memory_space<semaphore_mem>>) src(%arg12 : memref<128x64xf32, #tpu.memory_space<vmem>>) dst(%dma_wait3A_76 : memref<128x64xf32, #tpu.memory_space<vmem_shared>>)
      tpu.yield
    }) : () -> ()
    %mul3A_27 = arith.constant 1024 : i32
    %mul3A_28 = arith.muli %arg1, %mul3A_27 : i32
    %add3A_29 = arith.constant 640 : i32
    %add3A_30 = arith.addi %mul3A_28, %add3A_29 : i32
    "tpu.region"() ({
      %run_scoped3A = tpu.sem_alloc : memref<!tpu.dma_semaphore, #tpu.memory_space<semaphore_mem>>
      %dma_start3A_70 = arith.constant 0 : i32
      %dma_start3A_71 = tpu.memref_slice %arg7[%add3A_30, %dma_start3A_70] : memref<16384x64xf32, #tpu.memory_space<vmem_shared>> -> memref<128x64xf32, #tpu.memory_space<vmem_shared>>
      %dma_start3A_72 = arith.constant 0 : i32
      %dma_start3A_73 = tpu.memref_slice %arg7[%add3A_30, %dma_start3A_72] : memref<16384x64xf32, #tpu.memory_space<vmem_shared>> -> memref<128x64xf32, #tpu.memory_space<vmem_shared>>
      tpu.enqueue_dma source(%arg13 : memref<128x64xf32, #tpu.memory_space<vmem>>) target(%dma_start3A_73 : memref<128x64xf32, #tpu.memory_space<vmem_shared>>) target_semaphore(%run_scoped3A : memref<!tpu.dma_semaphore, #tpu.memory_space<semaphore_mem>>)
      %dma_wait3A = arith.constant 0 : i32
      %dma_wait3A_74 = tpu.memref_slice %arg7[%add3A_30, %dma_wait3A] : memref<16384x64xf32, #tpu.memory_space<vmem_shared>> -> memref<128x64xf32, #tpu.memory_space<vmem_shared>>
      %dma_wait3A_75 = arith.constant 0 : i32
      %dma_wait3A_76 = tpu.memref_slice %arg7[%add3A_30, %dma_wait3A_75] : memref<16384x64xf32, #tpu.memory_space<vmem_shared>> -> memref<128x64xf32, #tpu.memory_space<vmem_shared>>
      tpu.wait_dma2 semaphore(%run_scoped3A : memref<!tpu.dma_semaphore, #tpu.memory_space<semaphore_mem>>) src(%arg13 : memref<128x64xf32, #tpu.memory_space<vmem>>) dst(%dma_wait3A_76 : memref<128x64xf32, #tpu.memory_space<vmem_shared>>)
      tpu.yield
    }) : () -> ()
    %mul3A_31 = arith.constant 1024 : i32
    %mul3A_32 = arith.muli %arg1, %mul3A_31 : i32
    %add3A_33 = arith.constant 768 : i32
    %add3A_34 = arith.addi %mul3A_32, %add3A_33 : i32
    "tpu.region"() ({
      %run_scoped3A = tpu.sem_alloc : memref<!tpu.dma_semaphore, #tpu.memory_space<semaphore_mem>>
      %dma_start3A_70 = arith.constant 0 : i32
      %dma_start3A_71 = tpu.memref_slice %arg7[%add3A_34, %dma_start3A_70] : memref<16384x64xf32, #tpu.memory_space<vmem_shared>> -> memref<128x64xf32, #tpu.memory_space<vmem_shared>>
      %dma_start3A_72 = arith.constant 0 : i32
      %dma_start3A_73 = tpu.memref_slice %arg7[%add3A_34, %dma_start3A_72] : memref<16384x64xf32, #tpu.memory_space<vmem_shared>> -> memref<128x64xf32, #tpu.memory_space<vmem_shared>>
      tpu.enqueue_dma source(%arg11 : memref<128x64xf32, #tpu.memory_space<vmem>>) target(%dma_start3A_73 : memref<128x64xf32, #tpu.memory_space<vmem_shared>>) target_semaphore(%run_scoped3A : memref<!tpu.dma_semaphore, #tpu.memory_space<semaphore_mem>>)
      %dma_wait3A = arith.constant 0 : i32
      %dma_wait3A_74 = tpu.memref_slice %arg7[%add3A_34, %dma_wait3A] : memref<16384x64xf32, #tpu.memory_space<vmem_shared>> -> memref<128x64xf32, #tpu.memory_space<vmem_shared>>
      %dma_wait3A_75 = arith.constant 0 : i32
      %dma_wait3A_76 = tpu.memref_slice %arg7[%add3A_34, %dma_wait3A_75] : memref<16384x64xf32, #tpu.memory_space<vmem_shared>> -> memref<128x64xf32, #tpu.memory_space<vmem_shared>>
      tpu.wait_dma2 semaphore(%run_scoped3A : memref<!tpu.dma_semaphore, #tpu.memory_space<semaphore_mem>>) src(%arg11 : memref<128x64xf32, #tpu.memory_space<vmem>>) dst(%dma_wait3A_76 : memref<128x64xf32, #tpu.memory_space<vmem_shared>>)
      tpu.yield
    }) : () -> ()
    %mul3A_35 = arith.constant 1024 : i32
    %mul3A_36 = arith.muli %arg1, %mul3A_35 : i32
    %add3A_37 = arith.constant 896 : i32
    %add3A_38 = arith.addi %mul3A_36, %add3A_37 : i32
    "tpu.region"() ({
      %run_scoped3A = tpu.sem_alloc : memref<!tpu.dma_semaphore, #tpu.memory_space<semaphore_mem>>
      %dma_start3A_70 = arith.constant 0 : i32
      %dma_start3A_71 = tpu.memref_slice %arg7[%add3A_38, %dma_start3A_70] : memref<16384x64xf32, #tpu.memory_space<vmem_shared>> -> memref<128x64xf32, #tpu.memory_space<vmem_shared>>
      %dma_start3A_72 = arith.constant 0 : i32
      %dma_start3A_73 = tpu.memref_slice %arg7[%add3A_38, %dma_start3A_72] : memref<16384x64xf32, #tpu.memory_space<vmem_shared>> -> memref<128x64xf32, #tpu.memory_space<vmem_shared>>
      tpu.enqueue_dma source(%arg12 : memref<128x64xf32, #tpu.memory_space<vmem>>) target(%dma_start3A_73 : memref<128x64xf32, #tpu.memory_space<vmem_shared>>) target_semaphore(%run_scoped3A : memref<!tpu.dma_semaphore, #tpu.memory_space<semaphore_mem>>)
      %dma_wait3A = arith.constant 0 : i32
      %dma_wait3A_74 = tpu.memref_slice %arg7[%add3A_38, %dma_wait3A] : memref<16384x64xf32, #tpu.memory_space<vmem_shared>> -> memref<128x64xf32, #tpu.memory_space<vmem_shared>>
      %dma_wait3A_75 = arith.constant 0 : i32
      %dma_wait3A_76 = tpu.memref_slice %arg7[%add3A_38, %dma_wait3A_75] : memref<16384x64xf32, #tpu.memory_space<vmem_shared>> -> memref<128x64xf32, #tpu.memory_space<vmem_shared>>
      tpu.wait_dma2 semaphore(%run_scoped3A : memref<!tpu.dma_semaphore, #tpu.memory_space<semaphore_mem>>) src(%arg12 : memref<128x64xf32, #tpu.memory_space<vmem>>) dst(%dma_wait3A_76 : memref<128x64xf32, #tpu.memory_space<vmem_shared>>)
      tpu.yield
    }) : () -> ()
    %barrier3A = arith.constant 0 : index
    tpu.barrier barrier_id(%barrier3A)
    %dma_start3A = arith.constant 0 : i32
    %dma_start3A_39 = arith.constant 0 : i32
    %dma_start3A_40 = tpu.memref_slice %arg8[%dma_start3A, %dma_start3A_39] : memref<66x128xi32, #tpu.memory_space<vmem>> -> memref<1x128xi32, #tpu.memory_space<vmem>>
    %dma_start3A_41 = tpu.memref_squeeze %dma_start3A_40 : memref<1x128xi32, #tpu.memory_space<vmem>> -> memref<128xi32, #tpu.memory_space<vmem>>
    %dma_start3A_42 = arith.constant 0 : i32
    %dma_start3A_43 = arith.constant 0 : i32
    %dma_start3A_44 = tpu.memref_slice %arg2[%dma_start3A_42, %dma_start3A_43] : memref<16384x64xf32, #tpu.memory_space<hbm>> -> memref<16384x64xf32, #tpu.memory_space<hbm>>
    tpu.enqueue_indirect_dma source(%dma_start3A_44 : memref<16384x64xf32, #tpu.memory_space<hbm>>) target(%arg11 : memref<128x64xf32, #tpu.memory_space<vmem>>) offsets(%dma_start3A_41 : memref<128xi32, #tpu.memory_space<vmem>>) semaphore(%arg15 : memref<!tpu.dma_semaphore, #tpu.memory_space<semaphore_mem>>)
    %dma_start3A_45 = arith.constant 1 : i32
    %dma_start3A_46 = arith.constant 0 : i32
    %dma_start3A_47 = tpu.memref_slice %arg8[%dma_start3A_45, %dma_start3A_46] : memref<66x128xi32, #tpu.memory_space<vmem>> -> memref<1x128xi32, #tpu.memory_space<vmem>>
    %dma_start3A_48 = tpu.memref_squeeze %dma_start3A_47 : memref<1x128xi32, #tpu.memory_space<vmem>> -> memref<128xi32, #tpu.memory_space<vmem>>
    %dma_start3A_49 = arith.constant 0 : i32
    %dma_start3A_50 = arith.constant 0 : i32
    %dma_start3A_51 = tpu.memref_slice %arg2[%dma_start3A_49, %dma_start3A_50] : memref<16384x64xf32, #tpu.memory_space<hbm>> -> memref<16384x64xf32, #tpu.memory_space<hbm>>
    tpu.enqueue_indirect_dma source(%dma_start3A_51 : memref<16384x64xf32, #tpu.memory_space<hbm>>) target(%arg12 : memref<128x64xf32, #tpu.memory_space<vmem>>) offsets(%dma_start3A_48 : memref<128xi32, #tpu.memory_space<vmem>>) semaphore(%arg16 : memref<!tpu.dma_semaphore, #tpu.memory_space<semaphore_mem>>)
    %dma_start3A_52 = arith.constant 2 : i32
    %dma_start3A_53 = arith.constant 0 : i32
    %dma_start3A_54 = tpu.memref_slice %arg8[%dma_start3A_52, %dma_start3A_53] : memref<66x128xi32, #tpu.memory_space<vmem>> -> memref<1x128xi32, #tpu.memory_space<vmem>>
    %dma_start3A_55 = tpu.memref_squeeze %dma_start3A_54 : memref<1x128xi32, #tpu.memory_space<vmem>> -> memref<128xi32, #tpu.memory_space<vmem>>
    %dma_start3A_56 = arith.constant 0 : i32
    %dma_start3A_57 = arith.constant 0 : i32
    %dma_start3A_58 = tpu.memref_slice %arg2[%dma_start3A_56, %dma_start3A_57] : memref<16384x64xf32, #tpu.memory_space<hbm>> -> memref<16384x64xf32, #tpu.memory_space<hbm>>
    tpu.enqueue_indirect_dma source(%dma_start3A_58 : memref<16384x64xf32, #tpu.memory_space<hbm>>) target(%arg13 : memref<128x64xf32, #tpu.memory_space<vmem>>) offsets(%dma_start3A_55 : memref<128xi32, #tpu.memory_space<vmem>>) semaphore(%arg17 : memref<!tpu.dma_semaphore, #tpu.memory_space<semaphore_mem>>)
    %scan3A_59 = arith.constant 0 : i32
    %scan3A_60 = arith.constant 0 : i32
    %scan3A_61 = arith.constant 22 : i32
    %scan3A_62 = arith.addi %scan3A_60, %scan3A_61 : i32
    %scan3A_63 = arith.constant 1 : i32
    scf.for %scan3A_70 = %scan3A_60 to %scan3A_62 step %scan3A_63  : i32 {
      %mul3A_71 = arith.constant 3 : i32
      %mul3A_72 = arith.muli %scan3A_70, %mul3A_71 : i32
      %add3A_73 = arith.constant 0 : i32
      %add3A_74 = arith.addi %mul3A_72, %add3A_73 : i32
      %dma_wait3A = arith.constant 0 : i32
      %dma_wait3A_75 = arith.constant 0 : i32
      %dma_wait3A_76 = tpu.memref_slice %arg8[%dma_wait3A, %dma_wait3A_75] : memref<66x128xi32, #tpu.memory_space<vmem>> -> memref<1x128xi32, #tpu.memory_space<vmem>>
      %dma_wait3A_77 = tpu.memref_squeeze %dma_wait3A_76 : memref<1x128xi32, #tpu.memory_space<vmem>> -> memref<128xi32, #tpu.memory_space<vmem>>
      %dma_wait3A_78 = arith.constant 0 : i32
      %dma_wait3A_79 = arith.constant 0 : i32
      %dma_wait3A_80 = tpu.memref_slice %arg2[%dma_wait3A_78, %dma_wait3A_79] : memref<16384x64xf32, #tpu.memory_space<hbm>> -> memref<16384x64xf32, #tpu.memory_space<hbm>>
      tpu.wait_indirect_dma semaphore(%arg15 : memref<!tpu.dma_semaphore, #tpu.memory_space<semaphore_mem>>) src(%dma_wait3A_80 : memref<16384x64xf32, #tpu.memory_space<hbm>>) dst(%arg11 : memref<128x64xf32, #tpu.memory_space<vmem>>)
      %mul3A_81 = arith.constant 128 : i32
      %mul3A_82 = arith.muli %add3A_74, %mul3A_81 : i32
      %broadcast_in_dim3A_83 = vector.broadcast %mul3A_82 : i32 to vector<16xi32>
      %parallel_loop3A = arith.constant 0 : i32
      %parallel_loop3A_84 = arith.constant 8 : i32
      %parallel_loop3A_85 = arith.constant 1 : i32
      scf.for %parallel_loop3A_177 = %parallel_loop3A to %parallel_loop3A_84 step %parallel_loop3A_85  : i32 {
        %parallel_loop3A_178 = arith.constant 16 : i32
        %parallel_loop3A_179 = arith.muli %parallel_loop3A_177, %parallel_loop3A_178 : i32
        %parallel_loop3A_180 = vector.broadcast %parallel_loop3A_179 : i32 to vector<16xi32>
        %parallel_loop3A_181 = arith.addi %broadcast_in_dim3A_83, %parallel_loop3A_180 : vector<16xi32>
        %parallel_loop3A_182 = arith.constant 0 : i32
        %parallel_loop3A_183 = vector.broadcast %parallel_loop3A_182 : i32 to vector<16xi32>
        %parallel_loop3A_184 = arith.addi %parallel_loop3A_181, %parallel_loop3A_183 : vector<16xi32>
        %parallel_loop3A_185 = tpu.vector_load_idx %arg10[%parallel_loop3A_184] : memref<8448xf32, #tpu.memory_space<vmem>>[vector<16xi32>], vector<16xf32>,
        %parallel_loop3A_186 = arith.constant 16 : i32
        %parallel_loop3A_187 = arith.muli %parallel_loop3A_177, %parallel_loop3A_186 : i32
        %parallel_loop3A_188 = arith.constant 0 : i32
        %parallel_loop3A_189 = arith.addi %parallel_loop3A_187, %parallel_loop3A_188 : i32
        %parallel_loop3A_190 = arith.index_cast %parallel_loop3A_189 : i32 to index
        %parallel_loop3A_191 = arith.constant 0 : index
        %parallel_loop3A_192 = tpu.vector_load %arg11[%parallel_loop3A_190, %parallel_loop3A_191] {strides = array<i32>} : memref<128x64xf32, #tpu.memory_space<vmem>>, vector<16xf32>,
        %parallel_loop3A_193 = arith.mulf %parallel_loop3A_192, %parallel_loop3A_185 : vector<16xf32>
        %parallel_loop3A_194 = arith.index_cast %parallel_loop3A_189 : i32 to index
        %parallel_loop3A_195 = arith.constant 0 : index
        %parallel_loop3A_196 = tpu.vector_load %arg14[%parallel_loop3A_194, %parallel_loop3A_195] {strides = array<i32>} : memref<128x64xf32, #tpu.memory_space<vmem>>, vector<16xf32>,
        tpu.vector_store %arg14[%parallel_loop3A_194, %parallel_loop3A_195], %parallel_loop3A_193 {strides = array<i32>} : memref<128x64xf32, #tpu.memory_space<vmem>>, vector<16xf32>,
        %parallel_loop3A_197 = arith.index_cast %parallel_loop3A_189 : i32 to index
        %parallel_loop3A_198 = arith.constant 16 : index
        %parallel_loop3A_199 = tpu.vector_load %arg11[%parallel_loop3A_197, %parallel_loop3A_198] {strides = array<i32>} : memref<128x64xf32, #tpu.memory_space<vmem>>, vector<16xf32>,
        %parallel_loop3A_200 = arith.mulf %parallel_loop3A_199, %parallel_loop3A_185 : vector<16xf32>
        %parallel_loop3A_201 = arith.index_cast %parallel_loop3A_189 : i32 to index
        %parallel_loop3A_202 = arith.constant 16 : index
        %parallel_loop3A_203 = tpu.vector_load %arg14[%parallel_loop3A_201, %parallel_loop3A_202] {strides = array<i32>} : memref<128x64xf32, #tpu.memory_space<vmem>>, vector<16xf32>,
        tpu.vector_store %arg14[%parallel_loop3A_201, %parallel_loop3A_202], %parallel_loop3A_200 {strides = array<i32>} : memref<128x64xf32, #tpu.memory_space<vmem>>, vector<16xf32>,
        %parallel_loop3A_204 = arith.index_cast %parallel_loop3A_189 : i32 to index
        %parallel_loop3A_205 = arith.constant 32 : index
        %parallel_loop3A_206 = tpu.vector_load %arg11[%parallel_loop3A_204, %parallel_loop3A_205] {strides = array<i32>} : memref<128x64xf32, #tpu.memory_space<vmem>>, vector<16xf32>,
        %parallel_loop3A_207 = arith.mulf %parallel_loop3A_206, %parallel_loop3A_185 : vector<16xf32>
        %parallel_loop3A_208 = arith.index_cast %parallel_loop3A_189 : i32 to index
        %parallel_loop3A_209 = arith.constant 32 : index
        %parallel_loop3A_210 = tpu.vector_load %arg14[%parallel_loop3A_208, %parallel_loop3A_209] {strides = array<i32>} : memref<128x64xf32, #tpu.memory_space<vmem>>, vector<16xf32>,
        tpu.vector_store %arg14[%parallel_loop3A_208, %parallel_loop3A_209], %parallel_loop3A_207 {strides = array<i32>} : memref<128x64xf32, #tpu.memory_space<vmem>>, vector<16xf32>,
        %parallel_loop3A_211 = arith.index_cast %parallel_loop3A_189 : i32 to index
        %parallel_loop3A_212 = arith.constant 48 : index
        %parallel_loop3A_213 = tpu.vector_load %arg11[%parallel_loop3A_211, %parallel_loop3A_212] {strides = array<i32>} : memref<128x64xf32, #tpu.memory_space<vmem>>, vector<16xf32>,
        %parallel_loop3A_214 = arith.mulf %parallel_loop3A_213, %parallel_loop3A_185 : vector<16xf32>
        %parallel_loop3A_215 = arith.index_cast %parallel_loop3A_189 : i32 to index
        %parallel_loop3A_216 = arith.constant 48 : index
        %parallel_loop3A_217 = tpu.vector_load %arg14[%parallel_loop3A_215, %parallel_loop3A_216] {strides = array<i32>} : memref<128x64xf32, #tpu.memory_space<vmem>>, vector<16xf32>,
        tpu.vector_store %arg14[%parallel_loop3A_215, %parallel_loop3A_216], %parallel_loop3A_214 {strides = array<i32>} : memref<128x64xf32, #tpu.memory_space<vmem>>, vector<16xf32>,
        %parallel_loop3A_218 = arith.constant 1 : i32
        %parallel_loop3A_219 = vector.broadcast %parallel_loop3A_218 : i32 to vector<16xi32>
        %parallel_loop3A_220 = arith.addi %parallel_loop3A_181, %parallel_loop3A_219 : vector<16xi32>
        %parallel_loop3A_221 = tpu.vector_load_idx %arg10[%parallel_loop3A_220] : memref<8448xf32, #tpu.memory_space<vmem>>[vector<16xi32>], vector<16xf32>,
        %parallel_loop3A_222 = arith.constant 16 : i32
        %parallel_loop3A_223 = arith.muli %parallel_loop3A_177, %parallel_loop3A_222 : i32
        %parallel_loop3A_224 = arith.constant 1 : i32
        %parallel_loop3A_225 = arith.addi %parallel_loop3A_223, %parallel_loop3A_224 : i32
        %parallel_loop3A_226 = arith.index_cast %parallel_loop3A_225 : i32 to index
        %parallel_loop3A_227 = arith.constant 0 : index
        %parallel_loop3A_228 = tpu.vector_load %arg11[%parallel_loop3A_226, %parallel_loop3A_227] {strides = array<i32>} : memref<128x64xf32, #tpu.memory_space<vmem>>, vector<16xf32>,
        %parallel_loop3A_229 = arith.mulf %parallel_loop3A_228, %parallel_loop3A_221 : vector<16xf32>
        %parallel_loop3A_230 = arith.index_cast %parallel_loop3A_225 : i32 to index
        %parallel_loop3A_231 = arith.constant 0 : index
        %parallel_loop3A_232 = tpu.vector_load %arg14[%parallel_loop3A_230, %parallel_loop3A_231] {strides = array<i32>} : memref<128x64xf32, #tpu.memory_space<vmem>>, vector<16xf32>,
        tpu.vector_store %arg14[%parallel_loop3A_230, %parallel_loop3A_231], %parallel_loop3A_229 {strides = array<i32>} : memref<128x64xf32, #tpu.memory_space<vmem>>, vector<16xf32>,
        %parallel_loop3A_233 = arith.index_cast %parallel_loop3A_225 : i32 to index
        %parallel_loop3A_234 = arith.constant 16 : index
        %parallel_loop3A_235 = tpu.vector_load %arg11[%parallel_loop3A_233, %parallel_loop3A_234] {strides = array<i32>} : memref<128x64xf32, #tpu.memory_space<vmem>>, vector<16xf32>,
        %parallel_loop3A_236 = arith.mulf %parallel_loop3A_235, %parallel_loop3A_221 : vector<16xf32>
        %parallel_loop3A_237 = arith.index_cast %parallel_loop3A_225 : i32 to index
        %parallel_loop3A_238 = arith.constant 16 : index
        %parallel_loop3A_239 = tpu.vector_load %arg14[%parallel_loop3A_237, %parallel_loop3A_238] {strides = array<i32>} : memref<128x64xf32, #tpu.memory_space<vmem>>, vector<16xf32>,
        tpu.vector_store %arg14[%parallel_loop3A_237, %parallel_loop3A_238], %parallel_loop3A_236 {strides = array<i32>} : memref<128x64xf32, #tpu.memory_space<vmem>>, vector<16xf32>,
        %parallel_loop3A_240 = arith.index_cast %parallel_loop3A_225 : i32 to index
        %parallel_loop3A_241 = arith.constant 32 : index
        %parallel_loop3A_242 = tpu.vector_load %arg11[%parallel_loop3A_240, %parallel_loop3A_241] {strides = array<i32>} : memref<128x64xf32, #tpu.memory_space<vmem>>, vector<16xf32>,
        %parallel_loop3A_243 = arith.mulf %parallel_loop3A_242, %parallel_loop3A_221 : vector<16xf32>
        %parallel_loop3A_244 = arith.index_cast %parallel_loop3A_225 : i32 to index
        %parallel_loop3A_245 = arith.constant 32 : index
        %parallel_loop3A_246 = tpu.vector_load %arg14[%parallel_loop3A_244, %parallel_loop3A_245] {strides = array<i32>} : memref<128x64xf32, #tpu.memory_space<vmem>>, vector<16xf32>,
        tpu.vector_store %arg14[%parallel_loop3A_244, %parallel_loop3A_245], %parallel_loop3A_243 {strides = array<i32>} : memref<128x64xf32, #tpu.memory_space<vmem>>, vector<16xf32>,
        %parallel_loop3A_247 = arith.index_cast %parallel_loop3A_225 : i32 to index
        %parallel_loop3A_248 = arith.constant 48 : index
        %parallel_loop3A_249 = tpu.vector_load %arg11[%parallel_loop3A_247, %parallel_loop3A_248] {strides = array<i32>} : memref<128x64xf32, #tpu.memory_space<vmem>>, vector<16xf32>,
        %parallel_loop3A_250 = arith.mulf %parallel_loop3A_249, %parallel_loop3A_221 : vector<16xf32>
        %parallel_loop3A_251 = arith.index_cast %parallel_loop3A_225 : i32 to index
        %parallel_loop3A_252 = arith.constant 48 : index
        %parallel_loop3A_253 = tpu.vector_load %arg14[%parallel_loop3A_251, %parallel_loop3A_252] {strides = array<i32>} : memref<128x64xf32, #tpu.memory_space<vmem>>, vector<16xf32>,
        tpu.vector_store %arg14[%parallel_loop3A_251, %parallel_loop3A_252], %parallel_loop3A_250 {strides = array<i32>} : memref<128x64xf32, #tpu.memory_space<vmem>>, vector<16xf32>,
        %parallel_loop3A_254 = arith.constant 2 : i32
        %parallel_loop3A_255 = vector.broadcast %parallel_loop3A_254 : i32 to vector<16xi32>
        %parallel_loop3A_256 = arith.addi %parallel_loop3A_181, %parallel_loop3A_255 : vector<16xi32>
        %parallel_loop3A_257 = tpu.vector_load_idx %arg10[%parallel_loop3A_256] : memref<8448xf32, #tpu.memory_space<vmem>>[vector<16xi32>], vector<16xf32>,
        %parallel_loop3A_258 = arith.constant 16 : i32
        %parallel_loop3A_259 = arith.muli %parallel_loop3A_177, %parallel_loop3A_258 : i32
        %parallel_loop3A_260 = arith.constant 2 : i32
        %parallel_loop3A_261 = arith.addi %parallel_loop3A_259, %parallel_loop3A_260 : i32
        %parallel_loop3A_262 = arith.index_cast %parallel_loop3A_261 : i32 to index
        %parallel_loop3A_263 = arith.constant 0 : index
        %parallel_loop3A_264 = tpu.vector_load %arg11[%parallel_loop3A_262, %parallel_loop3A_263] {strides = array<i32>} : memref<128x64xf32, #tpu.memory_space<vmem>>, vector<16xf32>,
        %parallel_loop3A_265 = arith.mulf %parallel_loop3A_264, %parallel_loop3A_257 : vector<16xf32>
        %parallel_loop3A_266 = arith.index_cast %parallel_loop3A_261 : i32 to index
        %parallel_loop3A_267 = arith.constant 0 : index
        %parallel_loop3A_268 = tpu.vector_load %arg14[%parallel_loop3A_266, %parallel_loop3A_267] {strides = array<i32>} : memref<128x64xf32, #tpu.memory_space<vmem>>, vector<16xf32>,
        tpu.vector_store %arg14[%parallel_loop3A_266, %parallel_loop3A_267], %parallel_loop3A_265 {strides = array<i32>} : memref<128x64xf32, #tpu.memory_space<vmem>>, vector<16xf32>,
        %parallel_loop3A_269 = arith.index_cast %parallel_loop3A_261 : i32 to index
        %parallel_loop3A_270 = arith.constant 16 : index
        %parallel_loop3A_271 = tpu.vector_load %arg11[%parallel_loop3A_269, %parallel_loop3A_270] {strides = array<i32>} : memref<128x64xf32, #tpu.memory_space<vmem>>, vector<16xf32>,
        %parallel_loop3A_272 = arith.mulf %parallel_loop3A_271, %parallel_loop3A_257 : vector<16xf32>
        %parallel_loop3A_273 = arith.index_cast %parallel_loop3A_261 : i32 to index
        %parallel_loop3A_274 = arith.constant 16 : index
        %parallel_loop3A_275 = tpu.vector_load %arg14[%parallel_loop3A_273, %parallel_loop3A_274] {strides = array<i32>} : memref<128x64xf32, #tpu.memory_space<vmem>>, vector<16xf32>,
        tpu.vector_store %arg14[%parallel_loop3A_273, %parallel_loop3A_274], %parallel_loop3A_272 {strides = array<i32>} : memref<128x64xf32, #tpu.memory_space<vmem>>, vector<16xf32>,
        %parallel_loop3A_276 = arith.index_cast %parallel_loop3A_261 : i32 to index
        %parallel_loop3A_277 = arith.constant 32 : index
        %parallel_loop3A_278 = tpu.vector_load %arg11[%parallel_loop3A_276, %parallel_loop3A_277] {strides = array<i32>} : memref<128x64xf32, #tpu.memory_space<vmem>>, vector<16xf32>,
        %parallel_loop3A_279 = arith.mulf %parallel_loop3A_278, %parallel_loop3A_257 : vector<16xf32>
        %parallel_loop3A_280 = arith.index_cast %parallel_loop3A_261 : i32 to index
        %parallel_loop3A_281 = arith.constant 32 : index
        %parallel_loop3A_282 = tpu.vector_load %arg14[%parallel_loop3A_280, %parallel_loop3A_281] {strides = array<i32>} : memref<128x64xf32, #tpu.memory_space<vmem>>, vector<16xf32>,
        tpu.vector_store %arg14[%parallel_loop3A_280, %parallel_loop3A_281], %parallel_loop3A_279 {strides = array<i32>} : memref<128x64xf32, #tpu.memory_space<vmem>>, vector<16xf32>,
        %parallel_loop3A_283 = arith.index_cast %parallel_loop3A_261 : i32 to index
        %parallel_loop3A_284 = arith.constant 48 : index
        %parallel_loop3A_285 = tpu.vector_load %arg11[%parallel_loop3A_283, %parallel_loop3A_284] {strides = array<i32>} : memref<128x64xf32, #tpu.memory_space<vmem>>, vector<16xf32>,
        %parallel_loop3A_286 = arith.mulf %parallel_loop3A_285, %parallel_loop3A_257 : vector<16xf32>
        %parallel_loop3A_287 = arith.index_cast %parallel_loop3A_261 : i32 to index
        %parallel_loop3A_288 = arith.constant 48 : index
        %parallel_loop3A_289 = tpu.vector_load %arg14[%parallel_loop3A_287, %parallel_loop3A_288] {strides = array<i32>} : memref<128x64xf32, #tpu.memory_space<vmem>>, vector<16xf32>,
        tpu.vector_store %arg14[%parallel_loop3A_287, %parallel_loop3A_288], %parallel_loop3A_286 {strides = array<i32>} : memref<128x64xf32, #tpu.memory_space<vmem>>, vector<16xf32>,
        %parallel_loop3A_290 = arith.constant 3 : i32
        %parallel_loop3A_291 = vector.broadcast %parallel_loop3A_290 : i32 to vector<16xi32>
        %parallel_loop3A_292 = arith.addi %parallel_loop3A_181, %parallel_loop3A_291 : vector<16xi32>
        %parallel_loop3A_293 = tpu.vector_load_idx %arg10[%parallel_loop3A_292] : memref<8448xf32, #tpu.memory_space<vmem>>[vector<16xi32>], vector<16xf32>,
        %parallel_loop3A_294 = arith.constant 16 : i32
        %parallel_loop3A_295 = arith.muli %parallel_loop3A_177, %parallel_loop3A_294 : i32
        %parallel_loop3A_296 = arith.constant 3 : i32
        %parallel_loop3A_297 = arith.addi %parallel_loop3A_295, %parallel_loop3A_296 : i32
        %parallel_loop3A_298 = arith.index_cast %parallel_loop3A_297 : i32 to index
        %parallel_loop3A_299 = arith.constant 0 : index
        %parallel_loop3A_300 = tpu.vector_load %arg11[%parallel_loop3A_298, %parallel_loop3A_299] {strides = array<i32>} : memref<128x64xf32, #tpu.memory_space<vmem>>, vector<16xf32>,
        %parallel_loop3A_301 = arith.mulf %parallel_loop3A_300, %parallel_loop3A_293 : vector<16xf32>
        %parallel_loop3A_302 = arith.index_cast %parallel_loop3A_297 : i32 to index
        %parallel_loop3A_303 = arith.constant 0 : index
        %parallel_loop3A_304 = tpu.vector_load %arg14[%parallel_loop3A_302, %parallel_loop3A_303] {strides = array<i32>} : memref<128x64xf32, #tpu.memory_space<vmem>>, vector<16xf32>,
        tpu.vector_store %arg14[%parallel_loop3A_302, %parallel_loop3A_303], %parallel_loop3A_301 {strides = array<i32>} : memref<128x64xf32, #tpu.memory_space<vmem>>, vector<16xf32>,
        %parallel_loop3A_305 = arith.index_cast %parallel_loop3A_297 : i32 to index
        %parallel_loop3A_306 = arith.constant 16 : index
        %parallel_loop3A_307 = tpu.vector_load %arg11[%parallel_loop3A_305, %parallel_loop3A_306] {strides = array<i32>} : memref<128x64xf32, #tpu.memory_space<vmem>>, vector<16xf32>,
        %parallel_loop3A_308 = arith.mulf %parallel_loop3A_307, %parallel_loop3A_293 : vector<16xf32>
        %parallel_loop3A_309 = arith.index_cast %parallel_loop3A_297 : i32 to index
        %parallel_loop3A_310 = arith.constant 16 : index
        %parallel_loop3A_311 = tpu.vector_load %arg14[%parallel_loop3A_309, %parallel_loop3A_310] {strides = array<i32>} : memref<128x64xf32, #tpu.memory_space<vmem>>, vector<16xf32>,
        tpu.vector_store %arg14[%parallel_loop3A_309, %parallel_loop3A_310], %parallel_loop3A_308 {strides = array<i32>} : memref<128x64xf32, #tpu.memory_space<vmem>>, vector<16xf32>,
        %parallel_loop3A_312 = arith.index_cast %parallel_loop3A_297 : i32 to index
        %parallel_loop3A_313 = arith.constant 32 : index
        %parallel_loop3A_314 = tpu.vector_load %arg11[%parallel_loop3A_312, %parallel_loop3A_313] {strides = array<i32>} : memref<128x64xf32, #tpu.memory_space<vmem>>, vector<16xf32>,
        %parallel_loop3A_315 = arith.mulf %parallel_loop3A_314, %parallel_loop3A_293 : vector<16xf32>
        %parallel_loop3A_316 = arith.index_cast %parallel_loop3A_297 : i32 to index
        %parallel_loop3A_317 = arith.constant 32 : index
        %parallel_loop3A_318 = tpu.vector_load %arg14[%parallel_loop3A_316, %parallel_loop3A_317] {strides = array<i32>} : memref<128x64xf32, #tpu.memory_space<vmem>>, vector<16xf32>,
        tpu.vector_store %arg14[%parallel_loop3A_316, %parallel_loop3A_317], %parallel_loop3A_315 {strides = array<i32>} : memref<128x64xf32, #tpu.memory_space<vmem>>, vector<16xf32>,
        %parallel_loop3A_319 = arith.index_cast %parallel_loop3A_297 : i32 to index
        %parallel_loop3A_320 = arith.constant 48 : index
        %parallel_loop3A_321 = tpu.vector_load %arg11[%parallel_loop3A_319, %parallel_loop3A_320] {strides = array<i32>} : memref<128x64xf32, #tpu.memory_space<vmem>>, vector<16xf32>,
        %parallel_loop3A_322 = arith.mulf %parallel_loop3A_321, %parallel_loop3A_293 : vector<16xf32>
        %parallel_loop3A_323 = arith.index_cast %parallel_loop3A_297 : i32 to index
        %parallel_loop3A_324 = arith.constant 48 : index
        %parallel_loop3A_325 = tpu.vector_load %arg14[%parallel_loop3A_323, %parallel_loop3A_324] {strides = array<i32>} : memref<128x64xf32, #tpu.memory_space<vmem>>, vector<16xf32>,
        tpu.vector_store %arg14[%parallel_loop3A_323, %parallel_loop3A_324], %parallel_loop3A_322 {strides = array<i32>} : memref<128x64xf32, #tpu.memory_space<vmem>>, vector<16xf32>,
        %parallel_loop3A_326 = arith.constant 4 : i32
        %parallel_loop3A_327 = vector.broadcast %parallel_loop3A_326 : i32 to vector<16xi32>
        %parallel_loop3A_328 = arith.addi %parallel_loop3A_181, %parallel_loop3A_327 : vector<16xi32>
        %parallel_loop3A_329 = tpu.vector_load_idx %arg10[%parallel_loop3A_328] : memref<8448xf32, #tpu.memory_space<vmem>>[vector<16xi32>], vector<16xf32>,
        %parallel_loop3A_330 = arith.constant 16 : i32
        %parallel_loop3A_331 = arith.muli %parallel_loop3A_177, %parallel_loop3A_330 : i32
        %parallel_loop3A_332 = arith.constant 4 : i32
        %parallel_loop3A_333 = arith.addi %parallel_loop3A_331, %parallel_loop3A_332 : i32
        %parallel_loop3A_334 = arith.index_cast %parallel_loop3A_333 : i32 to index
        %parallel_loop3A_335 = arith.constant 0 : index
        %parallel_loop3A_336 = tpu.vector_load %arg11[%parallel_loop3A_334, %parallel_loop3A_335] {strides = array<i32>} : memref<128x64xf32, #tpu.memory_space<vmem>>, vector<16xf32>,
        %parallel_loop3A_337 = arith.mulf %parallel_loop3A_336, %parallel_loop3A_329 : vector<16xf32>
        %parallel_loop3A_338 = arith.index_cast %parallel_loop3A_333 : i32 to index
        %parallel_loop3A_339 = arith.constant 0 : index
        %parallel_loop3A_340 = tpu.vector_load %arg14[%parallel_loop3A_338, %parallel_loop3A_339] {strides = array<i32>} : memref<128x64xf32, #tpu.memory_space<vmem>>, vector<16xf32>,
        tpu.vector_store %arg14[%parallel_loop3A_338, %parallel_loop3A_339], %parallel_loop3A_337 {strides = array<i32>} : memref<128x64xf32, #tpu.memory_space<vmem>>, vector<16xf32>,
        %parallel_loop3A_341 = arith.index_cast %parallel_loop3A_333 : i32 to index
        %parallel_loop3A_342 = arith.constant 16 : index
        %parallel_loop3A_343 = tpu.vector_load %arg11[%parallel_loop3A_341, %parallel_loop3A_342] {strides = array<i32>} : memref<128x64xf32, #tpu.memory_space<vmem>>, vector<16xf32>,
        %parallel_loop3A_344 = arith.mulf %parallel_loop3A_343, %parallel_loop3A_329 : vector<16xf32>
        %parallel_loop3A_345 = arith.index_cast %parallel_loop3A_333 : i32 to index
        %parallel_loop3A_346 = arith.constant 16 : index
        %parallel_loop3A_347 = tpu.vector_load %arg14[%parallel_loop3A_345, %parallel_loop3A_346] {strides = array<i32>} : memref<128x64xf32, #tpu.memory_space<vmem>>, vector<16xf32>,
        tpu.vector_store %arg14[%parallel_loop3A_345, %parallel_loop3A_346], %parallel_loop3A_344 {strides = array<i32>} : memref<128x64xf32, #tpu.memory_space<vmem>>, vector<16xf32>,
        %parallel_loop3A_348 = arith.index_cast %parallel_loop3A_333 : i32 to index
        %parallel_loop3A_349 = arith.constant 32 : index
        %parallel_loop3A_350 = tpu.vector_load %arg11[%parallel_loop3A_348, %parallel_loop3A_349] {strides = array<i32>} : memref<128x64xf32, #tpu.memory_space<vmem>>, vector<16xf32>,
        %parallel_loop3A_351 = arith.mulf %parallel_loop3A_350, %parallel_loop3A_329 : vector<16xf32>
        %parallel_loop3A_352 = arith.index_cast %parallel_loop3A_333 : i32 to index
        %parallel_loop3A_353 = arith.constant 32 : index
        %parallel_loop3A_354 = tpu.vector_load %arg14[%parallel_loop3A_352, %parallel_loop3A_353] {strides = array<i32>} : memref<128x64xf32, #tpu.memory_space<vmem>>, vector<16xf32>,
        tpu.vector_store %arg14[%parallel_loop3A_352, %parallel_loop3A_353], %parallel_loop3A_351 {strides = array<i32>} : memref<128x64xf32, #tpu.memory_space<vmem>>, vector<16xf32>,
        %parallel_loop3A_355 = arith.index_cast %parallel_loop3A_333 : i32 to index
        %parallel_loop3A_356 = arith.constant 48 : index
        %parallel_loop3A_357 = tpu.vector_load %arg11[%parallel_loop3A_355, %parallel_loop3A_356] {strides = array<i32>} : memref<128x64xf32, #tpu.memory_space<vmem>>, vector<16xf32>,
        %parallel_loop3A_358 = arith.mulf %parallel_loop3A_357, %parallel_loop3A_329 : vector<16xf32>
        %parallel_loop3A_359 = arith.index_cast %parallel_loop3A_333 : i32 to index
        %parallel_loop3A_360 = arith.constant 48 : index
        %parallel_loop3A_361 = tpu.vector_load %arg14[%parallel_loop3A_359, %parallel_loop3A_360] {strides = array<i32>} : memref<128x64xf32, #tpu.memory_space<vmem>>, vector<16xf32>,
        tpu.vector_store %arg14[%parallel_loop3A_359, %parallel_loop3A_360], %parallel_loop3A_358 {strides = array<i32>} : memref<128x64xf32, #tpu.memory_space<vmem>>, vector<16xf32>,
        %parallel_loop3A_362 = arith.constant 5 : i32
        %parallel_loop3A_363 = vector.broadcast %parallel_loop3A_362 : i32 to vector<16xi32>
        %parallel_loop3A_364 = arith.addi %parallel_loop3A_181, %parallel_loop3A_363 : vector<16xi32>
        %parallel_loop3A_365 = tpu.vector_load_idx %arg10[%parallel_loop3A_364] : memref<8448xf32, #tpu.memory_space<vmem>>[vector<16xi32>], vector<16xf32>,
        %parallel_loop3A_366 = arith.constant 16 : i32
        %parallel_loop3A_367 = arith.muli %parallel_loop3A_177, %parallel_loop3A_366 : i32
        %parallel_loop3A_368 = arith.constant 5 : i32
        %parallel_loop3A_369 = arith.addi %parallel_loop3A_367, %parallel_loop3A_368 : i32
        %parallel_loop3A_370 = arith.index_cast %parallel_loop3A_369 : i32 to index
        %parallel_loop3A_371 = arith.constant 0 : index
        %parallel_loop3A_372 = tpu.vector_load %arg11[%parallel_loop3A_370, %parallel_loop3A_371] {strides = array<i32>} : memref<128x64xf32, #tpu.memory_space<vmem>>, vector<16xf32>,
        %parallel_loop3A_373 = arith.mulf %parallel_loop3A_372, %parallel_loop3A_365 : vector<16xf32>
        %parallel_loop3A_374 = arith.index_cast %parallel_loop3A_369 : i32 to index
        %parallel_loop3A_375 = arith.constant 0 : index
        %parallel_loop3A_376 = tpu.vector_load %arg14[%parallel_loop3A_374, %parallel_loop3A_375] {strides = array<i32>} : memref<128x64xf32, #tpu.memory_space<vmem>>, vector<16xf32>,
        tpu.vector_store %arg14[%parallel_loop3A_374, %parallel_loop3A_375], %parallel_loop3A_373 {strides = array<i32>} : memref<128x64xf32, #tpu.memory_space<vmem>>, vector<16xf32>,
        %parallel_loop3A_377 = arith.index_cast %parallel_loop3A_369 : i32 to index
        %parallel_loop3A_378 = arith.constant 16 : index
        %parallel_loop3A_379 = tpu.vector_load %arg11[%parallel_loop3A_377, %parallel_loop3A_378] {strides = array<i32>} : memref<128x64xf32, #tpu.memory_space<vmem>>, vector<16xf32>,
        %parallel_loop3A_380 = arith.mulf %parallel_loop3A_379, %parallel_loop3A_365 : vector<16xf32>
        %parallel_loop3A_381 = arith.index_cast %parallel_loop3A_369 : i32 to index
        %parallel_loop3A_382 = arith.constant 16 : index
        %parallel_loop3A_383 = tpu.vector_load %arg14[%parallel_loop3A_381, %parallel_loop3A_382] {strides = array<i32>} : memref<128x64xf32, #tpu.memory_space<vmem>>, vector<16xf32>,
        tpu.vector_store %arg14[%parallel_loop3A_381, %parallel_loop3A_382], %parallel_loop3A_380 {strides = array<i32>} : memref<128x64xf32, #tpu.memory_space<vmem>>, vector<16xf32>,
        %parallel_loop3A_384 = arith.index_cast %parallel_loop3A_369 : i32 to index
        %parallel_loop3A_385 = arith.constant 32 : index
        %parallel_loop3A_386 = tpu.vector_load %arg11[%parallel_loop3A_384, %parallel_loop3A_385] {strides = array<i32>} : memref<128x64xf32, #tpu.memory_space<vmem>>, vector<16xf32>,
        %parallel_loop3A_387 = arith.mulf %parallel_loop3A_386, %parallel_loop3A_365 : vector<16xf32>
        %parallel_loop3A_388 = arith.index_cast %parallel_loop3A_369 : i32 to index
        %parallel_loop3A_389 = arith.constant 32 : index
        %parallel_loop3A_390 = tpu.vector_load %arg14[%parallel_loop3A_388, %parallel_loop3A_389] {strides = array<i32>} : memref<128x64xf32, #tpu.memory_space<vmem>>, vector<16xf32>,
        tpu.vector_store %arg14[%parallel_loop3A_388, %parallel_loop3A_389], %parallel_loop3A_387 {strides = array<i32>} : memref<128x64xf32, #tpu.memory_space<vmem>>, vector<16xf32>,
        %parallel_loop3A_391 = arith.index_cast %parallel_loop3A_369 : i32 to index
        %parallel_loop3A_392 = arith.constant 48 : index
        %parallel_loop3A_393 = tpu.vector_load %arg11[%parallel_loop3A_391, %parallel_loop3A_392] {strides = array<i32>} : memref<128x64xf32, #tpu.memory_space<vmem>>, vector<16xf32>,
        %parallel_loop3A_394 = arith.mulf %parallel_loop3A_393, %parallel_loop3A_365 : vector<16xf32>
        %parallel_loop3A_395 = arith.index_cast %parallel_loop3A_369 : i32 to index
        %parallel_loop3A_396 = arith.constant 48 : index
        %parallel_loop3A_397 = tpu.vector_load %arg14[%parallel_loop3A_395, %parallel_loop3A_396] {strides = array<i32>} : memref<128x64xf32, #tpu.memory_space<vmem>>, vector<16xf32>,
        tpu.vector_store %arg14[%parallel_loop3A_395, %parallel_loop3A_396], %parallel_loop3A_394 {strides = array<i32>} : memref<128x64xf32, #tpu.memory_space<vmem>>, vector<16xf32>,
        %parallel_loop3A_398 = arith.constant 6 : i32
        %parallel_loop3A_399 = vector.broadcast %parallel_loop3A_398 : i32 to vector<16xi32>
        %parallel_loop3A_400 = arith.addi %parallel_loop3A_181, %parallel_loop3A_399 : vector<16xi32>
        %parallel_loop3A_401 = tpu.vector_load_idx %arg10[%parallel_loop3A_400] : memref<8448xf32, #tpu.memory_space<vmem>>[vector<16xi32>], vector<16xf32>,
        %parallel_loop3A_402 = arith.constant 16 : i32
        %parallel_loop3A_403 = arith.muli %parallel_loop3A_177, %parallel_loop3A_402 : i32
        %parallel_loop3A_404 = arith.constant 6 : i32
        %parallel_loop3A_405 = arith.addi %parallel_loop3A_403, %parallel_loop3A_404 : i32
        %parallel_loop3A_406 = arith.index_cast %parallel_loop3A_405 : i32 to index
        %parallel_loop3A_407 = arith.constant 0 : index
        %parallel_loop3A_408 = tpu.vector_load %arg11[%parallel_loop3A_406, %parallel_loop3A_407] {strides = array<i32>} : memref<128x64xf32, #tpu.memory_space<vmem>>, vector<16xf32>,
        %parallel_loop3A_409 = arith.mulf %parallel_loop3A_408, %parallel_loop3A_401 : vector<16xf32>
        %parallel_loop3A_410 = arith.index_cast %parallel_loop3A_405 : i32 to index
        %parallel_loop3A_411 = arith.constant 0 : index
        %parallel_loop3A_412 = tpu.vector_load %arg14[%parallel_loop3A_410, %parallel_loop3A_411] {strides = array<i32>} : memref<128x64xf32, #tpu.memory_space<vmem>>, vector<16xf32>,
        tpu.vector_store %arg14[%parallel_loop3A_410, %parallel_loop3A_411], %parallel_loop3A_409 {strides = array<i32>} : memref<128x64xf32, #tpu.memory_space<vmem>>, vector<16xf32>,
        %parallel_loop3A_413 = arith.index_cast %parallel_loop3A_405 : i32 to index
        %parallel_loop3A_414 = arith.constant 16 : index
        %parallel_loop3A_415 = tpu.vector_load %arg11[%parallel_loop3A_413, %parallel_loop3A_414] {strides = array<i32>} : memref<128x64xf32, #tpu.memory_space<vmem>>, vector<16xf32>,
        %parallel_loop3A_416 = arith.mulf %parallel_loop3A_415, %parallel_loop3A_401 : vector<16xf32>
        %parallel_loop3A_417 = arith.index_cast %parallel_loop3A_405 : i32 to index
        %parallel_loop3A_418 = arith.constant 16 : index
        %parallel_loop3A_419 = tpu.vector_load %arg14[%parallel_loop3A_417, %parallel_loop3A_418] {strides = array<i32>} : memref<128x64xf32, #tpu.memory_space<vmem>>, vector<16xf32>,
        tpu.vector_store %arg14[%parallel_loop3A_417, %parallel_loop3A_418], %parallel_loop3A_416 {strides = array<i32>} : memref<128x64xf32, #tpu.memory_space<vmem>>, vector<16xf32>,
        %parallel_loop3A_420 = arith.index_cast %parallel_loop3A_405 : i32 to index
        %parallel_loop3A_421 = arith.constant 32 : index
        %parallel_loop3A_422 = tpu.vector_load %arg11[%parallel_loop3A_420, %parallel_loop3A_421] {strides = array<i32>} : memref<128x64xf32, #tpu.memory_space<vmem>>, vector<16xf32>,
        %parallel_loop3A_423 = arith.mulf %parallel_loop3A_422, %parallel_loop3A_401 : vector<16xf32>
        %parallel_loop3A_424 = arith.index_cast %parallel_loop3A_405 : i32 to index
        %parallel_loop3A_425 = arith.constant 32 : index
        %parallel_loop3A_426 = tpu.vector_load %arg14[%parallel_loop3A_424, %parallel_loop3A_425] {strides = array<i32>} : memref<128x64xf32, #tpu.memory_space<vmem>>, vector<16xf32>,
        tpu.vector_store %arg14[%parallel_loop3A_424, %parallel_loop3A_425], %parallel_loop3A_423 {strides = array<i32>} : memref<128x64xf32, #tpu.memory_space<vmem>>, vector<16xf32>,
        %parallel_loop3A_427 = arith.index_cast %parallel_loop3A_405 : i32 to index
        %parallel_loop3A_428 = arith.constant 48 : index
        %parallel_loop3A_429 = tpu.vector_load %arg11[%parallel_loop3A_427, %parallel_loop3A_428] {strides = array<i32>} : memref<128x64xf32, #tpu.memory_space<vmem>>, vector<16xf32>,
        %parallel_loop3A_430 = arith.mulf %parallel_loop3A_429, %parallel_loop3A_401 : vector<16xf32>
        %parallel_loop3A_431 = arith.index_cast %parallel_loop3A_405 : i32 to index
        %parallel_loop3A_432 = arith.constant 48 : index
        %parallel_loop3A_433 = tpu.vector_load %arg14[%parallel_loop3A_431, %parallel_loop3A_432] {strides = array<i32>} : memref<128x64xf32, #tpu.memory_space<vmem>>, vector<16xf32>,
        tpu.vector_store %arg14[%parallel_loop3A_431, %parallel_loop3A_432], %parallel_loop3A_430 {strides = array<i32>} : memref<128x64xf32, #tpu.memory_space<vmem>>, vector<16xf32>,
        %parallel_loop3A_434 = arith.constant 7 : i32
        %parallel_loop3A_435 = vector.broadcast %parallel_loop3A_434 : i32 to vector<16xi32>
        %parallel_loop3A_436 = arith.addi %parallel_loop3A_181, %parallel_loop3A_435 : vector<16xi32>
        %parallel_loop3A_437 = tpu.vector_load_idx %arg10[%parallel_loop3A_436] : memref<8448xf32, #tpu.memory_space<vmem>>[vector<16xi32>], vector<16xf32>,
        %parallel_loop3A_438 = arith.constant 16 : i32
        %parallel_loop3A_439 = arith.muli %parallel_loop3A_177, %parallel_loop3A_438 : i32
        %parallel_loop3A_440 = arith.constant 7 : i32
        %parallel_loop3A_441 = arith.addi %parallel_loop3A_439, %parallel_loop3A_440 : i32
        %parallel_loop3A_442 = arith.index_cast %parallel_loop3A_441 : i32 to index
        %parallel_loop3A_443 = arith.constant 0 : index
        %parallel_loop3A_444 = tpu.vector_load %arg11[%parallel_loop3A_442, %parallel_loop3A_443] {strides = array<i32>} : memref<128x64xf32, #tpu.memory_space<vmem>>, vector<16xf32>,
        %parallel_loop3A_445 = arith.mulf %parallel_loop3A_444, %parallel_loop3A_437 : vector<16xf32>
        %parallel_loop3A_446 = arith.index_cast %parallel_loop3A_441 : i32 to index
        %parallel_loop3A_447 = arith.constant 0 : index
        %parallel_loop3A_448 = tpu.vector_load %arg14[%parallel_loop3A_446, %parallel_loop3A_447] {strides = array<i32>} : memref<128x64xf32, #tpu.memory_space<vmem>>, vector<16xf32>,
        tpu.vector_store %arg14[%parallel_loop3A_446, %parallel_loop3A_447], %parallel_loop3A_445 {strides = array<i32>} : memref<128x64xf32, #tpu.memory_space<vmem>>, vector<16xf32>,
        %parallel_loop3A_449 = arith.index_cast %parallel_loop3A_441 : i32 to index
        %parallel_loop3A_450 = arith.constant 16 : index
        %parallel_loop3A_451 = tpu.vector_load %arg11[%parallel_loop3A_449, %parallel_loop3A_450] {strides = array<i32>} : memref<128x64xf32, #tpu.memory_space<vmem>>, vector<16xf32>,
        %parallel_loop3A_452 = arith.mulf %parallel_loop3A_451, %parallel_loop3A_437 : vector<16xf32>
        %parallel_loop3A_453 = arith.index_cast %parallel_loop3A_441 : i32 to index
        %parallel_loop3A_454 = arith.constant 16 : index
        %parallel_loop3A_455 = tpu.vector_load %arg14[%parallel_loop3A_453, %parallel_loop3A_454] {strides = array<i32>} : memref<128x64xf32, #tpu.memory_space<vmem>>, vector<16xf32>,
        tpu.vector_store %arg14[%parallel_loop3A_453, %parallel_loop3A_454], %parallel_loop3A_452 {strides = array<i32>} : memref<128x64xf32, #tpu.memory_space<vmem>>, vector<16xf32>,
        %parallel_loop3A_456 = arith.index_cast %parallel_loop3A_441 : i32 to index
        %parallel_loop3A_457 = arith.constant 32 : index
        %parallel_loop3A_458 = tpu.vector_load %arg11[%parallel_loop3A_456, %parallel_loop3A_457] {strides = array<i32>} : memref<128x64xf32, #tpu.memory_space<vmem>>, vector<16xf32>,
        %parallel_loop3A_459 = arith.mulf %parallel_loop3A_458, %parallel_loop3A_437 : vector<16xf32>
        %parallel_loop3A_460 = arith.index_cast %parallel_loop3A_441 : i32 to index
        %parallel_loop3A_461 = arith.constant 32 : index
        %parallel_loop3A_462 = tpu.vector_load %arg14[%parallel_loop3A_460, %parallel_loop3A_461] {strides = array<i32>} : memref<128x64xf32, #tpu.memory_space<vmem>>, vector<16xf32>,
        tpu.vector_store %arg14[%parallel_loop3A_460, %parallel_loop3A_461], %parallel_loop3A_459 {strides = array<i32>} : memref<128x64xf32, #tpu.memory_space<vmem>>, vector<16xf32>,
        %parallel_loop3A_463 = arith.index_cast %parallel_loop3A_441 : i32 to index
        %parallel_loop3A_464 = arith.constant 48 : index
        %parallel_loop3A_465 = tpu.vector_load %arg11[%parallel_loop3A_463, %parallel_loop3A_464] {strides = array<i32>} : memref<128x64xf32, #tpu.memory_space<vmem>>, vector<16xf32>,
        %parallel_loop3A_466 = arith.mulf %parallel_loop3A_465, %parallel_loop3A_437 : vector<16xf32>
        %parallel_loop3A_467 = arith.index_cast %parallel_loop3A_441 : i32 to index
        %parallel_loop3A_468 = arith.constant 48 : index
        %parallel_loop3A_469 = tpu.vector_load %arg14[%parallel_loop3A_467, %parallel_loop3A_468] {strides = array<i32>} : memref<128x64xf32, #tpu.memory_space<vmem>>, vector<16xf32>,
        tpu.vector_store %arg14[%parallel_loop3A_467, %parallel_loop3A_468], %parallel_loop3A_466 {strides = array<i32>} : memref<128x64xf32, #tpu.memory_space<vmem>>, vector<16xf32>,
        %parallel_loop3A_470 = arith.constant 8 : i32
        %parallel_loop3A_471 = vector.broadcast %parallel_loop3A_470 : i32 to vector<16xi32>
        %parallel_loop3A_472 = arith.addi %parallel_loop3A_181, %parallel_loop3A_471 : vector<16xi32>
        %parallel_loop3A_473 = tpu.vector_load_idx %arg10[%parallel_loop3A_472] : memref<8448xf32, #tpu.memory_space<vmem>>[vector<16xi32>], vector<16xf32>,
        %parallel_loop3A_474 = arith.constant 16 : i32
        %parallel_loop3A_475 = arith.muli %parallel_loop3A_177, %parallel_loop3A_474 : i32
        %parallel_loop3A_476 = arith.constant 8 : i32
        %parallel_loop3A_477 = arith.addi %parallel_loop3A_475, %parallel_loop3A_476 : i32
        %parallel_loop3A_478 = arith.index_cast %parallel_loop3A_477 : i32 to index
        %parallel_loop3A_479 = arith.constant 0 : index
        %parallel_loop3A_480 = tpu.vector_load %arg11[%parallel_loop3A_478, %parallel_loop3A_479] {strides = array<i32>} : memref<128x64xf32, #tpu.memory_space<vmem>>, vector<16xf32>,
        %parallel_loop3A_481 = arith.mulf %parallel_loop3A_480, %parallel_loop3A_473 : vector<16xf32>
        %parallel_loop3A_482 = arith.index_cast %parallel_loop3A_477 : i32 to index
        %parallel_loop3A_483 = arith.constant 0 : index
        %parallel_loop3A_484 = tpu.vector_load %arg14[%parallel_loop3A_482, %parallel_loop3A_483] {strides = array<i32>} : memref<128x64xf32, #tpu.memory_space<vmem>>, vector<16xf32>,
        tpu.vector_store %arg14[%parallel_loop3A_482, %parallel_loop3A_483], %parallel_loop3A_481 {strides = array<i32>} : memref<128x64xf32, #tpu.memory_space<vmem>>, vector<16xf32>,
        %parallel_loop3A_485 = arith.index_cast %parallel_loop3A_477 : i32 to index
        %parallel_loop3A_486 = arith.constant 16 : index
        %parallel_loop3A_487 = tpu.vector_load %arg11[%parallel_loop3A_485, %parallel_loop3A_486] {strides = array<i32>} : memref<128x64xf32, #tpu.memory_space<vmem>>, vector<16xf32>,
        %parallel_loop3A_488 = arith.mulf %parallel_loop3A_487, %parallel_loop3A_473 : vector<16xf32>
        %parallel_loop3A_489 = arith.index_cast %parallel_loop3A_477 : i32 to index
        %parallel_loop3A_490 = arith.constant 16 : index
        %parallel_loop3A_491 = tpu.vector_load %arg14[%parallel_loop3A_489, %parallel_loop3A_490] {strides = array<i32>} : memref<128x64xf32, #tpu.memory_space<vmem>>, vector<16xf32>,
        tpu.vector_store %arg14[%parallel_loop3A_489, %parallel_loop3A_490], %parallel_loop3A_488 {strides = array<i32>} : memref<128x64xf32, #tpu.memory_space<vmem>>, vector<16xf32>,
        %parallel_loop3A_492 = arith.index_cast %parallel_loop3A_477 : i32 to index
        %parallel_loop3A_493 = arith.constant 32 : index
        %parallel_loop3A_494 = tpu.vector_load %arg11[%parallel_loop3A_492, %parallel_loop3A_493] {strides = array<i32>} : memref<128x64xf32, #tpu.memory_space<vmem>>, vector<16xf32>,
        %parallel_loop3A_495 = arith.mulf %parallel_loop3A_494, %parallel_loop3A_473 : vector<16xf32>
        %parallel_loop3A_496 = arith.index_cast %parallel_loop3A_477 : i32 to index
        %parallel_loop3A_497 = arith.constant 32 : index
        %parallel_loop3A_498 = tpu.vector_load %arg14[%parallel_loop3A_496, %parallel_loop3A_497] {strides = array<i32>} : memref<128x64xf32, #tpu.memory_space<vmem>>, vector<16xf32>,
        tpu.vector_store %arg14[%parallel_loop3A_496, %parallel_loop3A_497], %parallel_loop3A_495 {strides = array<i32>} : memref<128x64xf32, #tpu.memory_space<vmem>>, vector<16xf32>,
        %parallel_loop3A_499 = arith.index_cast %parallel_loop3A_477 : i32 to index
        %parallel_loop3A_500 = arith.constant 48 : index
        %parallel_loop3A_501 = tpu.vector_load %arg11[%parallel_loop3A_499, %parallel_loop3A_500] {strides = array<i32>} : memref<128x64xf32, #tpu.memory_space<vmem>>, vector<16xf32>,
        %parallel_loop3A_502 = arith.mulf %parallel_loop3A_501, %parallel_loop3A_473 : vector<16xf32>
        %parallel_loop3A_503 = arith.index_cast %parallel_loop3A_477 : i32 to index
        %parallel_loop3A_504 = arith.constant 48 : index
        %parallel_loop3A_505 = tpu.vector_load %arg14[%parallel_loop3A_503, %parallel_loop3A_504] {strides = array<i32>} : memref<128x64xf32, #tpu.memory_space<vmem>>, vector<16xf32>,
        tpu.vector_store %arg14[%parallel_loop3A_503, %parallel_loop3A_504], %parallel_loop3A_502 {strides = array<i32>} : memref<128x64xf32, #tpu.memory_space<vmem>>, vector<16xf32>,
        %parallel_loop3A_506 = arith.constant 9 : i32
        %parallel_loop3A_507 = vector.broadcast %parallel_loop3A_506 : i32 to vector<16xi32>
        %parallel_loop3A_508 = arith.addi %parallel_loop3A_181, %parallel_loop3A_507 : vector<16xi32>
        %parallel_loop3A_509 = tpu.vector_load_idx %arg10[%parallel_loop3A_508] : memref<8448xf32, #tpu.memory_space<vmem>>[vector<16xi32>], vector<16xf32>,
        %parallel_loop3A_510 = arith.constant 16 : i32
        %parallel_loop3A_511 = arith.muli %parallel_loop3A_177, %parallel_loop3A_510 : i32
        %parallel_loop3A_512 = arith.constant 9 : i32
        %parallel_loop3A_513 = arith.addi %parallel_loop3A_511, %parallel_loop3A_512 : i32
        %parallel_loop3A_514 = arith.index_cast %parallel_loop3A_513 : i32 to index
        %parallel_loop3A_515 = arith.constant 0 : index
        %parallel_loop3A_516 = tpu.vector_load %arg11[%parallel_loop3A_514, %parallel_loop3A_515] {strides = array<i32>} : memref<128x64xf32, #tpu.memory_space<vmem>>, vector<16xf32>,
        %parallel_loop3A_517 = arith.mulf %parallel_loop3A_516, %parallel_loop3A_509 : vector<16xf32>
        %parallel_loop3A_518 = arith.index_cast %parallel_loop3A_513 : i32 to index
        %parallel_loop3A_519 = arith.constant 0 : index
        %parallel_loop3A_520 = tpu.vector_load %arg14[%parallel_loop3A_518, %parallel_loop3A_519] {strides = array<i32>} : memref<128x64xf32, #tpu.memory_space<vmem>>, vector<16xf32>,
        tpu.vector_store %arg14[%parallel_loop3A_518, %parallel_loop3A_519], %parallel_loop3A_517 {strides = array<i32>} : memref<128x64xf32, #tpu.memory_space<vmem>>, vector<16xf32>,
        %parallel_loop3A_521 = arith.index_cast %parallel_loop3A_513 : i32 to index
        %parallel_loop3A_522 = arith.constant 16 : index
        %parallel_loop3A_523 = tpu.vector_load %arg11[%parallel_loop3A_521, %parallel_loop3A_522] {strides = array<i32>} : memref<128x64xf32, #tpu.memory_space<vmem>>, vector<16xf32>,
        %parallel_loop3A_524 = arith.mulf %parallel_loop3A_523, %parallel_loop3A_509 : vector<16xf32>
        %parallel_loop3A_525 = arith.index_cast %parallel_loop3A_513 : i32 to index
        %parallel_loop3A_526 = arith.constant 16 : index
        %parallel_loop3A_527 = tpu.vector_load %arg14[%parallel_loop3A_525, %parallel_loop3A_526] {strides = array<i32>} : memref<128x64xf32, #tpu.memory_space<vmem>>, vector<16xf32>,
        tpu.vector_store %arg14[%parallel_loop3A_525, %parallel_loop3A_526], %parallel_loop3A_524 {strides = array<i32>} : memref<128x64xf32, #tpu.memory_space<vmem>>, vector<16xf32>,
        %parallel_loop3A_528 = arith.index_cast %parallel_loop3A_513 : i32 to index
        %parallel_loop3A_529 = arith.constant 32 : index
        %parallel_loop3A_530 = tpu.vector_load %arg11[%parallel_loop3A_528, %parallel_loop3A_529] {strides = array<i32>} : memref<128x64xf32, #tpu.memory_space<vmem>>, vector<16xf32>,
        %parallel_loop3A_531 = arith.mulf %parallel_loop3A_530, %parallel_loop3A_509 : vector<16xf32>
        %parallel_loop3A_532 = arith.index_cast %parallel_loop3A_513 : i32 to index
        %parallel_loop3A_533 = arith.constant 32 : index
        %parallel_loop3A_534 = tpu.vector_load %arg14[%parallel_loop3A_532, %parallel_loop3A_533] {strides = array<i32>} : memref<128x64xf32, #tpu.memory_space<vmem>>, vector<16xf32>,
        tpu.vector_store %arg14[%parallel_loop3A_532, %parallel_loop3A_533], %parallel_loop3A_531 {strides = array<i32>} : memref<128x64xf32, #tpu.memory_space<vmem>>, vector<16xf32>,
        %parallel_loop3A_535 = arith.index_cast %parallel_loop3A_513 : i32 to index
        %parallel_loop3A_536 = arith.constant 48 : index
        %parallel_loop3A_537 = tpu.vector_load %arg11[%parallel_loop3A_535, %parallel_loop3A_536] {strides = array<i32>} : memref<128x64xf32, #tpu.memory_space<vmem>>, vector<16xf32>,
        %parallel_loop3A_538 = arith.mulf %parallel_loop3A_537, %parallel_loop3A_509 : vector<16xf32>
        %parallel_loop3A_539 = arith.index_cast %parallel_loop3A_513 : i32 to index
        %parallel_loop3A_540 = arith.constant 48 : index
        %parallel_loop3A_541 = tpu.vector_load %arg14[%parallel_loop3A_539, %parallel_loop3A_540] {strides = array<i32>} : memref<128x64xf32, #tpu.memory_space<vmem>>, vector<16xf32>,
        tpu.vector_store %arg14[%parallel_loop3A_539, %parallel_loop3A_540], %parallel_loop3A_538 {strides = array<i32>} : memref<128x64xf32, #tpu.memory_space<vmem>>, vector<16xf32>,
        %parallel_loop3A_542 = arith.constant 10 : i32
        %parallel_loop3A_543 = vector.broadcast %parallel_loop3A_542 : i32 to vector<16xi32>
        %parallel_loop3A_544 = arith.addi %parallel_loop3A_181, %parallel_loop3A_543 : vector<16xi32>
        %parallel_loop3A_545 = tpu.vector_load_idx %arg10[%parallel_loop3A_544] : memref<8448xf32, #tpu.memory_space<vmem>>[vector<16xi32>], vector<16xf32>,
        %parallel_loop3A_546 = arith.constant 16 : i32
        %parallel_loop3A_547 = arith.muli %parallel_loop3A_177, %parallel_loop3A_546 : i32
        %parallel_loop3A_548 = arith.constant 10 : i32
        %parallel_loop3A_549 = arith.addi %parallel_loop3A_547, %parallel_loop3A_548 : i32
        %parallel_loop3A_550 = arith.index_cast %parallel_loop3A_549 : i32 to index
        %parallel_loop3A_551 = arith.constant 0 : index
        %parallel_loop3A_552 = tpu.vector_load %arg11[%parallel_loop3A_550, %parallel_loop3A_551] {strides = array<i32>} : memref<128x64xf32, #tpu.memory_space<vmem>>, vector<16xf32>,
        %parallel_loop3A_553 = arith.mulf %parallel_loop3A_552, %parallel_loop3A_545 : vector<16xf32>
        %parallel_loop3A_554 = arith.index_cast %parallel_loop3A_549 : i32 to index
        %parallel_loop3A_555 = arith.constant 0 : index
        %parallel_loop3A_556 = tpu.vector_load %arg14[%parallel_loop3A_554, %parallel_loop3A_555] {strides = array<i32>} : memref<128x64xf32, #tpu.memory_space<vmem>>, vector<16xf32>,
        tpu.vector_store %arg14[%parallel_loop3A_554, %parallel_loop3A_555], %parallel_loop3A_553 {strides = array<i32>} : memref<128x64xf32, #tpu.memory_space<vmem>>, vector<16xf32>,
        %parallel_loop3A_557 = arith.index_cast %parallel_loop3A_549 : i32 to index
        %parallel_loop3A_558 = arith.constant 16 : index
        %parallel_loop3A_559 = tpu.vector_load %arg11[%parallel_loop3A_557, %parallel_loop3A_558] {strides = array<i32>} : memref<128x64xf32, #tpu.memory_space<vmem>>, vector<16xf32>,
        %parallel_loop3A_560 = arith.mulf %parallel_loop3A_559, %parallel_loop3A_545 : vector<16xf32>
        %parallel_loop3A_561 = arith.index_cast %parallel_loop3A_549 : i32 to index
        %parallel_loop3A_562 = arith.constant 16 : index
        %parallel_loop3A_563 = tpu.vector_load %arg14[%parallel_loop3A_561, %parallel_loop3A_562] {strides = array<i32>} : memref<128x64xf32, #tpu.memory_space<vmem>>, vector<16xf32>,
        tpu.vector_store %arg14[%parallel_loop3A_561, %parallel_loop3A_562], %parallel_loop3A_560 {strides = array<i32>} : memref<128x64xf32, #tpu.memory_space<vmem>>, vector<16xf32>,
        %parallel_loop3A_564 = arith.index_cast %parallel_loop3A_549 : i32 to index
        %parallel_loop3A_565 = arith.constant 32 : index
        %parallel_loop3A_566 = tpu.vector_load %arg11[%parallel_loop3A_564, %parallel_loop3A_565] {strides = array<i32>} : memref<128x64xf32, #tpu.memory_space<vmem>>, vector<16xf32>,
        %parallel_loop3A_567 = arith.mulf %parallel_loop3A_566, %parallel_loop3A_545 : vector<16xf32>
        %parallel_loop3A_568 = arith.index_cast %parallel_loop3A_549 : i32 to index
        %parallel_loop3A_569 = arith.constant 32 : index
        %parallel_loop3A_570 = tpu.vector_load %arg14[%parallel_loop3A_568, %parallel_loop3A_569] {strides = array<i32>} : memref<128x64xf32, #tpu.memory_space<vmem>>, vector<16xf32>,
        tpu.vector_store %arg14[%parallel_loop3A_568, %parallel_loop3A_569], %parallel_loop3A_567 {strides = array<i32>} : memref<128x64xf32, #tpu.memory_space<vmem>>, vector<16xf32>,
        %parallel_loop3A_571 = arith.index_cast %parallel_loop3A_549 : i32 to index
        %parallel_loop3A_572 = arith.constant 48 : index
        %parallel_loop3A_573 = tpu.vector_load %arg11[%parallel_loop3A_571, %parallel_loop3A_572] {strides = array<i32>} : memref<128x64xf32, #tpu.memory_space<vmem>>, vector<16xf32>,
        %parallel_loop3A_574 = arith.mulf %parallel_loop3A_573, %parallel_loop3A_545 : vector<16xf32>
        %parallel_loop3A_575 = arith.index_cast %parallel_loop3A_549 : i32 to index
        %parallel_loop3A_576 = arith.constant 48 : index
        %parallel_loop3A_577 = tpu.vector_load %arg14[%parallel_loop3A_575, %parallel_loop3A_576] {strides = array<i32>} : memref<128x64xf32, #tpu.memory_space<vmem>>, vector<16xf32>,
        tpu.vector_store %arg14[%parallel_loop3A_575, %parallel_loop3A_576], %parallel_loop3A_574 {strides = array<i32>} : memref<128x64xf32, #tpu.memory_space<vmem>>, vector<16xf32>,
        %parallel_loop3A_578 = arith.constant 11 : i32
        %parallel_loop3A_579 = vector.broadcast %parallel_loop3A_578 : i32 to vector<16xi32>
        %parallel_loop3A_580 = arith.addi %parallel_loop3A_181, %parallel_loop3A_579 : vector<16xi32>
        %parallel_loop3A_581 = tpu.vector_load_idx %arg10[%parallel_loop3A_580] : memref<8448xf32, #tpu.memory_space<vmem>>[vector<16xi32>], vector<16xf32>,
        %parallel_loop3A_582 = arith.constant 16 : i32
        %parallel_loop3A_583 = arith.muli %parallel_loop3A_177, %parallel_loop3A_582 : i32
        %parallel_loop3A_584 = arith.constant 11 : i32
        %parallel_loop3A_585 = arith.addi %parallel_loop3A_583, %parallel_loop3A_584 : i32
        %parallel_loop3A_586 = arith.index_cast %parallel_loop3A_585 : i32 to index
        %parallel_loop3A_587 = arith.constant 0 : index
        %parallel_loop3A_588 = tpu.vector_load %arg11[%parallel_loop3A_586, %parallel_loop3A_587] {strides = array<i32>} : memref<128x64xf32, #tpu.memory_space<vmem>>, vector<16xf32>,
        %parallel_loop3A_589 = arith.mulf %parallel_loop3A_588, %parallel_loop3A_581 : vector<16xf32>
        %parallel_loop3A_590 = arith.index_cast %parallel_loop3A_585 : i32 to index
        %parallel_loop3A_591 = arith.constant 0 : index
        %parallel_loop3A_592 = tpu.vector_load %arg14[%parallel_loop3A_590, %parallel_loop3A_591] {strides = array<i32>} : memref<128x64xf32, #tpu.memory_space<vmem>>, vector<16xf32>,
        tpu.vector_store %arg14[%parallel_loop3A_590, %parallel_loop3A_591], %parallel_loop3A_589 {strides = array<i32>} : memref<128x64xf32, #tpu.memory_space<vmem>>, vector<16xf32>,
        %parallel_loop3A_593 = arith.index_cast %parallel_loop3A_585 : i32 to index
        %parallel_loop3A_594 = arith.constant 16 : index
        %parallel_loop3A_595 = tpu.vector_load %arg11[%parallel_loop3A_593, %parallel_loop3A_594] {strides = array<i32>} : memref<128x64xf32, #tpu.memory_space<vmem>>, vector<16xf32>,
        %parallel_loop3A_596 = arith.mulf %parallel_loop3A_595, %parallel_loop3A_581 : vector<16xf32>
        %parallel_loop3A_597 = arith.index_cast %parallel_loop3A_585 : i32 to index
        %parallel_loop3A_598 = arith.constant 16 : index
        %parallel_loop3A_599 = tpu.vector_load %arg14[%parallel_loop3A_597, %parallel_loop3A_598] {strides = array<i32>} : memref<128x64xf32, #tpu.memory_space<vmem>>, vector<16xf32>,
        tpu.vector_store %arg14[%parallel_loop3A_597, %parallel_loop3A_598], %parallel_loop3A_596 {strides = array<i32>} : memref<128x64xf32, #tpu.memory_space<vmem>>, vector<16xf32>,
        %parallel_loop3A_600 = arith.index_cast %parallel_loop3A_585 : i32 to index
        %parallel_loop3A_601 = arith.constant 32 : index
        %parallel_loop3A_602 = tpu.vector_load %arg11[%parallel_loop3A_600, %parallel_loop3A_601] {strides = array<i32>} : memref<128x64xf32, #tpu.memory_space<vmem>>, vector<16xf32>,
        %parallel_loop3A_603 = arith.mulf %parallel_loop3A_602, %parallel_loop3A_581 : vector<16xf32>
        %parallel_loop3A_604 = arith.index_cast %parallel_loop3A_585 : i32 to index
        %parallel_loop3A_605 = arith.constant 32 : index
        %parallel_loop3A_606 = tpu.vector_load %arg14[%parallel_loop3A_604, %parallel_loop3A_605] {strides = array<i32>} : memref<128x64xf32, #tpu.memory_space<vmem>>, vector<16xf32>,
        tpu.vector_store %arg14[%parallel_loop3A_604, %parallel_loop3A_605], %parallel_loop3A_603 {strides = array<i32>} : memref<128x64xf32, #tpu.memory_space<vmem>>, vector<16xf32>,
        %parallel_loop3A_607 = arith.index_cast %parallel_loop3A_585 : i32 to index
        %parallel_loop3A_608 = arith.constant 48 : index
        %parallel_loop3A_609 = tpu.vector_load %arg11[%parallel_loop3A_607, %parallel_loop3A_608] {strides = array<i32>} : memref<128x64xf32, #tpu.memory_space<vmem>>, vector<16xf32>,
        %parallel_loop3A_610 = arith.mulf %parallel_loop3A_609, %parallel_loop3A_581 : vector<16xf32>
        %parallel_loop3A_611 = arith.index_cast %parallel_loop3A_585 : i32 to index
        %parallel_loop3A_612 = arith.constant 48 : index
        %parallel_loop3A_613 = tpu.vector_load %arg14[%parallel_loop3A_611, %parallel_loop3A_612] {strides = array<i32>} : memref<128x64xf32, #tpu.memory_space<vmem>>, vector<16xf32>,
        tpu.vector_store %arg14[%parallel_loop3A_611, %parallel_loop3A_612], %parallel_loop3A_610 {strides = array<i32>} : memref<128x64xf32, #tpu.memory_space<vmem>>, vector<16xf32>,
        %parallel_loop3A_614 = arith.constant 12 : i32
        %parallel_loop3A_615 = vector.broadcast %parallel_loop3A_614 : i32 to vector<16xi32>
        %parallel_loop3A_616 = arith.addi %parallel_loop3A_181, %parallel_loop3A_615 : vector<16xi32>
        %parallel_loop3A_617 = tpu.vector_load_idx %arg10[%parallel_loop3A_616] : memref<8448xf32, #tpu.memory_space<vmem>>[vector<16xi32>], vector<16xf32>,
        %parallel_loop3A_618 = arith.constant 16 : i32
        %parallel_loop3A_619 = arith.muli %parallel_loop3A_177, %parallel_loop3A_618 : i32
        %parallel_loop3A_620 = arith.constant 12 : i32
        %parallel_loop3A_621 = arith.addi %parallel_loop3A_619, %parallel_loop3A_620 : i32
        %parallel_loop3A_622 = arith.index_cast %parallel_loop3A_621 : i32 to index
        %parallel_loop3A_623 = arith.constant 0 : index
        %parallel_loop3A_624 = tpu.vector_load %arg11[%parallel_loop3A_622, %parallel_loop3A_623] {strides = array<i32>} : memref<128x64xf32, #tpu.memory_space<vmem>>, vector<16xf32>,
        %parallel_loop3A_625 = arith.mulf %parallel_loop3A_624, %parallel_loop3A_617 : vector<16xf32>
        %parallel_loop3A_626 = arith.index_cast %parallel_loop3A_621 : i32 to index
        %parallel_loop3A_627 = arith.constant 0 : index
        %parallel_loop3A_628 = tpu.vector_load %arg14[%parallel_loop3A_626, %parallel_loop3A_627] {strides = array<i32>} : memref<128x64xf32, #tpu.memory_space<vmem>>, vector<16xf32>,
        tpu.vector_store %arg14[%parallel_loop3A_626, %parallel_loop3A_627], %parallel_loop3A_625 {strides = array<i32>} : memref<128x64xf32, #tpu.memory_space<vmem>>, vector<16xf32>,
        %parallel_loop3A_629 = arith.index_cast %parallel_loop3A_621 : i32 to index
        %parallel_loop3A_630 = arith.constant 16 : index
        %parallel_loop3A_631 = tpu.vector_load %arg11[%parallel_loop3A_629, %parallel_loop3A_630] {strides = array<i32>} : memref<128x64xf32, #tpu.memory_space<vmem>>, vector<16xf32>,
        %parallel_loop3A_632 = arith.mulf %parallel_loop3A_631, %parallel_loop3A_617 : vector<16xf32>
        %parallel_loop3A_633 = arith.index_cast %parallel_loop3A_621 : i32 to index
        %parallel_loop3A_634 = arith.constant 16 : index
        %parallel_loop3A_635 = tpu.vector_load %arg14[%parallel_loop3A_633, %parallel_loop3A_634] {strides = array<i32>} : memref<128x64xf32, #tpu.memory_space<vmem>>, vector<16xf32>,
        tpu.vector_store %arg14[%parallel_loop3A_633, %parallel_loop3A_634], %parallel_loop3A_632 {strides = array<i32>} : memref<128x64xf32, #tpu.memory_space<vmem>>, vector<16xf32>,
        %parallel_loop3A_636 = arith.index_cast %parallel_loop3A_621 : i32 to index
        %parallel_loop3A_637 = arith.constant 32 : index
        %parallel_loop3A_638 = tpu.vector_load %arg11[%parallel_loop3A_636, %parallel_loop3A_637] {strides = array<i32>} : memref<128x64xf32, #tpu.memory_space<vmem>>, vector<16xf32>,
        %parallel_loop3A_639 = arith.mulf %parallel_loop3A_638, %parallel_loop3A_617 : vector<16xf32>
        %parallel_loop3A_640 = arith.index_cast %parallel_loop3A_621 : i32 to index
        %parallel_loop3A_641 = arith.constant 32 : index
        %parallel_loop3A_642 = tpu.vector_load %arg14[%parallel_loop3A_640, %parallel_loop3A_641] {strides = array<i32>} : memref<128x64xf32, #tpu.memory_space<vmem>>, vector<16xf32>,
        tpu.vector_store %arg14[%parallel_loop3A_640, %parallel_loop3A_641], %parallel_loop3A_639 {strides = array<i32>} : memref<128x64xf32, #tpu.memory_space<vmem>>, vector<16xf32>,
        %parallel_loop3A_643 = arith.index_cast %parallel_loop3A_621 : i32 to index
        %parallel_loop3A_644 = arith.constant 48 : index
        %parallel_loop3A_645 = tpu.vector_load %arg11[%parallel_loop3A_643, %parallel_loop3A_644] {strides = array<i32>} : memref<128x64xf32, #tpu.memory_space<vmem>>, vector<16xf32>,
        %parallel_loop3A_646 = arith.mulf %parallel_loop3A_645, %parallel_loop3A_617 : vector<16xf32>
        %parallel_loop3A_647 = arith.index_cast %parallel_loop3A_621 : i32 to index
        %parallel_loop3A_648 = arith.constant 48 : index
        %parallel_loop3A_649 = tpu.vector_load %arg14[%parallel_loop3A_647, %parallel_loop3A_648] {strides = array<i32>} : memref<128x64xf32, #tpu.memory_space<vmem>>, vector<16xf32>,
        tpu.vector_store %arg14[%parallel_loop3A_647, %parallel_loop3A_648], %parallel_loop3A_646 {strides = array<i32>} : memref<128x64xf32, #tpu.memory_space<vmem>>, vector<16xf32>,
        %parallel_loop3A_650 = arith.constant 13 : i32
        %parallel_loop3A_651 = vector.broadcast %parallel_loop3A_650 : i32 to vector<16xi32>
        %parallel_loop3A_652 = arith.addi %parallel_loop3A_181, %parallel_loop3A_651 : vector<16xi32>
        %parallel_loop3A_653 = tpu.vector_load_idx %arg10[%parallel_loop3A_652] : memref<8448xf32, #tpu.memory_space<vmem>>[vector<16xi32>], vector<16xf32>,
        %parallel_loop3A_654 = arith.constant 16 : i32
        %parallel_loop3A_655 = arith.muli %parallel_loop3A_177, %parallel_loop3A_654 : i32
        %parallel_loop3A_656 = arith.constant 13 : i32
        %parallel_loop3A_657 = arith.addi %parallel_loop3A_655, %parallel_loop3A_656 : i32
        %parallel_loop3A_658 = arith.index_cast %parallel_loop3A_657 : i32 to index
        %parallel_loop3A_659 = arith.constant 0 : index
        %parallel_loop3A_660 = tpu.vector_load %arg11[%parallel_loop3A_658, %parallel_loop3A_659] {strides = array<i32>} : memref<128x64xf32, #tpu.memory_space<vmem>>, vector<16xf32>,
        %parallel_loop3A_661 = arith.mulf %parallel_loop3A_660, %parallel_loop3A_653 : vector<16xf32>
        %parallel_loop3A_662 = arith.index_cast %parallel_loop3A_657 : i32 to index
        %parallel_loop3A_663 = arith.constant 0 : index
        %parallel_loop3A_664 = tpu.vector_load %arg14[%parallel_loop3A_662, %parallel_loop3A_663] {strides = array<i32>} : memref<128x64xf32, #tpu.memory_space<vmem>>, vector<16xf32>,
        tpu.vector_store %arg14[%parallel_loop3A_662, %parallel_loop3A_663], %parallel_loop3A_661 {strides = array<i32>} : memref<128x64xf32, #tpu.memory_space<vmem>>, vector<16xf32>,
        %parallel_loop3A_665 = arith.index_cast %parallel_loop3A_657 : i32 to index
        %parallel_loop3A_666 = arith.constant 16 : index
        %parallel_loop3A_667 = tpu.vector_load %arg11[%parallel_loop3A_665, %parallel_loop3A_666] {strides = array<i32>} : memref<128x64xf32, #tpu.memory_space<vmem>>, vector<16xf32>,
        %parallel_loop3A_668 = arith.mulf %parallel_loop3A_667, %parallel_loop3A_653 : vector<16xf32>
        %parallel_loop3A_669 = arith.index_cast %parallel_loop3A_657 : i32 to index
        %parallel_loop3A_670 = arith.constant 16 : index
        %parallel_loop3A_671 = tpu.vector_load %arg14[%parallel_loop3A_669, %parallel_loop3A_670] {strides = array<i32>} : memref<128x64xf32, #tpu.memory_space<vmem>>, vector<16xf32>,
        tpu.vector_store %arg14[%parallel_loop3A_669, %parallel_loop3A_670], %parallel_loop3A_668 {strides = array<i32>} : memref<128x64xf32, #tpu.memory_space<vmem>>, vector<16xf32>,
        %parallel_loop3A_672 = arith.index_cast %parallel_loop3A_657 : i32 to index
        %parallel_loop3A_673 = arith.constant 32 : index
        %parallel_loop3A_674 = tpu.vector_load %arg11[%parallel_loop3A_672, %parallel_loop3A_673] {strides = array<i32>} : memref<128x64xf32, #tpu.memory_space<vmem>>, vector<16xf32>,
        %parallel_loop3A_675 = arith.mulf %parallel_loop3A_674, %parallel_loop3A_653 : vector<16xf32>
        %parallel_loop3A_676 = arith.index_cast %parallel_loop3A_657 : i32 to index
        %parallel_loop3A_677 = arith.constant 32 : index
        %parallel_loop3A_678 = tpu.vector_load %arg14[%parallel_loop3A_676, %parallel_loop3A_677] {strides = array<i32>} : memref<128x64xf32, #tpu.memory_space<vmem>>, vector<16xf32>,
        tpu.vector_store %arg14[%parallel_loop3A_676, %parallel_loop3A_677], %parallel_loop3A_675 {strides = array<i32>} : memref<128x64xf32, #tpu.memory_space<vmem>>, vector<16xf32>,
        %parallel_loop3A_679 = arith.index_cast %parallel_loop3A_657 : i32 to index
        %parallel_loop3A_680 = arith.constant 48 : index
        %parallel_loop3A_681 = tpu.vector_load %arg11[%parallel_loop3A_679, %parallel_loop3A_680] {strides = array<i32>} : memref<128x64xf32, #tpu.memory_space<vmem>>, vector<16xf32>,
        %parallel_loop3A_682 = arith.mulf %parallel_loop3A_681, %parallel_loop3A_653 : vector<16xf32>
        %parallel_loop3A_683 = arith.index_cast %parallel_loop3A_657 : i32 to index
        %parallel_loop3A_684 = arith.constant 48 : index
        %parallel_loop3A_685 = tpu.vector_load %arg14[%parallel_loop3A_683, %parallel_loop3A_684] {strides = array<i32>} : memref<128x64xf32, #tpu.memory_space<vmem>>, vector<16xf32>,
        tpu.vector_store %arg14[%parallel_loop3A_683, %parallel_loop3A_684], %parallel_loop3A_682 {strides = array<i32>} : memref<128x64xf32, #tpu.memory_space<vmem>>, vector<16xf32>,
        %parallel_loop3A_686 = arith.constant 14 : i32
        %parallel_loop3A_687 = vector.broadcast %parallel_loop3A_686 : i32 to vector<16xi32>
        %parallel_loop3A_688 = arith.addi %parallel_loop3A_181, %parallel_loop3A_687 : vector<16xi32>
        %parallel_loop3A_689 = tpu.vector_load_idx %arg10[%parallel_loop3A_688] : memref<8448xf32, #tpu.memory_space<vmem>>[vector<16xi32>], vector<16xf32>,
        %parallel_loop3A_690 = arith.constant 16 : i32
        %parallel_loop3A_691 = arith.muli %parallel_loop3A_177, %parallel_loop3A_690 : i32
        %parallel_loop3A_692 = arith.constant 14 : i32
        %parallel_loop3A_693 = arith.addi %parallel_loop3A_691, %parallel_loop3A_692 : i32
        %parallel_loop3A_694 = arith.index_cast %parallel_loop3A_693 : i32 to index
        %parallel_loop3A_695 = arith.constant 0 : index
        %parallel_loop3A_696 = tpu.vector_load %arg11[%parallel_loop3A_694, %parallel_loop3A_695] {strides = array<i32>} : memref<128x64xf32, #tpu.memory_space<vmem>>, vector<16xf32>,
        %parallel_loop3A_697 = arith.mulf %parallel_loop3A_696, %parallel_loop3A_689 : vector<16xf32>
        %parallel_loop3A_698 = arith.index_cast %parallel_loop3A_693 : i32 to index
        %parallel_loop3A_699 = arith.constant 0 : index
        %parallel_loop3A_700 = tpu.vector_load %arg14[%parallel_loop3A_698, %parallel_loop3A_699] {strides = array<i32>} : memref<128x64xf32, #tpu.memory_space<vmem>>, vector<16xf32>,
        tpu.vector_store %arg14[%parallel_loop3A_698, %parallel_loop3A_699], %parallel_loop3A_697 {strides = array<i32>} : memref<128x64xf32, #tpu.memory_space<vmem>>, vector<16xf32>,
        %parallel_loop3A_701 = arith.index_cast %parallel_loop3A_693 : i32 to index
        %parallel_loop3A_702 = arith.constant 16 : index
        %parallel_loop3A_703 = tpu.vector_load %arg11[%parallel_loop3A_701, %parallel_loop3A_702] {strides = array<i32>} : memref<128x64xf32, #tpu.memory_space<vmem>>, vector<16xf32>,
        %parallel_loop3A_704 = arith.mulf %parallel_loop3A_703, %parallel_loop3A_689 : vector<16xf32>
        %parallel_loop3A_705 = arith.index_cast %parallel_loop3A_693 : i32 to index
        %parallel_loop3A_706 = arith.constant 16 : index
        %parallel_loop3A_707 = tpu.vector_load %arg14[%parallel_loop3A_705, %parallel_loop3A_706] {strides = array<i32>} : memref<128x64xf32, #tpu.memory_space<vmem>>, vector<16xf32>,
        tpu.vector_store %arg14[%parallel_loop3A_705, %parallel_loop3A_706], %parallel_loop3A_704 {strides = array<i32>} : memref<128x64xf32, #tpu.memory_space<vmem>>, vector<16xf32>,
        %parallel_loop3A_708 = arith.index_cast %parallel_loop3A_693 : i32 to index
        %parallel_loop3A_709 = arith.constant 32 : index
        %parallel_loop3A_710 = tpu.vector_load %arg11[%parallel_loop3A_708, %parallel_loop3A_709] {strides = array<i32>} : memref<128x64xf32, #tpu.memory_space<vmem>>, vector<16xf32>,
        %parallel_loop3A_711 = arith.mulf %parallel_loop3A_710, %parallel_loop3A_689 : vector<16xf32>
        %parallel_loop3A_712 = arith.index_cast %parallel_loop3A_693 : i32 to index
        %parallel_loop3A_713 = arith.constant 32 : index
        %parallel_loop3A_714 = tpu.vector_load %arg14[%parallel_loop3A_712, %parallel_loop3A_713] {strides = array<i32>} : memref<128x64xf32, #tpu.memory_space<vmem>>, vector<16xf32>,
        tpu.vector_store %arg14[%parallel_loop3A_712, %parallel_loop3A_713], %parallel_loop3A_711 {strides = array<i32>} : memref<128x64xf32, #tpu.memory_space<vmem>>, vector<16xf32>,
        %parallel_loop3A_715 = arith.index_cast %parallel_loop3A_693 : i32 to index
        %parallel_loop3A_716 = arith.constant 48 : index
        %parallel_loop3A_717 = tpu.vector_load %arg11[%parallel_loop3A_715, %parallel_loop3A_716] {strides = array<i32>} : memref<128x64xf32, #tpu.memory_space<vmem>>, vector<16xf32>,
        %parallel_loop3A_718 = arith.mulf %parallel_loop3A_717, %parallel_loop3A_689 : vector<16xf32>
        %parallel_loop3A_719 = arith.index_cast %parallel_loop3A_693 : i32 to index
        %parallel_loop3A_720 = arith.constant 48 : index
        %parallel_loop3A_721 = tpu.vector_load %arg14[%parallel_loop3A_719, %parallel_loop3A_720] {strides = array<i32>} : memref<128x64xf32, #tpu.memory_space<vmem>>, vector<16xf32>,
        tpu.vector_store %arg14[%parallel_loop3A_719, %parallel_loop3A_720], %parallel_loop3A_718 {strides = array<i32>} : memref<128x64xf32, #tpu.memory_space<vmem>>, vector<16xf32>,
        %parallel_loop3A_722 = arith.constant 15 : i32
        %parallel_loop3A_723 = vector.broadcast %parallel_loop3A_722 : i32 to vector<16xi32>
        %parallel_loop3A_724 = arith.addi %parallel_loop3A_181, %parallel_loop3A_723 : vector<16xi32>
        %parallel_loop3A_725 = tpu.vector_load_idx %arg10[%parallel_loop3A_724] : memref<8448xf32, #tpu.memory_space<vmem>>[vector<16xi32>], vector<16xf32>,
        %parallel_loop3A_726 = arith.constant 16 : i32
        %parallel_loop3A_727 = arith.muli %parallel_loop3A_177, %parallel_loop3A_726 : i32
        %parallel_loop3A_728 = arith.constant 15 : i32
        %parallel_loop3A_729 = arith.addi %parallel_loop3A_727, %parallel_loop3A_728 : i32
        %parallel_loop3A_730 = arith.index_cast %parallel_loop3A_729 : i32 to index
        %parallel_loop3A_731 = arith.constant 0 : index
        %parallel_loop3A_732 = tpu.vector_load %arg11[%parallel_loop3A_730, %parallel_loop3A_731] {strides = array<i32>} : memref<128x64xf32, #tpu.memory_space<vmem>>, vector<16xf32>,
        %parallel_loop3A_733 = arith.mulf %parallel_loop3A_732, %parallel_loop3A_725 : vector<16xf32>
        %parallel_loop3A_734 = arith.index_cast %parallel_loop3A_729 : i32 to index
        %parallel_loop3A_735 = arith.constant 0 : index
        %parallel_loop3A_736 = tpu.vector_load %arg14[%parallel_loop3A_734, %parallel_loop3A_735] {strides = array<i32>} : memref<128x64xf32, #tpu.memory_space<vmem>>, vector<16xf32>,
        tpu.vector_store %arg14[%parallel_loop3A_734, %parallel_loop3A_735], %parallel_loop3A_733 {strides = array<i32>} : memref<128x64xf32, #tpu.memory_space<vmem>>, vector<16xf32>,
        %parallel_loop3A_737 = arith.index_cast %parallel_loop3A_729 : i32 to index
        %parallel_loop3A_738 = arith.constant 16 : index
        %parallel_loop3A_739 = tpu.vector_load %arg11[%parallel_loop3A_737, %parallel_loop3A_738] {strides = array<i32>} : memref<128x64xf32, #tpu.memory_space<vmem>>, vector<16xf32>,
        %parallel_loop3A_740 = arith.mulf %parallel_loop3A_739, %parallel_loop3A_725 : vector<16xf32>
        %parallel_loop3A_741 = arith.index_cast %parallel_loop3A_729 : i32 to index
        %parallel_loop3A_742 = arith.constant 16 : index
        %parallel_loop3A_743 = tpu.vector_load %arg14[%parallel_loop3A_741, %parallel_loop3A_742] {strides = array<i32>} : memref<128x64xf32, #tpu.memory_space<vmem>>, vector<16xf32>,
        tpu.vector_store %arg14[%parallel_loop3A_741, %parallel_loop3A_742], %parallel_loop3A_740 {strides = array<i32>} : memref<128x64xf32, #tpu.memory_space<vmem>>, vector<16xf32>,
        %parallel_loop3A_744 = arith.index_cast %parallel_loop3A_729 : i32 to index
        %parallel_loop3A_745 = arith.constant 32 : index
        %parallel_loop3A_746 = tpu.vector_load %arg11[%parallel_loop3A_744, %parallel_loop3A_745] {strides = array<i32>} : memref<128x64xf32, #tpu.memory_space<vmem>>, vector<16xf32>,
        %parallel_loop3A_747 = arith.mulf %parallel_loop3A_746, %parallel_loop3A_725 : vector<16xf32>
        %parallel_loop3A_748 = arith.index_cast %parallel_loop3A_729 : i32 to index
        %parallel_loop3A_749 = arith.constant 32 : index
        %parallel_loop3A_750 = tpu.vector_load %arg14[%parallel_loop3A_748, %parallel_loop3A_749] {strides = array<i32>} : memref<128x64xf32, #tpu.memory_space<vmem>>, vector<16xf32>,
        tpu.vector_store %arg14[%parallel_loop3A_748, %parallel_loop3A_749], %parallel_loop3A_747 {strides = array<i32>} : memref<128x64xf32, #tpu.memory_space<vmem>>, vector<16xf32>,
        %parallel_loop3A_751 = arith.index_cast %parallel_loop3A_729 : i32 to index
        %parallel_loop3A_752 = arith.constant 48 : index
        %parallel_loop3A_753 = tpu.vector_load %arg11[%parallel_loop3A_751, %parallel_loop3A_752] {strides = array<i32>} : memref<128x64xf32, #tpu.memory_space<vmem>>, vector<16xf32>,
        %parallel_loop3A_754 = arith.mulf %parallel_loop3A_753, %parallel_loop3A_725 : vector<16xf32>
        %parallel_loop3A_755 = arith.index_cast %parallel_loop3A_729 : i32 to index
        %parallel_loop3A_756 = arith.constant 48 : index
        %parallel_loop3A_757 = tpu.vector_load %arg14[%parallel_loop3A_755, %parallel_loop3A_756] {strides = array<i32>} : memref<128x64xf32, #tpu.memory_space<vmem>>, vector<16xf32>,
        tpu.vector_store %arg14[%parallel_loop3A_755, %parallel_loop3A_756], %parallel_loop3A_754 {strides = array<i32>} : memref<128x64xf32, #tpu.memory_space<vmem>>, vector<16xf32>,
      } {sc.loop_unroll_factor = 4 : i64, sc.parallel_access}
      %dma_start3A_86 = arith.constant 0 : i32
      %dma_start3A_87 = tpu.memref_slice %arg9[%add3A_74, %dma_start3A_86] : memref<66x128xi32, #tpu.memory_space<vmem>> -> memref<1x128xi32, #tpu.memory_space<vmem>>
      %dma_start3A_88 = tpu.memref_squeeze %dma_start3A_87 : memref<1x128xi32, #tpu.memory_space<vmem>> -> memref<128xi32, #tpu.memory_space<vmem>>
      %dma_start3A_89 = arith.constant 0 : i32
      %dma_start3A_90 = arith.constant 0 : i32
      %dma_start3A_91 = tpu.memref_slice %arg7[%dma_start3A_89, %dma_start3A_90] : memref<16384x64xf32, #tpu.memory_space<vmem_shared>> -> memref<16384x64xf32, #tpu.memory_space<vmem_shared>>
      tpu.enqueue_indirect_dma source(%arg14 : memref<128x64xf32, #tpu.memory_space<vmem>>) target(%dma_start3A_91 : memref<16384x64xf32, #tpu.memory_space<vmem_shared>>) offsets(%dma_start3A_88 : memref<128xi32, #tpu.memory_space<vmem>>) semaphore(%arg18 : memref<!tpu.dma_semaphore, #tpu.memory_space<semaphore_mem>>) {add = true}
      %dma_wait3A_92 = arith.constant 0 : i32
      %dma_wait3A_93 = arith.constant 0 : i32
      %dma_wait3A_94 = tpu.memref_slice %arg9[%dma_wait3A_92, %dma_wait3A_93] : memref<66x128xi32, #tpu.memory_space<vmem>> -> memref<1x128xi32, #tpu.memory_space<vmem>>
      %dma_wait3A_95 = tpu.memref_squeeze %dma_wait3A_94 : memref<1x128xi32, #tpu.memory_space<vmem>> -> memref<128xi32, #tpu.memory_space<vmem>>
      %dma_wait3A_96 = arith.constant 0 : i32
      %dma_wait3A_97 = arith.constant 0 : i32
      %dma_wait3A_98 = tpu.memref_slice %arg7[%dma_wait3A_96, %dma_wait3A_97] : memref<16384x64xf32, #tpu.memory_space<vmem_shared>> -> memref<16384x64xf32, #tpu.memory_space<vmem_shared>>
      tpu.wait_indirect_dma semaphore(%arg18 : memref<!tpu.dma_semaphore, #tpu.memory_space<semaphore_mem>>) src(%arg14 : memref<128x64xf32, #tpu.memory_space<vmem>>) dst(%dma_wait3A_98 : memref<16384x64xf32, #tpu.memory_space<vmem_shared>>)
      %add3A_99 = arith.constant 3 : i32
      %add3A_100 = arith.addi %add3A_74, %add3A_99 : i32
      %lt3A = arith.constant 66 : i32
      %lt3A_101 = arith.cmpi slt, %add3A_100, %lt3A : i32
      %convert_element_type3A = arith.extui %lt3A_101 : i1 to i32
      %cond3A = arith.constant 0 : i32
      %cond3A_102 = arith.cmpi ne, %convert_element_type3A, %cond3A : i32
      scf.if %cond3A_102 {
        %add3A_177 = arith.constant 3 : i32
        %add3A_178 = arith.addi %add3A_74, %add3A_177 : i32
        %dma_start3A_179 = arith.constant 0 : i32
        %dma_start3A_180 = tpu.memref_slice %arg8[%add3A_178, %dma_start3A_179] : memref<66x128xi32, #tpu.memory_space<vmem>> -> memref<1x128xi32, #tpu.memory_space<vmem>>
        %dma_start3A_181 = tpu.memref_squeeze %dma_start3A_180 : memref<1x128xi32, #tpu.memory_space<vmem>> -> memref<128xi32, #tpu.memory_space<vmem>>
        %dma_start3A_182 = arith.constant 0 : i32
        %dma_start3A_183 = arith.constant 0 : i32
        %dma_start3A_184 = tpu.memref_slice %arg2[%dma_start3A_182, %dma_start3A_183] : memref<16384x64xf32, #tpu.memory_space<hbm>> -> memref<16384x64xf32, #tpu.memory_space<hbm>>
        tpu.enqueue_indirect_dma source(%dma_start3A_184 : memref<16384x64xf32, #tpu.memory_space<hbm>>) target(%arg11 : memref<128x64xf32, #tpu.memory_space<vmem>>) offsets(%dma_start3A_181 : memref<128xi32, #tpu.memory_space<vmem>>) semaphore(%arg15 : memref<!tpu.dma_semaphore, #tpu.memory_space<semaphore_mem>>)
      } else {
      }
      %mul3A_103 = arith.constant 3 : i32
      %mul3A_104 = arith.muli %scan3A_70, %mul3A_103 : i32
      %add3A_105 = arith.constant 1 : i32
      %add3A_106 = arith.addi %mul3A_104, %add3A_105 : i32
      %dma_wait3A_107 = arith.constant 0 : i32
      %dma_wait3A_108 = arith.constant 0 : i32
      %dma_wait3A_109 = tpu.memref_slice %arg8[%dma_wait3A_107, %dma_wait3A_108] : memref<66x128xi32, #tpu.memory_space<vmem>> -> memref<1x128xi32, #tpu.memory_space<vmem>>
      %dma_wait3A_110 = tpu.memref_squeeze %dma_wait3A_109 : memref<1x128xi32, #tpu.memory_space<vmem>> -> memref<128xi32, #tpu.memory_space<vmem>>
      %dma_wait3A_111 = arith.constant 0 : i32
      %dma_wait3A_112 = arith.constant 0 : i32
      %dma_wait3A_113 = tpu.memref_slice %arg2[%dma_wait3A_111, %dma_wait3A_112] : memref<16384x64xf32, #tpu.memory_space<hbm>> -> memref<16384x64xf32, #tpu.memory_space<hbm>>
      tpu.wait_indirect_dma semaphore(%arg16 : memref<!tpu.dma_semaphore, #tpu.memory_space<semaphore_mem>>) src(%dma_wait3A_113 : memref<16384x64xf32, #tpu.memory_space<hbm>>) dst(%arg12 : memref<128x64xf32, #tpu.memory_space<vmem>>)
      %mul3A_114 = arith.constant 128 : i32
      %mul3A_115 = arith.muli %add3A_106, %mul3A_114 : i32
      %broadcast_in_dim3A_116 = vector.broadcast %mul3A_115 : i32 to vector<16xi32>
      %parallel_loop3A_117 = arith.constant 0 : i32
      %parallel_loop3A_118 = arith.constant 8 : i32
      %parallel_loop3A_119 = arith.constant 1 : i32
      scf.for %parallel_loop3A_177 = %parallel_loop3A_117 to %parallel_loop3A_118 step %parallel_loop3A_119  : i32 {
        %parallel_loop3A_178 = arith.constant 16 : i32
        %parallel_loop3A_179 = arith.muli %parallel_loop3A_177, %parallel_loop3A_178 : i32
        %parallel_loop3A_180 = vector.broadcast %parallel_loop3A_179 : i32 to vector<16xi32>
        %parallel_loop3A_181 = arith.addi %broadcast_in_dim3A_116, %parallel_loop3A_180 : vector<16xi32>
        %parallel_loop3A_182 = arith.constant 0 : i32
        %parallel_loop3A_183 = vector.broadcast %parallel_loop3A_182 : i32 to vector<16xi32>
        %parallel_loop3A_184 = arith.addi %parallel_loop3A_181, %parallel_loop3A_183 : vector<16xi32>
        %parallel_loop3A_185 = tpu.vector_load_idx %arg10[%parallel_loop3A_184] : memref<8448xf32, #tpu.memory_space<vmem>>[vector<16xi32>], vector<16xf32>,
        %parallel_loop3A_186 = arith.constant 16 : i32
        %parallel_loop3A_187 = arith.muli %parallel_loop3A_177, %parallel_loop3A_186 : i32
        %parallel_loop3A_188 = arith.constant 0 : i32
        %parallel_loop3A_189 = arith.addi %parallel_loop3A_187, %parallel_loop3A_188 : i32
        %parallel_loop3A_190 = arith.index_cast %parallel_loop3A_189 : i32 to index
        %parallel_loop3A_191 = arith.constant 0 : index
        %parallel_loop3A_192 = tpu.vector_load %arg12[%parallel_loop3A_190, %parallel_loop3A_191] {strides = array<i32>} : memref<128x64xf32, #tpu.memory_space<vmem>>, vector<16xf32>,
        %parallel_loop3A_193 = arith.mulf %parallel_loop3A_192, %parallel_loop3A_185 : vector<16xf32>
        %parallel_loop3A_194 = arith.index_cast %parallel_loop3A_189 : i32 to index
        %parallel_loop3A_195 = arith.constant 0 : index
        %parallel_loop3A_196 = tpu.vector_load %arg14[%parallel_loop3A_194, %parallel_loop3A_195] {strides = array<i32>} : memref<128x64xf32, #tpu.memory_space<vmem>>, vector<16xf32>,
        tpu.vector_store %arg14[%parallel_loop3A_194, %parallel_loop3A_195], %parallel_loop3A_193 {strides = array<i32>} : memref<128x64xf32, #tpu.memory_space<vmem>>, vector<16xf32>,
        %parallel_loop3A_197 = arith.index_cast %parallel_loop3A_189 : i32 to index
        %parallel_loop3A_198 = arith.constant 16 : index
        %parallel_loop3A_199 = tpu.vector_load %arg12[%parallel_loop3A_197, %parallel_loop3A_198] {strides = array<i32>} : memref<128x64xf32, #tpu.memory_space<vmem>>, vector<16xf32>,
        %parallel_loop3A_200 = arith.mulf %parallel_loop3A_199, %parallel_loop3A_185 : vector<16xf32>
        %parallel_loop3A_201 = arith.index_cast %parallel_loop3A_189 : i32 to index
        %parallel_loop3A_202 = arith.constant 16 : index
        %parallel_loop3A_203 = tpu.vector_load %arg14[%parallel_loop3A_201, %parallel_loop3A_202] {strides = array<i32>} : memref<128x64xf32, #tpu.memory_space<vmem>>, vector<16xf32>,
        tpu.vector_store %arg14[%parallel_loop3A_201, %parallel_loop3A_202], %parallel_loop3A_200 {strides = array<i32>} : memref<128x64xf32, #tpu.memory_space<vmem>>, vector<16xf32>,
        %parallel_loop3A_204 = arith.index_cast %parallel_loop3A_189 : i32 to index
        %parallel_loop3A_205 = arith.constant 32 : index
        %parallel_loop3A_206 = tpu.vector_load %arg12[%parallel_loop3A_204, %parallel_loop3A_205] {strides = array<i32>} : memref<128x64xf32, #tpu.memory_space<vmem>>, vector<16xf32>,
        %parallel_loop3A_207 = arith.mulf %parallel_loop3A_206, %parallel_loop3A_185 : vector<16xf32>
        %parallel_loop3A_208 = arith.index_cast %parallel_loop3A_189 : i32 to index
        %parallel_loop3A_209 = arith.constant 32 : index
        %parallel_loop3A_210 = tpu.vector_load %arg14[%parallel_loop3A_208, %parallel_loop3A_209] {strides = array<i32>} : memref<128x64xf32, #tpu.memory_space<vmem>>, vector<16xf32>,
        tpu.vector_store %arg14[%parallel_loop3A_208, %parallel_loop3A_209], %parallel_loop3A_207 {strides = array<i32>} : memref<128x64xf32, #tpu.memory_space<vmem>>, vector<16xf32>,
        %parallel_loop3A_211 = arith.index_cast %parallel_loop3A_189 : i32 to index
        %parallel_loop3A_212 = arith.constant 48 : index
        %parallel_loop3A_213 = tpu.vector_load %arg12[%parallel_loop3A_211, %parallel_loop3A_212] {strides = array<i32>} : memref<128x64xf32, #tpu.memory_space<vmem>>, vector<16xf32>,
        %parallel_loop3A_214 = arith.mulf %parallel_loop3A_213, %parallel_loop3A_185 : vector<16xf32>
        %parallel_loop3A_215 = arith.index_cast %parallel_loop3A_189 : i32 to index
        %parallel_loop3A_216 = arith.constant 48 : index
        %parallel_loop3A_217 = tpu.vector_load %arg14[%parallel_loop3A_215, %parallel_loop3A_216] {strides = array<i32>} : memref<128x64xf32, #tpu.memory_space<vmem>>, vector<16xf32>,
        tpu.vector_store %arg14[%parallel_loop3A_215, %parallel_loop3A_216], %parallel_loop3A_214 {strides = array<i32>} : memref<128x64xf32, #tpu.memory_space<vmem>>, vector<16xf32>,
        %parallel_loop3A_218 = arith.constant 1 : i32
        %parallel_loop3A_219 = vector.broadcast %parallel_loop3A_218 : i32 to vector<16xi32>
        %parallel_loop3A_220 = arith.addi %parallel_loop3A_181, %parallel_loop3A_219 : vector<16xi32>
        %parallel_loop3A_221 = tpu.vector_load_idx %arg10[%parallel_loop3A_220] : memref<8448xf32, #tpu.memory_space<vmem>>[vector<16xi32>], vector<16xf32>,
        %parallel_loop3A_222 = arith.constant 16 : i32
        %parallel_loop3A_223 = arith.muli %parallel_loop3A_177, %parallel_loop3A_222 : i32
        %parallel_loop3A_224 = arith.constant 1 : i32
        %parallel_loop3A_225 = arith.addi %parallel_loop3A_223, %parallel_loop3A_224 : i32
        %parallel_loop3A_226 = arith.index_cast %parallel_loop3A_225 : i32 to index
        %parallel_loop3A_227 = arith.constant 0 : index
        %parallel_loop3A_228 = tpu.vector_load %arg12[%parallel_loop3A_226, %parallel_loop3A_227] {strides = array<i32>} : memref<128x64xf32, #tpu.memory_space<vmem>>, vector<16xf32>,
        %parallel_loop3A_229 = arith.mulf %parallel_loop3A_228, %parallel_loop3A_221 : vector<16xf32>
        %parallel_loop3A_230 = arith.index_cast %parallel_loop3A_225 : i32 to index
        %parallel_loop3A_231 = arith.constant 0 : index
        %parallel_loop3A_232 = tpu.vector_load %arg14[%parallel_loop3A_230, %parallel_loop3A_231] {strides = array<i32>} : memref<128x64xf32, #tpu.memory_space<vmem>>, vector<16xf32>,
        tpu.vector_store %arg14[%parallel_loop3A_230, %parallel_loop3A_231], %parallel_loop3A_229 {strides = array<i32>} : memref<128x64xf32, #tpu.memory_space<vmem>>, vector<16xf32>,
        %parallel_loop3A_233 = arith.index_cast %parallel_loop3A_225 : i32 to index
        %parallel_loop3A_234 = arith.constant 16 : index
        %parallel_loop3A_235 = tpu.vector_load %arg12[%parallel_loop3A_233, %parallel_loop3A_234] {strides = array<i32>} : memref<128x64xf32, #tpu.memory_space<vmem>>, vector<16xf32>,
        %parallel_loop3A_236 = arith.mulf %parallel_loop3A_235, %parallel_loop3A_221 : vector<16xf32>
        %parallel_loop3A_237 = arith.index_cast %parallel_loop3A_225 : i32 to index
        %parallel_loop3A_238 = arith.constant 16 : index
        %parallel_loop3A_239 = tpu.vector_load %arg14[%parallel_loop3A_237, %parallel_loop3A_238] {strides = array<i32>} : memref<128x64xf32, #tpu.memory_space<vmem>>, vector<16xf32>,
        tpu.vector_store %arg14[%parallel_loop3A_237, %parallel_loop3A_238], %parallel_loop3A_236 {strides = array<i32>} : memref<128x64xf32, #tpu.memory_space<vmem>>, vector<16xf32>,
        %parallel_loop3A_240 = arith.index_cast %parallel_loop3A_225 : i32 to index
        %parallel_loop3A_241 = arith.constant 32 : index
        %parallel_loop3A_242 = tpu.vector_load %arg12[%parallel_loop3A_240, %parallel_loop3A_241] {strides = array<i32>} : memref<128x64xf32, #tpu.memory_space<vmem>>, vector<16xf32>,
        %parallel_loop3A_243 = arith.mulf %parallel_loop3A_242, %parallel_loop3A_221 : vector<16xf32>
        %parallel_loop3A_244 = arith.index_cast %parallel_loop3A_225 : i32 to index
        %parallel_loop3A_245 = arith.constant 32 : index
        %parallel_loop3A_246 = tpu.vector_load %arg14[%parallel_loop3A_244, %parallel_loop3A_245] {strides = array<i32>} : memref<128x64xf32, #tpu.memory_space<vmem>>, vector<16xf32>,
        tpu.vector_store %arg14[%parallel_loop3A_244, %parallel_loop3A_245], %parallel_loop3A_243 {strides = array<i32>} : memref<128x64xf32, #tpu.memory_space<vmem>>, vector<16xf32>,
        %parallel_loop3A_247 = arith.index_cast %parallel_loop3A_225 : i32 to index
        %parallel_loop3A_248 = arith.constant 48 : index
        %parallel_loop3A_249 = tpu.vector_load %arg12[%parallel_loop3A_247, %parallel_loop3A_248] {strides = array<i32>} : memref<128x64xf32, #tpu.memory_space<vmem>>, vector<16xf32>,
        %parallel_loop3A_250 = arith.mulf %parallel_loop3A_249, %parallel_loop3A_221 : vector<16xf32>
        %parallel_loop3A_251 = arith.index_cast %parallel_loop3A_225 : i32 to index
        %parallel_loop3A_252 = arith.constant 48 : index
        %parallel_loop3A_253 = tpu.vector_load %arg14[%parallel_loop3A_251, %parallel_loop3A_252] {strides = array<i32>} : memref<128x64xf32, #tpu.memory_space<vmem>>, vector<16xf32>,
        tpu.vector_store %arg14[%parallel_loop3A_251, %parallel_loop3A_252], %parallel_loop3A_250 {strides = array<i32>} : memref<128x64xf32, #tpu.memory_space<vmem>>, vector<16xf32>,
        %parallel_loop3A_254 = arith.constant 2 : i32
        %parallel_loop3A_255 = vector.broadcast %parallel_loop3A_254 : i32 to vector<16xi32>
        %parallel_loop3A_256 = arith.addi %parallel_loop3A_181, %parallel_loop3A_255 : vector<16xi32>
        %parallel_loop3A_257 = tpu.vector_load_idx %arg10[%parallel_loop3A_256] : memref<8448xf32, #tpu.memory_space<vmem>>[vector<16xi32>], vector<16xf32>,
        %parallel_loop3A_258 = arith.constant 16 : i32
        %parallel_loop3A_259 = arith.muli %parallel_loop3A_177, %parallel_loop3A_258 : i32
        %parallel_loop3A_260 = arith.constant 2 : i32
        %parallel_loop3A_261 = arith.addi %parallel_loop3A_259, %parallel_loop3A_260 : i32
        %parallel_loop3A_262 = arith.index_cast %parallel_loop3A_261 : i32 to index
        %parallel_loop3A_263 = arith.constant 0 : index
        %parallel_loop3A_264 = tpu.vector_load %arg12[%parallel_loop3A_262, %parallel_loop3A_263] {strides = array<i32>} : memref<128x64xf32, #tpu.memory_space<vmem>>, vector<16xf32>,
        %parallel_loop3A_265 = arith.mulf %parallel_loop3A_264, %parallel_loop3A_257 : vector<16xf32>
        %parallel_loop3A_266 = arith.index_cast %parallel_loop3A_261 : i32 to index
        %parallel_loop3A_267 = arith.constant 0 : index
        %parallel_loop3A_268 = tpu.vector_load %arg14[%parallel_loop3A_266, %parallel_loop3A_267] {strides = array<i32>} : memref<128x64xf32, #tpu.memory_space<vmem>>, vector<16xf32>,
        tpu.vector_store %arg14[%parallel_loop3A_266, %parallel_loop3A_267], %parallel_loop3A_265 {strides = array<i32>} : memref<128x64xf32, #tpu.memory_space<vmem>>, vector<16xf32>,
        %parallel_loop3A_269 = arith.index_cast %parallel_loop3A_261 : i32 to index
        %parallel_loop3A_270 = arith.constant 16 : index
        %parallel_loop3A_271 = tpu.vector_load %arg12[%parallel_loop3A_269, %parallel_loop3A_270] {strides = array<i32>} : memref<128x64xf32, #tpu.memory_space<vmem>>, vector<16xf32>,
        %parallel_loop3A_272 = arith.mulf %parallel_loop3A_271, %parallel_loop3A_257 : vector<16xf32>
        %parallel_loop3A_273 = arith.index_cast %parallel_loop3A_261 : i32 to index
        %parallel_loop3A_274 = arith.constant 16 : index
        %parallel_loop3A_275 = tpu.vector_load %arg14[%parallel_loop3A_273, %parallel_loop3A_274] {strides = array<i32>} : memref<128x64xf32, #tpu.memory_space<vmem>>, vector<16xf32>,
        tpu.vector_store %arg14[%parallel_loop3A_273, %parallel_loop3A_274], %parallel_loop3A_272 {strides = array<i32>} : memref<128x64xf32, #tpu.memory_space<vmem>>, vector<16xf32>,
        %parallel_loop3A_276 = arith.index_cast %parallel_loop3A_261 : i32 to index
        %parallel_loop3A_277 = arith.constant 32 : index
        %parallel_loop3A_278 = tpu.vector_load %arg12[%parallel_loop3A_276, %parallel_loop3A_277] {strides = array<i32>} : memref<128x64xf32, #tpu.memory_space<vmem>>, vector<16xf32>,
        %parallel_loop3A_279 = arith.mulf %parallel_loop3A_278, %parallel_loop3A_257 : vector<16xf32>
        %parallel_loop3A_280 = arith.index_cast %parallel_loop3A_261 : i32 to index
        %parallel_loop3A_281 = arith.constant 32 : index
        %parallel_loop3A_282 = tpu.vector_load %arg14[%parallel_loop3A_280, %parallel_loop3A_281] {strides = array<i32>} : memref<128x64xf32, #tpu.memory_space<vmem>>, vector<16xf32>,
        tpu.vector_store %arg14[%parallel_loop3A_280, %parallel_loop3A_281], %parallel_loop3A_279 {strides = array<i32>} : memref<128x64xf32, #tpu.memory_space<vmem>>, vector<16xf32>,
        %parallel_loop3A_283 = arith.index_cast %parallel_loop3A_261 : i32 to index
        %parallel_loop3A_284 = arith.constant 48 : index
        %parallel_loop3A_285 = tpu.vector_load %arg12[%parallel_loop3A_283, %parallel_loop3A_284] {strides = array<i32>} : memref<128x64xf32, #tpu.memory_space<vmem>>, vector<16xf32>,
        %parallel_loop3A_286 = arith.mulf %parallel_loop3A_285, %parallel_loop3A_257 : vector<16xf32>
        %parallel_loop3A_287 = arith.index_cast %parallel_loop3A_261 : i32 to index
        %parallel_loop3A_288 = arith.constant 48 : index
        %parallel_loop3A_289 = tpu.vector_load %arg14[%parallel_loop3A_287, %parallel_loop3A_288] {strides = array<i32>} : memref<128x64xf32, #tpu.memory_space<vmem>>, vector<16xf32>,
        tpu.vector_store %arg14[%parallel_loop3A_287, %parallel_loop3A_288], %parallel_loop3A_286 {strides = array<i32>} : memref<128x64xf32, #tpu.memory_space<vmem>>, vector<16xf32>,
        %parallel_loop3A_290 = arith.constant 3 : i32
        %parallel_loop3A_291 = vector.broadcast %parallel_loop3A_290 : i32 to vector<16xi32>
        %parallel_loop3A_292 = arith.addi %parallel_loop3A_181, %parallel_loop3A_291 : vector<16xi32>
        %parallel_loop3A_293 = tpu.vector_load_idx %arg10[%parallel_loop3A_292] : memref<8448xf32, #tpu.memory_space<vmem>>[vector<16xi32>], vector<16xf32>,
        %parallel_loop3A_294 = arith.constant 16 : i32
        %parallel_loop3A_295 = arith.muli %parallel_loop3A_177, %parallel_loop3A_294 : i32
        %parallel_loop3A_296 = arith.constant 3 : i32
        %parallel_loop3A_297 = arith.addi %parallel_loop3A_295, %parallel_loop3A_296 : i32
        %parallel_loop3A_298 = arith.index_cast %parallel_loop3A_297 : i32 to index
        %parallel_loop3A_299 = arith.constant 0 : index
        %parallel_loop3A_300 = tpu.vector_load %arg12[%parallel_loop3A_298, %parallel_loop3A_299] {strides = array<i32>} : memref<128x64xf32, #tpu.memory_space<vmem>>, vector<16xf32>,
        %parallel_loop3A_301 = arith.mulf %parallel_loop3A_300, %parallel_loop3A_293 : vector<16xf32>
        %parallel_loop3A_302 = arith.index_cast %parallel_loop3A_297 : i32 to index
        %parallel_loop3A_303 = arith.constant 0 : index
        %parallel_loop3A_304 = tpu.vector_load %arg14[%parallel_loop3A_302, %parallel_loop3A_303] {strides = array<i32>} : memref<128x64xf32, #tpu.memory_space<vmem>>, vector<16xf32>,
        tpu.vector_store %arg14[%parallel_loop3A_302, %parallel_loop3A_303], %parallel_loop3A_301 {strides = array<i32>} : memref<128x64xf32, #tpu.memory_space<vmem>>, vector<16xf32>,
        %parallel_loop3A_305 = arith.index_cast %parallel_loop3A_297 : i32 to index
        %parallel_loop3A_306 = arith.constant 16 : index
        %parallel_loop3A_307 = tpu.vector_load %arg12[%parallel_loop3A_305, %parallel_loop3A_306] {strides = array<i32>} : memref<128x64xf32, #tpu.memory_space<vmem>>, vector<16xf32>,
        %parallel_loop3A_308 = arith.mulf %parallel_loop3A_307, %parallel_loop3A_293 : vector<16xf32>
        %parallel_loop3A_309 = arith.index_cast %parallel_loop3A_297 : i32 to index
        %parallel_loop3A_310 = arith.constant 16 : index
        %parallel_loop3A_311 = tpu.vector_load %arg14[%parallel_loop3A_309, %parallel_loop3A_310] {strides = array<i32>} : memref<128x64xf32, #tpu.memory_space<vmem>>, vector<16xf32>,
        tpu.vector_store %arg14[%parallel_loop3A_309, %parallel_loop3A_310], %parallel_loop3A_308 {strides = array<i32>} : memref<128x64xf32, #tpu.memory_space<vmem>>, vector<16xf32>,
        %parallel_loop3A_312 = arith.index_cast %parallel_loop3A_297 : i32 to index
        %parallel_loop3A_313 = arith.constant 32 : index
        %parallel_loop3A_314 = tpu.vector_load %arg12[%parallel_loop3A_312, %parallel_loop3A_313] {strides = array<i32>} : memref<128x64xf32, #tpu.memory_space<vmem>>, vector<16xf32>,
        %parallel_loop3A_315 = arith.mulf %parallel_loop3A_314, %parallel_loop3A_293 : vector<16xf32>
        %parallel_loop3A_316 = arith.index_cast %parallel_loop3A_297 : i32 to index
        %parallel_loop3A_317 = arith.constant 32 : index
        %parallel_loop3A_318 = tpu.vector_load %arg14[%parallel_loop3A_316, %parallel_loop3A_317] {strides = array<i32>} : memref<128x64xf32, #tpu.memory_space<vmem>>, vector<16xf32>,
        tpu.vector_store %arg14[%parallel_loop3A_316, %parallel_loop3A_317], %parallel_loop3A_315 {strides = array<i32>} : memref<128x64xf32, #tpu.memory_space<vmem>>, vector<16xf32>,
        %parallel_loop3A_319 = arith.index_cast %parallel_loop3A_297 : i32 to index
        %parallel_loop3A_320 = arith.constant 48 : index
        %parallel_loop3A_321 = tpu.vector_load %arg12[%parallel_loop3A_319, %parallel_loop3A_320] {strides = array<i32>} : memref<128x64xf32, #tpu.memory_space<vmem>>, vector<16xf32>,
        %parallel_loop3A_322 = arith.mulf %parallel_loop3A_321, %parallel_loop3A_293 : vector<16xf32>
        %parallel_loop3A_323 = arith.index_cast %parallel_loop3A_297 : i32 to index
        %parallel_loop3A_324 = arith.constant 48 : index
        %parallel_loop3A_325 = tpu.vector_load %arg14[%parallel_loop3A_323, %parallel_loop3A_324] {strides = array<i32>} : memref<128x64xf32, #tpu.memory_space<vmem>>, vector<16xf32>,
        tpu.vector_store %arg14[%parallel_loop3A_323, %parallel_loop3A_324], %parallel_loop3A_322 {strides = array<i32>} : memref<128x64xf32, #tpu.memory_space<vmem>>, vector<16xf32>,
        %parallel_loop3A_326 = arith.constant 4 : i32
        %parallel_loop3A_327 = vector.broadcast %parallel_loop3A_326 : i32 to vector<16xi32>
        %parallel_loop3A_328 = arith.addi %parallel_loop3A_181, %parallel_loop3A_327 : vector<16xi32>
        %parallel_loop3A_329 = tpu.vector_load_idx %arg10[%parallel_loop3A_328] : memref<8448xf32, #tpu.memory_space<vmem>>[vector<16xi32>], vector<16xf32>,
        %parallel_loop3A_330 = arith.constant 16 : i32
        %parallel_loop3A_331 = arith.muli %parallel_loop3A_177, %parallel_loop3A_330 : i32
        %parallel_loop3A_332 = arith.constant 4 : i32
        %parallel_loop3A_333 = arith.addi %parallel_loop3A_331, %parallel_loop3A_332 : i32
        %parallel_loop3A_334 = arith.index_cast %parallel_loop3A_333 : i32 to index
        %parallel_loop3A_335 = arith.constant 0 : index
        %parallel_loop3A_336 = tpu.vector_load %arg12[%parallel_loop3A_334, %parallel_loop3A_335] {strides = array<i32>} : memref<128x64xf32, #tpu.memory_space<vmem>>, vector<16xf32>,
        %parallel_loop3A_337 = arith.mulf %parallel_loop3A_336, %parallel_loop3A_329 : vector<16xf32>
        %parallel_loop3A_338 = arith.index_cast %parallel_loop3A_333 : i32 to index
        %parallel_loop3A_339 = arith.constant 0 : index
        %parallel_loop3A_340 = tpu.vector_load %arg14[%parallel_loop3A_338, %parallel_loop3A_339] {strides = array<i32>} : memref<128x64xf32, #tpu.memory_space<vmem>>, vector<16xf32>,
        tpu.vector_store %arg14[%parallel_loop3A_338, %parallel_loop3A_339], %parallel_loop3A_337 {strides = array<i32>} : memref<128x64xf32, #tpu.memory_space<vmem>>, vector<16xf32>,
        %parallel_loop3A_341 = arith.index_cast %parallel_loop3A_333 : i32 to index
        %parallel_loop3A_342 = arith.constant 16 : index
        %parallel_loop3A_343 = tpu.vector_load %arg12[%parallel_loop3A_341, %parallel_loop3A_342] {strides = array<i32>} : memref<128x64xf32, #tpu.memory_space<vmem>>, vector<16xf32>,
        %parallel_loop3A_344 = arith.mulf %parallel_loop3A_343, %parallel_loop3A_329 : vector<16xf32>
        %parallel_loop3A_345 = arith.index_cast %parallel_loop3A_333 : i32 to index
        %parallel_loop3A_346 = arith.constant 16 : index
        %parallel_loop3A_347 = tpu.vector_load %arg14[%parallel_loop3A_345, %parallel_loop3A_346] {strides = array<i32>} : memref<128x64xf32, #tpu.memory_space<vmem>>, vector<16xf32>,
        tpu.vector_store %arg14[%parallel_loop3A_345, %parallel_loop3A_346], %parallel_loop3A_344 {strides = array<i32>} : memref<128x64xf32, #tpu.memory_space<vmem>>, vector<16xf32>,
        %parallel_loop3A_348 = arith.index_cast %parallel_loop3A_333 : i32 to index
        %parallel_loop3A_349 = arith.constant 32 : index
        %parallel_loop3A_350 = tpu.vector_load %arg12[%parallel_loop3A_348, %parallel_loop3A_349] {strides = array<i32>} : memref<128x64xf32, #tpu.memory_space<vmem>>, vector<16xf32>,
        %parallel_loop3A_351 = arith.mulf %parallel_loop3A_350, %parallel_loop3A_329 : vector<16xf32>
        %parallel_loop3A_352 = arith.index_cast %parallel_loop3A_333 : i32 to index
        %parallel_loop3A_353 = arith.constant 32 : index
        %parallel_loop3A_354 = tpu.vector_load %arg14[%parallel_loop3A_352, %parallel_loop3A_353] {strides = array<i32>} : memref<128x64xf32, #tpu.memory_space<vmem>>, vector<16xf32>,
        tpu.vector_store %arg14[%parallel_loop3A_352, %parallel_loop3A_353], %parallel_loop3A_351 {strides = array<i32>} : memref<128x64xf32, #tpu.memory_space<vmem>>, vector<16xf32>,
        %parallel_loop3A_355 = arith.index_cast %parallel_loop3A_333 : i32 to index
        %parallel_loop3A_356 = arith.constant 48 : index
        %parallel_loop3A_357 = tpu.vector_load %arg12[%parallel_loop3A_355, %parallel_loop3A_356] {strides = array<i32>} : memref<128x64xf32, #tpu.memory_space<vmem>>, vector<16xf32>,
        %parallel_loop3A_358 = arith.mulf %parallel_loop3A_357, %parallel_loop3A_329 : vector<16xf32>
        %parallel_loop3A_359 = arith.index_cast %parallel_loop3A_333 : i32 to index
        %parallel_loop3A_360 = arith.constant 48 : index
        %parallel_loop3A_361 = tpu.vector_load %arg14[%parallel_loop3A_359, %parallel_loop3A_360] {strides = array<i32>} : memref<128x64xf32, #tpu.memory_space<vmem>>, vector<16xf32>,
        tpu.vector_store %arg14[%parallel_loop3A_359, %parallel_loop3A_360], %parallel_loop3A_358 {strides = array<i32>} : memref<128x64xf32, #tpu.memory_space<vmem>>, vector<16xf32>,
        %parallel_loop3A_362 = arith.constant 5 : i32
        %parallel_loop3A_363 = vector.broadcast %parallel_loop3A_362 : i32 to vector<16xi32>
        %parallel_loop3A_364 = arith.addi %parallel_loop3A_181, %parallel_loop3A_363 : vector<16xi32>
        %parallel_loop3A_365 = tpu.vector_load_idx %arg10[%parallel_loop3A_364] : memref<8448xf32, #tpu.memory_space<vmem>>[vector<16xi32>], vector<16xf32>,
        %parallel_loop3A_366 = arith.constant 16 : i32
        %parallel_loop3A_367 = arith.muli %parallel_loop3A_177, %parallel_loop3A_366 : i32
        %parallel_loop3A_368 = arith.constant 5 : i32
        %parallel_loop3A_369 = arith.addi %parallel_loop3A_367, %parallel_loop3A_368 : i32
        %parallel_loop3A_370 = arith.index_cast %parallel_loop3A_369 : i32 to index
        %parallel_loop3A_371 = arith.constant 0 : index
        %parallel_loop3A_372 = tpu.vector_load %arg12[%parallel_loop3A_370, %parallel_loop3A_371] {strides = array<i32>} : memref<128x64xf32, #tpu.memory_space<vmem>>, vector<16xf32>,
        %parallel_loop3A_373 = arith.mulf %parallel_loop3A_372, %parallel_loop3A_365 : vector<16xf32>
        %parallel_loop3A_374 = arith.index_cast %parallel_loop3A_369 : i32 to index
        %parallel_loop3A_375 = arith.constant 0 : index
        %parallel_loop3A_376 = tpu.vector_load %arg14[%parallel_loop3A_374, %parallel_loop3A_375] {strides = array<i32>} : memref<128x64xf32, #tpu.memory_space<vmem>>, vector<16xf32>,
        tpu.vector_store %arg14[%parallel_loop3A_374, %parallel_loop3A_375], %parallel_loop3A_373 {strides = array<i32>} : memref<128x64xf32, #tpu.memory_space<vmem>>, vector<16xf32>,
        %parallel_loop3A_377 = arith.index_cast %parallel_loop3A_369 : i32 to index
        %parallel_loop3A_378 = arith.constant 16 : index
        %parallel_loop3A_379 = tpu.vector_load %arg12[%parallel_loop3A_377, %parallel_loop3A_378] {strides = array<i32>} : memref<128x64xf32, #tpu.memory_space<vmem>>, vector<16xf32>,
        %parallel_loop3A_380 = arith.mulf %parallel_loop3A_379, %parallel_loop3A_365 : vector<16xf32>
        %parallel_loop3A_381 = arith.index_cast %parallel_loop3A_369 : i32 to index
        %parallel_loop3A_382 = arith.constant 16 : index
        %parallel_loop3A_383 = tpu.vector_load %arg14[%parallel_loop3A_381, %parallel_loop3A_382] {strides = array<i32>} : memref<128x64xf32, #tpu.memory_space<vmem>>, vector<16xf32>,
        tpu.vector_store %arg14[%parallel_loop3A_381, %parallel_loop3A_382], %parallel_loop3A_380 {strides = array<i32>} : memref<128x64xf32, #tpu.memory_space<vmem>>, vector<16xf32>,
        %parallel_loop3A_384 = arith.index_cast %parallel_loop3A_369 : i32 to index
        %parallel_loop3A_385 = arith.constant 32 : index
        %parallel_loop3A_386 = tpu.vector_load %arg12[%parallel_loop3A_384, %parallel_loop3A_385] {strides = array<i32>} : memref<128x64xf32, #tpu.memory_space<vmem>>, vector<16xf32>,
        %parallel_loop3A_387 = arith.mulf %parallel_loop3A_386, %parallel_loop3A_365 : vector<16xf32>
        %parallel_loop3A_388 = arith.index_cast %parallel_loop3A_369 : i32 to index
        %parallel_loop3A_389 = arith.constant 32 : index
        %parallel_loop3A_390 = tpu.vector_load %arg14[%parallel_loop3A_388, %parallel_loop3A_389] {strides = array<i32>} : memref<128x64xf32, #tpu.memory_space<vmem>>, vector<16xf32>,
        tpu.vector_store %arg14[%parallel_loop3A_388, %parallel_loop3A_389], %parallel_loop3A_387 {strides = array<i32>} : memref<128x64xf32, #tpu.memory_space<vmem>>, vector<16xf32>,
        %parallel_loop3A_391 = arith.index_cast %parallel_loop3A_369 : i32 to index
        %parallel_loop3A_392 = arith.constant 48 : index
        %parallel_loop3A_393 = tpu.vector_load %arg12[%parallel_loop3A_391, %parallel_loop3A_392] {strides = array<i32>} : memref<128x64xf32, #tpu.memory_space<vmem>>, vector<16xf32>,
        %parallel_loop3A_394 = arith.mulf %parallel_loop3A_393, %parallel_loop3A_365 : vector<16xf32>
        %parallel_loop3A_395 = arith.index_cast %parallel_loop3A_369 : i32 to index
        %parallel_loop3A_396 = arith.constant 48 : index
        %parallel_loop3A_397 = tpu.vector_load %arg14[%parallel_loop3A_395, %parallel_loop3A_396] {strides = array<i32>} : memref<128x64xf32, #tpu.memory_space<vmem>>, vector<16xf32>,
        tpu.vector_store %arg14[%parallel_loop3A_395, %parallel_loop3A_396], %parallel_loop3A_394 {strides = array<i32>} : memref<128x64xf32, #tpu.memory_space<vmem>>, vector<16xf32>,
        %parallel_loop3A_398 = arith.constant 6 : i32
        %parallel_loop3A_399 = vector.broadcast %parallel_loop3A_398 : i32 to vector<16xi32>
        %parallel_loop3A_400 = arith.addi %parallel_loop3A_181, %parallel_loop3A_399 : vector<16xi32>
        %parallel_loop3A_401 = tpu.vector_load_idx %arg10[%parallel_loop3A_400] : memref<8448xf32, #tpu.memory_space<vmem>>[vector<16xi32>], vector<16xf32>,
        %parallel_loop3A_402 = arith.constant 16 : i32
        %parallel_loop3A_403 = arith.muli %parallel_loop3A_177, %parallel_loop3A_402 : i32
        %parallel_loop3A_404 = arith.constant 6 : i32
        %parallel_loop3A_405 = arith.addi %parallel_loop3A_403, %parallel_loop3A_404 : i32
        %parallel_loop3A_406 = arith.index_cast %parallel_loop3A_405 : i32 to index
        %parallel_loop3A_407 = arith.constant 0 : index
        %parallel_loop3A_408 = tpu.vector_load %arg12[%parallel_loop3A_406, %parallel_loop3A_407] {strides = array<i32>} : memref<128x64xf32, #tpu.memory_space<vmem>>, vector<16xf32>,
        %parallel_loop3A_409 = arith.mulf %parallel_loop3A_408, %parallel_loop3A_401 : vector<16xf32>
        %parallel_loop3A_410 = arith.index_cast %parallel_loop3A_405 : i32 to index
        %parallel_loop3A_411 = arith.constant 0 : index
        %parallel_loop3A_412 = tpu.vector_load %arg14[%parallel_loop3A_410, %parallel_loop3A_411] {strides = array<i32>} : memref<128x64xf32, #tpu.memory_space<vmem>>, vector<16xf32>,
        tpu.vector_store %arg14[%parallel_loop3A_410, %parallel_loop3A_411], %parallel_loop3A_409 {strides = array<i32>} : memref<128x64xf32, #tpu.memory_space<vmem>>, vector<16xf32>,
        %parallel_loop3A_413 = arith.index_cast %parallel_loop3A_405 : i32 to index
        %parallel_loop3A_414 = arith.constant 16 : index
        %parallel_loop3A_415 = tpu.vector_load %arg12[%parallel_loop3A_413, %parallel_loop3A_414] {strides = array<i32>} : memref<128x64xf32, #tpu.memory_space<vmem>>, vector<16xf32>,
        %parallel_loop3A_416 = arith.mulf %parallel_loop3A_415, %parallel_loop3A_401 : vector<16xf32>
        %parallel_loop3A_417 = arith.index_cast %parallel_loop3A_405 : i32 to index
        %parallel_loop3A_418 = arith.constant 16 : index
        %parallel_loop3A_419 = tpu.vector_load %arg14[%parallel_loop3A_417, %parallel_loop3A_418] {strides = array<i32>} : memref<128x64xf32, #tpu.memory_space<vmem>>, vector<16xf32>,
        tpu.vector_store %arg14[%parallel_loop3A_417, %parallel_loop3A_418], %parallel_loop3A_416 {strides = array<i32>} : memref<128x64xf32, #tpu.memory_space<vmem>>, vector<16xf32>,
        %parallel_loop3A_420 = arith.index_cast %parallel_loop3A_405 : i32 to index
        %parallel_loop3A_421 = arith.constant 32 : index
        %parallel_loop3A_422 = tpu.vector_load %arg12[%parallel_loop3A_420, %parallel_loop3A_421] {strides = array<i32>} : memref<128x64xf32, #tpu.memory_space<vmem>>, vector<16xf32>,
        %parallel_loop3A_423 = arith.mulf %parallel_loop3A_422, %parallel_loop3A_401 : vector<16xf32>
        %parallel_loop3A_424 = arith.index_cast %parallel_loop3A_405 : i32 to index
        %parallel_loop3A_425 = arith.constant 32 : index
        %parallel_loop3A_426 = tpu.vector_load %arg14[%parallel_loop3A_424, %parallel_loop3A_425] {strides = array<i32>} : memref<128x64xf32, #tpu.memory_space<vmem>>, vector<16xf32>,
        tpu.vector_store %arg14[%parallel_loop3A_424, %parallel_loop3A_425], %parallel_loop3A_423 {strides = array<i32>} : memref<128x64xf32, #tpu.memory_space<vmem>>, vector<16xf32>,
        %parallel_loop3A_427 = arith.index_cast %parallel_loop3A_405 : i32 to index
        %parallel_loop3A_428 = arith.constant 48 : index
        %parallel_loop3A_429 = tpu.vector_load %arg12[%parallel_loop3A_427, %parallel_loop3A_428] {strides = array<i32>} : memref<128x64xf32, #tpu.memory_space<vmem>>, vector<16xf32>,
        %parallel_loop3A_430 = arith.mulf %parallel_loop3A_429, %parallel_loop3A_401 : vector<16xf32>
        %parallel_loop3A_431 = arith.index_cast %parallel_loop3A_405 : i32 to index
        %parallel_loop3A_432 = arith.constant 48 : index
        %parallel_loop3A_433 = tpu.vector_load %arg14[%parallel_loop3A_431, %parallel_loop3A_432] {strides = array<i32>} : memref<128x64xf32, #tpu.memory_space<vmem>>, vector<16xf32>,
        tpu.vector_store %arg14[%parallel_loop3A_431, %parallel_loop3A_432], %parallel_loop3A_430 {strides = array<i32>} : memref<128x64xf32, #tpu.memory_space<vmem>>, vector<16xf32>,
        %parallel_loop3A_434 = arith.constant 7 : i32
        %parallel_loop3A_435 = vector.broadcast %parallel_loop3A_434 : i32 to vector<16xi32>
        %parallel_loop3A_436 = arith.addi %parallel_loop3A_181, %parallel_loop3A_435 : vector<16xi32>
        %parallel_loop3A_437 = tpu.vector_load_idx %arg10[%parallel_loop3A_436] : memref<8448xf32, #tpu.memory_space<vmem>>[vector<16xi32>], vector<16xf32>,
        %parallel_loop3A_438 = arith.constant 16 : i32
        %parallel_loop3A_439 = arith.muli %parallel_loop3A_177, %parallel_loop3A_438 : i32
        %parallel_loop3A_440 = arith.constant 7 : i32
        %parallel_loop3A_441 = arith.addi %parallel_loop3A_439, %parallel_loop3A_440 : i32
        %parallel_loop3A_442 = arith.index_cast %parallel_loop3A_441 : i32 to index
        %parallel_loop3A_443 = arith.constant 0 : index
        %parallel_loop3A_444 = tpu.vector_load %arg12[%parallel_loop3A_442, %parallel_loop3A_443] {strides = array<i32>} : memref<128x64xf32, #tpu.memory_space<vmem>>, vector<16xf32>,
        %parallel_loop3A_445 = arith.mulf %parallel_loop3A_444, %parallel_loop3A_437 : vector<16xf32>
        %parallel_loop3A_446 = arith.index_cast %parallel_loop3A_441 : i32 to index
        %parallel_loop3A_447 = arith.constant 0 : index
        %parallel_loop3A_448 = tpu.vector_load %arg14[%parallel_loop3A_446, %parallel_loop3A_447] {strides = array<i32>} : memref<128x64xf32, #tpu.memory_space<vmem>>, vector<16xf32>,
        tpu.vector_store %arg14[%parallel_loop3A_446, %parallel_loop3A_447], %parallel_loop3A_445 {strides = array<i32>} : memref<128x64xf32, #tpu.memory_space<vmem>>, vector<16xf32>,
        %parallel_loop3A_449 = arith.index_cast %parallel_loop3A_441 : i32 to index
        %parallel_loop3A_450 = arith.constant 16 : index
        %parallel_loop3A_451 = tpu.vector_load %arg12[%parallel_loop3A_449, %parallel_loop3A_450] {strides = array<i32>} : memref<128x64xf32, #tpu.memory_space<vmem>>, vector<16xf32>,
        %parallel_loop3A_452 = arith.mulf %parallel_loop3A_451, %parallel_loop3A_437 : vector<16xf32>
        %parallel_loop3A_453 = arith.index_cast %parallel_loop3A_441 : i32 to index
        %parallel_loop3A_454 = arith.constant 16 : index
        %parallel_loop3A_455 = tpu.vector_load %arg14[%parallel_loop3A_453, %parallel_loop3A_454] {strides = array<i32>} : memref<128x64xf32, #tpu.memory_space<vmem>>, vector<16xf32>,
        tpu.vector_store %arg14[%parallel_loop3A_453, %parallel_loop3A_454], %parallel_loop3A_452 {strides = array<i32>} : memref<128x64xf32, #tpu.memory_space<vmem>>, vector<16xf32>,
        %parallel_loop3A_456 = arith.index_cast %parallel_loop3A_441 : i32 to index
        %parallel_loop3A_457 = arith.constant 32 : index
        %parallel_loop3A_458 = tpu.vector_load %arg12[%parallel_loop3A_456, %parallel_loop3A_457] {strides = array<i32>} : memref<128x64xf32, #tpu.memory_space<vmem>>, vector<16xf32>,
        %parallel_loop3A_459 = arith.mulf %parallel_loop3A_458, %parallel_loop3A_437 : vector<16xf32>
        %parallel_loop3A_460 = arith.index_cast %parallel_loop3A_441 : i32 to index
        %parallel_loop3A_461 = arith.constant 32 : index
        %parallel_loop3A_462 = tpu.vector_load %arg14[%parallel_loop3A_460, %parallel_loop3A_461] {strides = array<i32>} : memref<128x64xf32, #tpu.memory_space<vmem>>, vector<16xf32>,
        tpu.vector_store %arg14[%parallel_loop3A_460, %parallel_loop3A_461], %parallel_loop3A_459 {strides = array<i32>} : memref<128x64xf32, #tpu.memory_space<vmem>>, vector<16xf32>,
        %parallel_loop3A_463 = arith.index_cast %parallel_loop3A_441 : i32 to index
        %parallel_loop3A_464 = arith.constant 48 : index
        %parallel_loop3A_465 = tpu.vector_load %arg12[%parallel_loop3A_463, %parallel_loop3A_464] {strides = array<i32>} : memref<128x64xf32, #tpu.memory_space<vmem>>, vector<16xf32>,
        %parallel_loop3A_466 = arith.mulf %parallel_loop3A_465, %parallel_loop3A_437 : vector<16xf32>
        %parallel_loop3A_467 = arith.index_cast %parallel_loop3A_441 : i32 to index
        %parallel_loop3A_468 = arith.constant 48 : index
        %parallel_loop3A_469 = tpu.vector_load %arg14[%parallel_loop3A_467, %parallel_loop3A_468] {strides = array<i32>} : memref<128x64xf32, #tpu.memory_space<vmem>>, vector<16xf32>,
        tpu.vector_store %arg14[%parallel_loop3A_467, %parallel_loop3A_468], %parallel_loop3A_466 {strides = array<i32>} : memref<128x64xf32, #tpu.memory_space<vmem>>, vector<16xf32>,
        %parallel_loop3A_470 = arith.constant 8 : i32
        %parallel_loop3A_471 = vector.broadcast %parallel_loop3A_470 : i32 to vector<16xi32>
        %parallel_loop3A_472 = arith.addi %parallel_loop3A_181, %parallel_loop3A_471 : vector<16xi32>
        %parallel_loop3A_473 = tpu.vector_load_idx %arg10[%parallel_loop3A_472] : memref<8448xf32, #tpu.memory_space<vmem>>[vector<16xi32>], vector<16xf32>,
        %parallel_loop3A_474 = arith.constant 16 : i32
        %parallel_loop3A_475 = arith.muli %parallel_loop3A_177, %parallel_loop3A_474 : i32
        %parallel_loop3A_476 = arith.constant 8 : i32
        %parallel_loop3A_477 = arith.addi %parallel_loop3A_475, %parallel_loop3A_476 : i32
        %parallel_loop3A_478 = arith.index_cast %parallel_loop3A_477 : i32 to index
        %parallel_loop3A_479 = arith.constant 0 : index
        %parallel_loop3A_480 = tpu.vector_load %arg12[%parallel_loop3A_478, %parallel_loop3A_479] {strides = array<i32>} : memref<128x64xf32, #tpu.memory_space<vmem>>, vector<16xf32>,
        %parallel_loop3A_481 = arith.mulf %parallel_loop3A_480, %parallel_loop3A_473 : vector<16xf32>
        %parallel_loop3A_482 = arith.index_cast %parallel_loop3A_477 : i32 to index
        %parallel_loop3A_483 = arith.constant 0 : index
        %parallel_loop3A_484 = tpu.vector_load %arg14[%parallel_loop3A_482, %parallel_loop3A_483] {strides = array<i32>} : memref<128x64xf32, #tpu.memory_space<vmem>>, vector<16xf32>,
        tpu.vector_store %arg14[%parallel_loop3A_482, %parallel_loop3A_483], %parallel_loop3A_481 {strides = array<i32>} : memref<128x64xf32, #tpu.memory_space<vmem>>, vector<16xf32>,
        %parallel_loop3A_485 = arith.index_cast %parallel_loop3A_477 : i32 to index
        %parallel_loop3A_486 = arith.constant 16 : index
        %parallel_loop3A_487 = tpu.vector_load %arg12[%parallel_loop3A_485, %parallel_loop3A_486] {strides = array<i32>} : memref<128x64xf32, #tpu.memory_space<vmem>>, vector<16xf32>,
        %parallel_loop3A_488 = arith.mulf %parallel_loop3A_487, %parallel_loop3A_473 : vector<16xf32>
        %parallel_loop3A_489 = arith.index_cast %parallel_loop3A_477 : i32 to index
        %parallel_loop3A_490 = arith.constant 16 : index
        %parallel_loop3A_491 = tpu.vector_load %arg14[%parallel_loop3A_489, %parallel_loop3A_490] {strides = array<i32>} : memref<128x64xf32, #tpu.memory_space<vmem>>, vector<16xf32>,
        tpu.vector_store %arg14[%parallel_loop3A_489, %parallel_loop3A_490], %parallel_loop3A_488 {strides = array<i32>} : memref<128x64xf32, #tpu.memory_space<vmem>>, vector<16xf32>,
        %parallel_loop3A_492 = arith.index_cast %parallel_loop3A_477 : i32 to index
        %parallel_loop3A_493 = arith.constant 32 : index
        %parallel_loop3A_494 = tpu.vector_load %arg12[%parallel_loop3A_492, %parallel_loop3A_493] {strides = array<i32>} : memref<128x64xf32, #tpu.memory_space<vmem>>, vector<16xf32>,
        %parallel_loop3A_495 = arith.mulf %parallel_loop3A_494, %parallel_loop3A_473 : vector<16xf32>
        %parallel_loop3A_496 = arith.index_cast %parallel_loop3A_477 : i32 to index
        %parallel_loop3A_497 = arith.constant 32 : index
        %parallel_loop3A_498 = tpu.vector_load %arg14[%parallel_loop3A_496, %parallel_loop3A_497] {strides = array<i32>} : memref<128x64xf32, #tpu.memory_space<vmem>>, vector<16xf32>,
        tpu.vector_store %arg14[%parallel_loop3A_496, %parallel_loop3A_497], %parallel_loop3A_495 {strides = array<i32>} : memref<128x64xf32, #tpu.memory_space<vmem>>, vector<16xf32>,
        %parallel_loop3A_499 = arith.index_cast %parallel_loop3A_477 : i32 to index
        %parallel_loop3A_500 = arith.constant 48 : index
        %parallel_loop3A_501 = tpu.vector_load %arg12[%parallel_loop3A_499, %parallel_loop3A_500] {strides = array<i32>} : memref<128x64xf32, #tpu.memory_space<vmem>>, vector<16xf32>,
        %parallel_loop3A_502 = arith.mulf %parallel_loop3A_501, %parallel_loop3A_473 : vector<16xf32>
        %parallel_loop3A_503 = arith.index_cast %parallel_loop3A_477 : i32 to index
        %parallel_loop3A_504 = arith.constant 48 : index
        %parallel_loop3A_505 = tpu.vector_load %arg14[%parallel_loop3A_503, %parallel_loop3A_504] {strides = array<i32>} : memref<128x64xf32, #tpu.memory_space<vmem>>, vector<16xf32>,
        tpu.vector_store %arg14[%parallel_loop3A_503, %parallel_loop3A_504], %parallel_loop3A_502 {strides = array<i32>} : memref<128x64xf32, #tpu.memory_space<vmem>>, vector<16xf32>,
        %parallel_loop3A_506 = arith.constant 9 : i32
        %parallel_loop3A_507 = vector.broadcast %parallel_loop3A_506 : i32 to vector<16xi32>
        %parallel_loop3A_508 = arith.addi %parallel_loop3A_181, %parallel_loop3A_507 : vector<16xi32>
        %parallel_loop3A_509 = tpu.vector_load_idx %arg10[%parallel_loop3A_508] : memref<8448xf32, #tpu.memory_space<vmem>>[vector<16xi32>], vector<16xf32>,
        %parallel_loop3A_510 = arith.constant 16 : i32
        %parallel_loop3A_511 = arith.muli %parallel_loop3A_177, %parallel_loop3A_510 : i32
        %parallel_loop3A_512 = arith.constant 9 : i32
        %parallel_loop3A_513 = arith.addi %parallel_loop3A_511, %parallel_loop3A_512 : i32
        %parallel_loop3A_514 = arith.index_cast %parallel_loop3A_513 : i32 to index
        %parallel_loop3A_515 = arith.constant 0 : index
        %parallel_loop3A_516 = tpu.vector_load %arg12[%parallel_loop3A_514, %parallel_loop3A_515] {strides = array<i32>} : memref<128x64xf32, #tpu.memory_space<vmem>>, vector<16xf32>,
        %parallel_loop3A_517 = arith.mulf %parallel_loop3A_516, %parallel_loop3A_509 : vector<16xf32>
        %parallel_loop3A_518 = arith.index_cast %parallel_loop3A_513 : i32 to index
        %parallel_loop3A_519 = arith.constant 0 : index
        %parallel_loop3A_520 = tpu.vector_load %arg14[%parallel_loop3A_518, %parallel_loop3A_519] {strides = array<i32>} : memref<128x64xf32, #tpu.memory_space<vmem>>, vector<16xf32>,
        tpu.vector_store %arg14[%parallel_loop3A_518, %parallel_loop3A_519], %parallel_loop3A_517 {strides = array<i32>} : memref<128x64xf32, #tpu.memory_space<vmem>>, vector<16xf32>,
        %parallel_loop3A_521 = arith.index_cast %parallel_loop3A_513 : i32 to index
        %parallel_loop3A_522 = arith.constant 16 : index
        %parallel_loop3A_523 = tpu.vector_load %arg12[%parallel_loop3A_521, %parallel_loop3A_522] {strides = array<i32>} : memref<128x64xf32, #tpu.memory_space<vmem>>, vector<16xf32>,
        %parallel_loop3A_524 = arith.mulf %parallel_loop3A_523, %parallel_loop3A_509 : vector<16xf32>
        %parallel_loop3A_525 = arith.index_cast %parallel_loop3A_513 : i32 to index
        %parallel_loop3A_526 = arith.constant 16 : index
        %parallel_loop3A_527 = tpu.vector_load %arg14[%parallel_loop3A_525, %parallel_loop3A_526] {strides = array<i32>} : memref<128x64xf32, #tpu.memory_space<vmem>>, vector<16xf32>,
        tpu.vector_store %arg14[%parallel_loop3A_525, %parallel_loop3A_526], %parallel_loop3A_524 {strides = array<i32>} : memref<128x64xf32, #tpu.memory_space<vmem>>, vector<16xf32>,
        %parallel_loop3A_528 = arith.index_cast %parallel_loop3A_513 : i32 to index
        %parallel_loop3A_529 = arith.constant 32 : index
        %parallel_loop3A_530 = tpu.vector_load %arg12[%parallel_loop3A_528, %parallel_loop3A_529] {strides = array<i32>} : memref<128x64xf32, #tpu.memory_space<vmem>>, vector<16xf32>,
        %parallel_loop3A_531 = arith.mulf %parallel_loop3A_530, %parallel_loop3A_509 : vector<16xf32>
        %parallel_loop3A_532 = arith.index_cast %parallel_loop3A_513 : i32 to index
        %parallel_loop3A_533 = arith.constant 32 : index
        %parallel_loop3A_534 = tpu.vector_load %arg14[%parallel_loop3A_532, %parallel_loop3A_533] {strides = array<i32>} : memref<128x64xf32, #tpu.memory_space<vmem>>, vector<16xf32>,
        tpu.vector_store %arg14[%parallel_loop3A_532, %parallel_loop3A_533], %parallel_loop3A_531 {strides = array<i32>} : memref<128x64xf32, #tpu.memory_space<vmem>>, vector<16xf32>,
        %parallel_loop3A_535 = arith.index_cast %parallel_loop3A_513 : i32 to index
        %parallel_loop3A_536 = arith.constant 48 : index
        %parallel_loop3A_537 = tpu.vector_load %arg12[%parallel_loop3A_535, %parallel_loop3A_536] {strides = array<i32>} : memref<128x64xf32, #tpu.memory_space<vmem>>, vector<16xf32>,
        %parallel_loop3A_538 = arith.mulf %parallel_loop3A_537, %parallel_loop3A_509 : vector<16xf32>
        %parallel_loop3A_539 = arith.index_cast %parallel_loop3A_513 : i32 to index
        %parallel_loop3A_540 = arith.constant 48 : index
        %parallel_loop3A_541 = tpu.vector_load %arg14[%parallel_loop3A_539, %parallel_loop3A_540] {strides = array<i32>} : memref<128x64xf32, #tpu.memory_space<vmem>>, vector<16xf32>,
        tpu.vector_store %arg14[%parallel_loop3A_539, %parallel_loop3A_540], %parallel_loop3A_538 {strides = array<i32>} : memref<128x64xf32, #tpu.memory_space<vmem>>, vector<16xf32>,
        %parallel_loop3A_542 = arith.constant 10 : i32
        %parallel_loop3A_543 = vector.broadcast %parallel_loop3A_542 : i32 to vector<16xi32>
        %parallel_loop3A_544 = arith.addi %parallel_loop3A_181, %parallel_loop3A_543 : vector<16xi32>
        %parallel_loop3A_545 = tpu.vector_load_idx %arg10[%parallel_loop3A_544] : memref<8448xf32, #tpu.memory_space<vmem>>[vector<16xi32>], vector<16xf32>,
        %parallel_loop3A_546 = arith.constant 16 : i32
        %parallel_loop3A_547 = arith.muli %parallel_loop3A_177, %parallel_loop3A_546 : i32
        %parallel_loop3A_548 = arith.constant 10 : i32
        %parallel_loop3A_549 = arith.addi %parallel_loop3A_547, %parallel_loop3A_548 : i32
        %parallel_loop3A_550 = arith.index_cast %parallel_loop3A_549 : i32 to index
        %parallel_loop3A_551 = arith.constant 0 : index
        %parallel_loop3A_552 = tpu.vector_load %arg12[%parallel_loop3A_550, %parallel_loop3A_551] {strides = array<i32>} : memref<128x64xf32, #tpu.memory_space<vmem>>, vector<16xf32>,
        %parallel_loop3A_553 = arith.mulf %parallel_loop3A_552, %parallel_loop3A_545 : vector<16xf32>
        %parallel_loop3A_554 = arith.index_cast %parallel_loop3A_549 : i32 to index
        %parallel_loop3A_555 = arith.constant 0 : index
        %parallel_loop3A_556 = tpu.vector_load %arg14[%parallel_loop3A_554, %parallel_loop3A_555] {strides = array<i32>} : memref<128x64xf32, #tpu.memory_space<vmem>>, vector<16xf32>,
        tpu.vector_store %arg14[%parallel_loop3A_554, %parallel_loop3A_555], %parallel_loop3A_553 {strides = array<i32>} : memref<128x64xf32, #tpu.memory_space<vmem>>, vector<16xf32>,
        %parallel_loop3A_557 = arith.index_cast %parallel_loop3A_549 : i32 to index
        %parallel_loop3A_558 = arith.constant 16 : index
        %parallel_loop3A_559 = tpu.vector_load %arg12[%parallel_loop3A_557, %parallel_loop3A_558] {strides = array<i32>} : memref<128x64xf32, #tpu.memory_space<vmem>>, vector<16xf32>,
        %parallel_loop3A_560 = arith.mulf %parallel_loop3A_559, %parallel_loop3A_545 : vector<16xf32>
        %parallel_loop3A_561 = arith.index_cast %parallel_loop3A_549 : i32 to index
        %parallel_loop3A_562 = arith.constant 16 : index
        %parallel_loop3A_563 = tpu.vector_load %arg14[%parallel_loop3A_561, %parallel_loop3A_562] {strides = array<i32>} : memref<128x64xf32, #tpu.memory_space<vmem>>, vector<16xf32>,
        tpu.vector_store %arg14[%parallel_loop3A_561, %parallel_loop3A_562], %parallel_loop3A_560 {strides = array<i32>} : memref<128x64xf32, #tpu.memory_space<vmem>>, vector<16xf32>,
        %parallel_loop3A_564 = arith.index_cast %parallel_loop3A_549 : i32 to index
        %parallel_loop3A_565 = arith.constant 32 : index
        %parallel_loop3A_566 = tpu.vector_load %arg12[%parallel_loop3A_564, %parallel_loop3A_565] {strides = array<i32>} : memref<128x64xf32, #tpu.memory_space<vmem>>, vector<16xf32>,
        %parallel_loop3A_567 = arith.mulf %parallel_loop3A_566, %parallel_loop3A_545 : vector<16xf32>
        %parallel_loop3A_568 = arith.index_cast %parallel_loop3A_549 : i32 to index
        %parallel_loop3A_569 = arith.constant 32 : index
        %parallel_loop3A_570 = tpu.vector_load %arg14[%parallel_loop3A_568, %parallel_loop3A_569] {strides = array<i32>} : memref<128x64xf32, #tpu.memory_space<vmem>>, vector<16xf32>,
        tpu.vector_store %arg14[%parallel_loop3A_568, %parallel_loop3A_569], %parallel_loop3A_567 {strides = array<i32>} : memref<128x64xf32, #tpu.memory_space<vmem>>, vector<16xf32>,
        %parallel_loop3A_571 = arith.index_cast %parallel_loop3A_549 : i32 to index
        %parallel_loop3A_572 = arith.constant 48 : index
        %parallel_loop3A_573 = tpu.vector_load %arg12[%parallel_loop3A_571, %parallel_loop3A_572] {strides = array<i32>} : memref<128x64xf32, #tpu.memory_space<vmem>>, vector<16xf32>,
        %parallel_loop3A_574 = arith.mulf %parallel_loop3A_573, %parallel_loop3A_545 : vector<16xf32>
        %parallel_loop3A_575 = arith.index_cast %parallel_loop3A_549 : i32 to index
        %parallel_loop3A_576 = arith.constant 48 : index
        %parallel_loop3A_577 = tpu.vector_load %arg14[%parallel_loop3A_575, %parallel_loop3A_576] {strides = array<i32>} : memref<128x64xf32, #tpu.memory_space<vmem>>, vector<16xf32>,
        tpu.vector_store %arg14[%parallel_loop3A_575, %parallel_loop3A_576], %parallel_loop3A_574 {strides = array<i32>} : memref<128x64xf32, #tpu.memory_space<vmem>>, vector<16xf32>,
        %parallel_loop3A_578 = arith.constant 11 : i32
        %parallel_loop3A_579 = vector.broadcast %parallel_loop3A_578 : i32 to vector<16xi32>
        %parallel_loop3A_580 = arith.addi %parallel_loop3A_181, %parallel_loop3A_579 : vector<16xi32>
        %parallel_loop3A_581 = tpu.vector_load_idx %arg10[%parallel_loop3A_580] : memref<8448xf32, #tpu.memory_space<vmem>>[vector<16xi32>], vector<16xf32>,
        %parallel_loop3A_582 = arith.constant 16 : i32
        %parallel_loop3A_583 = arith.muli %parallel_loop3A_177, %parallel_loop3A_582 : i32
        %parallel_loop3A_584 = arith.constant 11 : i32
        %parallel_loop3A_585 = arith.addi %parallel_loop3A_583, %parallel_loop3A_584 : i32
        %parallel_loop3A_586 = arith.index_cast %parallel_loop3A_585 : i32 to index
        %parallel_loop3A_587 = arith.constant 0 : index
        %parallel_loop3A_588 = tpu.vector_load %arg12[%parallel_loop3A_586, %parallel_loop3A_587] {strides = array<i32>} : memref<128x64xf32, #tpu.memory_space<vmem>>, vector<16xf32>,
        %parallel_loop3A_589 = arith.mulf %parallel_loop3A_588, %parallel_loop3A_581 : vector<16xf32>
        %parallel_loop3A_590 = arith.index_cast %parallel_loop3A_585 : i32 to index
        %parallel_loop3A_591 = arith.constant 0 : index
        %parallel_loop3A_592 = tpu.vector_load %arg14[%parallel_loop3A_590, %parallel_loop3A_591] {strides = array<i32>} : memref<128x64xf32, #tpu.memory_space<vmem>>, vector<16xf32>,
        tpu.vector_store %arg14[%parallel_loop3A_590, %parallel_loop3A_591], %parallel_loop3A_589 {strides = array<i32>} : memref<128x64xf32, #tpu.memory_space<vmem>>, vector<16xf32>,
        %parallel_loop3A_593 = arith.index_cast %parallel_loop3A_585 : i32 to index
        %parallel_loop3A_594 = arith.constant 16 : index
        %parallel_loop3A_595 = tpu.vector_load %arg12[%parallel_loop3A_593, %parallel_loop3A_594] {strides = array<i32>} : memref<128x64xf32, #tpu.memory_space<vmem>>, vector<16xf32>,
        %parallel_loop3A_596 = arith.mulf %parallel_loop3A_595, %parallel_loop3A_581 : vector<16xf32>
        %parallel_loop3A_597 = arith.index_cast %parallel_loop3A_585 : i32 to index
        %parallel_loop3A_598 = arith.constant 16 : index
        %parallel_loop3A_599 = tpu.vector_load %arg14[%parallel_loop3A_597, %parallel_loop3A_598] {strides = array<i32>} : memref<128x64xf32, #tpu.memory_space<vmem>>, vector<16xf32>,
        tpu.vector_store %arg14[%parallel_loop3A_597, %parallel_loop3A_598], %parallel_loop3A_596 {strides = array<i32>} : memref<128x64xf32, #tpu.memory_space<vmem>>, vector<16xf32>,
        %parallel_loop3A_600 = arith.index_cast %parallel_loop3A_585 : i32 to index
        %parallel_loop3A_601 = arith.constant 32 : index
        %parallel_loop3A_602 = tpu.vector_load %arg12[%parallel_loop3A_600, %parallel_loop3A_601] {strides = array<i32>} : memref<128x64xf32, #tpu.memory_space<vmem>>, vector<16xf32>,
        %parallel_loop3A_603 = arith.mulf %parallel_loop3A_602, %parallel_loop3A_581 : vector<16xf32>
        %parallel_loop3A_604 = arith.index_cast %parallel_loop3A_585 : i32 to index
        %parallel_loop3A_605 = arith.constant 32 : index
        %parallel_loop3A_606 = tpu.vector_load %arg14[%parallel_loop3A_604, %parallel_loop3A_605] {strides = array<i32>} : memref<128x64xf32, #tpu.memory_space<vmem>>, vector<16xf32>,
        tpu.vector_store %arg14[%parallel_loop3A_604, %parallel_loop3A_605], %parallel_loop3A_603 {strides = array<i32>} : memref<128x64xf32, #tpu.memory_space<vmem>>, vector<16xf32>,
        %parallel_loop3A_607 = arith.index_cast %parallel_loop3A_585 : i32 to index
        %parallel_loop3A_608 = arith.constant 48 : index
        %parallel_loop3A_609 = tpu.vector_load %arg12[%parallel_loop3A_607, %parallel_loop3A_608] {strides = array<i32>} : memref<128x64xf32, #tpu.memory_space<vmem>>, vector<16xf32>,
        %parallel_loop3A_610 = arith.mulf %parallel_loop3A_609, %parallel_loop3A_581 : vector<16xf32>
        %parallel_loop3A_611 = arith.index_cast %parallel_loop3A_585 : i32 to index
        %parallel_loop3A_612 = arith.constant 48 : index
        %parallel_loop3A_613 = tpu.vector_load %arg14[%parallel_loop3A_611, %parallel_loop3A_612] {strides = array<i32>} : memref<128x64xf32, #tpu.memory_space<vmem>>, vector<16xf32>,
        tpu.vector_store %arg14[%parallel_loop3A_611, %parallel_loop3A_612], %parallel_loop3A_610 {strides = array<i32>} : memref<128x64xf32, #tpu.memory_space<vmem>>, vector<16xf32>,
        %parallel_loop3A_614 = arith.constant 12 : i32
        %parallel_loop3A_615 = vector.broadcast %parallel_loop3A_614 : i32 to vector<16xi32>
        %parallel_loop3A_616 = arith.addi %parallel_loop3A_181, %parallel_loop3A_615 : vector<16xi32>
        %parallel_loop3A_617 = tpu.vector_load_idx %arg10[%parallel_loop3A_616] : memref<8448xf32, #tpu.memory_space<vmem>>[vector<16xi32>], vector<16xf32>,
        %parallel_loop3A_618 = arith.constant 16 : i32
        %parallel_loop3A_619 = arith.muli %parallel_loop3A_177, %parallel_loop3A_618 : i32
        %parallel_loop3A_620 = arith.constant 12 : i32
        %parallel_loop3A_621 = arith.addi %parallel_loop3A_619, %parallel_loop3A_620 : i32
        %parallel_loop3A_622 = arith.index_cast %parallel_loop3A_621 : i32 to index
        %parallel_loop3A_623 = arith.constant 0 : index
        %parallel_loop3A_624 = tpu.vector_load %arg12[%parallel_loop3A_622, %parallel_loop3A_623] {strides = array<i32>} : memref<128x64xf32, #tpu.memory_space<vmem>>, vector<16xf32>,
        %parallel_loop3A_625 = arith.mulf %parallel_loop3A_624, %parallel_loop3A_617 : vector<16xf32>
        %parallel_loop3A_626 = arith.index_cast %parallel_loop3A_621 : i32 to index
        %parallel_loop3A_627 = arith.constant 0 : index
        %parallel_loop3A_628 = tpu.vector_load %arg14[%parallel_loop3A_626, %parallel_loop3A_627] {strides = array<i32>} : memref<128x64xf32, #tpu.memory_space<vmem>>, vector<16xf32>,
        tpu.vector_store %arg14[%parallel_loop3A_626, %parallel_loop3A_627], %parallel_loop3A_625 {strides = array<i32>} : memref<128x64xf32, #tpu.memory_space<vmem>>, vector<16xf32>,
        %parallel_loop3A_629 = arith.index_cast %parallel_loop3A_621 : i32 to index
        %parallel_loop3A_630 = arith.constant 16 : index
        %parallel_loop3A_631 = tpu.vector_load %arg12[%parallel_loop3A_629, %parallel_loop3A_630] {strides = array<i32>} : memref<128x64xf32, #tpu.memory_space<vmem>>, vector<16xf32>,
        %parallel_loop3A_632 = arith.mulf %parallel_loop3A_631, %parallel_loop3A_617 : vector<16xf32>
        %parallel_loop3A_633 = arith.index_cast %parallel_loop3A_621 : i32 to index
        %parallel_loop3A_634 = arith.constant 16 : index
        %parallel_loop3A_635 = tpu.vector_load %arg14[%parallel_loop3A_633, %parallel_loop3A_634] {strides = array<i32>} : memref<128x64xf32, #tpu.memory_space<vmem>>, vector<16xf32>,
        tpu.vector_store %arg14[%parallel_loop3A_633, %parallel_loop3A_634], %parallel_loop3A_632 {strides = array<i32>} : memref<128x64xf32, #tpu.memory_space<vmem>>, vector<16xf32>,
        %parallel_loop3A_636 = arith.index_cast %parallel_loop3A_621 : i32 to index
        %parallel_loop3A_637 = arith.constant 32 : index
        %parallel_loop3A_638 = tpu.vector_load %arg12[%parallel_loop3A_636, %parallel_loop3A_637] {strides = array<i32>} : memref<128x64xf32, #tpu.memory_space<vmem>>, vector<16xf32>,
        %parallel_loop3A_639 = arith.mulf %parallel_loop3A_638, %parallel_loop3A_617 : vector<16xf32>
        %parallel_loop3A_640 = arith.index_cast %parallel_loop3A_621 : i32 to index
        %parallel_loop3A_641 = arith.constant 32 : index
        %parallel_loop3A_642 = tpu.vector_load %arg14[%parallel_loop3A_640, %parallel_loop3A_641] {strides = array<i32>} : memref<128x64xf32, #tpu.memory_space<vmem>>, vector<16xf32>,
        tpu.vector_store %arg14[%parallel_loop3A_640, %parallel_loop3A_641], %parallel_loop3A_639 {strides = array<i32>} : memref<128x64xf32, #tpu.memory_space<vmem>>, vector<16xf32>,
        %parallel_loop3A_643 = arith.index_cast %parallel_loop3A_621 : i32 to index
        %parallel_loop3A_644 = arith.constant 48 : index
        %parallel_loop3A_645 = tpu.vector_load %arg12[%parallel_loop3A_643, %parallel_loop3A_644] {strides = array<i32>} : memref<128x64xf32, #tpu.memory_space<vmem>>, vector<16xf32>,
        %parallel_loop3A_646 = arith.mulf %parallel_loop3A_645, %parallel_loop3A_617 : vector<16xf32>
        %parallel_loop3A_647 = arith.index_cast %parallel_loop3A_621 : i32 to index
        %parallel_loop3A_648 = arith.constant 48 : index
        %parallel_loop3A_649 = tpu.vector_load %arg14[%parallel_loop3A_647, %parallel_loop3A_648] {strides = array<i32>} : memref<128x64xf32, #tpu.memory_space<vmem>>, vector<16xf32>,
        tpu.vector_store %arg14[%parallel_loop3A_647, %parallel_loop3A_648], %parallel_loop3A_646 {strides = array<i32>} : memref<128x64xf32, #tpu.memory_space<vmem>>, vector<16xf32>,
        %parallel_loop3A_650 = arith.constant 13 : i32
        %parallel_loop3A_651 = vector.broadcast %parallel_loop3A_650 : i32 to vector<16xi32>
        %parallel_loop3A_652 = arith.addi %parallel_loop3A_181, %parallel_loop3A_651 : vector<16xi32>
        %parallel_loop3A_653 = tpu.vector_load_idx %arg10[%parallel_loop3A_652] : memref<8448xf32, #tpu.memory_space<vmem>>[vector<16xi32>], vector<16xf32>,
        %parallel_loop3A_654 = arith.constant 16 : i32
        %parallel_loop3A_655 = arith.muli %parallel_loop3A_177, %parallel_loop3A_654 : i32
        %parallel_loop3A_656 = arith.constant 13 : i32
        %parallel_loop3A_657 = arith.addi %parallel_loop3A_655, %parallel_loop3A_656 : i32
        %parallel_loop3A_658 = arith.index_cast %parallel_loop3A_657 : i32 to index
        %parallel_loop3A_659 = arith.constant 0 : index
        %parallel_loop3A_660 = tpu.vector_load %arg12[%parallel_loop3A_658, %parallel_loop3A_659] {strides = array<i32>} : memref<128x64xf32, #tpu.memory_space<vmem>>, vector<16xf32>,
        %parallel_loop3A_661 = arith.mulf %parallel_loop3A_660, %parallel_loop3A_653 : vector<16xf32>
        %parallel_loop3A_662 = arith.index_cast %parallel_loop3A_657 : i32 to index
        %parallel_loop3A_663 = arith.constant 0 : index
        %parallel_loop3A_664 = tpu.vector_load %arg14[%parallel_loop3A_662, %parallel_loop3A_663] {strides = array<i32>} : memref<128x64xf32, #tpu.memory_space<vmem>>, vector<16xf32>,
        tpu.vector_store %arg14[%parallel_loop3A_662, %parallel_loop3A_663], %parallel_loop3A_661 {strides = array<i32>} : memref<128x64xf32, #tpu.memory_space<vmem>>, vector<16xf32>,
        %parallel_loop3A_665 = arith.index_cast %parallel_loop3A_657 : i32 to index
        %parallel_loop3A_666 = arith.constant 16 : index
        %parallel_loop3A_667 = tpu.vector_load %arg12[%parallel_loop3A_665, %parallel_loop3A_666] {strides = array<i32>} : memref<128x64xf32, #tpu.memory_space<vmem>>, vector<16xf32>,
        %parallel_loop3A_668 = arith.mulf %parallel_loop3A_667, %parallel_loop3A_653 : vector<16xf32>
        %parallel_loop3A_669 = arith.index_cast %parallel_loop3A_657 : i32 to index
        %parallel_loop3A_670 = arith.constant 16 : index
        %parallel_loop3A_671 = tpu.vector_load %arg14[%parallel_loop3A_669, %parallel_loop3A_670] {strides = array<i32>} : memref<128x64xf32, #tpu.memory_space<vmem>>, vector<16xf32>,
        tpu.vector_store %arg14[%parallel_loop3A_669, %parallel_loop3A_670], %parallel_loop3A_668 {strides = array<i32>} : memref<128x64xf32, #tpu.memory_space<vmem>>, vector<16xf32>,
        %parallel_loop3A_672 = arith.index_cast %parallel_loop3A_657 : i32 to index
        %parallel_loop3A_673 = arith.constant 32 : index
        %parallel_loop3A_674 = tpu.vector_load %arg12[%parallel_loop3A_672, %parallel_loop3A_673] {strides = array<i32>} : memref<128x64xf32, #tpu.memory_space<vmem>>, vector<16xf32>,
        %parallel_loop3A_675 = arith.mulf %parallel_loop3A_674, %parallel_loop3A_653 : vector<16xf32>
        %parallel_loop3A_676 = arith.index_cast %parallel_loop3A_657 : i32 to index
        %parallel_loop3A_677 = arith.constant 32 : index
        %parallel_loop3A_678 = tpu.vector_load %arg14[%parallel_loop3A_676, %parallel_loop3A_677] {strides = array<i32>} : memref<128x64xf32, #tpu.memory_space<vmem>>, vector<16xf32>,
        tpu.vector_store %arg14[%parallel_loop3A_676, %parallel_loop3A_677], %parallel_loop3A_675 {strides = array<i32>} : memref<128x64xf32, #tpu.memory_space<vmem>>, vector<16xf32>,
        %parallel_loop3A_679 = arith.index_cast %parallel_loop3A_657 : i32 to index
        %parallel_loop3A_680 = arith.constant 48 : index
        %parallel_loop3A_681 = tpu.vector_load %arg12[%parallel_loop3A_679, %parallel_loop3A_680] {strides = array<i32>} : memref<128x64xf32, #tpu.memory_space<vmem>>, vector<16xf32>,
        %parallel_loop3A_682 = arith.mulf %parallel_loop3A_681, %parallel_loop3A_653 : vector<16xf32>
        %parallel_loop3A_683 = arith.index_cast %parallel_loop3A_657 : i32 to index
        %parallel_loop3A_684 = arith.constant 48 : index
        %parallel_loop3A_685 = tpu.vector_load %arg14[%parallel_loop3A_683, %parallel_loop3A_684] {strides = array<i32>} : memref<128x64xf32, #tpu.memory_space<vmem>>, vector<16xf32>,
        tpu.vector_store %arg14[%parallel_loop3A_683, %parallel_loop3A_684], %parallel_loop3A_682 {strides = array<i32>} : memref<128x64xf32, #tpu.memory_space<vmem>>, vector<16xf32>,
        %parallel_loop3A_686 = arith.constant 14 : i32
        %parallel_loop3A_687 = vector.broadcast %parallel_loop3A_686 : i32 to vector<16xi32>
        %parallel_loop3A_688 = arith.addi %parallel_loop3A_181, %parallel_loop3A_687 : vector<16xi32>
        %parallel_loop3A_689 = tpu.vector_load_idx %arg10[%parallel_loop3A_688] : memref<8448xf32, #tpu.memory_space<vmem>>[vector<16xi32>], vector<16xf32>,
        %parallel_loop3A_690 = arith.constant 16 : i32
        %parallel_loop3A_691 = arith.muli %parallel_loop3A_177, %parallel_loop3A_690 : i32
        %parallel_loop3A_692 = arith.constant 14 : i32
        %parallel_loop3A_693 = arith.addi %parallel_loop3A_691, %parallel_loop3A_692 : i32
        %parallel_loop3A_694 = arith.index_cast %parallel_loop3A_693 : i32 to index
        %parallel_loop3A_695 = arith.constant 0 : index
        %parallel_loop3A_696 = tpu.vector_load %arg12[%parallel_loop3A_694, %parallel_loop3A_695] {strides = array<i32>} : memref<128x64xf32, #tpu.memory_space<vmem>>, vector<16xf32>,
        %parallel_loop3A_697 = arith.mulf %parallel_loop3A_696, %parallel_loop3A_689 : vector<16xf32>
        %parallel_loop3A_698 = arith.index_cast %parallel_loop3A_693 : i32 to index
        %parallel_loop3A_699 = arith.constant 0 : index
        %parallel_loop3A_700 = tpu.vector_load %arg14[%parallel_loop3A_698, %parallel_loop3A_699] {strides = array<i32>} : memref<128x64xf32, #tpu.memory_space<vmem>>, vector<16xf32>,
        tpu.vector_store %arg14[%parallel_loop3A_698, %parallel_loop3A_699], %parallel_loop3A_697 {strides = array<i32>} : memref<128x64xf32, #tpu.memory_space<vmem>>, vector<16xf32>,
        %parallel_loop3A_701 = arith.index_cast %parallel_loop3A_693 : i32 to index
        %parallel_loop3A_702 = arith.constant 16 : index
        %parallel_loop3A_703 = tpu.vector_load %arg12[%parallel_loop3A_701, %parallel_loop3A_702] {strides = array<i32>} : memref<128x64xf32, #tpu.memory_space<vmem>>, vector<16xf32>,
        %parallel_loop3A_704 = arith.mulf %parallel_loop3A_703, %parallel_loop3A_689 : vector<16xf32>
        %parallel_loop3A_705 = arith.index_cast %parallel_loop3A_693 : i32 to index
        %parallel_loop3A_706 = arith.constant 16 : index
        %parallel_loop3A_707 = tpu.vector_load %arg14[%parallel_loop3A_705, %parallel_loop3A_706] {strides = array<i32>} : memref<128x64xf32, #tpu.memory_space<vmem>>, vector<16xf32>,
        tpu.vector_store %arg14[%parallel_loop3A_705, %parallel_loop3A_706], %parallel_loop3A_704 {strides = array<i32>} : memref<128x64xf32, #tpu.memory_space<vmem>>, vector<16xf32>,
        %parallel_loop3A_708 = arith.index_cast %parallel_loop3A_693 : i32 to index
        %parallel_loop3A_709 = arith.constant 32 : index
        %parallel_loop3A_710 = tpu.vector_load %arg12[%parallel_loop3A_708, %parallel_loop3A_709] {strides = array<i32>} : memref<128x64xf32, #tpu.memory_space<vmem>>, vector<16xf32>,
        %parallel_loop3A_711 = arith.mulf %parallel_loop3A_710, %parallel_loop3A_689 : vector<16xf32>
        %parallel_loop3A_712 = arith.index_cast %parallel_loop3A_693 : i32 to index
        %parallel_loop3A_713 = arith.constant 32 : index
        %parallel_loop3A_714 = tpu.vector_load %arg14[%parallel_loop3A_712, %parallel_loop3A_713] {strides = array<i32>} : memref<128x64xf32, #tpu.memory_space<vmem>>, vector<16xf32>,
        tpu.vector_store %arg14[%parallel_loop3A_712, %parallel_loop3A_713], %parallel_loop3A_711 {strides = array<i32>} : memref<128x64xf32, #tpu.memory_space<vmem>>, vector<16xf32>,
        %parallel_loop3A_715 = arith.index_cast %parallel_loop3A_693 : i32 to index
        %parallel_loop3A_716 = arith.constant 48 : index
        %parallel_loop3A_717 = tpu.vector_load %arg12[%parallel_loop3A_715, %parallel_loop3A_716] {strides = array<i32>} : memref<128x64xf32, #tpu.memory_space<vmem>>, vector<16xf32>,
        %parallel_loop3A_718 = arith.mulf %parallel_loop3A_717, %parallel_loop3A_689 : vector<16xf32>
        %parallel_loop3A_719 = arith.index_cast %parallel_loop3A_693 : i32 to index
        %parallel_loop3A_720 = arith.constant 48 : index
        %parallel_loop3A_721 = tpu.vector_load %arg14[%parallel_loop3A_719, %parallel_loop3A_720] {strides = array<i32>} : memref<128x64xf32, #tpu.memory_space<vmem>>, vector<16xf32>,
        tpu.vector_store %arg14[%parallel_loop3A_719, %parallel_loop3A_720], %parallel_loop3A_718 {strides = array<i32>} : memref<128x64xf32, #tpu.memory_space<vmem>>, vector<16xf32>,
        %parallel_loop3A_722 = arith.constant 15 : i32
        %parallel_loop3A_723 = vector.broadcast %parallel_loop3A_722 : i32 to vector<16xi32>
        %parallel_loop3A_724 = arith.addi %parallel_loop3A_181, %parallel_loop3A_723 : vector<16xi32>
        %parallel_loop3A_725 = tpu.vector_load_idx %arg10[%parallel_loop3A_724] : memref<8448xf32, #tpu.memory_space<vmem>>[vector<16xi32>], vector<16xf32>,
        %parallel_loop3A_726 = arith.constant 16 : i32
        %parallel_loop3A_727 = arith.muli %parallel_loop3A_177, %parallel_loop3A_726 : i32
        %parallel_loop3A_728 = arith.constant 15 : i32
        %parallel_loop3A_729 = arith.addi %parallel_loop3A_727, %parallel_loop3A_728 : i32
        %parallel_loop3A_730 = arith.index_cast %parallel_loop3A_729 : i32 to index
        %parallel_loop3A_731 = arith.constant 0 : index
        %parallel_loop3A_732 = tpu.vector_load %arg12[%parallel_loop3A_730, %parallel_loop3A_731] {strides = array<i32>} : memref<128x64xf32, #tpu.memory_space<vmem>>, vector<16xf32>,
        %parallel_loop3A_733 = arith.mulf %parallel_loop3A_732, %parallel_loop3A_725 : vector<16xf32>
        %parallel_loop3A_734 = arith.index_cast %parallel_loop3A_729 : i32 to index
        %parallel_loop3A_735 = arith.constant 0 : index
        %parallel_loop3A_736 = tpu.vector_load %arg14[%parallel_loop3A_734, %parallel_loop3A_735] {strides = array<i32>} : memref<128x64xf32, #tpu.memory_space<vmem>>, vector<16xf32>,
        tpu.vector_store %arg14[%parallel_loop3A_734, %parallel_loop3A_735], %parallel_loop3A_733 {strides = array<i32>} : memref<128x64xf32, #tpu.memory_space<vmem>>, vector<16xf32>,
        %parallel_loop3A_737 = arith.index_cast %parallel_loop3A_729 : i32 to index
        %parallel_loop3A_738 = arith.constant 16 : index
        %parallel_loop3A_739 = tpu.vector_load %arg12[%parallel_loop3A_737, %parallel_loop3A_738] {strides = array<i32>} : memref<128x64xf32, #tpu.memory_space<vmem>>, vector<16xf32>,
        %parallel_loop3A_740 = arith.mulf %parallel_loop3A_739, %parallel_loop3A_725 : vector<16xf32>
        %parallel_loop3A_741 = arith.index_cast %parallel_loop3A_729 : i32 to index
        %parallel_loop3A_742 = arith.constant 16 : index
        %parallel_loop3A_743 = tpu.vector_load %arg14[%parallel_loop3A_741, %parallel_loop3A_742] {strides = array<i32>} : memref<128x64xf32, #tpu.memory_space<vmem>>, vector<16xf32>,
        tpu.vector_store %arg14[%parallel_loop3A_741, %parallel_loop3A_742], %parallel_loop3A_740 {strides = array<i32>} : memref<128x64xf32, #tpu.memory_space<vmem>>, vector<16xf32>,
        %parallel_loop3A_744 = arith.index_cast %parallel_loop3A_729 : i32 to index
        %parallel_loop3A_745 = arith.constant 32 : index
        %parallel_loop3A_746 = tpu.vector_load %arg12[%parallel_loop3A_744, %parallel_loop3A_745] {strides = array<i32>} : memref<128x64xf32, #tpu.memory_space<vmem>>, vector<16xf32>,
        %parallel_loop3A_747 = arith.mulf %parallel_loop3A_746, %parallel_loop3A_725 : vector<16xf32>
        %parallel_loop3A_748 = arith.index_cast %parallel_loop3A_729 : i32 to index
        %parallel_loop3A_749 = arith.constant 32 : index
        %parallel_loop3A_750 = tpu.vector_load %arg14[%parallel_loop3A_748, %parallel_loop3A_749] {strides = array<i32>} : memref<128x64xf32, #tpu.memory_space<vmem>>, vector<16xf32>,
        tpu.vector_store %arg14[%parallel_loop3A_748, %parallel_loop3A_749], %parallel_loop3A_747 {strides = array<i32>} : memref<128x64xf32, #tpu.memory_space<vmem>>, vector<16xf32>,
        %parallel_loop3A_751 = arith.index_cast %parallel_loop3A_729 : i32 to index
        %parallel_loop3A_752 = arith.constant 48 : index
        %parallel_loop3A_753 = tpu.vector_load %arg12[%parallel_loop3A_751, %parallel_loop3A_752] {strides = array<i32>} : memref<128x64xf32, #tpu.memory_space<vmem>>, vector<16xf32>,
        %parallel_loop3A_754 = arith.mulf %parallel_loop3A_753, %parallel_loop3A_725 : vector<16xf32>
        %parallel_loop3A_755 = arith.index_cast %parallel_loop3A_729 : i32 to index
        %parallel_loop3A_756 = arith.constant 48 : index
        %parallel_loop3A_757 = tpu.vector_load %arg14[%parallel_loop3A_755, %parallel_loop3A_756] {strides = array<i32>} : memref<128x64xf32, #tpu.memory_space<vmem>>, vector<16xf32>,
        tpu.vector_store %arg14[%parallel_loop3A_755, %parallel_loop3A_756], %parallel_loop3A_754 {strides = array<i32>} : memref<128x64xf32, #tpu.memory_space<vmem>>, vector<16xf32>,
      } {sc.loop_unroll_factor = 4 : i64, sc.parallel_access}
      %dma_start3A_120 = arith.constant 0 : i32
      %dma_start3A_121 = tpu.memref_slice %arg9[%add3A_106, %dma_start3A_120] : memref<66x128xi32, #tpu.memory_space<vmem>> -> memref<1x128xi32, #tpu.memory_space<vmem>>
      %dma_start3A_122 = tpu.memref_squeeze %dma_start3A_121 : memref<1x128xi32, #tpu.memory_space<vmem>> -> memref<128xi32, #tpu.memory_space<vmem>>
      %dma_start3A_123 = arith.constant 0 : i32
      %dma_start3A_124 = arith.constant 0 : i32
      %dma_start3A_125 = tpu.memref_slice %arg7[%dma_start3A_123, %dma_start3A_124] : memref<16384x64xf32, #tpu.memory_space<vmem_shared>> -> memref<16384x64xf32, #tpu.memory_space<vmem_shared>>
      tpu.enqueue_indirect_dma source(%arg14 : memref<128x64xf32, #tpu.memory_space<vmem>>) target(%dma_start3A_125 : memref<16384x64xf32, #tpu.memory_space<vmem_shared>>) offsets(%dma_start3A_122 : memref<128xi32, #tpu.memory_space<vmem>>) semaphore(%arg18 : memref<!tpu.dma_semaphore, #tpu.memory_space<semaphore_mem>>) {add = true}
      %dma_wait3A_126 = arith.constant 0 : i32
      %dma_wait3A_127 = arith.constant 0 : i32
      %dma_wait3A_128 = tpu.memref_slice %arg9[%dma_wait3A_126, %dma_wait3A_127] : memref<66x128xi32, #tpu.memory_space<vmem>> -> memref<1x128xi32, #tpu.memory_space<vmem>>
      %dma_wait3A_129 = tpu.memref_squeeze %dma_wait3A_128 : memref<1x128xi32, #tpu.memory_space<vmem>> -> memref<128xi32, #tpu.memory_space<vmem>>
      %dma_wait3A_130 = arith.constant 0 : i32
      %dma_wait3A_131 = arith.constant 0 : i32
      %dma_wait3A_132 = tpu.memref_slice %arg7[%dma_wait3A_130, %dma_wait3A_131] : memref<16384x64xf32, #tpu.memory_space<vmem_shared>> -> memref<16384x64xf32, #tpu.memory_space<vmem_shared>>
      tpu.wait_indirect_dma semaphore(%arg18 : memref<!tpu.dma_semaphore, #tpu.memory_space<semaphore_mem>>) src(%arg14 : memref<128x64xf32, #tpu.memory_space<vmem>>) dst(%dma_wait3A_132 : memref<16384x64xf32, #tpu.memory_space<vmem_shared>>)
      %add3A_133 = arith.constant 3 : i32
      %add3A_134 = arith.addi %add3A_106, %add3A_133 : i32
      %lt3A_135 = arith.constant 66 : i32
      %lt3A_136 = arith.cmpi slt, %add3A_134, %lt3A_135 : i32
      %convert_element_type3A_137 = arith.extui %lt3A_136 : i1 to i32
      %cond3A_138 = arith.constant 0 : i32
      %cond3A_139 = arith.cmpi ne, %convert_element_type3A_137, %cond3A_138 : i32
      scf.if %cond3A_139 {
        %add3A_177 = arith.constant 3 : i32
        %add3A_178 = arith.addi %add3A_106, %add3A_177 : i32
        %dma_start3A_179 = arith.constant 0 : i32
        %dma_start3A_180 = tpu.memref_slice %arg8[%add3A_178, %dma_start3A_179] : memref<66x128xi32, #tpu.memory_space<vmem>> -> memref<1x128xi32, #tpu.memory_space<vmem>>
        %dma_start3A_181 = tpu.memref_squeeze %dma_start3A_180 : memref<1x128xi32, #tpu.memory_space<vmem>> -> memref<128xi32, #tpu.memory_space<vmem>>
        %dma_start3A_182 = arith.constant 0 : i32
        %dma_start3A_183 = arith.constant 0 : i32
        %dma_start3A_184 = tpu.memref_slice %arg2[%dma_start3A_182, %dma_start3A_183] : memref<16384x64xf32, #tpu.memory_space<hbm>> -> memref<16384x64xf32, #tpu.memory_space<hbm>>
        tpu.enqueue_indirect_dma source(%dma_start3A_184 : memref<16384x64xf32, #tpu.memory_space<hbm>>) target(%arg12 : memref<128x64xf32, #tpu.memory_space<vmem>>) offsets(%dma_start3A_181 : memref<128xi32, #tpu.memory_space<vmem>>) semaphore(%arg16 : memref<!tpu.dma_semaphore, #tpu.memory_space<semaphore_mem>>)
      } else {
      }
      %mul3A_140 = arith.constant 3 : i32
      %mul3A_141 = arith.muli %scan3A_70, %mul3A_140 : i32
      %add3A_142 = arith.constant 2 : i32
      %add3A_143 = arith.addi %mul3A_141, %add3A_142 : i32
      %dma_wait3A_144 = arith.constant 0 : i32
      %dma_wait3A_145 = arith.constant 0 : i32
      %dma_wait3A_146 = tpu.memref_slice %arg8[%dma_wait3A_144, %dma_wait3A_145] : memref<66x128xi32, #tpu.memory_space<vmem>> -> memref<1x128xi32, #tpu.memory_space<vmem>>
      %dma_wait3A_147 = tpu.memref_squeeze %dma_wait3A_146 : memref<1x128xi32, #tpu.memory_space<vmem>> -> memref<128xi32, #tpu.memory_space<vmem>>
      %dma_wait3A_148 = arith.constant 0 : i32
      %dma_wait3A_149 = arith.constant 0 : i32
      %dma_wait3A_150 = tpu.memref_slice %arg2[%dma_wait3A_148, %dma_wait3A_149] : memref<16384x64xf32, #tpu.memory_space<hbm>> -> memref<16384x64xf32, #tpu.memory_space<hbm>>
      tpu.wait_indirect_dma semaphore(%arg17 : memref<!tpu.dma_semaphore, #tpu.memory_space<semaphore_mem>>) src(%dma_wait3A_150 : memref<16384x64xf32, #tpu.memory_space<hbm>>) dst(%arg13 : memref<128x64xf32, #tpu.memory_space<vmem>>)
      %mul3A_151 = arith.constant 128 : i32
      %mul3A_152 = arith.muli %add3A_143, %mul3A_151 : i32
      %broadcast_in_dim3A_153 = vector.broadcast %mul3A_152 : i32 to vector<16xi32>
      %parallel_loop3A_154 = arith.constant 0 : i32
      %parallel_loop3A_155 = arith.constant 8 : i32
      %parallel_loop3A_156 = arith.constant 1 : i32
      scf.for %parallel_loop3A_177 = %parallel_loop3A_154 to %parallel_loop3A_155 step %parallel_loop3A_156  : i32 {
        %parallel_loop3A_178 = arith.constant 16 : i32
        %parallel_loop3A_179 = arith.muli %parallel_loop3A_177, %parallel_loop3A_178 : i32
        %parallel_loop3A_180 = vector.broadcast %parallel_loop3A_179 : i32 to vector<16xi32>
        %parallel_loop3A_181 = arith.addi %broadcast_in_dim3A_153, %parallel_loop3A_180 : vector<16xi32>
        %parallel_loop3A_182 = arith.constant 0 : i32
        %parallel_loop3A_183 = vector.broadcast %parallel_loop3A_182 : i32 to vector<16xi32>
        %parallel_loop3A_184 = arith.addi %parallel_loop3A_181, %parallel_loop3A_183 : vector<16xi32>
        %parallel_loop3A_185 = tpu.vector_load_idx %arg10[%parallel_loop3A_184] : memref<8448xf32, #tpu.memory_space<vmem>>[vector<16xi32>], vector<16xf32>,
        %parallel_loop3A_186 = arith.constant 16 : i32
        %parallel_loop3A_187 = arith.muli %parallel_loop3A_177, %parallel_loop3A_186 : i32
        %parallel_loop3A_188 = arith.constant 0 : i32
        %parallel_loop3A_189 = arith.addi %parallel_loop3A_187, %parallel_loop3A_188 : i32
        %parallel_loop3A_190 = arith.index_cast %parallel_loop3A_189 : i32 to index
        %parallel_loop3A_191 = arith.constant 0 : index
        %parallel_loop3A_192 = tpu.vector_load %arg13[%parallel_loop3A_190, %parallel_loop3A_191] {strides = array<i32>} : memref<128x64xf32, #tpu.memory_space<vmem>>, vector<16xf32>,
        %parallel_loop3A_193 = arith.mulf %parallel_loop3A_192, %parallel_loop3A_185 : vector<16xf32>
        %parallel_loop3A_194 = arith.index_cast %parallel_loop3A_189 : i32 to index
        %parallel_loop3A_195 = arith.constant 0 : index
        %parallel_loop3A_196 = tpu.vector_load %arg14[%parallel_loop3A_194, %parallel_loop3A_195] {strides = array<i32>} : memref<128x64xf32, #tpu.memory_space<vmem>>, vector<16xf32>,
        tpu.vector_store %arg14[%parallel_loop3A_194, %parallel_loop3A_195], %parallel_loop3A_193 {strides = array<i32>} : memref<128x64xf32, #tpu.memory_space<vmem>>, vector<16xf32>,
        %parallel_loop3A_197 = arith.index_cast %parallel_loop3A_189 : i32 to index
        %parallel_loop3A_198 = arith.constant 16 : index
        %parallel_loop3A_199 = tpu.vector_load %arg13[%parallel_loop3A_197, %parallel_loop3A_198] {strides = array<i32>} : memref<128x64xf32, #tpu.memory_space<vmem>>, vector<16xf32>,
        %parallel_loop3A_200 = arith.mulf %parallel_loop3A_199, %parallel_loop3A_185 : vector<16xf32>
        %parallel_loop3A_201 = arith.index_cast %parallel_loop3A_189 : i32 to index
        %parallel_loop3A_202 = arith.constant 16 : index
        %parallel_loop3A_203 = tpu.vector_load %arg14[%parallel_loop3A_201, %parallel_loop3A_202] {strides = array<i32>} : memref<128x64xf32, #tpu.memory_space<vmem>>, vector<16xf32>,
        tpu.vector_store %arg14[%parallel_loop3A_201, %parallel_loop3A_202], %parallel_loop3A_200 {strides = array<i32>} : memref<128x64xf32, #tpu.memory_space<vmem>>, vector<16xf32>,
        %parallel_loop3A_204 = arith.index_cast %parallel_loop3A_189 : i32 to index
        %parallel_loop3A_205 = arith.constant 32 : index
        %parallel_loop3A_206 = tpu.vector_load %arg13[%parallel_loop3A_204, %parallel_loop3A_205] {strides = array<i32>} : memref<128x64xf32, #tpu.memory_space<vmem>>, vector<16xf32>,
        %parallel_loop3A_207 = arith.mulf %parallel_loop3A_206, %parallel_loop3A_185 : vector<16xf32>
        %parallel_loop3A_208 = arith.index_cast %parallel_loop3A_189 : i32 to index
        %parallel_loop3A_209 = arith.constant 32 : index
        %parallel_loop3A_210 = tpu.vector_load %arg14[%parallel_loop3A_208, %parallel_loop3A_209] {strides = array<i32>} : memref<128x64xf32, #tpu.memory_space<vmem>>, vector<16xf32>,
        tpu.vector_store %arg14[%parallel_loop3A_208, %parallel_loop3A_209], %parallel_loop3A_207 {strides = array<i32>} : memref<128x64xf32, #tpu.memory_space<vmem>>, vector<16xf32>,
        %parallel_loop3A_211 = arith.index_cast %parallel_loop3A_189 : i32 to index
        %parallel_loop3A_212 = arith.constant 48 : index
        %parallel_loop3A_213 = tpu.vector_load %arg13[%parallel_loop3A_211, %parallel_loop3A_212] {strides = array<i32>} : memref<128x64xf32, #tpu.memory_space<vmem>>, vector<16xf32>,
        %parallel_loop3A_214 = arith.mulf %parallel_loop3A_213, %parallel_loop3A_185 : vector<16xf32>
        %parallel_loop3A_215 = arith.index_cast %parallel_loop3A_189 : i32 to index
        %parallel_loop3A_216 = arith.constant 48 : index
        %parallel_loop3A_217 = tpu.vector_load %arg14[%parallel_loop3A_215, %parallel_loop3A_216] {strides = array<i32>} : memref<128x64xf32, #tpu.memory_space<vmem>>, vector<16xf32>,
        tpu.vector_store %arg14[%parallel_loop3A_215, %parallel_loop3A_216], %parallel_loop3A_214 {strides = array<i32>} : memref<128x64xf32, #tpu.memory_space<vmem>>, vector<16xf32>,
        %parallel_loop3A_218 = arith.constant 1 : i32
        %parallel_loop3A_219 = vector.broadcast %parallel_loop3A_218 : i32 to vector<16xi32>
        %parallel_loop3A_220 = arith.addi %parallel_loop3A_181, %parallel_loop3A_219 : vector<16xi32>
        %parallel_loop3A_221 = tpu.vector_load_idx %arg10[%parallel_loop3A_220] : memref<8448xf32, #tpu.memory_space<vmem>>[vector<16xi32>], vector<16xf32>,
        %parallel_loop3A_222 = arith.constant 16 : i32
        %parallel_loop3A_223 = arith.muli %parallel_loop3A_177, %parallel_loop3A_222 : i32
        %parallel_loop3A_224 = arith.constant 1 : i32
        %parallel_loop3A_225 = arith.addi %parallel_loop3A_223, %parallel_loop3A_224 : i32
        %parallel_loop3A_226 = arith.index_cast %parallel_loop3A_225 : i32 to index
        %parallel_loop3A_227 = arith.constant 0 : index
        %parallel_loop3A_228 = tpu.vector_load %arg13[%parallel_loop3A_226, %parallel_loop3A_227] {strides = array<i32>} : memref<128x64xf32, #tpu.memory_space<vmem>>, vector<16xf32>,
        %parallel_loop3A_229 = arith.mulf %parallel_loop3A_228, %parallel_loop3A_221 : vector<16xf32>
        %parallel_loop3A_230 = arith.index_cast %parallel_loop3A_225 : i32 to index
        %parallel_loop3A_231 = arith.constant 0 : index
        %parallel_loop3A_232 = tpu.vector_load %arg14[%parallel_loop3A_230, %parallel_loop3A_231] {strides = array<i32>} : memref<128x64xf32, #tpu.memory_space<vmem>>, vector<16xf32>,
        tpu.vector_store %arg14[%parallel_loop3A_230, %parallel_loop3A_231], %parallel_loop3A_229 {strides = array<i32>} : memref<128x64xf32, #tpu.memory_space<vmem>>, vector<16xf32>,
        %parallel_loop3A_233 = arith.index_cast %parallel_loop3A_225 : i32 to index
        %parallel_loop3A_234 = arith.constant 16 : index
        %parallel_loop3A_235 = tpu.vector_load %arg13[%parallel_loop3A_233, %parallel_loop3A_234] {strides = array<i32>} : memref<128x64xf32, #tpu.memory_space<vmem>>, vector<16xf32>,
        %parallel_loop3A_236 = arith.mulf %parallel_loop3A_235, %parallel_loop3A_221 : vector<16xf32>
        %parallel_loop3A_237 = arith.index_cast %parallel_loop3A_225 : i32 to index
        %parallel_loop3A_238 = arith.constant 16 : index
        %parallel_loop3A_239 = tpu.vector_load %arg14[%parallel_loop3A_237, %parallel_loop3A_238] {strides = array<i32>} : memref<128x64xf32, #tpu.memory_space<vmem>>, vector<16xf32>,
        tpu.vector_store %arg14[%parallel_loop3A_237, %parallel_loop3A_238], %parallel_loop3A_236 {strides = array<i32>} : memref<128x64xf32, #tpu.memory_space<vmem>>, vector<16xf32>,
        %parallel_loop3A_240 = arith.index_cast %parallel_loop3A_225 : i32 to index
        %parallel_loop3A_241 = arith.constant 32 : index
        %parallel_loop3A_242 = tpu.vector_load %arg13[%parallel_loop3A_240, %parallel_loop3A_241] {strides = array<i32>} : memref<128x64xf32, #tpu.memory_space<vmem>>, vector<16xf32>,
        %parallel_loop3A_243 = arith.mulf %parallel_loop3A_242, %parallel_loop3A_221 : vector<16xf32>
        %parallel_loop3A_244 = arith.index_cast %parallel_loop3A_225 : i32 to index
        %parallel_loop3A_245 = arith.constant 32 : index
        %parallel_loop3A_246 = tpu.vector_load %arg14[%parallel_loop3A_244, %parallel_loop3A_245] {strides = array<i32>} : memref<128x64xf32, #tpu.memory_space<vmem>>, vector<16xf32>,
        tpu.vector_store %arg14[%parallel_loop3A_244, %parallel_loop3A_245], %parallel_loop3A_243 {strides = array<i32>} : memref<128x64xf32, #tpu.memory_space<vmem>>, vector<16xf32>,
        %parallel_loop3A_247 = arith.index_cast %parallel_loop3A_225 : i32 to index
        %parallel_loop3A_248 = arith.constant 48 : index
        %parallel_loop3A_249 = tpu.vector_load %arg13[%parallel_loop3A_247, %parallel_loop3A_248] {strides = array<i32>} : memref<128x64xf32, #tpu.memory_space<vmem>>, vector<16xf32>,
        %parallel_loop3A_250 = arith.mulf %parallel_loop3A_249, %parallel_loop3A_221 : vector<16xf32>
        %parallel_loop3A_251 = arith.index_cast %parallel_loop3A_225 : i32 to index
        %parallel_loop3A_252 = arith.constant 48 : index
        %parallel_loop3A_253 = tpu.vector_load %arg14[%parallel_loop3A_251, %parallel_loop3A_252] {strides = array<i32>} : memref<128x64xf32, #tpu.memory_space<vmem>>, vector<16xf32>,
        tpu.vector_store %arg14[%parallel_loop3A_251, %parallel_loop3A_252], %parallel_loop3A_250 {strides = array<i32>} : memref<128x64xf32, #tpu.memory_space<vmem>>, vector<16xf32>,
        %parallel_loop3A_254 = arith.constant 2 : i32
        %parallel_loop3A_255 = vector.broadcast %parallel_loop3A_254 : i32 to vector<16xi32>
        %parallel_loop3A_256 = arith.addi %parallel_loop3A_181, %parallel_loop3A_255 : vector<16xi32>
        %parallel_loop3A_257 = tpu.vector_load_idx %arg10[%parallel_loop3A_256] : memref<8448xf32, #tpu.memory_space<vmem>>[vector<16xi32>], vector<16xf32>,
        %parallel_loop3A_258 = arith.constant 16 : i32
        %parallel_loop3A_259 = arith.muli %parallel_loop3A_177, %parallel_loop3A_258 : i32
        %parallel_loop3A_260 = arith.constant 2 : i32
        %parallel_loop3A_261 = arith.addi %parallel_loop3A_259, %parallel_loop3A_260 : i32
        %parallel_loop3A_262 = arith.index_cast %parallel_loop3A_261 : i32 to index
        %parallel_loop3A_263 = arith.constant 0 : index
        %parallel_loop3A_264 = tpu.vector_load %arg13[%parallel_loop3A_262, %parallel_loop3A_263] {strides = array<i32>} : memref<128x64xf32, #tpu.memory_space<vmem>>, vector<16xf32>,
        %parallel_loop3A_265 = arith.mulf %parallel_loop3A_264, %parallel_loop3A_257 : vector<16xf32>
        %parallel_loop3A_266 = arith.index_cast %parallel_loop3A_261 : i32 to index
        %parallel_loop3A_267 = arith.constant 0 : index
        %parallel_loop3A_268 = tpu.vector_load %arg14[%parallel_loop3A_266, %parallel_loop3A_267] {strides = array<i32>} : memref<128x64xf32, #tpu.memory_space<vmem>>, vector<16xf32>,
        tpu.vector_store %arg14[%parallel_loop3A_266, %parallel_loop3A_267], %parallel_loop3A_265 {strides = array<i32>} : memref<128x64xf32, #tpu.memory_space<vmem>>, vector<16xf32>,
        %parallel_loop3A_269 = arith.index_cast %parallel_loop3A_261 : i32 to index
        %parallel_loop3A_270 = arith.constant 16 : index
        %parallel_loop3A_271 = tpu.vector_load %arg13[%parallel_loop3A_269, %parallel_loop3A_270] {strides = array<i32>} : memref<128x64xf32, #tpu.memory_space<vmem>>, vector<16xf32>,
        %parallel_loop3A_272 = arith.mulf %parallel_loop3A_271, %parallel_loop3A_257 : vector<16xf32>
        %parallel_loop3A_273 = arith.index_cast %parallel_loop3A_261 : i32 to index
        %parallel_loop3A_274 = arith.constant 16 : index
        %parallel_loop3A_275 = tpu.vector_load %arg14[%parallel_loop3A_273, %parallel_loop3A_274] {strides = array<i32>} : memref<128x64xf32, #tpu.memory_space<vmem>>, vector<16xf32>,
        tpu.vector_store %arg14[%parallel_loop3A_273, %parallel_loop3A_274], %parallel_loop3A_272 {strides = array<i32>} : memref<128x64xf32, #tpu.memory_space<vmem>>, vector<16xf32>,
        %parallel_loop3A_276 = arith.index_cast %parallel_loop3A_261 : i32 to index
        %parallel_loop3A_277 = arith.constant 32 : index
        %parallel_loop3A_278 = tpu.vector_load %arg13[%parallel_loop3A_276, %parallel_loop3A_277] {strides = array<i32>} : memref<128x64xf32, #tpu.memory_space<vmem>>, vector<16xf32>,
        %parallel_loop3A_279 = arith.mulf %parallel_loop3A_278, %parallel_loop3A_257 : vector<16xf32>
        %parallel_loop3A_280 = arith.index_cast %parallel_loop3A_261 : i32 to index
        %parallel_loop3A_281 = arith.constant 32 : index
        %parallel_loop3A_282 = tpu.vector_load %arg14[%parallel_loop3A_280, %parallel_loop3A_281] {strides = array<i32>} : memref<128x64xf32, #tpu.memory_space<vmem>>, vector<16xf32>,
        tpu.vector_store %arg14[%parallel_loop3A_280, %parallel_loop3A_281], %parallel_loop3A_279 {strides = array<i32>} : memref<128x64xf32, #tpu.memory_space<vmem>>, vector<16xf32>,
        %parallel_loop3A_283 = arith.index_cast %parallel_loop3A_261 : i32 to index
        %parallel_loop3A_284 = arith.constant 48 : index
        %parallel_loop3A_285 = tpu.vector_load %arg13[%parallel_loop3A_283, %parallel_loop3A_284] {strides = array<i32>} : memref<128x64xf32, #tpu.memory_space<vmem>>, vector<16xf32>,
        %parallel_loop3A_286 = arith.mulf %parallel_loop3A_285, %parallel_loop3A_257 : vector<16xf32>
        %parallel_loop3A_287 = arith.index_cast %parallel_loop3A_261 : i32 to index
        %parallel_loop3A_288 = arith.constant 48 : index
        %parallel_loop3A_289 = tpu.vector_load %arg14[%parallel_loop3A_287, %parallel_loop3A_288] {strides = array<i32>} : memref<128x64xf32, #tpu.memory_space<vmem>>, vector<16xf32>,
        tpu.vector_store %arg14[%parallel_loop3A_287, %parallel_loop3A_288], %parallel_loop3A_286 {strides = array<i32>} : memref<128x64xf32, #tpu.memory_space<vmem>>, vector<16xf32>,
        %parallel_loop3A_290 = arith.constant 3 : i32
        %parallel_loop3A_291 = vector.broadcast %parallel_loop3A_290 : i32 to vector<16xi32>
        %parallel_loop3A_292 = arith.addi %parallel_loop3A_181, %parallel_loop3A_291 : vector<16xi32>
        %parallel_loop3A_293 = tpu.vector_load_idx %arg10[%parallel_loop3A_292] : memref<8448xf32, #tpu.memory_space<vmem>>[vector<16xi32>], vector<16xf32>,
        %parallel_loop3A_294 = arith.constant 16 : i32
        %parallel_loop3A_295 = arith.muli %parallel_loop3A_177, %parallel_loop3A_294 : i32
        %parallel_loop3A_296 = arith.constant 3 : i32
        %parallel_loop3A_297 = arith.addi %parallel_loop3A_295, %parallel_loop3A_296 : i32
        %parallel_loop3A_298 = arith.index_cast %parallel_loop3A_297 : i32 to index
        %parallel_loop3A_299 = arith.constant 0 : index
        %parallel_loop3A_300 = tpu.vector_load %arg13[%parallel_loop3A_298, %parallel_loop3A_299] {strides = array<i32>} : memref<128x64xf32, #tpu.memory_space<vmem>>, vector<16xf32>,
        %parallel_loop3A_301 = arith.mulf %parallel_loop3A_300, %parallel_loop3A_293 : vector<16xf32>
        %parallel_loop3A_302 = arith.index_cast %parallel_loop3A_297 : i32 to index
        %parallel_loop3A_303 = arith.constant 0 : index
        %parallel_loop3A_304 = tpu.vector_load %arg14[%parallel_loop3A_302, %parallel_loop3A_303] {strides = array<i32>} : memref<128x64xf32, #tpu.memory_space<vmem>>, vector<16xf32>,
        tpu.vector_store %arg14[%parallel_loop3A_302, %parallel_loop3A_303], %parallel_loop3A_301 {strides = array<i32>} : memref<128x64xf32, #tpu.memory_space<vmem>>, vector<16xf32>,
        %parallel_loop3A_305 = arith.index_cast %parallel_loop3A_297 : i32 to index
        %parallel_loop3A_306 = arith.constant 16 : index
        %parallel_loop3A_307 = tpu.vector_load %arg13[%parallel_loop3A_305, %parallel_loop3A_306] {strides = array<i32>} : memref<128x64xf32, #tpu.memory_space<vmem>>, vector<16xf32>,
        %parallel_loop3A_308 = arith.mulf %parallel_loop3A_307, %parallel_loop3A_293 : vector<16xf32>
        %parallel_loop3A_309 = arith.index_cast %parallel_loop3A_297 : i32 to index
        %parallel_loop3A_310 = arith.constant 16 : index
        %parallel_loop3A_311 = tpu.vector_load %arg14[%parallel_loop3A_309, %parallel_loop3A_310] {strides = array<i32>} : memref<128x64xf32, #tpu.memory_space<vmem>>, vector<16xf32>,
        tpu.vector_store %arg14[%parallel_loop3A_309, %parallel_loop3A_310], %parallel_loop3A_308 {strides = array<i32>} : memref<128x64xf32, #tpu.memory_space<vmem>>, vector<16xf32>,
        %parallel_loop3A_312 = arith.index_cast %parallel_loop3A_297 : i32 to index
        %parallel_loop3A_313 = arith.constant 32 : index
        %parallel_loop3A_314 = tpu.vector_load %arg13[%parallel_loop3A_312, %parallel_loop3A_313] {strides = array<i32>} : memref<128x64xf32, #tpu.memory_space<vmem>>, vector<16xf32>,
        %parallel_loop3A_315 = arith.mulf %parallel_loop3A_314, %parallel_loop3A_293 : vector<16xf32>
        %parallel_loop3A_316 = arith.index_cast %parallel_loop3A_297 : i32 to index
        %parallel_loop3A_317 = arith.constant 32 : index
        %parallel_loop3A_318 = tpu.vector_load %arg14[%parallel_loop3A_316, %parallel_loop3A_317] {strides = array<i32>} : memref<128x64xf32, #tpu.memory_space<vmem>>, vector<16xf32>,
        tpu.vector_store %arg14[%parallel_loop3A_316, %parallel_loop3A_317], %parallel_loop3A_315 {strides = array<i32>} : memref<128x64xf32, #tpu.memory_space<vmem>>, vector<16xf32>,
        %parallel_loop3A_319 = arith.index_cast %parallel_loop3A_297 : i32 to index
        %parallel_loop3A_320 = arith.constant 48 : index
        %parallel_loop3A_321 = tpu.vector_load %arg13[%parallel_loop3A_319, %parallel_loop3A_320] {strides = array<i32>} : memref<128x64xf32, #tpu.memory_space<vmem>>, vector<16xf32>,
        %parallel_loop3A_322 = arith.mulf %parallel_loop3A_321, %parallel_loop3A_293 : vector<16xf32>
        %parallel_loop3A_323 = arith.index_cast %parallel_loop3A_297 : i32 to index
        %parallel_loop3A_324 = arith.constant 48 : index
        %parallel_loop3A_325 = tpu.vector_load %arg14[%parallel_loop3A_323, %parallel_loop3A_324] {strides = array<i32>} : memref<128x64xf32, #tpu.memory_space<vmem>>, vector<16xf32>,
        tpu.vector_store %arg14[%parallel_loop3A_323, %parallel_loop3A_324], %parallel_loop3A_322 {strides = array<i32>} : memref<128x64xf32, #tpu.memory_space<vmem>>, vector<16xf32>,
        %parallel_loop3A_326 = arith.constant 4 : i32
        %parallel_loop3A_327 = vector.broadcast %parallel_loop3A_326 : i32 to vector<16xi32>
        %parallel_loop3A_328 = arith.addi %parallel_loop3A_181, %parallel_loop3A_327 : vector<16xi32>
        %parallel_loop3A_329 = tpu.vector_load_idx %arg10[%parallel_loop3A_328] : memref<8448xf32, #tpu.memory_space<vmem>>[vector<16xi32>], vector<16xf32>,
        %parallel_loop3A_330 = arith.constant 16 : i32
        %parallel_loop3A_331 = arith.muli %parallel_loop3A_177, %parallel_loop3A_330 : i32
        %parallel_loop3A_332 = arith.constant 4 : i32
        %parallel_loop3A_333 = arith.addi %parallel_loop3A_331, %parallel_loop3A_332 : i32
        %parallel_loop3A_334 = arith.index_cast %parallel_loop3A_333 : i32 to index
        %parallel_loop3A_335 = arith.constant 0 : index
        %parallel_loop3A_336 = tpu.vector_load %arg13[%parallel_loop3A_334, %parallel_loop3A_335] {strides = array<i32>} : memref<128x64xf32, #tpu.memory_space<vmem>>, vector<16xf32>,
        %parallel_loop3A_337 = arith.mulf %parallel_loop3A_336, %parallel_loop3A_329 : vector<16xf32>
        %parallel_loop3A_338 = arith.index_cast %parallel_loop3A_333 : i32 to index
        %parallel_loop3A_339 = arith.constant 0 : index
        %parallel_loop3A_340 = tpu.vector_load %arg14[%parallel_loop3A_338, %parallel_loop3A_339] {strides = array<i32>} : memref<128x64xf32, #tpu.memory_space<vmem>>, vector<16xf32>,
        tpu.vector_store %arg14[%parallel_loop3A_338, %parallel_loop3A_339], %parallel_loop3A_337 {strides = array<i32>} : memref<128x64xf32, #tpu.memory_space<vmem>>, vector<16xf32>,
        %parallel_loop3A_341 = arith.index_cast %parallel_loop3A_333 : i32 to index
        %parallel_loop3A_342 = arith.constant 16 : index
        %parallel_loop3A_343 = tpu.vector_load %arg13[%parallel_loop3A_341, %parallel_loop3A_342] {strides = array<i32>} : memref<128x64xf32, #tpu.memory_space<vmem>>, vector<16xf32>,
        %parallel_loop3A_344 = arith.mulf %parallel_loop3A_343, %parallel_loop3A_329 : vector<16xf32>
        %parallel_loop3A_345 = arith.index_cast %parallel_loop3A_333 : i32 to index
        %parallel_loop3A_346 = arith.constant 16 : index
        %parallel_loop3A_347 = tpu.vector_load %arg14[%parallel_loop3A_345, %parallel_loop3A_346] {strides = array<i32>} : memref<128x64xf32, #tpu.memory_space<vmem>>, vector<16xf32>,
        tpu.vector_store %arg14[%parallel_loop3A_345, %parallel_loop3A_346], %parallel_loop3A_344 {strides = array<i32>} : memref<128x64xf32, #tpu.memory_space<vmem>>, vector<16xf32>,
        %parallel_loop3A_348 = arith.index_cast %parallel_loop3A_333 : i32 to index
        %parallel_loop3A_349 = arith.constant 32 : index
        %parallel_loop3A_350 = tpu.vector_load %arg13[%parallel_loop3A_348, %parallel_loop3A_349] {strides = array<i32>} : memref<128x64xf32, #tpu.memory_space<vmem>>, vector<16xf32>,
        %parallel_loop3A_351 = arith.mulf %parallel_loop3A_350, %parallel_loop3A_329 : vector<16xf32>
        %parallel_loop3A_352 = arith.index_cast %parallel_loop3A_333 : i32 to index
        %parallel_loop3A_353 = arith.constant 32 : index
        %parallel_loop3A_354 = tpu.vector_load %arg14[%parallel_loop3A_352, %parallel_loop3A_353] {strides = array<i32>} : memref<128x64xf32, #tpu.memory_space<vmem>>, vector<16xf32>,
        tpu.vector_store %arg14[%parallel_loop3A_352, %parallel_loop3A_353], %parallel_loop3A_351 {strides = array<i32>} : memref<128x64xf32, #tpu.memory_space<vmem>>, vector<16xf32>,
        %parallel_loop3A_355 = arith.index_cast %parallel_loop3A_333 : i32 to index
        %parallel_loop3A_356 = arith.constant 48 : index
        %parallel_loop3A_357 = tpu.vector_load %arg13[%parallel_loop3A_355, %parallel_loop3A_356] {strides = array<i32>} : memref<128x64xf32, #tpu.memory_space<vmem>>, vector<16xf32>,
        %parallel_loop3A_358 = arith.mulf %parallel_loop3A_357, %parallel_loop3A_329 : vector<16xf32>
        %parallel_loop3A_359 = arith.index_cast %parallel_loop3A_333 : i32 to index
        %parallel_loop3A_360 = arith.constant 48 : index
        %parallel_loop3A_361 = tpu.vector_load %arg14[%parallel_loop3A_359, %parallel_loop3A_360] {strides = array<i32>} : memref<128x64xf32, #tpu.memory_space<vmem>>, vector<16xf32>,
        tpu.vector_store %arg14[%parallel_loop3A_359, %parallel_loop3A_360], %parallel_loop3A_358 {strides = array<i32>} : memref<128x64xf32, #tpu.memory_space<vmem>>, vector<16xf32>,
        %parallel_loop3A_362 = arith.constant 5 : i32
        %parallel_loop3A_363 = vector.broadcast %parallel_loop3A_362 : i32 to vector<16xi32>
        %parallel_loop3A_364 = arith.addi %parallel_loop3A_181, %parallel_loop3A_363 : vector<16xi32>
        %parallel_loop3A_365 = tpu.vector_load_idx %arg10[%parallel_loop3A_364] : memref<8448xf32, #tpu.memory_space<vmem>>[vector<16xi32>], vector<16xf32>,
        %parallel_loop3A_366 = arith.constant 16 : i32
        %parallel_loop3A_367 = arith.muli %parallel_loop3A_177, %parallel_loop3A_366 : i32
        %parallel_loop3A_368 = arith.constant 5 : i32
        %parallel_loop3A_369 = arith.addi %parallel_loop3A_367, %parallel_loop3A_368 : i32
        %parallel_loop3A_370 = arith.index_cast %parallel_loop3A_369 : i32 to index
        %parallel_loop3A_371 = arith.constant 0 : index
        %parallel_loop3A_372 = tpu.vector_load %arg13[%parallel_loop3A_370, %parallel_loop3A_371] {strides = array<i32>} : memref<128x64xf32, #tpu.memory_space<vmem>>, vector<16xf32>,
        %parallel_loop3A_373 = arith.mulf %parallel_loop3A_372, %parallel_loop3A_365 : vector<16xf32>
        %parallel_loop3A_374 = arith.index_cast %parallel_loop3A_369 : i32 to index
        %parallel_loop3A_375 = arith.constant 0 : index
        %parallel_loop3A_376 = tpu.vector_load %arg14[%parallel_loop3A_374, %parallel_loop3A_375] {strides = array<i32>} : memref<128x64xf32, #tpu.memory_space<vmem>>, vector<16xf32>,
        tpu.vector_store %arg14[%parallel_loop3A_374, %parallel_loop3A_375], %parallel_loop3A_373 {strides = array<i32>} : memref<128x64xf32, #tpu.memory_space<vmem>>, vector<16xf32>,
        %parallel_loop3A_377 = arith.index_cast %parallel_loop3A_369 : i32 to index
        %parallel_loop3A_378 = arith.constant 16 : index
        %parallel_loop3A_379 = tpu.vector_load %arg13[%parallel_loop3A_377, %parallel_loop3A_378] {strides = array<i32>} : memref<128x64xf32, #tpu.memory_space<vmem>>, vector<16xf32>,
        %parallel_loop3A_380 = arith.mulf %parallel_loop3A_379, %parallel_loop3A_365 : vector<16xf32>
        %parallel_loop3A_381 = arith.index_cast %parallel_loop3A_369 : i32 to index
        %parallel_loop3A_382 = arith.constant 16 : index
        %parallel_loop3A_383 = tpu.vector_load %arg14[%parallel_loop3A_381, %parallel_loop3A_382] {strides = array<i32>} : memref<128x64xf32, #tpu.memory_space<vmem>>, vector<16xf32>,
        tpu.vector_store %arg14[%parallel_loop3A_381, %parallel_loop3A_382], %parallel_loop3A_380 {strides = array<i32>} : memref<128x64xf32, #tpu.memory_space<vmem>>, vector<16xf32>,
        %parallel_loop3A_384 = arith.index_cast %parallel_loop3A_369 : i32 to index
        %parallel_loop3A_385 = arith.constant 32 : index
        %parallel_loop3A_386 = tpu.vector_load %arg13[%parallel_loop3A_384, %parallel_loop3A_385] {strides = array<i32>} : memref<128x64xf32, #tpu.memory_space<vmem>>, vector<16xf32>,
        %parallel_loop3A_387 = arith.mulf %parallel_loop3A_386, %parallel_loop3A_365 : vector<16xf32>
        %parallel_loop3A_388 = arith.index_cast %parallel_loop3A_369 : i32 to index
        %parallel_loop3A_389 = arith.constant 32 : index
        %parallel_loop3A_390 = tpu.vector_load %arg14[%parallel_loop3A_388, %parallel_loop3A_389] {strides = array<i32>} : memref<128x64xf32, #tpu.memory_space<vmem>>, vector<16xf32>,
        tpu.vector_store %arg14[%parallel_loop3A_388, %parallel_loop3A_389], %parallel_loop3A_387 {strides = array<i32>} : memref<128x64xf32, #tpu.memory_space<vmem>>, vector<16xf32>,
        %parallel_loop3A_391 = arith.index_cast %parallel_loop3A_369 : i32 to index
        %parallel_loop3A_392 = arith.constant 48 : index
        %parallel_loop3A_393 = tpu.vector_load %arg13[%parallel_loop3A_391, %parallel_loop3A_392] {strides = array<i32>} : memref<128x64xf32, #tpu.memory_space<vmem>>, vector<16xf32>,
        %parallel_loop3A_394 = arith.mulf %parallel_loop3A_393, %parallel_loop3A_365 : vector<16xf32>
        %parallel_loop3A_395 = arith.index_cast %parallel_loop3A_369 : i32 to index
        %parallel_loop3A_396 = arith.constant 48 : index
        %parallel_loop3A_397 = tpu.vector_load %arg14[%parallel_loop3A_395, %parallel_loop3A_396] {strides = array<i32>} : memref<128x64xf32, #tpu.memory_space<vmem>>, vector<16xf32>,
        tpu.vector_store %arg14[%parallel_loop3A_395, %parallel_loop3A_396], %parallel_loop3A_394 {strides = array<i32>} : memref<128x64xf32, #tpu.memory_space<vmem>>, vector<16xf32>,
        %parallel_loop3A_398 = arith.constant 6 : i32
        %parallel_loop3A_399 = vector.broadcast %parallel_loop3A_398 : i32 to vector<16xi32>
        %parallel_loop3A_400 = arith.addi %parallel_loop3A_181, %parallel_loop3A_399 : vector<16xi32>
        %parallel_loop3A_401 = tpu.vector_load_idx %arg10[%parallel_loop3A_400] : memref<8448xf32, #tpu.memory_space<vmem>>[vector<16xi32>], vector<16xf32>,
        %parallel_loop3A_402 = arith.constant 16 : i32
        %parallel_loop3A_403 = arith.muli %parallel_loop3A_177, %parallel_loop3A_402 : i32
        %parallel_loop3A_404 = arith.constant 6 : i32
        %parallel_loop3A_405 = arith.addi %parallel_loop3A_403, %parallel_loop3A_404 : i32
        %parallel_loop3A_406 = arith.index_cast %parallel_loop3A_405 : i32 to index
        %parallel_loop3A_407 = arith.constant 0 : index
        %parallel_loop3A_408 = tpu.vector_load %arg13[%parallel_loop3A_406, %parallel_loop3A_407] {strides = array<i32>} : memref<128x64xf32, #tpu.memory_space<vmem>>, vector<16xf32>,
        %parallel_loop3A_409 = arith.mulf %parallel_loop3A_408, %parallel_loop3A_401 : vector<16xf32>
        %parallel_loop3A_410 = arith.index_cast %parallel_loop3A_405 : i32 to index
        %parallel_loop3A_411 = arith.constant 0 : index
        %parallel_loop3A_412 = tpu.vector_load %arg14[%parallel_loop3A_410, %parallel_loop3A_411] {strides = array<i32>} : memref<128x64xf32, #tpu.memory_space<vmem>>, vector<16xf32>,
        tpu.vector_store %arg14[%parallel_loop3A_410, %parallel_loop3A_411], %parallel_loop3A_409 {strides = array<i32>} : memref<128x64xf32, #tpu.memory_space<vmem>>, vector<16xf32>,
        %parallel_loop3A_413 = arith.index_cast %parallel_loop3A_405 : i32 to index
        %parallel_loop3A_414 = arith.constant 16 : index
        %parallel_loop3A_415 = tpu.vector_load %arg13[%parallel_loop3A_413, %parallel_loop3A_414] {strides = array<i32>} : memref<128x64xf32, #tpu.memory_space<vmem>>, vector<16xf32>,
        %parallel_loop3A_416 = arith.mulf %parallel_loop3A_415, %parallel_loop3A_401 : vector<16xf32>
        %parallel_loop3A_417 = arith.index_cast %parallel_loop3A_405 : i32 to index
        %parallel_loop3A_418 = arith.constant 16 : index
        %parallel_loop3A_419 = tpu.vector_load %arg14[%parallel_loop3A_417, %parallel_loop3A_418] {strides = array<i32>} : memref<128x64xf32, #tpu.memory_space<vmem>>, vector<16xf32>,
        tpu.vector_store %arg14[%parallel_loop3A_417, %parallel_loop3A_418], %parallel_loop3A_416 {strides = array<i32>} : memref<128x64xf32, #tpu.memory_space<vmem>>, vector<16xf32>,
        %parallel_loop3A_420 = arith.index_cast %parallel_loop3A_405 : i32 to index
        %parallel_loop3A_421 = arith.constant 32 : index
        %parallel_loop3A_422 = tpu.vector_load %arg13[%parallel_loop3A_420, %parallel_loop3A_421] {strides = array<i32>} : memref<128x64xf32, #tpu.memory_space<vmem>>, vector<16xf32>,
        %parallel_loop3A_423 = arith.mulf %parallel_loop3A_422, %parallel_loop3A_401 : vector<16xf32>
        %parallel_loop3A_424 = arith.index_cast %parallel_loop3A_405 : i32 to index
        %parallel_loop3A_425 = arith.constant 32 : index
        %parallel_loop3A_426 = tpu.vector_load %arg14[%parallel_loop3A_424, %parallel_loop3A_425] {strides = array<i32>} : memref<128x64xf32, #tpu.memory_space<vmem>>, vector<16xf32>,
        tpu.vector_store %arg14[%parallel_loop3A_424, %parallel_loop3A_425], %parallel_loop3A_423 {strides = array<i32>} : memref<128x64xf32, #tpu.memory_space<vmem>>, vector<16xf32>,
        %parallel_loop3A_427 = arith.index_cast %parallel_loop3A_405 : i32 to index
        %parallel_loop3A_428 = arith.constant 48 : index
        %parallel_loop3A_429 = tpu.vector_load %arg13[%parallel_loop3A_427, %parallel_loop3A_428] {strides = array<i32>} : memref<128x64xf32, #tpu.memory_space<vmem>>, vector<16xf32>,
        %parallel_loop3A_430 = arith.mulf %parallel_loop3A_429, %parallel_loop3A_401 : vector<16xf32>
        %parallel_loop3A_431 = arith.index_cast %parallel_loop3A_405 : i32 to index
        %parallel_loop3A_432 = arith.constant 48 : index
        %parallel_loop3A_433 = tpu.vector_load %arg14[%parallel_loop3A_431, %parallel_loop3A_432] {strides = array<i32>} : memref<128x64xf32, #tpu.memory_space<vmem>>, vector<16xf32>,
        tpu.vector_store %arg14[%parallel_loop3A_431, %parallel_loop3A_432], %parallel_loop3A_430 {strides = array<i32>} : memref<128x64xf32, #tpu.memory_space<vmem>>, vector<16xf32>,
        %parallel_loop3A_434 = arith.constant 7 : i32
        %parallel_loop3A_435 = vector.broadcast %parallel_loop3A_434 : i32 to vector<16xi32>
        %parallel_loop3A_436 = arith.addi %parallel_loop3A_181, %parallel_loop3A_435 : vector<16xi32>
        %parallel_loop3A_437 = tpu.vector_load_idx %arg10[%parallel_loop3A_436] : memref<8448xf32, #tpu.memory_space<vmem>>[vector<16xi32>], vector<16xf32>,
        %parallel_loop3A_438 = arith.constant 16 : i32
        %parallel_loop3A_439 = arith.muli %parallel_loop3A_177, %parallel_loop3A_438 : i32
        %parallel_loop3A_440 = arith.constant 7 : i32
        %parallel_loop3A_441 = arith.addi %parallel_loop3A_439, %parallel_loop3A_440 : i32
        %parallel_loop3A_442 = arith.index_cast %parallel_loop3A_441 : i32 to index
        %parallel_loop3A_443 = arith.constant 0 : index
        %parallel_loop3A_444 = tpu.vector_load %arg13[%parallel_loop3A_442, %parallel_loop3A_443] {strides = array<i32>} : memref<128x64xf32, #tpu.memory_space<vmem>>, vector<16xf32>,
        %parallel_loop3A_445 = arith.mulf %parallel_loop3A_444, %parallel_loop3A_437 : vector<16xf32>
        %parallel_loop3A_446 = arith.index_cast %parallel_loop3A_441 : i32 to index
        %parallel_loop3A_447 = arith.constant 0 : index
        %parallel_loop3A_448 = tpu.vector_load %arg14[%parallel_loop3A_446, %parallel_loop3A_447] {strides = array<i32>} : memref<128x64xf32, #tpu.memory_space<vmem>>, vector<16xf32>,
        tpu.vector_store %arg14[%parallel_loop3A_446, %parallel_loop3A_447], %parallel_loop3A_445 {strides = array<i32>} : memref<128x64xf32, #tpu.memory_space<vmem>>, vector<16xf32>,
        %parallel_loop3A_449 = arith.index_cast %parallel_loop3A_441 : i32 to index
        %parallel_loop3A_450 = arith.constant 16 : index
        %parallel_loop3A_451 = tpu.vector_load %arg13[%parallel_loop3A_449, %parallel_loop3A_450] {strides = array<i32>} : memref<128x64xf32, #tpu.memory_space<vmem>>, vector<16xf32>,
        %parallel_loop3A_452 = arith.mulf %parallel_loop3A_451, %parallel_loop3A_437 : vector<16xf32>
        %parallel_loop3A_453 = arith.index_cast %parallel_loop3A_441 : i32 to index
        %parallel_loop3A_454 = arith.constant 16 : index
        %parallel_loop3A_455 = tpu.vector_load %arg14[%parallel_loop3A_453, %parallel_loop3A_454] {strides = array<i32>} : memref<128x64xf32, #tpu.memory_space<vmem>>, vector<16xf32>,
        tpu.vector_store %arg14[%parallel_loop3A_453, %parallel_loop3A_454], %parallel_loop3A_452 {strides = array<i32>} : memref<128x64xf32, #tpu.memory_space<vmem>>, vector<16xf32>,
        %parallel_loop3A_456 = arith.index_cast %parallel_loop3A_441 : i32 to index
        %parallel_loop3A_457 = arith.constant 32 : index
        %parallel_loop3A_458 = tpu.vector_load %arg13[%parallel_loop3A_456, %parallel_loop3A_457] {strides = array<i32>} : memref<128x64xf32, #tpu.memory_space<vmem>>, vector<16xf32>,
        %parallel_loop3A_459 = arith.mulf %parallel_loop3A_458, %parallel_loop3A_437 : vector<16xf32>
        %parallel_loop3A_460 = arith.index_cast %parallel_loop3A_441 : i32 to index
        %parallel_loop3A_461 = arith.constant 32 : index
        %parallel_loop3A_462 = tpu.vector_load %arg14[%parallel_loop3A_460, %parallel_loop3A_461] {strides = array<i32>} : memref<128x64xf32, #tpu.memory_space<vmem>>, vector<16xf32>,
        tpu.vector_store %arg14[%parallel_loop3A_460, %parallel_loop3A_461], %parallel_loop3A_459 {strides = array<i32>} : memref<128x64xf32, #tpu.memory_space<vmem>>, vector<16xf32>,
        %parallel_loop3A_463 = arith.index_cast %parallel_loop3A_441 : i32 to index
        %parallel_loop3A_464 = arith.constant 48 : index
        %parallel_loop3A_465 = tpu.vector_load %arg13[%parallel_loop3A_463, %parallel_loop3A_464] {strides = array<i32>} : memref<128x64xf32, #tpu.memory_space<vmem>>, vector<16xf32>,
        %parallel_loop3A_466 = arith.mulf %parallel_loop3A_465, %parallel_loop3A_437 : vector<16xf32>
        %parallel_loop3A_467 = arith.index_cast %parallel_loop3A_441 : i32 to index
        %parallel_loop3A_468 = arith.constant 48 : index
        %parallel_loop3A_469 = tpu.vector_load %arg14[%parallel_loop3A_467, %parallel_loop3A_468] {strides = array<i32>} : memref<128x64xf32, #tpu.memory_space<vmem>>, vector<16xf32>,
        tpu.vector_store %arg14[%parallel_loop3A_467, %parallel_loop3A_468], %parallel_loop3A_466 {strides = array<i32>} : memref<128x64xf32, #tpu.memory_space<vmem>>, vector<16xf32>,
        %parallel_loop3A_470 = arith.constant 8 : i32
        %parallel_loop3A_471 = vector.broadcast %parallel_loop3A_470 : i32 to vector<16xi32>
        %parallel_loop3A_472 = arith.addi %parallel_loop3A_181, %parallel_loop3A_471 : vector<16xi32>
        %parallel_loop3A_473 = tpu.vector_load_idx %arg10[%parallel_loop3A_472] : memref<8448xf32, #tpu.memory_space<vmem>>[vector<16xi32>], vector<16xf32>,
        %parallel_loop3A_474 = arith.constant 16 : i32
        %parallel_loop3A_475 = arith.muli %parallel_loop3A_177, %parallel_loop3A_474 : i32
        %parallel_loop3A_476 = arith.constant 8 : i32
        %parallel_loop3A_477 = arith.addi %parallel_loop3A_475, %parallel_loop3A_476 : i32
        %parallel_loop3A_478 = arith.index_cast %parallel_loop3A_477 : i32 to index
        %parallel_loop3A_479 = arith.constant 0 : index
        %parallel_loop3A_480 = tpu.vector_load %arg13[%parallel_loop3A_478, %parallel_loop3A_479] {strides = array<i32>} : memref<128x64xf32, #tpu.memory_space<vmem>>, vector<16xf32>,
        %parallel_loop3A_481 = arith.mulf %parallel_loop3A_480, %parallel_loop3A_473 : vector<16xf32>
        %parallel_loop3A_482 = arith.index_cast %parallel_loop3A_477 : i32 to index
        %parallel_loop3A_483 = arith.constant 0 : index
        %parallel_loop3A_484 = tpu.vector_load %arg14[%parallel_loop3A_482, %parallel_loop3A_483] {strides = array<i32>} : memref<128x64xf32, #tpu.memory_space<vmem>>, vector<16xf32>,
        tpu.vector_store %arg14[%parallel_loop3A_482, %parallel_loop3A_483], %parallel_loop3A_481 {strides = array<i32>} : memref<128x64xf32, #tpu.memory_space<vmem>>, vector<16xf32>,
        %parallel_loop3A_485 = arith.index_cast %parallel_loop3A_477 : i32 to index
        %parallel_loop3A_486 = arith.constant 16 : index
        %parallel_loop3A_487 = tpu.vector_load %arg13[%parallel_loop3A_485, %parallel_loop3A_486] {strides = array<i32>} : memref<128x64xf32, #tpu.memory_space<vmem>>, vector<16xf32>,
        %parallel_loop3A_488 = arith.mulf %parallel_loop3A_487, %parallel_loop3A_473 : vector<16xf32>
        %parallel_loop3A_489 = arith.index_cast %parallel_loop3A_477 : i32 to index
        %parallel_loop3A_490 = arith.constant 16 : index
        %parallel_loop3A_491 = tpu.vector_load %arg14[%parallel_loop3A_489, %parallel_loop3A_490] {strides = array<i32>} : memref<128x64xf32, #tpu.memory_space<vmem>>, vector<16xf32>,
        tpu.vector_store %arg14[%parallel_loop3A_489, %parallel_loop3A_490], %parallel_loop3A_488 {strides = array<i32>} : memref<128x64xf32, #tpu.memory_space<vmem>>, vector<16xf32>,
        %parallel_loop3A_492 = arith.index_cast %parallel_loop3A_477 : i32 to index
        %parallel_loop3A_493 = arith.constant 32 : index
        %parallel_loop3A_494 = tpu.vector_load %arg13[%parallel_loop3A_492, %parallel_loop3A_493] {strides = array<i32>} : memref<128x64xf32, #tpu.memory_space<vmem>>, vector<16xf32>,
        %parallel_loop3A_495 = arith.mulf %parallel_loop3A_494, %parallel_loop3A_473 : vector<16xf32>
        %parallel_loop3A_496 = arith.index_cast %parallel_loop3A_477 : i32 to index
        %parallel_loop3A_497 = arith.constant 32 : index
        %parallel_loop3A_498 = tpu.vector_load %arg14[%parallel_loop3A_496, %parallel_loop3A_497] {strides = array<i32>} : memref<128x64xf32, #tpu.memory_space<vmem>>, vector<16xf32>,
        tpu.vector_store %arg14[%parallel_loop3A_496, %parallel_loop3A_497], %parallel_loop3A_495 {strides = array<i32>} : memref<128x64xf32, #tpu.memory_space<vmem>>, vector<16xf32>,
        %parallel_loop3A_499 = arith.index_cast %parallel_loop3A_477 : i32 to index
        %parallel_loop3A_500 = arith.constant 48 : index
        %parallel_loop3A_501 = tpu.vector_load %arg13[%parallel_loop3A_499, %parallel_loop3A_500] {strides = array<i32>} : memref<128x64xf32, #tpu.memory_space<vmem>>, vector<16xf32>,
        %parallel_loop3A_502 = arith.mulf %parallel_loop3A_501, %parallel_loop3A_473 : vector<16xf32>
        %parallel_loop3A_503 = arith.index_cast %parallel_loop3A_477 : i32 to index
        %parallel_loop3A_504 = arith.constant 48 : index
        %parallel_loop3A_505 = tpu.vector_load %arg14[%parallel_loop3A_503, %parallel_loop3A_504] {strides = array<i32>} : memref<128x64xf32, #tpu.memory_space<vmem>>, vector<16xf32>,
        tpu.vector_store %arg14[%parallel_loop3A_503, %parallel_loop3A_504], %parallel_loop3A_502 {strides = array<i32>} : memref<128x64xf32, #tpu.memory_space<vmem>>, vector<16xf32>,
        %parallel_loop3A_506 = arith.constant 9 : i32
        %parallel_loop3A_507 = vector.broadcast %parallel_loop3A_506 : i32 to vector<16xi32>
        %parallel_loop3A_508 = arith.addi %parallel_loop3A_181, %parallel_loop3A_507 : vector<16xi32>
        %parallel_loop3A_509 = tpu.vector_load_idx %arg10[%parallel_loop3A_508] : memref<8448xf32, #tpu.memory_space<vmem>>[vector<16xi32>], vector<16xf32>,
        %parallel_loop3A_510 = arith.constant 16 : i32
        %parallel_loop3A_511 = arith.muli %parallel_loop3A_177, %parallel_loop3A_510 : i32
        %parallel_loop3A_512 = arith.constant 9 : i32
        %parallel_loop3A_513 = arith.addi %parallel_loop3A_511, %parallel_loop3A_512 : i32
        %parallel_loop3A_514 = arith.index_cast %parallel_loop3A_513 : i32 to index
        %parallel_loop3A_515 = arith.constant 0 : index
        %parallel_loop3A_516 = tpu.vector_load %arg13[%parallel_loop3A_514, %parallel_loop3A_515] {strides = array<i32>} : memref<128x64xf32, #tpu.memory_space<vmem>>, vector<16xf32>,
        %parallel_loop3A_517 = arith.mulf %parallel_loop3A_516, %parallel_loop3A_509 : vector<16xf32>
        %parallel_loop3A_518 = arith.index_cast %parallel_loop3A_513 : i32 to index
        %parallel_loop3A_519 = arith.constant 0 : index
        %parallel_loop3A_520 = tpu.vector_load %arg14[%parallel_loop3A_518, %parallel_loop3A_519] {strides = array<i32>} : memref<128x64xf32, #tpu.memory_space<vmem>>, vector<16xf32>,
        tpu.vector_store %arg14[%parallel_loop3A_518, %parallel_loop3A_519], %parallel_loop3A_517 {strides = array<i32>} : memref<128x64xf32, #tpu.memory_space<vmem>>, vector<16xf32>,
        %parallel_loop3A_521 = arith.index_cast %parallel_loop3A_513 : i32 to index
        %parallel_loop3A_522 = arith.constant 16 : index
        %parallel_loop3A_523 = tpu.vector_load %arg13[%parallel_loop3A_521, %parallel_loop3A_522] {strides = array<i32>} : memref<128x64xf32, #tpu.memory_space<vmem>>, vector<16xf32>,
        %parallel_loop3A_524 = arith.mulf %parallel_loop3A_523, %parallel_loop3A_509 : vector<16xf32>
        %parallel_loop3A_525 = arith.index_cast %parallel_loop3A_513 : i32 to index
        %parallel_loop3A_526 = arith.constant 16 : index
        %parallel_loop3A_527 = tpu.vector_load %arg14[%parallel_loop3A_525, %parallel_loop3A_526] {strides = array<i32>} : memref<128x64xf32, #tpu.memory_space<vmem>>, vector<16xf32>,
        tpu.vector_store %arg14[%parallel_loop3A_525, %parallel_loop3A_526], %parallel_loop3A_524 {strides = array<i32>} : memref<128x64xf32, #tpu.memory_space<vmem>>, vector<16xf32>,
        %parallel_loop3A_528 = arith.index_cast %parallel_loop3A_513 : i32 to index
        %parallel_loop3A_529 = arith.constant 32 : index
        %parallel_loop3A_530 = tpu.vector_load %arg13[%parallel_loop3A_528, %parallel_loop3A_529] {strides = array<i32>} : memref<128x64xf32, #tpu.memory_space<vmem>>, vector<16xf32>,
        %parallel_loop3A_531 = arith.mulf %parallel_loop3A_530, %parallel_loop3A_509 : vector<16xf32>
        %parallel_loop3A_532 = arith.index_cast %parallel_loop3A_513 : i32 to index
        %parallel_loop3A_533 = arith.constant 32 : index
        %parallel_loop3A_534 = tpu.vector_load %arg14[%parallel_loop3A_532, %parallel_loop3A_533] {strides = array<i32>} : memref<128x64xf32, #tpu.memory_space<vmem>>, vector<16xf32>,
        tpu.vector_store %arg14[%parallel_loop3A_532, %parallel_loop3A_533], %parallel_loop3A_531 {strides = array<i32>} : memref<128x64xf32, #tpu.memory_space<vmem>>, vector<16xf32>,
        %parallel_loop3A_535 = arith.index_cast %parallel_loop3A_513 : i32 to index
        %parallel_loop3A_536 = arith.constant 48 : index
        %parallel_loop3A_537 = tpu.vector_load %arg13[%parallel_loop3A_535, %parallel_loop3A_536] {strides = array<i32>} : memref<128x64xf32, #tpu.memory_space<vmem>>, vector<16xf32>,
        %parallel_loop3A_538 = arith.mulf %parallel_loop3A_537, %parallel_loop3A_509 : vector<16xf32>
        %parallel_loop3A_539 = arith.index_cast %parallel_loop3A_513 : i32 to index
        %parallel_loop3A_540 = arith.constant 48 : index
        %parallel_loop3A_541 = tpu.vector_load %arg14[%parallel_loop3A_539, %parallel_loop3A_540] {strides = array<i32>} : memref<128x64xf32, #tpu.memory_space<vmem>>, vector<16xf32>,
        tpu.vector_store %arg14[%parallel_loop3A_539, %parallel_loop3A_540], %parallel_loop3A_538 {strides = array<i32>} : memref<128x64xf32, #tpu.memory_space<vmem>>, vector<16xf32>,
        %parallel_loop3A_542 = arith.constant 10 : i32
        %parallel_loop3A_543 = vector.broadcast %parallel_loop3A_542 : i32 to vector<16xi32>
        %parallel_loop3A_544 = arith.addi %parallel_loop3A_181, %parallel_loop3A_543 : vector<16xi32>
        %parallel_loop3A_545 = tpu.vector_load_idx %arg10[%parallel_loop3A_544] : memref<8448xf32, #tpu.memory_space<vmem>>[vector<16xi32>], vector<16xf32>,
        %parallel_loop3A_546 = arith.constant 16 : i32
        %parallel_loop3A_547 = arith.muli %parallel_loop3A_177, %parallel_loop3A_546 : i32
        %parallel_loop3A_548 = arith.constant 10 : i32
        %parallel_loop3A_549 = arith.addi %parallel_loop3A_547, %parallel_loop3A_548 : i32
        %parallel_loop3A_550 = arith.index_cast %parallel_loop3A_549 : i32 to index
        %parallel_loop3A_551 = arith.constant 0 : index
        %parallel_loop3A_552 = tpu.vector_load %arg13[%parallel_loop3A_550, %parallel_loop3A_551] {strides = array<i32>} : memref<128x64xf32, #tpu.memory_space<vmem>>, vector<16xf32>,
        %parallel_loop3A_553 = arith.mulf %parallel_loop3A_552, %parallel_loop3A_545 : vector<16xf32>
        %parallel_loop3A_554 = arith.index_cast %parallel_loop3A_549 : i32 to index
        %parallel_loop3A_555 = arith.constant 0 : index
        %parallel_loop3A_556 = tpu.vector_load %arg14[%parallel_loop3A_554, %parallel_loop3A_555] {strides = array<i32>} : memref<128x64xf32, #tpu.memory_space<vmem>>, vector<16xf32>,
        tpu.vector_store %arg14[%parallel_loop3A_554, %parallel_loop3A_555], %parallel_loop3A_553 {strides = array<i32>} : memref<128x64xf32, #tpu.memory_space<vmem>>, vector<16xf32>,
        %parallel_loop3A_557 = arith.index_cast %parallel_loop3A_549 : i32 to index
        %parallel_loop3A_558 = arith.constant 16 : index
        %parallel_loop3A_559 = tpu.vector_load %arg13[%parallel_loop3A_557, %parallel_loop3A_558] {strides = array<i32>} : memref<128x64xf32, #tpu.memory_space<vmem>>, vector<16xf32>,
        %parallel_loop3A_560 = arith.mulf %parallel_loop3A_559, %parallel_loop3A_545 : vector<16xf32>
        %parallel_loop3A_561 = arith.index_cast %parallel_loop3A_549 : i32 to index
        %parallel_loop3A_562 = arith.constant 16 : index
        %parallel_loop3A_563 = tpu.vector_load %arg14[%parallel_loop3A_561, %parallel_loop3A_562] {strides = array<i32>} : memref<128x64xf32, #tpu.memory_space<vmem>>, vector<16xf32>,
        tpu.vector_store %arg14[%parallel_loop3A_561, %parallel_loop3A_562], %parallel_loop3A_560 {strides = array<i32>} : memref<128x64xf32, #tpu.memory_space<vmem>>, vector<16xf32>,
        %parallel_loop3A_564 = arith.index_cast %parallel_loop3A_549 : i32 to index
        %parallel_loop3A_565 = arith.constant 32 : index
        %parallel_loop3A_566 = tpu.vector_load %arg13[%parallel_loop3A_564, %parallel_loop3A_565] {strides = array<i32>} : memref<128x64xf32, #tpu.memory_space<vmem>>, vector<16xf32>,
        %parallel_loop3A_567 = arith.mulf %parallel_loop3A_566, %parallel_loop3A_545 : vector<16xf32>
        %parallel_loop3A_568 = arith.index_cast %parallel_loop3A_549 : i32 to index
        %parallel_loop3A_569 = arith.constant 32 : index
        %parallel_loop3A_570 = tpu.vector_load %arg14[%parallel_loop3A_568, %parallel_loop3A_569] {strides = array<i32>} : memref<128x64xf32, #tpu.memory_space<vmem>>, vector<16xf32>,
        tpu.vector_store %arg14[%parallel_loop3A_568, %parallel_loop3A_569], %parallel_loop3A_567 {strides = array<i32>} : memref<128x64xf32, #tpu.memory_space<vmem>>, vector<16xf32>,
        %parallel_loop3A_571 = arith.index_cast %parallel_loop3A_549 : i32 to index
        %parallel_loop3A_572 = arith.constant 48 : index
        %parallel_loop3A_573 = tpu.vector_load %arg13[%parallel_loop3A_571, %parallel_loop3A_572] {strides = array<i32>} : memref<128x64xf32, #tpu.memory_space<vmem>>, vector<16xf32>,
        %parallel_loop3A_574 = arith.mulf %parallel_loop3A_573, %parallel_loop3A_545 : vector<16xf32>
        %parallel_loop3A_575 = arith.index_cast %parallel_loop3A_549 : i32 to index
        %parallel_loop3A_576 = arith.constant 48 : index
        %parallel_loop3A_577 = tpu.vector_load %arg14[%parallel_loop3A_575, %parallel_loop3A_576] {strides = array<i32>} : memref<128x64xf32, #tpu.memory_space<vmem>>, vector<16xf32>,
        tpu.vector_store %arg14[%parallel_loop3A_575, %parallel_loop3A_576], %parallel_loop3A_574 {strides = array<i32>} : memref<128x64xf32, #tpu.memory_space<vmem>>, vector<16xf32>,
        %parallel_loop3A_578 = arith.constant 11 : i32
        %parallel_loop3A_579 = vector.broadcast %parallel_loop3A_578 : i32 to vector<16xi32>
        %parallel_loop3A_580 = arith.addi %parallel_loop3A_181, %parallel_loop3A_579 : vector<16xi32>
        %parallel_loop3A_581 = tpu.vector_load_idx %arg10[%parallel_loop3A_580] : memref<8448xf32, #tpu.memory_space<vmem>>[vector<16xi32>], vector<16xf32>,
        %parallel_loop3A_582 = arith.constant 16 : i32
        %parallel_loop3A_583 = arith.muli %parallel_loop3A_177, %parallel_loop3A_582 : i32
        %parallel_loop3A_584 = arith.constant 11 : i32
        %parallel_loop3A_585 = arith.addi %parallel_loop3A_583, %parallel_loop3A_584 : i32
        %parallel_loop3A_586 = arith.index_cast %parallel_loop3A_585 : i32 to index
        %parallel_loop3A_587 = arith.constant 0 : index
        %parallel_loop3A_588 = tpu.vector_load %arg13[%parallel_loop3A_586, %parallel_loop3A_587] {strides = array<i32>} : memref<128x64xf32, #tpu.memory_space<vmem>>, vector<16xf32>,
        %parallel_loop3A_589 = arith.mulf %parallel_loop3A_588, %parallel_loop3A_581 : vector<16xf32>
        %parallel_loop3A_590 = arith.index_cast %parallel_loop3A_585 : i32 to index
        %parallel_loop3A_591 = arith.constant 0 : index
        %parallel_loop3A_592 = tpu.vector_load %arg14[%parallel_loop3A_590, %parallel_loop3A_591] {strides = array<i32>} : memref<128x64xf32, #tpu.memory_space<vmem>>, vector<16xf32>,
        tpu.vector_store %arg14[%parallel_loop3A_590, %parallel_loop3A_591], %parallel_loop3A_589 {strides = array<i32>} : memref<128x64xf32, #tpu.memory_space<vmem>>, vector<16xf32>,
        %parallel_loop3A_593 = arith.index_cast %parallel_loop3A_585 : i32 to index
        %parallel_loop3A_594 = arith.constant 16 : index
        %parallel_loop3A_595 = tpu.vector_load %arg13[%parallel_loop3A_593, %parallel_loop3A_594] {strides = array<i32>} : memref<128x64xf32, #tpu.memory_space<vmem>>, vector<16xf32>,
        %parallel_loop3A_596 = arith.mulf %parallel_loop3A_595, %parallel_loop3A_581 : vector<16xf32>
        %parallel_loop3A_597 = arith.index_cast %parallel_loop3A_585 : i32 to index
        %parallel_loop3A_598 = arith.constant 16 : index
        %parallel_loop3A_599 = tpu.vector_load %arg14[%parallel_loop3A_597, %parallel_loop3A_598] {strides = array<i32>} : memref<128x64xf32, #tpu.memory_space<vmem>>, vector<16xf32>,
        tpu.vector_store %arg14[%parallel_loop3A_597, %parallel_loop3A_598], %parallel_loop3A_596 {strides = array<i32>} : memref<128x64xf32, #tpu.memory_space<vmem>>, vector<16xf32>,
        %parallel_loop3A_600 = arith.index_cast %parallel_loop3A_585 : i32 to index
        %parallel_loop3A_601 = arith.constant 32 : index
        %parallel_loop3A_602 = tpu.vector_load %arg13[%parallel_loop3A_600, %parallel_loop3A_601] {strides = array<i32>} : memref<128x64xf32, #tpu.memory_space<vmem>>, vector<16xf32>,
        %parallel_loop3A_603 = arith.mulf %parallel_loop3A_602, %parallel_loop3A_581 : vector<16xf32>
        %parallel_loop3A_604 = arith.index_cast %parallel_loop3A_585 : i32 to index
        %parallel_loop3A_605 = arith.constant 32 : index
        %parallel_loop3A_606 = tpu.vector_load %arg14[%parallel_loop3A_604, %parallel_loop3A_605] {strides = array<i32>} : memref<128x64xf32, #tpu.memory_space<vmem>>, vector<16xf32>,
        tpu.vector_store %arg14[%parallel_loop3A_604, %parallel_loop3A_605], %parallel_loop3A_603 {strides = array<i32>} : memref<128x64xf32, #tpu.memory_space<vmem>>, vector<16xf32>,
        %parallel_loop3A_607 = arith.index_cast %parallel_loop3A_585 : i32 to index
        %parallel_loop3A_608 = arith.constant 48 : index
        %parallel_loop3A_609 = tpu.vector_load %arg13[%parallel_loop3A_607, %parallel_loop3A_608] {strides = array<i32>} : memref<128x64xf32, #tpu.memory_space<vmem>>, vector<16xf32>,
        %parallel_loop3A_610 = arith.mulf %parallel_loop3A_609, %parallel_loop3A_581 : vector<16xf32>
        %parallel_loop3A_611 = arith.index_cast %parallel_loop3A_585 : i32 to index
        %parallel_loop3A_612 = arith.constant 48 : index
        %parallel_loop3A_613 = tpu.vector_load %arg14[%parallel_loop3A_611, %parallel_loop3A_612] {strides = array<i32>} : memref<128x64xf32, #tpu.memory_space<vmem>>, vector<16xf32>,
        tpu.vector_store %arg14[%parallel_loop3A_611, %parallel_loop3A_612], %parallel_loop3A_610 {strides = array<i32>} : memref<128x64xf32, #tpu.memory_space<vmem>>, vector<16xf32>,
        %parallel_loop3A_614 = arith.constant 12 : i32
        %parallel_loop3A_615 = vector.broadcast %parallel_loop3A_614 : i32 to vector<16xi32>
        %parallel_loop3A_616 = arith.addi %parallel_loop3A_181, %parallel_loop3A_615 : vector<16xi32>
        %parallel_loop3A_617 = tpu.vector_load_idx %arg10[%parallel_loop3A_616] : memref<8448xf32, #tpu.memory_space<vmem>>[vector<16xi32>], vector<16xf32>,
        %parallel_loop3A_618 = arith.constant 16 : i32
        %parallel_loop3A_619 = arith.muli %parallel_loop3A_177, %parallel_loop3A_618 : i32
        %parallel_loop3A_620 = arith.constant 12 : i32
        %parallel_loop3A_621 = arith.addi %parallel_loop3A_619, %parallel_loop3A_620 : i32
        %parallel_loop3A_622 = arith.index_cast %parallel_loop3A_621 : i32 to index
        %parallel_loop3A_623 = arith.constant 0 : index
        %parallel_loop3A_624 = tpu.vector_load %arg13[%parallel_loop3A_622, %parallel_loop3A_623] {strides = array<i32>} : memref<128x64xf32, #tpu.memory_space<vmem>>, vector<16xf32>,
        %parallel_loop3A_625 = arith.mulf %parallel_loop3A_624, %parallel_loop3A_617 : vector<16xf32>
        %parallel_loop3A_626 = arith.index_cast %parallel_loop3A_621 : i32 to index
        %parallel_loop3A_627 = arith.constant 0 : index
        %parallel_loop3A_628 = tpu.vector_load %arg14[%parallel_loop3A_626, %parallel_loop3A_627] {strides = array<i32>} : memref<128x64xf32, #tpu.memory_space<vmem>>, vector<16xf32>,
        tpu.vector_store %arg14[%parallel_loop3A_626, %parallel_loop3A_627], %parallel_loop3A_625 {strides = array<i32>} : memref<128x64xf32, #tpu.memory_space<vmem>>, vector<16xf32>,
        %parallel_loop3A_629 = arith.index_cast %parallel_loop3A_621 : i32 to index
        %parallel_loop3A_630 = arith.constant 16 : index
        %parallel_loop3A_631 = tpu.vector_load %arg13[%parallel_loop3A_629, %parallel_loop3A_630] {strides = array<i32>} : memref<128x64xf32, #tpu.memory_space<vmem>>, vector<16xf32>,
        %parallel_loop3A_632 = arith.mulf %parallel_loop3A_631, %parallel_loop3A_617 : vector<16xf32>
        %parallel_loop3A_633 = arith.index_cast %parallel_loop3A_621 : i32 to index
        %parallel_loop3A_634 = arith.constant 16 : index
        %parallel_loop3A_635 = tpu.vector_load %arg14[%parallel_loop3A_633, %parallel_loop3A_634] {strides = array<i32>} : memref<128x64xf32, #tpu.memory_space<vmem>>, vector<16xf32>,
        tpu.vector_store %arg14[%parallel_loop3A_633, %parallel_loop3A_634], %parallel_loop3A_632 {strides = array<i32>} : memref<128x64xf32, #tpu.memory_space<vmem>>, vector<16xf32>,
        %parallel_loop3A_636 = arith.index_cast %parallel_loop3A_621 : i32 to index
        %parallel_loop3A_637 = arith.constant 32 : index
        %parallel_loop3A_638 = tpu.vector_load %arg13[%parallel_loop3A_636, %parallel_loop3A_637] {strides = array<i32>} : memref<128x64xf32, #tpu.memory_space<vmem>>, vector<16xf32>,
        %parallel_loop3A_639 = arith.mulf %parallel_loop3A_638, %parallel_loop3A_617 : vector<16xf32>
        %parallel_loop3A_640 = arith.index_cast %parallel_loop3A_621 : i32 to index
        %parallel_loop3A_641 = arith.constant 32 : index
        %parallel_loop3A_642 = tpu.vector_load %arg14[%parallel_loop3A_640, %parallel_loop3A_641] {strides = array<i32>} : memref<128x64xf32, #tpu.memory_space<vmem>>, vector<16xf32>,
        tpu.vector_store %arg14[%parallel_loop3A_640, %parallel_loop3A_641], %parallel_loop3A_639 {strides = array<i32>} : memref<128x64xf32, #tpu.memory_space<vmem>>, vector<16xf32>,
        %parallel_loop3A_643 = arith.index_cast %parallel_loop3A_621 : i32 to index
        %parallel_loop3A_644 = arith.constant 48 : index
        %parallel_loop3A_645 = tpu.vector_load %arg13[%parallel_loop3A_643, %parallel_loop3A_644] {strides = array<i32>} : memref<128x64xf32, #tpu.memory_space<vmem>>, vector<16xf32>,
        %parallel_loop3A_646 = arith.mulf %parallel_loop3A_645, %parallel_loop3A_617 : vector<16xf32>
        %parallel_loop3A_647 = arith.index_cast %parallel_loop3A_621 : i32 to index
        %parallel_loop3A_648 = arith.constant 48 : index
        %parallel_loop3A_649 = tpu.vector_load %arg14[%parallel_loop3A_647, %parallel_loop3A_648] {strides = array<i32>} : memref<128x64xf32, #tpu.memory_space<vmem>>, vector<16xf32>,
        tpu.vector_store %arg14[%parallel_loop3A_647, %parallel_loop3A_648], %parallel_loop3A_646 {strides = array<i32>} : memref<128x64xf32, #tpu.memory_space<vmem>>, vector<16xf32>,
        %parallel_loop3A_650 = arith.constant 13 : i32
        %parallel_loop3A_651 = vector.broadcast %parallel_loop3A_650 : i32 to vector<16xi32>
        %parallel_loop3A_652 = arith.addi %parallel_loop3A_181, %parallel_loop3A_651 : vector<16xi32>
        %parallel_loop3A_653 = tpu.vector_load_idx %arg10[%parallel_loop3A_652] : memref<8448xf32, #tpu.memory_space<vmem>>[vector<16xi32>], vector<16xf32>,
        %parallel_loop3A_654 = arith.constant 16 : i32
        %parallel_loop3A_655 = arith.muli %parallel_loop3A_177, %parallel_loop3A_654 : i32
        %parallel_loop3A_656 = arith.constant 13 : i32
        %parallel_loop3A_657 = arith.addi %parallel_loop3A_655, %parallel_loop3A_656 : i32
        %parallel_loop3A_658 = arith.index_cast %parallel_loop3A_657 : i32 to index
        %parallel_loop3A_659 = arith.constant 0 : index
        %parallel_loop3A_660 = tpu.vector_load %arg13[%parallel_loop3A_658, %parallel_loop3A_659] {strides = array<i32>} : memref<128x64xf32, #tpu.memory_space<vmem>>, vector<16xf32>,
        %parallel_loop3A_661 = arith.mulf %parallel_loop3A_660, %parallel_loop3A_653 : vector<16xf32>
        %parallel_loop3A_662 = arith.index_cast %parallel_loop3A_657 : i32 to index
        %parallel_loop3A_663 = arith.constant 0 : index
        %parallel_loop3A_664 = tpu.vector_load %arg14[%parallel_loop3A_662, %parallel_loop3A_663] {strides = array<i32>} : memref<128x64xf32, #tpu.memory_space<vmem>>, vector<16xf32>,
        tpu.vector_store %arg14[%parallel_loop3A_662, %parallel_loop3A_663], %parallel_loop3A_661 {strides = array<i32>} : memref<128x64xf32, #tpu.memory_space<vmem>>, vector<16xf32>,
        %parallel_loop3A_665 = arith.index_cast %parallel_loop3A_657 : i32 to index
        %parallel_loop3A_666 = arith.constant 16 : index
        %parallel_loop3A_667 = tpu.vector_load %arg13[%parallel_loop3A_665, %parallel_loop3A_666] {strides = array<i32>} : memref<128x64xf32, #tpu.memory_space<vmem>>, vector<16xf32>,
        %parallel_loop3A_668 = arith.mulf %parallel_loop3A_667, %parallel_loop3A_653 : vector<16xf32>
        %parallel_loop3A_669 = arith.index_cast %parallel_loop3A_657 : i32 to index
        %parallel_loop3A_670 = arith.constant 16 : index
        %parallel_loop3A_671 = tpu.vector_load %arg14[%parallel_loop3A_669, %parallel_loop3A_670] {strides = array<i32>} : memref<128x64xf32, #tpu.memory_space<vmem>>, vector<16xf32>,
        tpu.vector_store %arg14[%parallel_loop3A_669, %parallel_loop3A_670], %parallel_loop3A_668 {strides = array<i32>} : memref<128x64xf32, #tpu.memory_space<vmem>>, vector<16xf32>,
        %parallel_loop3A_672 = arith.index_cast %parallel_loop3A_657 : i32 to index
        %parallel_loop3A_673 = arith.constant 32 : index
        %parallel_loop3A_674 = tpu.vector_load %arg13[%parallel_loop3A_672, %parallel_loop3A_673] {strides = array<i32>} : memref<128x64xf32, #tpu.memory_space<vmem>>, vector<16xf32>,
        %parallel_loop3A_675 = arith.mulf %parallel_loop3A_674, %parallel_loop3A_653 : vector<16xf32>
        %parallel_loop3A_676 = arith.index_cast %parallel_loop3A_657 : i32 to index
        %parallel_loop3A_677 = arith.constant 32 : index
        %parallel_loop3A_678 = tpu.vector_load %arg14[%parallel_loop3A_676, %parallel_loop3A_677] {strides = array<i32>} : memref<128x64xf32, #tpu.memory_space<vmem>>, vector<16xf32>,
        tpu.vector_store %arg14[%parallel_loop3A_676, %parallel_loop3A_677], %parallel_loop3A_675 {strides = array<i32>} : memref<128x64xf32, #tpu.memory_space<vmem>>, vector<16xf32>,
        %parallel_loop3A_679 = arith.index_cast %parallel_loop3A_657 : i32 to index
        %parallel_loop3A_680 = arith.constant 48 : index
        %parallel_loop3A_681 = tpu.vector_load %arg13[%parallel_loop3A_679, %parallel_loop3A_680] {strides = array<i32>} : memref<128x64xf32, #tpu.memory_space<vmem>>, vector<16xf32>,
        %parallel_loop3A_682 = arith.mulf %parallel_loop3A_681, %parallel_loop3A_653 : vector<16xf32>
        %parallel_loop3A_683 = arith.index_cast %parallel_loop3A_657 : i32 to index
        %parallel_loop3A_684 = arith.constant 48 : index
        %parallel_loop3A_685 = tpu.vector_load %arg14[%parallel_loop3A_683, %parallel_loop3A_684] {strides = array<i32>} : memref<128x64xf32, #tpu.memory_space<vmem>>, vector<16xf32>,
        tpu.vector_store %arg14[%parallel_loop3A_683, %parallel_loop3A_684], %parallel_loop3A_682 {strides = array<i32>} : memref<128x64xf32, #tpu.memory_space<vmem>>, vector<16xf32>,
        %parallel_loop3A_686 = arith.constant 14 : i32
        %parallel_loop3A_687 = vector.broadcast %parallel_loop3A_686 : i32 to vector<16xi32>
        %parallel_loop3A_688 = arith.addi %parallel_loop3A_181, %parallel_loop3A_687 : vector<16xi32>
        %parallel_loop3A_689 = tpu.vector_load_idx %arg10[%parallel_loop3A_688] : memref<8448xf32, #tpu.memory_space<vmem>>[vector<16xi32>], vector<16xf32>,
        %parallel_loop3A_690 = arith.constant 16 : i32
        %parallel_loop3A_691 = arith.muli %parallel_loop3A_177, %parallel_loop3A_690 : i32
        %parallel_loop3A_692 = arith.constant 14 : i32
        %parallel_loop3A_693 = arith.addi %parallel_loop3A_691, %parallel_loop3A_692 : i32
        %parallel_loop3A_694 = arith.index_cast %parallel_loop3A_693 : i32 to index
        %parallel_loop3A_695 = arith.constant 0 : index
        %parallel_loop3A_696 = tpu.vector_load %arg13[%parallel_loop3A_694, %parallel_loop3A_695] {strides = array<i32>} : memref<128x64xf32, #tpu.memory_space<vmem>>, vector<16xf32>,
        %parallel_loop3A_697 = arith.mulf %parallel_loop3A_696, %parallel_loop3A_689 : vector<16xf32>
        %parallel_loop3A_698 = arith.index_cast %parallel_loop3A_693 : i32 to index
        %parallel_loop3A_699 = arith.constant 0 : index
        %parallel_loop3A_700 = tpu.vector_load %arg14[%parallel_loop3A_698, %parallel_loop3A_699] {strides = array<i32>} : memref<128x64xf32, #tpu.memory_space<vmem>>, vector<16xf32>,
        tpu.vector_store %arg14[%parallel_loop3A_698, %parallel_loop3A_699], %parallel_loop3A_697 {strides = array<i32>} : memref<128x64xf32, #tpu.memory_space<vmem>>, vector<16xf32>,
        %parallel_loop3A_701 = arith.index_cast %parallel_loop3A_693 : i32 to index
        %parallel_loop3A_702 = arith.constant 16 : index
        %parallel_loop3A_703 = tpu.vector_load %arg13[%parallel_loop3A_701, %parallel_loop3A_702] {strides = array<i32>} : memref<128x64xf32, #tpu.memory_space<vmem>>, vector<16xf32>,
        %parallel_loop3A_704 = arith.mulf %parallel_loop3A_703, %parallel_loop3A_689 : vector<16xf32>
        %parallel_loop3A_705 = arith.index_cast %parallel_loop3A_693 : i32 to index
        %parallel_loop3A_706 = arith.constant 16 : index
        %parallel_loop3A_707 = tpu.vector_load %arg14[%parallel_loop3A_705, %parallel_loop3A_706] {strides = array<i32>} : memref<128x64xf32, #tpu.memory_space<vmem>>, vector<16xf32>,
        tpu.vector_store %arg14[%parallel_loop3A_705, %parallel_loop3A_706], %parallel_loop3A_704 {strides = array<i32>} : memref<128x64xf32, #tpu.memory_space<vmem>>, vector<16xf32>,
        %parallel_loop3A_708 = arith.index_cast %parallel_loop3A_693 : i32 to index
        %parallel_loop3A_709 = arith.constant 32 : index
        %parallel_loop3A_710 = tpu.vector_load %arg13[%parallel_loop3A_708, %parallel_loop3A_709] {strides = array<i32>} : memref<128x64xf32, #tpu.memory_space<vmem>>, vector<16xf32>,
        %parallel_loop3A_711 = arith.mulf %parallel_loop3A_710, %parallel_loop3A_689 : vector<16xf32>
        %parallel_loop3A_712 = arith.index_cast %parallel_loop3A_693 : i32 to index
        %parallel_loop3A_713 = arith.constant 32 : index
        %parallel_loop3A_714 = tpu.vector_load %arg14[%parallel_loop3A_712, %parallel_loop3A_713] {strides = array<i32>} : memref<128x64xf32, #tpu.memory_space<vmem>>, vector<16xf32>,
        tpu.vector_store %arg14[%parallel_loop3A_712, %parallel_loop3A_713], %parallel_loop3A_711 {strides = array<i32>} : memref<128x64xf32, #tpu.memory_space<vmem>>, vector<16xf32>,
        %parallel_loop3A_715 = arith.index_cast %parallel_loop3A_693 : i32 to index
        %parallel_loop3A_716 = arith.constant 48 : index
        %parallel_loop3A_717 = tpu.vector_load %arg13[%parallel_loop3A_715, %parallel_loop3A_716] {strides = array<i32>} : memref<128x64xf32, #tpu.memory_space<vmem>>, vector<16xf32>,
        %parallel_loop3A_718 = arith.mulf %parallel_loop3A_717, %parallel_loop3A_689 : vector<16xf32>
        %parallel_loop3A_719 = arith.index_cast %parallel_loop3A_693 : i32 to index
        %parallel_loop3A_720 = arith.constant 48 : index
        %parallel_loop3A_721 = tpu.vector_load %arg14[%parallel_loop3A_719, %parallel_loop3A_720] {strides = array<i32>} : memref<128x64xf32, #tpu.memory_space<vmem>>, vector<16xf32>,
        tpu.vector_store %arg14[%parallel_loop3A_719, %parallel_loop3A_720], %parallel_loop3A_718 {strides = array<i32>} : memref<128x64xf32, #tpu.memory_space<vmem>>, vector<16xf32>,
        %parallel_loop3A_722 = arith.constant 15 : i32
        %parallel_loop3A_723 = vector.broadcast %parallel_loop3A_722 : i32 to vector<16xi32>
        %parallel_loop3A_724 = arith.addi %parallel_loop3A_181, %parallel_loop3A_723 : vector<16xi32>
        %parallel_loop3A_725 = tpu.vector_load_idx %arg10[%parallel_loop3A_724] : memref<8448xf32, #tpu.memory_space<vmem>>[vector<16xi32>], vector<16xf32>,
        %parallel_loop3A_726 = arith.constant 16 : i32
        %parallel_loop3A_727 = arith.muli %parallel_loop3A_177, %parallel_loop3A_726 : i32
        %parallel_loop3A_728 = arith.constant 15 : i32
        %parallel_loop3A_729 = arith.addi %parallel_loop3A_727, %parallel_loop3A_728 : i32
        %parallel_loop3A_730 = arith.index_cast %parallel_loop3A_729 : i32 to index
        %parallel_loop3A_731 = arith.constant 0 : index
        %parallel_loop3A_732 = tpu.vector_load %arg13[%parallel_loop3A_730, %parallel_loop3A_731] {strides = array<i32>} : memref<128x64xf32, #tpu.memory_space<vmem>>, vector<16xf32>,
        %parallel_loop3A_733 = arith.mulf %parallel_loop3A_732, %parallel_loop3A_725 : vector<16xf32>
        %parallel_loop3A_734 = arith.index_cast %parallel_loop3A_729 : i32 to index
        %parallel_loop3A_735 = arith.constant 0 : index
        %parallel_loop3A_736 = tpu.vector_load %arg14[%parallel_loop3A_734, %parallel_loop3A_735] {strides = array<i32>} : memref<128x64xf32, #tpu.memory_space<vmem>>, vector<16xf32>,
        tpu.vector_store %arg14[%parallel_loop3A_734, %parallel_loop3A_735], %parallel_loop3A_733 {strides = array<i32>} : memref<128x64xf32, #tpu.memory_space<vmem>>, vector<16xf32>,
        %parallel_loop3A_737 = arith.index_cast %parallel_loop3A_729 : i32 to index
        %parallel_loop3A_738 = arith.constant 16 : index
        %parallel_loop3A_739 = tpu.vector_load %arg13[%parallel_loop3A_737, %parallel_loop3A_738] {strides = array<i32>} : memref<128x64xf32, #tpu.memory_space<vmem>>, vector<16xf32>,
        %parallel_loop3A_740 = arith.mulf %parallel_loop3A_739, %parallel_loop3A_725 : vector<16xf32>
        %parallel_loop3A_741 = arith.index_cast %parallel_loop3A_729 : i32 to index
        %parallel_loop3A_742 = arith.constant 16 : index
        %parallel_loop3A_743 = tpu.vector_load %arg14[%parallel_loop3A_741, %parallel_loop3A_742] {strides = array<i32>} : memref<128x64xf32, #tpu.memory_space<vmem>>, vector<16xf32>,
        tpu.vector_store %arg14[%parallel_loop3A_741, %parallel_loop3A_742], %parallel_loop3A_740 {strides = array<i32>} : memref<128x64xf32, #tpu.memory_space<vmem>>, vector<16xf32>,
        %parallel_loop3A_744 = arith.index_cast %parallel_loop3A_729 : i32 to index
        %parallel_loop3A_745 = arith.constant 32 : index
        %parallel_loop3A_746 = tpu.vector_load %arg13[%parallel_loop3A_744, %parallel_loop3A_745] {strides = array<i32>} : memref<128x64xf32, #tpu.memory_space<vmem>>, vector<16xf32>,
        %parallel_loop3A_747 = arith.mulf %parallel_loop3A_746, %parallel_loop3A_725 : vector<16xf32>
        %parallel_loop3A_748 = arith.index_cast %parallel_loop3A_729 : i32 to index
        %parallel_loop3A_749 = arith.constant 32 : index
        %parallel_loop3A_750 = tpu.vector_load %arg14[%parallel_loop3A_748, %parallel_loop3A_749] {strides = array<i32>} : memref<128x64xf32, #tpu.memory_space<vmem>>, vector<16xf32>,
        tpu.vector_store %arg14[%parallel_loop3A_748, %parallel_loop3A_749], %parallel_loop3A_747 {strides = array<i32>} : memref<128x64xf32, #tpu.memory_space<vmem>>, vector<16xf32>,
        %parallel_loop3A_751 = arith.index_cast %parallel_loop3A_729 : i32 to index
        %parallel_loop3A_752 = arith.constant 48 : index
        %parallel_loop3A_753 = tpu.vector_load %arg13[%parallel_loop3A_751, %parallel_loop3A_752] {strides = array<i32>} : memref<128x64xf32, #tpu.memory_space<vmem>>, vector<16xf32>,
        %parallel_loop3A_754 = arith.mulf %parallel_loop3A_753, %parallel_loop3A_725 : vector<16xf32>
        %parallel_loop3A_755 = arith.index_cast %parallel_loop3A_729 : i32 to index
        %parallel_loop3A_756 = arith.constant 48 : index
        %parallel_loop3A_757 = tpu.vector_load %arg14[%parallel_loop3A_755, %parallel_loop3A_756] {strides = array<i32>} : memref<128x64xf32, #tpu.memory_space<vmem>>, vector<16xf32>,
        tpu.vector_store %arg14[%parallel_loop3A_755, %parallel_loop3A_756], %parallel_loop3A_754 {strides = array<i32>} : memref<128x64xf32, #tpu.memory_space<vmem>>, vector<16xf32>,
      } {sc.loop_unroll_factor = 4 : i64, sc.parallel_access}
      %dma_start3A_157 = arith.constant 0 : i32
      %dma_start3A_158 = tpu.memref_slice %arg9[%add3A_143, %dma_start3A_157] : memref<66x128xi32, #tpu.memory_space<vmem>> -> memref<1x128xi32, #tpu.memory_space<vmem>>
      %dma_start3A_159 = tpu.memref_squeeze %dma_start3A_158 : memref<1x128xi32, #tpu.memory_space<vmem>> -> memref<128xi32, #tpu.memory_space<vmem>>
      %dma_start3A_160 = arith.constant 0 : i32
      %dma_start3A_161 = arith.constant 0 : i32
      %dma_start3A_162 = tpu.memref_slice %arg7[%dma_start3A_160, %dma_start3A_161] : memref<16384x64xf32, #tpu.memory_space<vmem_shared>> -> memref<16384x64xf32, #tpu.memory_space<vmem_shared>>
      tpu.enqueue_indirect_dma source(%arg14 : memref<128x64xf32, #tpu.memory_space<vmem>>) target(%dma_start3A_162 : memref<16384x64xf32, #tpu.memory_space<vmem_shared>>) offsets(%dma_start3A_159 : memref<128xi32, #tpu.memory_space<vmem>>) semaphore(%arg18 : memref<!tpu.dma_semaphore, #tpu.memory_space<semaphore_mem>>) {add = true}
      %dma_wait3A_163 = arith.constant 0 : i32
      %dma_wait3A_164 = arith.constant 0 : i32
      %dma_wait3A_165 = tpu.memref_slice %arg9[%dma_wait3A_163, %dma_wait3A_164] : memref<66x128xi32, #tpu.memory_space<vmem>> -> memref<1x128xi32, #tpu.memory_space<vmem>>
      %dma_wait3A_166 = tpu.memref_squeeze %dma_wait3A_165 : memref<1x128xi32, #tpu.memory_space<vmem>> -> memref<128xi32, #tpu.memory_space<vmem>>
      %dma_wait3A_167 = arith.constant 0 : i32
      %dma_wait3A_168 = arith.constant 0 : i32
      %dma_wait3A_169 = tpu.memref_slice %arg7[%dma_wait3A_167, %dma_wait3A_168] : memref<16384x64xf32, #tpu.memory_space<vmem_shared>> -> memref<16384x64xf32, #tpu.memory_space<vmem_shared>>
      tpu.wait_indirect_dma semaphore(%arg18 : memref<!tpu.dma_semaphore, #tpu.memory_space<semaphore_mem>>) src(%arg14 : memref<128x64xf32, #tpu.memory_space<vmem>>) dst(%dma_wait3A_169 : memref<16384x64xf32, #tpu.memory_space<vmem_shared>>)
      %add3A_170 = arith.constant 3 : i32
      %add3A_171 = arith.addi %add3A_143, %add3A_170 : i32
      %lt3A_172 = arith.constant 66 : i32
      %lt3A_173 = arith.cmpi slt, %add3A_171, %lt3A_172 : i32
      %convert_element_type3A_174 = arith.extui %lt3A_173 : i1 to i32
      %cond3A_175 = arith.constant 0 : i32
      %cond3A_176 = arith.cmpi ne, %convert_element_type3A_174, %cond3A_175 : i32
      scf.if %cond3A_176 {
        %add3A_177 = arith.constant 3 : i32
        %add3A_178 = arith.addi %add3A_143, %add3A_177 : i32
        %dma_start3A_179 = arith.constant 0 : i32
        %dma_start3A_180 = tpu.memref_slice %arg8[%add3A_178, %dma_start3A_179] : memref<66x128xi32, #tpu.memory_space<vmem>> -> memref<1x128xi32, #tpu.memory_space<vmem>>
        %dma_start3A_181 = tpu.memref_squeeze %dma_start3A_180 : memref<1x128xi32, #tpu.memory_space<vmem>> -> memref<128xi32, #tpu.memory_space<vmem>>
        %dma_start3A_182 = arith.constant 0 : i32
        %dma_start3A_183 = arith.constant 0 : i32
        %dma_start3A_184 = tpu.memref_slice %arg2[%dma_start3A_182, %dma_start3A_183] : memref<16384x64xf32, #tpu.memory_space<hbm>> -> memref<16384x64xf32, #tpu.memory_space<hbm>>
        tpu.enqueue_indirect_dma source(%dma_start3A_184 : memref<16384x64xf32, #tpu.memory_space<hbm>>) target(%arg13 : memref<128x64xf32, #tpu.memory_space<vmem>>) offsets(%dma_start3A_181 : memref<128xi32, #tpu.memory_space<vmem>>) semaphore(%arg17 : memref<!tpu.dma_semaphore, #tpu.memory_space<semaphore_mem>>)
      } else {
      }
    }
    %scan3A_64 = arith.constant 22 : i32
    %barrier3A_65 = arith.constant 0 : index
    tpu.barrier barrier_id(%barrier3A_65)
    %mul3A_66 = arith.constant 1024 : i32
    %mul3A_67 = arith.muli %arg1, %mul3A_66 : i32
    %mul3A_68 = arith.constant 1024 : i32
    %mul3A_69 = arith.muli %arg1, %mul3A_68 : i32
    "tpu.region"() ({
      %run_scoped3A = tpu.sem_alloc : memref<!tpu.dma_semaphore, #tpu.memory_space<semaphore_mem>>
      %dma_start3A_70 = arith.constant 0 : i32
      %dma_start3A_71 = tpu.memref_slice %arg6[%arg0, %mul3A_69, %dma_start3A_70] : memref<2x16384x64xf32, #tpu.memory_space<hbm>> -> memref<1x1024x64xf32, #tpu.memory_space<hbm>>
      %dma_start3A_72 = tpu.memref_squeeze %dma_start3A_71 : memref<1x1024x64xf32, #tpu.memory_space<hbm>> -> memref<1024x64xf32, #tpu.memory_space<hbm>>
      %dma_start3A_73 = arith.constant 0 : i32
      %dma_start3A_74 = tpu.memref_slice %arg7[%mul3A_67, %dma_start3A_73] : memref<16384x64xf32, #tpu.memory_space<vmem_shared>> -> memref<1024x64xf32, #tpu.memory_space<vmem_shared>>
      tpu.enqueue_dma source(%dma_start3A_74 : memref<1024x64xf32, #tpu.memory_space<vmem_shared>>) target(%dma_start3A_72 : memref<1024x64xf32, #tpu.memory_space<hbm>>) target_semaphore(%run_scoped3A : memref<!tpu.dma_semaphore, #tpu.memory_space<semaphore_mem>>)
      %dma_wait3A = arith.constant 0 : i32
      %dma_wait3A_75 = tpu.memref_slice %arg6[%arg0, %mul3A_69, %dma_wait3A] : memref<2x16384x64xf32, #tpu.memory_space<hbm>> -> memref<1x1024x64xf32, #tpu.memory_space<hbm>>
      %dma_wait3A_76 = tpu.memref_squeeze %dma_wait3A_75 : memref<1x1024x64xf32, #tpu.memory_space<hbm>> -> memref<1024x64xf32, #tpu.memory_space<hbm>>
      %dma_wait3A_77 = arith.constant 0 : i32
      %dma_wait3A_78 = tpu.memref_slice %arg7[%mul3A_67, %dma_wait3A_77] : memref<16384x64xf32, #tpu.memory_space<vmem_shared>> -> memref<1024x64xf32, #tpu.memory_space<vmem_shared>>
      tpu.wait_dma2 semaphore(%run_scoped3A : memref<!tpu.dma_semaphore, #tpu.memory_space<semaphore_mem>>) src(%dma_wait3A_78 : memref<1024x64xf32, #tpu.memory_space<vmem_shared>>) dst(%dma_wait3A_76 : memref<1024x64xf32, #tpu.memory_space<hbm>>)
      tpu.yield
    }) : () -> ()
    return
  }
}

module attributes {stable_mosaic.version = 14 : i64} {
  func.func @_combine_body(%arg0: i32, %arg1: memref<2x1024x64xf32, #tpu.memory_space<vmem>>, %arg2: memref<1x1024xf32, #tpu.memory_space<vmem>>, %arg3: memref<64x1024xf32, #tpu.memory_space<vmem>>) attributes {dimension_semantics = [#tpu.dimension_semantics<arbitrary>], iteration_bounds = array<i64: 16>, scalar_prefetch = 0 : i64, scratch_operands = 0 : i64, tpu.core_type = #tpu.core_type<tc>, window_params = [{transform_indices = @transform_0, window_bounds = array<i64: 2, 1024, 64>}, {transform_indices = @transform_1, window_bounds = array<i64: 1, 1024>}, {transform_indices = @transform_2, window_bounds = array<i64: 64, 1024>}]} {
    %get3A = arith.constant 0 : index
    %get3A_0 = arith.constant 0 : index
    %get3A_1 = arith.constant 0 : index
    %get3A_2 = vector.load %arg1[%get3A, %get3A_0, %get3A_1] : memref<2x1024x64xf32, #tpu.memory_space<vmem>>, vector<1x1024x64xf32>
    %get3A_3 = vector.shape_cast %get3A_2 : vector<1x1024x64xf32> to vector<1024x64xf32>
    %get3A_4 = arith.constant 1 : index
    %get3A_5 = arith.constant 0 : index
    %get3A_6 = arith.constant 0 : index
    %get3A_7 = vector.load %arg1[%get3A_4, %get3A_5, %get3A_6] : memref<2x1024x64xf32, #tpu.memory_space<vmem>>, vector<1x1024x64xf32>
    %get3A_8 = vector.shape_cast %get3A_7 : vector<1x1024x64xf32> to vector<1024x64xf32>
    %add3A = arith.addf %get3A_3, %get3A_8 : vector<1024x64xf32>
    %transpose3A = tpu.transpose %add3A, [1, 0] : vector<1024x64xf32> -> vector<64x1024xf32>
    %get3A_9 = arith.constant 0 : index
    %get3A_10 = arith.constant 0 : index
    %get3A_11 = vector.load %arg2[%get3A_9, %get3A_10] : memref<1x1024xf32, #tpu.memory_space<vmem>>, vector<1x1024xf32>
    %add3A_12 = vector.broadcast %get3A_11 : vector<1x1024xf32> to vector<64x1024xf32>
    %add3A_13 = arith.addf %transpose3A, %add3A_12 : vector<64x1024xf32>
    %swap3A = arith.constant 0 : index
    %swap3A_14 = arith.constant 0 : index
    %swap3A_15 = vector.load %arg3[%swap3A, %swap3A_14] : memref<64x1024xf32, #tpu.memory_space<vmem>>, vector<64x1024xf32>
    tpu.vector_store %arg3[%swap3A, %swap3A_14], %add3A_13 {strides = array<i32>} : memref<64x1024xf32, #tpu.memory_space<vmem>>, vector<64x1024xf32>,
    return
  }
  func.func @transform_0(%arg0: i32) -> (i32, i32, i32) {
    %c0_i32 = arith.constant 0 : i32
    %c0_i32_0 = arith.constant 0 : i32
    %c0_i32_1 = arith.constant 0 : i32
    return %c0_i32, %arg0, %c0_i32_0 : i32, i32, i32
  }
  func.func @transform_1(%arg0: i32) -> (i32, i32) {
    %c0_i32 = arith.constant 0 : i32
    %c0_i32_0 = arith.constant 0 : i32
    return %c0_i32, %arg0 : i32, i32
  }
  func.func @transform_2(%arg0: i32) -> (i32, i32) {
    %c0_i32 = arith.constant 0 : i32
    %c0_i32_0 = arith.constant 0 : i32
    return %c0_i32, %arg0 : i32, i32
  }
}

</mosaic_0001>

<sc_bundles>
// kernel: kernel.4.cloned.1.call-start
scs
__scs_entry_jumppad:
0x0: {  	(pc) =	sbr.rel $0x88, $3  }
0x1: {  	(tag) =	ssettag $0x0;
	lr =	simm.s32 $0x1  }
0x2: {  	[smem:$0x3F9C] =	sst lr;
	_ =	strace $0xD0000000  }
0x3: {  	_ = 	snop  }
0x4: {  	_ = 	snop  }
0x5: {  	_ = 	snop  }
0x6: {  	_ = 	snop  }
0x7: {  	_ = 	snop  }
__scs_overlays_trampoline_lowered:
0x8: {  	[smem:$0x3FAB] =	sst s0  }
0x9: {  	[smem:$0x3FAC] =	sst s1  }
0xa: {  	[smem:$0x3FAD] =	sst s2  }
0xb: {  	[smem:$0x3FAE] =	sst s3  }
0xc: {  	[smem:$0x3FAF] =	sst s4  }
0xd: {  	[smem:$0x3FB0] =	sst s5  }
0xe: {  	[smem:$0x3FB1] =	sst s6  }
0xf: {  	[smem:$0x3FB2] =	sst s7  }
0x10: {  	[smem:$0x3FB3] =	sst s8  }
0x11: {  	[smem:$0x3FB4] =	sst s9;
	s0 =	simm.s32 @!p0 $0x0  }
0x12: {  	s1 =	sld [smem:$0x3F9A];
	s0 =	simm.s32 @p0 $0x1  }
0x13: {  	[smem:$0x3FB5] =	sst s0;
	s0 =	simm.s32 @!p1 $0x0  }
0x14: {  	s2 =	sld [smem:$0x3F99];
	s0 =	simm.s32 @p1 $0x1  }
0x15: {  	[smem:$0x3FB6] =	sst s0;
	s0 =	simm.s32 @!p2 $0x0  }
0x16: {  	s3 =	sld [smem:$0x3FDB];
	s0 =	simm.s32 @p2 $0x1  }
0x17: {  	s4 =	simm.s32 $0x1BF5;
	[smem:$0x3FB8] =	sst s0  }
0x18: {  	s0 =	sld [smem:$0x3F9B];
	_ =	swait.ge [sflag:s4], $0x0  }
0x19: {  	s7 =	sld [smem:$0x3F9C]  }
0x1a: {  	s8 =	sadd.s32 $0xFFFFE003, lr  }
0x1b: {  	s9 =	sadd.s32 $0xFFFFFEF7, lr;
	s5 =	simm.s32 $0xFFFFFFFF;
	p2 =	slt.u32 s8, $0xFFFFF086  }
0x1c: {  	p1 =	slt.u32 s9, $0xF7A;
	s5 =	simm.s32 @!p2 $0x0  }
0x1d: {  	s5 =	simm.s32 @p1 $0x1;
	p0 =	seq.s32 s7, s2  }
0x1e: {  	s7 =	smul.u32 @!p0 $0xF7A, s2;
	p2 =	seq.s32 @!p0 s5, $0x0  }
0x1f: {  	s9 =	smul.u32 $0xF7A, s1;
	s8 =	simm.s32 @!p0 $0x1BF5;
	p2 =	por !p2, p0  }
0x20: {  	[sflag:s8] =	ssyncset.s32 @!p0 $0xFFFFF086;
	s6 =	sadd.s32 @!p0 s3, s7;
	s7 =	simm.s32 @!p0 $0x108  }
0x21: {  	s3 =	sadd.s32 s3, s9;
	s6 =	sadd.s32 @!p0 $0x88, s6;
	s7 =	simm.s32 @p2 $0x1082  }
0x22: {  	[simem:s7], [sflag:s8] =	dma.local @!p0 [hbm:s6], $0xF7A  }
0x23: {  	s9 =	sor.u32 $0xD0000000, s2;
	s6 =	simm.s32 $0x108;
	_ =	swait.ge @!p0 [sflag:s8], $0x0  }
0x24: {  	s3 =	sadd.s32 $0x88, s3;
	s6 =	simm.s32 @!p1 $0x1082;
	[sflag:s4] =	ssyncset.s32 $0xFFFFF086  }
0x25: {  	[simem:s6], [sflag:s4] =	dma.local [hbm:s3], $0xF7A  }
0x26: {  	[smem:$0x3F9C] =	sst s1;
	(tag) =	ssettag s2;
	_ =	strace s9  }
0x27: {  	s1 =	sld [smem:$0x3FAC]  }
0x28: {  	s2 =	sld [smem:$0x3FAD]  }
0x29: {  	s4 =	sld [smem:$0x3FAF]  }
0x2a: {  	p0 =	seq.s32 s5, $0x0;
	s5 =	sld [smem:$0x3FB0]  }
0x2b: {  	s6 =	sld [smem:$0x3FB1]  }
0x2c: {  	s7 =	sld [smem:$0x3FB2]  }
0x2d: {  	s3 =	simm.s32 $0x108;
	s8 =	sld [smem:$0x3FB3]  }
0x2e: {  	s3 =	simm.s32 @!p0 $0x1082;
	s9 =	sld [smem:$0x3FB4]  }
0x2f: {  	lr =	sadd.s32 s0, s3;
	s0 =	sld [smem:$0x3FAB]  }
0x30: {  	s3 =	sld [smem:$0x3FAE]  }
0x31: {  	[smem:$0x3FB7] =	sst s10  }
0x32: {  	s10 =	sld [smem:$0x3FB5];
	_ =	sdelay $0x3  }
0x33: {  	p0 =	seq.s32 s10, $0x1;
	s10 =	sld [smem:$0x3FB7];
	_ =	sdelay $0x3  }
0x34: {  	[smem:$0x3FB7] =	sst s10  }
0x35: {  	s10 =	sld [smem:$0x3FB6];
	_ =	sdelay $0x3  }
0x36: {  	p1 =	seq.s32 s10, $0x1;
	s10 =	sld [smem:$0x3FB7];
	_ =	sdelay $0x3  }
0x37: {  	[smem:$0x3FB7] =	sst s10  }
0x38: {  	s10 =	sld [smem:$0x3FB8]  }
0x39: {  	_ = 	snop;
	(pc) =	sbr.ind lr, $3  }
0x3a: {  	_ = 	snop  }
0x3b: {  	_ = 	snop  }
0x3c: {  	p2 =	seq.s32 s10, $0x1;
	s10 =	sld [smem:$0x3FB7]  }
0x3d: {  	_ =	shalt  }
0x3e: {  	_ =	shalt  }
0x3f: {  	_ =	shalt  }
0x40: {  	_ =	shalt  }
0x41: {  	_ =	shalt  }
0x42: {  	_ =	shalt  }
0x43: {  	_ =	shalt  }
0x44: {  	_ =	shalt  }
0x45: {  	_ =	shalt  }
0x46: {  	_ =	shalt  }
0x47: {  	_ =	shalt  }
0x48: {  	_ =	shalt  }
0x49: {  	_ =	shalt  }
0x4a: {  	_ =	shalt  }
0x4b: {  	_ =	shalt  }
0x4c: {  	_ =	shalt  }
0x4d: {  	_ =	shalt  }
0x4e: {  	_ =	shalt  }
0x4f: {  	_ =	shalt  }
0x50: {  	_ =	shalt  }
0x51: {  	_ =	shalt  }
0x52: {  	_ =	shalt  }
0x53: {  	_ =	shalt  }
0x54: {  	_ =	shalt  }
0x55: {  	_ =	shalt  }
0x56: {  	_ =	shalt  }
0x57: {  	_ =	shalt  }
0x58: {  	_ =	shalt  }
0x59: {  	_ =	shalt  }
0x5a: {  	_ =	shalt  }
0x5b: {  	_ =	shalt  }
0x5c: {  	_ =	shalt  }
0x5d: {  	_ =	shalt  }
0x5e: {  	_ =	shalt  }
0x5f: {  	_ =	shalt  }
0x60: {  	_ =	shalt  }
0x61: {  	_ =	shalt  }
0x62: {  	_ =	shalt  }
0x63: {  	_ =	shalt  }
0x64: {  	_ =	shalt  }
0x65: {  	_ =	shalt  }
0x66: {  	_ =	shalt  }
0x67: {  	_ =	shalt  }
0x68: {  	_ =	shalt  }
0x69: {  	_ =	shalt  }
0x6a: {  	_ =	shalt  }
0x6b: {  	_ =	shalt  }
0x6c: {  	_ =	shalt  }
0x6d: {  	_ =	shalt  }
0x6e: {  	_ =	shalt  }
0x6f: {  	_ =	shalt  }
0x70: {  	_ =	shalt  }
0x71: {  	_ =	shalt  }
0x72: {  	_ =	shalt  }
0x73: {  	_ =	shalt  }
0x74: {  	_ =	shalt  }
0x75: {  	_ =	shalt  }
0x76: {  	_ =	shalt  }
0x77: {  	_ =	shalt  }
0x78: {  	_ =	shalt  }
0x79: {  	_ =	shalt  }
0x7a: {  	_ =	shalt  }
0x7b: {  	_ =	shalt  }
0x7c: {  	_ =	shalt  }
0x7d: {  	_ =	shalt  }
0x7e: {  	_ =	shalt  }
0x7f: {  	_ =	shalt  }
0x80: {  	_ =	shalt  }
0x81: {  	_ =	shalt  }
0x82: {  	_ =	shalt  }
0x83: {  	_ =	shalt  }
0x84: {  	_ =	shalt  }
0x85: {  	_ =	shalt  }
0x86: {  	_ =	shalt  }
0x87: {  	_ =	shalt  }
.Lfunc_end0:
.L_simem_size_0:
called_computation_lowered:
.L_overlay_start_0:
0x88: {  	s2 =	sld [smem:$0x3FD9]  }
0x89: {  	s3 =	sld [smem:$0x3FFE];
	_ =	sdelay $0x1  }
0x8a: {  	s1 =	srdreg.scid  }
0x8b: {  	s0 =	sand.u32 $0x1, s1  }
0x8c: {  	s17 =	sshll.u32 s0, $0xA;
	s2 =	sadd.s32 s3, s2  }
0x8d: {  	s2 =	sadd.s32 s2, s17  }
0x8e: {  	[smem:$0x3FC3] =	sst s2  }
0x8f: {  	_ = 	snop  }
0x90: {  	s2 =	sld [smem:$0x3FD0];
	(tm) =	ssettm $0x1  }
0x91: {  	s18 =	sld [smem:$0x3FFB];
	_ =	sdelay $0x3  }
0x92: {  	_ =	strace s18  }
0x93: {  	s3 =	sld [smem:$0x3FFC];
	_ =	sdelay $0x3  }
0x94: {  	_ =	strace s3  }
0x95: {  	s3 =	sld [smem:$0x3FFD];
	_ =	sdelay $0x3  }
0x96: {  	_ =	strace s3  }
0x97: {  	_ =	strace $0x8FFFFFFF  }
0x98: {  	s19 =	sld [smem:$0x3FDB];
	_ =	sdelay $0x1  }
0x99: {  	s4 =	simm.s32 $_scs_section_size  }
0x9a: {  	s5 =	simm.s32 $_size__tile_overlayer_lowered;
	s6 =	simm.s32 $_tile_overlayer_lowered  }
0x9b: {  	s22 =	simm.s32 $0x1BFF;
	s21 =	sshll.u32 s6, $0x1;
	s3 =	sadd.s32 s4, s19  }
0x9c: {  	s7 =	simm.s32 $0x0;
	s20 =	sshll.u32 s5, $0x1;
	s5 =	sadd.s32 s21, s3  }
0x9d: {  	[timem:s7], [sflag:s22] =	dma.local [hbm:s5], s20  }
0x9e: {  	_ =	swait.ge [sflag:s22], s20  }
0x9f: {  	s4 =	ssub.s32 $0x0, s20;
	[sflag:s22] =	ssyncset.done $0x0  }
0xa0: {  	[sflag:s22] =	ssyncadd.s32 s4;
	_ =	sdelay $0x1  }
0xa1: {  	s23 =	simm.s32 $0x1B8B  }
0xa2: {  	_ =	swait.ge [sflag:s23], $0x1  }
0xa3: {  	[sflag:s23] =	ssyncset.done $0x0  }
0xa4: {  	s25 =	simm.s32 $0x1B8E;
	s24 =	sld [smem:$0x3FFE];
	[sflag:s23] =	ssyncadd.s32 $0xFFFFFFFF  }
0xa5: {  	s26 =	simm.s32 $execute0_lowered;
	[smem:$0x3FD2] =	sst s25  }
0xa6: {  	s5 =	sshll.u32 s26, $0x1;
	_ =	strace $0x80000046;
	[dreg:$0x1] =	wrdreg $0xFFFFFFFF  }
0xa7: {  	s28 =	simm.s32 $_size_execute0_lowered;
	s3 =	sadd.s32 s3, s5;
	[dreg:$0x0] =	wrdreg $0x0  }
0xa8: {  	s5 =	sshll.u32 s28, $0x1;
	[dreg:$0x2] =	wrdreg s3  }
0xa9: {  	[dreg:$0x3] =	wrdreg s5  }
0xaa: {  	[dreg:$0x4] =	wrdreg $0xC0  }
0xab: {  	_ =	task [dreg:s7], $0x5FFFF  }
0xac: {  	[dreg:$0x1] =	wrdreg $0xFFFFFFFF  }
0xad: {  	[dreg:$0x0] =	wrdreg $0x60  }
0xae: {  	[dreg:$0x2] =	wrdreg s2  }
0xaf: {  	[dreg:$0x3] =	wrdreg s24  }
0xb0: {  	[dreg:$0x4] =	wrdreg $0x0  }
0xb1: {  	[dreg:$0x5] =	wrdreg $0x9  }
0xb2: {  	_ =	task.clear_ibuf [dreg:s7], $0x6FFFF;
	_ =	strace $0x90000046  }
0xb3: {  	s29 =	simm.s32 $0x9;
	_ =	strace $0x80000048  }
0xb4: {  	_ =	swait.ge [sflag:s29], $0x1  }
0xb5: {  	[sflag:s29] =	ssyncadd.s32 $0xFFFFFFFF  }
0xb6: {  	_ =	strace $0x90000048  }
0xb7: {  	_ =	sfence  }
0xb8: {  	s30 =	sld [smem:$0x0];
	_ =	sdelay $0x2  }
0xb9: {  	s31 =	sshll.u32 s1, $0xD;
	s1 =	sshrl.u32 s1, $0x2  }
0xba: {  	s3 =	sand.u32 $0x4000, s31;
	s1 =	sadd.s32 s1, s30  }
0xbb: {  	s0 =	sor.u32 s3, s0;
	s1 =	sshll.u32 s1, $0x11  }
0xbc: {  	s0 =	sor.u32 s1, s0  }
0xbd: {  	s0 =	sadd.s32 $0x8F2B, s0  }
0xbe: {  	[sflag:s0] =	ssyncadd.remote.s32 $0x1  }
0xbf: {  	_ =	sfence.sel $0xFFFF  }
0xc0: {  	[dreg:$0x0] =	wrdreg $0xFFFFFFFF;
	(pc) =	sbr.abs _section_cstart, $3  }
0xc1: {  	[dreg:$0x1] =	wrdreg $0xFFFFFFFF  }
0xc2: {  	_ =	task.clear_ibuf [dreg:s7], $0x2FFFF;
	_ =	strace $0x9FFFFFFF  }
0xc3: {  	(tm) =	ssettm $0x7FFFFFFF  }
tec
execute0_lowered:
.L_overlay_start_1:
0x0: {  	(tag) =	ssettag $0x1  }
0x1: {  	s1 =	rddreg [dreg:$0x0]  }
0x2: {  	s0 =	rddreg [dreg:$0x1]  }
0x3: {  	s3 =	rddreg [dreg:$0x2]  }
0x4: {  	s2 =	srdreg.scid;
	s6 =	stileid.u32;
	s4 =	simm.s32 $0x0  }
0x5: {  	s19 =	simm.s32 $0x5;
	s21 =	simm.s32 $0x14200;
	s29 =	simm.s32 $0x1  }
0x6: {  	s30 =	simm.s32 $0x1C300;
	s31 =	simm.s32 $0x4;
	s20 =	simm.s32 $0x3  }
0x7: {  	s2 =	sand.u32 $0x1, s2;
	s5 =	sshll.u32 s6, $0x1;
	s6 =	sshll.u32 s6, $0x10  }
0x8: {  	[smem:$0x7FF] =	sst s4;
	s5 =	sor.u32 s2, s5;
	s7 =	sshll.u32 s2, $0x14  }
0x9: {  	_ =	strace $0x80000047;
	s2 =	ssub.s32 $0x2, s2;
	s5 =	smul.u32 $0x420, s5  }
0xa: {  	s7 =	sor.u32 s6, s7;
	s22 =	sshrl.u32 s2, $0x1;
	s6 =	sadd.s32 s6, s3  }
0xb: {  	s7 =	sshrl.u32 s7, $0x3;
	s2 =	ssub.s32 s2, s22;
	s25 =	sadd.s32 $0x2000, s6  }
0xc: {  	s26 =	sadd.s32 $0x4000, s6;
	s28 =	sadd.s32 $0x6000, s6;
	s12 =	sadd.s32 $0x8000, s6  }
0xd: {  	s13 =	sadd.s32 $0xA000, s6;
	s14 =	sadd.s32 $0xC000, s6;
	[dreg:$0x7] =	wrdreg s25  }
0xe: {  	s15 =	sadd.s32 $0xE000, s6;
	s22 =	simm.s32 $0x16300;
	[dreg:$0x8] =	wrdreg s26  }
0xf: {  	s5 =	sadd.s32 s5, s0;
	s0 =	sadd.s32 s7, s0;
	[dreg:$0x9] =	wrdreg s28  }
.Ltmp0:
0x10: {  	s17 =	smax.u32 s2, $0x1;
	s7 =	simm.s32 $0x10000;
	(pc) =	sbr.rel .LBB2_1-.Ltmp0, $4  }
0x11: {  	s25 =	simm.s32 $0x80;
	s26 =	simm.s32 $0x0;
	s23 =	sadd.s32 $0x8E00, s5  }
0x12: {  	s24 =	sadd.s32 $0xA00, s5;
	s5 =	sadd.s32 $0x11200, s5;
	[dreg:$0x4] =	wrdreg s23  }
0x13: {  	s16 =	sadd.s32 $0x19600, s0;
	s0 =	simm.s32 $0x2;
	[dreg:$0x5] =	wrdreg s24  }
0x14: {  	v0 =	vimm.f32 $0.0e+00;
	[dreg:$0x6] =	wrdreg s5;
	s23 =	simm.s32 $0x18300;
	s24 =	simm.s32 $0x1A300  }
.LBB2_12:
0x15: {  	s2 =	stileid.u32;
	s26 =	sadd.s32 $0x1, s26  }
0x16: {  	[bflag:$0x0] =	sbarrier.arrive $0xFFFF;
	s2 =	sshll.u32 s2, $0x6;
	p0 =	sne.s32 s26, s17  }
.Ltmp1:
0x17: {  	s5 =	sshrl.u32 s6, $0x3;
	s2 =	sor.u32 $0x1C05, s2;
	(pc) =	sbr.rel @!p0 .LBB2_13-.Ltmp1, $4  }
0x18: {  	[hbm:s16], [sflag:s2] =	dma.local [spmem:s5], $0x2000  }
0x19: {  	_ =	swait.ge [sflag:s19], $0x2000  }
0x1a: {  	[sflag:s19] =	ssyncset.done $0x0  }
0x1b: {  	s7 =	simm.s32 $0x10000;
	[sflag:s19] =	ssyncadd.s32 $0xFFFFE000  }
.LBB2_1:
0x1c: {  	s2 =	rddreg [dreg:$0x4]  }
0x1d: {  	[tilespmem:s7], [sflag:$0x5] =	stream.linear.gather [hbm4b:s2+s4], $0x2100, $0x38;
	[tilespmem:$0x1E300] =	vst v63  }
0x1e: {  	_ =	swait.ge [sflag:s19], $0x2100  }
0x1f: {  	[sflag:s19] =	ssyncset.done $0x0  }
0x20: {  	s5 =	simm.s32 $0x12100;
	s18 =	rddreg [dreg:$0x5];
	[sflag:s19] =	ssyncadd.s32 $0xFFFFDF00  }
0x21: {  	[tilespmem:s5], [sflag:$0x5] =	stream.linear.gather [hbm4b:s18+s4], $0x2100, $0x38;
	[tilespmem:$0x1E300] =	vst v63  }
0x22: {  	_ =	swait.ge [sflag:s19], $0x2100  }
0x23: {  	[sflag:s19] =	ssyncset.done $0x0  }
0x24: {  	s28 =	rddreg [dreg:$0x6];
	[sflag:s19] =	ssyncadd.s32 $0xFFFFDF00  }
0x25: {  	[tilespmem:s21], [sflag:$0x5] =	stream.linear.gather [hbm4b:s28+s4], $0x2100, $0x38;
	[tilespmem:$0x1E300] =	vst v63  }
0x26: {  	_ =	swait.ge [sflag:s19], $0x2100  }
0x27: {  	[sflag:s19] =	ssyncset.done $0x0  }
0x28: {  	s2 =	simm.s32 $0x0;
	s5 =	simm.s32 $0x100;
	[sflag:s19] =	ssyncadd.s32 $0xFFFFDF00  }
.LBB2_2:
0x29: {  	p0 =	sne.s32 s5, $0x7F00;
	[tilespmem:s2+$0x1C330] =	vst v0  }
0x2a: {  	[tilespmem:s2+$0x16300] =	vst v0  }
0x2b: {  	[tilespmem:s2+$0x16310] =	vst v0  }
0x2c: {  	[tilespmem:s2+$0x16320] =	vst v0  }
0x2d: {  	[tilespmem:s2+$0x16330] =	vst v0  }
0x2e: {  	[tilespmem:s2+$0x18300] =	vst v0  }
0x2f: {  	[tilespmem:s2+$0x18310] =	vst v0  }
0x30: {  	[tilespmem:s2+$0x18320] =	vst v0  }
0x31: {  	[tilespmem:s2+$0x18330] =	vst v0  }
0x32: {  	[tilespmem:s2+$0x1A300] =	vst v0  }
0x33: {  	[tilespmem:s2+$0x1A310] =	vst v0  }
.Ltmp2:
0x34: {  	[tilespmem:s2+$0x1A320] =	vst v0;
	(pc) =	sbr.rel @p0 .LBB2_2-.Ltmp2, $4  }
0x35: {  	[tilespmem:s2+$0x1A330] =	vst v0  }
0x36: {  	[tilespmem:s2+$0x1C300] =	vst v0  }
0x37: {  	[tilespmem:s2+$0x1C310] =	vst v0  }
0x38: {  	[tilespmem:s2+$0x1C320] =	vst v0;
	s2 =	sshra.s32 s5, $0x2;
	s5 =	sadd.s32 $0x100, s5  }
0x39: {  	[tilespmem:s2+$0x1C330] =	vst v0  }
0x3a: {  	[tilespmem:s2+$0x16300] =	vst v0  }
0x3b: {  	[tilespmem:s2+$0x16310] =	vst v0  }
0x3c: {  	[tilespmem:s2+$0x16320] =	vst v0  }
0x3d: {  	[tilespmem:s2+$0x16330] =	vst v0  }
0x3e: {  	[tilespmem:s2+$0x18300] =	vst v0  }
0x3f: {  	[tilespmem:s2+$0x18310] =	vst v0  }
0x40: {  	[tilespmem:s2+$0x18320] =	vst v0  }
0x41: {  	[tilespmem:s2+$0x18330] =	vst v0  }
0x42: {  	[tilespmem:s2+$0x1A300] =	vst v0  }
0x43: {  	[tilespmem:s2+$0x1A310] =	vst v0  }
0x44: {  	[tilespmem:s2+$0x1A320] =	vst v0  }
0x45: {  	[tilespmem:s2+$0x1A330] =	vst v0  }
0x46: {  	[tilespmem:s2+$0x1C300] =	vst v0  }
0x47: {  	[tilespmem:s2+$0x1C310] =	vst v0  }
0x48: {  	[tilespmem:s2+$0x1C320] =	vst v0  }
0x49: {  	[spmem:s6] =	stream.linear.scatter [tilespmem:s22], [sflag:$0x5], $0x2000, $0x38;
	[tilespmem:$0x1E300] =	vst v63  }
0x4a: {  	_ =	swait.ge [sflag:s19], $0x2000  }
0x4b: {  	[sflag:s19] =	ssyncset.done $0x0  }
0x4c: {  	s8 =	rddreg [dreg:$0x7];
	[sflag:s19] =	ssyncadd.s32 $0xFFFFE000  }
0x4d: {  	[spmem:s8] =	stream.linear.scatter [tilespmem:s23], [sflag:$0x5], $0x2000, $0x38;
	[tilespmem:$0x1E300] =	vst v63  }
0x4e: {  	_ =	swait.ge [sflag:s19], $0x2000  }
0x4f: {  	[sflag:s19] =	ssyncset.done $0x0  }
0x50: {  	s9 =	rddreg [dreg:$0x8];
	[sflag:s19] =	ssyncadd.s32 $0xFFFFE000  }
0x51: {  	[spmem:s9] =	stream.linear.scatter [tilespmem:s24], [sflag:$0x5], $0x2000, $0x38;
	[tilespmem:$0x1E300] =	vst v63  }
0x52: {  	_ =	swait.ge [sflag:s19], $0x2000  }
0x53: {  	[sflag:s19] =	ssyncset.done $0x0  }
0x54: {  	s10 =	rddreg [dreg:$0x9];
	[sflag:s19] =	ssyncadd.s32 $0xFFFFE000  }
0x55: {  	[spmem:s10] =	stream.linear.scatter [tilespmem:s22], [sflag:$0x5], $0x2000, $0x38;
	[tilespmem:$0x1E300] =	vst v63  }
0x56: {  	_ =	swait.ge [sflag:s19], $0x2000  }
0x57: {  	[sflag:s19] =	ssyncset.done $0x0  }
0x58: {  	[sflag:s19] =	ssyncadd.s32 $0xFFFFE000  }
0x59: {  	[spmem:s12] =	stream.linear.scatter [tilespmem:s23], [sflag:$0x5], $0x2000, $0x38;
	[tilespmem:$0x1E300] =	vst v63  }
0x5a: {  	_ =	swait.ge [sflag:s19], $0x2000  }
0x5b: {  	[sflag:s19] =	ssyncset.done $0x0  }
0x5c: {  	[sflag:s19] =	ssyncadd.s32 $0xFFFFE000  }
0x5d: {  	[spmem:s13] =	stream.linear.scatter [tilespmem:s24], [sflag:$0x5], $0x2000, $0x38;
	[tilespmem:$0x1E300] =	vst v63  }
0x5e: {  	_ =	swait.ge [sflag:s19], $0x2000  }
0x5f: {  	[sflag:s19] =	ssyncset.done $0x0  }
0x60: {  	[sflag:s19] =	ssyncadd.s32 $0xFFFFE000  }
0x61: {  	[spmem:s14] =	stream.linear.scatter [tilespmem:s22], [sflag:$0x5], $0x2000, $0x38;
	[tilespmem:$0x1E300] =	vst v63  }
0x62: {  	_ =	swait.ge [sflag:s19], $0x2000  }
0x63: {  	[sflag:s19] =	ssyncset.done $0x0  }
0x64: {  	[sflag:s19] =	ssyncadd.s32 $0xFFFFE000  }
0x65: {  	[spmem:s15] =	stream.linear.scatter [tilespmem:s23], [sflag:$0x5], $0x2000, $0x38;
	[tilespmem:$0x1E300] =	vst v63  }
0x66: {  	_ =	swait.ge [sflag:s19], $0x2000  }
0x67: {  	[sflag:s19] =	ssyncset.done $0x0  }
0x68: {  	[sflag:s19] =	ssyncadd.s32 $0xFFFFE000  }
0x69: {  	[bflag:$0x0] =	sbarrier.arrive $0xFFFF  }
0x6a: {  	[tilespmem:s22], [sflag:$0x1] =	stream.indirect.gather [hbm4b:s1+s25], $0x40, s7, s25, $0xb8;
	[tilespmem:$0x1E300] =	vst v63  }
0x6b: {  	s11 =	simm.s32 $0x10080  }
0x6c: {  	[tilespmem:s23], [sflag:$0x2] =	stream.indirect.gather [hbm4b:s1+s25], $0x40, s11, s25, $0xb8;
	[tilespmem:$0x1E300] =	vst v63  }
0x6d: {  	s18 =	simm.s32 $0x10100;
	s28 =	simm.s32 $0x0  }
0x6e: {  	[tilespmem:s24], [sflag:$0x3] =	stream.indirect.gather [hbm4b:s1+s25], $0x40, s18, s25, $0xb8;
	[tilespmem:$0x1E300] =	vst v63  }
.LBB2_4:
0x6f: {  	_ =	swait.ge [sflag:s29], $0x2000  }
0x70: {  	s18 =	smul.u32 $0x180, s28;
	[sflag:s29] =	ssyncset.done $0x0  }
0x71: {  	p0 =	por $0x1, $0x1;
	s2 =	simm.s32 $0x0;
	[sflag:s29] =	ssyncadd.s32 $0xFFFFE000  }
.LBB2_5:
0x72: {  	s5 =	sshll.u32 s2, $0x4  }
0x73: {  	s7 =	sadd.s32 s18, s5  }
0x74: {  	v4 =	vmov s7;
	_ =	sdelay $0x2  }
0x75: {  	s2 =	sshll.u32 s2, $0xA  }
0x76: {  	v2 =	vld [tilespmem:s2+$0x16300]  }
0x77: {  	v1 =	vld.idx.msk [tilespmem:v4+s21+$0x0], $0xffff  }
0x78: {  	v3 =	vld [tilespmem:s2+$0x16310]  }
0x79: {  	v5 =	vld [tilespmem:s2+$0x16320]  }
0x7a: {  	v6 =	vld [tilespmem:s2+$0x16330];
	_ =	sdelay $0x1  }
0x7b: {  	v2 =	vmul.f32 v2, v1  }
0x7c: {  	v7 =	vor.u32 $0x1, v4;
	v3 =	vmul.f32 v3, v1  }
0x7d: {  	[tilespmem:s2+$0x1C300] =	vst v2;
	v2 =	vmul.f32 v5, v1  }
0x7e: {  	[tilespmem:s2+$0x1C310] =	vst v3;
	v1 =	vmul.f32 v6, v1  }
0x7f: {  	[tilespmem:s2+$0x1C320] =	vst v2  }
0x80: {  	[tilespmem:s2+$0x1C330] =	vst v1;
	v2 =	vld [tilespmem:s2+$0x16340]  }
0x81: {  	v1 =	vld.idx.msk [tilespmem:v7+s21+$0x0], $0xffff  }
0x82: {  	v3 =	vld [tilespmem:s2+$0x16350]  }
0x83: {  	v45 =	vld [tilespmem:s2+$0x16360]  }
0x84: {  	v46 =	vld [tilespmem:s2+$0x16370];
	_ =	sdelay $0x1  }
0x85: {  	v2 =	vmul.f32 v2, v1  }
0x86: {  	v47 =	vor.u32 $0x2, v4;
	v3 =	vmul.f32 v3, v1  }
0x87: {  	[tilespmem:s2+$0x1C340] =	vst v2;
	v2 =	vmul.f32 v45, v1  }
0x88: {  	[tilespmem:s2+$0x1C350] =	vst v3;
	v1 =	vmul.f32 v46, v1  }
0x89: {  	[tilespmem:s2+$0x1C360] =	vst v2  }
0x8a: {  	[tilespmem:s2+$0x1C370] =	vst v1;
	v2 =	vld [tilespmem:s2+$0x16380]  }
0x8b: {  	v1 =	vld.idx.msk [tilespmem:v47+s21+$0x0], $0xffff  }
0x8c: {  	v3 =	vld [tilespmem:s2+$0x16390]  }
0x8d: {  	v48 =	vld [tilespmem:s2+$0x163A0]  }
0x8e: {  	v49 =	vld [tilespmem:s2+$0x163B0];
	_ =	sdelay $0x1  }
0x8f: {  	v2 =	vmul.f32 v2, v1  }
0x90: {  	v50 =	vor.u32 $0x3, v4;
	v3 =	vmul.f32 v3, v1  }
0x91: {  	[tilespmem:s2+$0x1C380] =	vst v2;
	v2 =	vmul.f32 v48, v1  }
0x92: {  	[tilespmem:s2+$0x1C390] =	vst v3;
	v1 =	vmul.f32 v49, v1  }
0x93: {  	[tilespmem:s2+$0x1C3A0] =	vst v2  }
0x94: {  	[tilespmem:s2+$0x1C3B0] =	vst v1;
	v2 =	vld [tilespmem:s2+$0x163C0]  }
0x95: {  	v1 =	vld.idx.msk [tilespmem:v50+s21+$0x0], $0xffff  }
0x96: {  	v3 =	vld [tilespmem:s2+$0x163D0]  }
0x97: {  	v51 =	vld [tilespmem:s2+$0x163E0]  }
0x98: {  	v52 =	vld [tilespmem:s2+$0x163F0];
	_ =	sdelay $0x1  }
0x99: {  	v2 =	vmul.f32 v2, v1  }
0x9a: {  	v53 =	vor.u32 $0x4, v4;
	v3 =	vmul.f32 v3, v1  }
0x9b: {  	[tilespmem:s2+$0x1C3C0] =	vst v2;
	v2 =	vmul.f32 v51, v1  }
0x9c: {  	[tilespmem:s2+$0x1C3D0] =	vst v3;
	v1 =	vmul.f32 v52, v1  }
0x9d: {  	[tilespmem:s2+$0x1C3E0] =	vst v2  }
0x9e: {  	[tilespmem:s2+$0x1C3F0] =	vst v1;
	v2 =	vld [tilespmem:s2+$0x16400]  }
0x9f: {  	v1 =	vld.idx.msk [tilespmem:v53+s21+$0x0], $0xffff  }
0xa0: {  	v3 =	vld [tilespmem:s2+$0x16410]  }
0xa1: {  	v54 =	vld [tilespmem:s2+$0x16420]  }
0xa2: {  	v55 =	vld [tilespmem:s2+$0x16430];
	_ =	sdelay $0x1  }
0xa3: {  	v2 =	vmul.f32 v2, v1  }
0xa4: {  	v56 =	vor.u32 $0x5, v4;
	v3 =	vmul.f32 v3, v1  }
0xa5: {  	[tilespmem:s2+$0x1C400] =	vst v2;
	v2 =	vmul.f32 v54, v1  }
0xa6: {  	[tilespmem:s2+$0x1C410] =	vst v3;
	v1 =	vmul.f32 v55, v1  }
0xa7: {  	[tilespmem:s2+$0x1C420] =	vst v2  }
0xa8: {  	[tilespmem:s2+$0x1C430] =	vst v1;
	v2 =	vld [tilespmem:s2+$0x16440]  }
0xa9: {  	v1 =	vld.idx.msk [tilespmem:v56+s21+$0x0], $0xffff  }
0xaa: {  	v3 =	vld [tilespmem:s2+$0x16450]  }
0xab: {  	v57 =	vld [tilespmem:s2+$0x16460]  }
0xac: {  	v58 =	vld [tilespmem:s2+$0x16470];
	_ =	sdelay $0x1  }
0xad: {  	v2 =	vmul.f32 v2, v1  }
0xae: {  	v59 =	vor.u32 $0x6, v4;
	v3 =	vmul.f32 v3, v1  }
0xaf: {  	[tilespmem:s2+$0x1C440] =	vst v2;
	v2 =	vmul.f32 v57, v1  }
0xb0: {  	[tilespmem:s2+$0x1C450] =	vst v3;
	v1 =	vmul.f32 v58, v1  }
0xb1: {  	[tilespmem:s2+$0x1C460] =	vst v2  }
0xb2: {  	[tilespmem:s2+$0x1C470] =	vst v1;
	v2 =	vld [tilespmem:s2+$0x16480]  }
0xb3: {  	v1 =	vld.idx.msk [tilespmem:v59+s21+$0x0], $0xffff  }
0xb4: {  	v3 =	vld [tilespmem:s2+$0x16490]  }
0xb5: {  	v60 =	vld [tilespmem:s2+$0x164A0]  }
0xb6: {  	v61 =	vld [tilespmem:s2+$0x164B0];
	_ =	sdelay $0x1  }
0xb7: {  	v2 =	vmul.f32 v2, v1  }
0xb8: {  	v62 =	vor.u32 $0x7, v4;
	v3 =	vmul.f32 v3, v1  }
0xb9: {  	[tilespmem:s2+$0x1C480] =	vst v2;
	v2 =	vmul.f32 v60, v1  }
0xba: {  	[tilespmem:s2+$0x1C490] =	vst v3;
	v1 =	vmul.f32 v61, v1  }
0xbb: {  	[tilespmem:s2+$0x1C4A0] =	vst v2  }
0xbc: {  	[tilespmem:s2+$0x1C4B0] =	vst v1;
	v2 =	vld [tilespmem:s2+$0x164C0]  }
0xbd: {  	v1 =	vld.idx.msk [tilespmem:v62+s21+$0x0], $0xffff  }
0xbe: {  	v3 =	vld [tilespmem:s2+$0x164D0]  }
0xbf: {  	v63 =	vld [tilespmem:s2+$0x164E0]  }
0xc0: {  	v9 =	vld [tilespmem:s2+$0x164F0];
	_ =	sdelay $0x1  }
0xc1: {  	v2 =	vmul.f32 v2, v1  }
0xc2: {  	v10 =	vor.u32 $0x8, v4;
	v3 =	vmul.f32 v3, v1  }
0xc3: {  	[tilespmem:s2+$0x1C4C0] =	vst v2;
	v2 =	vmul.f32 v63, v1  }
0xc4: {  	[tilespmem:s2+$0x1C4D0] =	vst v3;
	v1 =	vmul.f32 v9, v1  }
0xc5: {  	[tilespmem:s2+$0x1C4E0] =	vst v2  }
0xc6: {  	v3 =	vld [tilespmem:s2+$0x16500];
	[tilespmem:s2+$0x1C4F0] =	vst v1  }
0xc7: {  	v2 =	vld.idx.msk [tilespmem:v10+s21+$0x0], $0xffff  }
0xc8: {  	v11 =	vld [tilespmem:s2+$0x16510]  }
0xc9: {  	s11 =	sor.u32 $0x10, s5  }
0xca: {  	s8 =	sadd.s32 s18, s11  }
0xcb: {  	v1 =	vmov s8  }
0xcc: {  	v3 =	vmul.f32 v3, v2  }
0xcd: {  	v5 =	vmul.f32 v11, v2  }
0xce: {  	[tilespmem:s2+$0x1C500] =	vst v3  }
0xcf: {  	[tilespmem:s2+$0x1C510] =	vst v5  }
0xd0: {  	s7 =	sshll.u32 s11, $0x6;
	v3 =	vld.idx.msk [tilespmem:v1+s21+$0x0], $0xffff  }
0xd1: {  	v5 =	vld [tilespmem:s7+$0x16300]  }
0xd2: {  	v12 =	vld [tilespmem:s7+$0x16310]  }
0xd3: {  	v13 =	vld [tilespmem:s7+$0x16320]  }
0xd4: {  	v8 =	vld [tilespmem:s7+$0x16330];
	_ =	sdelay $0x1  }
0xd5: {  	v5 =	vmul.f32 v5, v3  }
0xd6: {  	v9 =	vor.u32 $0x1, v1;
	v6 =	vmul.f32 v12, v3  }
0xd7: {  	v14 =	vmul.f32 v13, v3;
	[tilespmem:s7+$0x1C300] =	vst v5  }
0xd8: {  	v3 =	vmul.f32 v8, v3;
	[tilespmem:s7+$0x1C310] =	vst v6  }
0xd9: {  	[tilespmem:s7+$0x1C320] =	vst v14  }
0xda: {  	[tilespmem:s7+$0x1C330] =	vst v3  }
0xdb: {  	v3 =	vld.idx.msk [tilespmem:v9+s21+$0x0], $0xffff  }
0xdc: {  	v5 =	vld [tilespmem:s2+$0x16740]  }
0xdd: {  	v6 =	vld [tilespmem:s2+$0x16750]  }
0xde: {  	v15 =	vld [tilespmem:s2+$0x16760]  }
0xdf: {  	v16 =	vld [tilespmem:s2+$0x16770];
	_ =	sdelay $0x1  }
0xe0: {  	v5 =	vmul.f32 v5, v3  }
0xe1: {  	v17 =	vor.u32 $0x2, v1;
	v6 =	vmul.f32 v6, v3  }
0xe2: {  	v18 =	vmul.f32 v15, v3;
	[tilespmem:s2+$0x1C740] =	vst v5  }
0xe3: {  	v3 =	vmul.f32 v16, v3;
	[tilespmem:s2+$0x1C750] =	vst v6  }
0xe4: {  	[tilespmem:s2+$0x1C760] =	vst v18  }
0xe5: {  	v19 =	vld [tilespmem:s2+$0x16780];
	[tilespmem:s2+$0x1C770] =	vst v3  }
0xe6: {  	v3 =	vld.idx.msk [tilespmem:v17+s21+$0x0], $0xffff  }
0xe7: {  	v20 =	vld [tilespmem:s2+$0x16790]  }
0xe8: {  	v21 =	vld [tilespmem:s2+$0x167A0]  }
0xe9: {  	v22 =	vld [tilespmem:s2+$0x167B0];
	_ =	sdelay $0x1  }
0xea: {  	v5 =	vmul.f32 v19, v3  }
0xeb: {  	v23 =	vor.u32 $0x3, v1;
	v6 =	vmul.f32 v20, v3  }
0xec: {  	v24 =	vmul.f32 v21, v3;
	[tilespmem:s2+$0x1C780] =	vst v5  }
0xed: {  	v3 =	vmul.f32 v22, v3;
	[tilespmem:s2+$0x1C790] =	vst v6  }
0xee: {  	[tilespmem:s2+$0x1C7A0] =	vst v24  }
0xef: {  	v25 =	vld [tilespmem:s2+$0x167C0];
	[tilespmem:s2+$0x1C7B0] =	vst v3  }
0xf0: {  	v3 =	vld.idx.msk [tilespmem:v23+s21+$0x0], $0xffff  }
0xf1: {  	v26 =	vld [tilespmem:s2+$0x167D0]  }
0xf2: {  	v27 =	vld [tilespmem:s2+$0x167E0]  }
0xf3: {  	v28 =	vld [tilespmem:s2+$0x167F0];
	_ =	sdelay $0x1  }
0xf4: {  	v5 =	vmul.f32 v25, v3  }
0xf5: {  	v29 =	vor.u32 $0x4, v1;
	v6 =	vmul.f32 v26, v3  }
0xf6: {  	v30 =	vmul.f32 v27, v3;
	[tilespmem:s2+$0x1C7C0] =	vst v5  }
0xf7: {  	v31 =	vld [tilespmem:s2+$0x16520];
	v3 =	vmul.f32 v28, v3;
	[tilespmem:s2+$0x1C7D0] =	vst v6  }
0xf8: {  	v32 =	vld [tilespmem:s2+$0x16530];
	[tilespmem:s2+$0x1C7E0] =	vst v30  }
0xf9: {  	v33 =	vld [tilespmem:s2+$0x16800];
	[tilespmem:s2+$0x1C7F0] =	vst v3  }
0xfa: {  	v3 =	vld.idx.msk [tilespmem:v29+s21+$0x0], $0xffff  }
0xfb: {  	v35 =	vld [tilespmem:s2+$0x16810]  }
0xfc: {  	v34 =	vor.u32 $0x9, v4;
	v10 =	vld [tilespmem:s2+$0x16820]  }
0xfd: {  	v36 =	vld [tilespmem:s2+$0x16830];
	v6 =	vmul.f32 v31, v2;
	v2 =	vmul.f32 v32, v2;
	_ =	sdelay $0x1  }
0xfe: {  	v39 =	vld [tilespmem:s2+$0x16540];
	[tilespmem:s2+$0x1C530] =	vst v2;
	v2 =	vmul.f32 v33, v3  }
0xff: {  	v38 =	vor.u32 $0x5, v1;
	v40 =	vld [tilespmem:s2+$0x16550];
	[tilespmem:s2+$0x1C520] =	vst v6;
	v37 =	vmul.f32 v35, v3  }
0x100: {  	v6 =	vld.idx.msk [tilespmem:v34+s21+$0x0], $0xffff;
	[tilespmem:s2+$0x1C800] =	vst v2;
	v2 =	vmul.f32 v10, v3  }
0x101: {  	v41 =	vld [tilespmem:s2+$0x16560];
	[tilespmem:s2+$0x1C810] =	vst v37;
	v3 =	vmul.f32 v36, v3  }
0x102: {  	[tilespmem:s2+$0x1C820] =	vst v2;
	v2 =	vld [tilespmem:s2+$0x16570]  }
0x103: {  	v43 =	vld [tilespmem:s2+$0x16840];
	[tilespmem:s2+$0x1C830] =	vst v3  }
0x104: {  	v3 =	vld.idx.msk [tilespmem:v38+s21+$0x0], $0xffff  }
0x105: {  	v11 =	vld [tilespmem:s2+$0x16850];
	v42 =	vmul.f32 v39, v6  }
0x106: {  	v45 =	vor.u32 $0xA, v4;
	v46 =	vld [tilespmem:s2+$0x16860];
	v44 =	vmul.f32 v40, v6  }
0x107: {  	v47 =	vld [tilespmem:s2+$0x16870];
	[tilespmem:s2+$0x1C540] =	vst v42;
	v2 =	vmul.f32 v2, v6  }
0x108: {  	v50 =	vld [tilespmem:s2+$0x16580];
	v5 =	vmul.f32 v41, v6;
	[tilespmem:s2+$0x1C550] =	vst v44  }
0x109: {  	v51 =	vld [tilespmem:s2+$0x16590];
	[tilespmem:s2+$0x1C570] =	vst v2;
	v2 =	vmul.f32 v43, v3  }
0x10a: {  	v49 =	vor.u32 $0x6, v1;
	v52 =	vld [tilespmem:s2+$0x165A0];
	[tilespmem:s2+$0x1C560] =	vst v5;
	v48 =	vmul.f32 v11, v3  }
0x10b: {  	v5 =	vld.idx.msk [tilespmem:v45+s21+$0x0], $0xffff;
	[tilespmem:s2+$0x1C840] =	vst v2;
	v2 =	vmul.f32 v46, v3  }
0x10c: {  	v61 =	vld [tilespmem:s2+$0x165C0];
	[tilespmem:s2+$0x1C850] =	vst v48;
	v3 =	vmul.f32 v47, v3  }
0x10d: {  	[tilespmem:s2+$0x1C860] =	vst v2;
	v2 =	vld [tilespmem:s2+$0x165B0]  }
0x10e: {  	v54 =	vld [tilespmem:s2+$0x16880];
	[tilespmem:s2+$0x1C870] =	vst v3  }
0x10f: {  	v3 =	vld.idx.msk [tilespmem:v49+s21+$0x0], $0xffff  }
0x110: {  	v56 =	vld [tilespmem:s2+$0x16890];
	v53 =	vmul.f32 v50, v5  }
0x111: {  	v55 =	vor.u32 $0xB, v4;
	v57 =	vld [tilespmem:s2+$0x168A0];
	v7 =	vmul.f32 v51, v5  }
0x112: {  	v58 =	vld [tilespmem:s2+$0x168B0];
	[tilespmem:s2+$0x1C580] =	vst v53;
	v2 =	vmul.f32 v2, v5  }
0x113: {  	v62 =	vld [tilespmem:s2+$0x165D0];
	v6 =	vmul.f32 v52, v5;
	[tilespmem:s2+$0x1C590] =	vst v7  }
0x114: {  	v63 =	vld [tilespmem:s2+$0x165E0];
	[tilespmem:s2+$0x1C5B0] =	vst v2;
	v2 =	vmul.f32 v54, v3  }
0x115: {  	v60 =	vor.u32 $0x7, v1;
	v13 =	vld [tilespmem:s2+$0x168C0];
	[tilespmem:s2+$0x1C5A0] =	vst v6;
	v59 =	vmul.f32 v56, v3  }
0x116: {  	v6 =	vld.idx.msk [tilespmem:v55+s21+$0x0], $0xffff;
	[tilespmem:s2+$0x1C880] =	vst v2;
	v2 =	vmul.f32 v57, v3  }
0x117: {  	v15 =	vld [tilespmem:s2+$0x168D0];
	[tilespmem:s2+$0x1C890] =	vst v59;
	v3 =	vmul.f32 v58, v3  }
0x118: {  	[tilespmem:s2+$0x1C8A0] =	vst v2;
	v2 =	vld [tilespmem:s2+$0x165F0]  }
0x119: {  	v16 =	vld [tilespmem:s2+$0x168E0];
	[tilespmem:s2+$0x1C8B0] =	vst v3  }
0x11a: {  	v3 =	vld.idx.msk [tilespmem:v60+s21+$0x0], $0xffff  }
0x11b: {  	v17 =	vld [tilespmem:s2+$0x168F0];
	v12 =	vmul.f32 v61, v6  }
0x11c: {  	v14 =	vor.u32 $0xC, v4;
	v20 =	vld [tilespmem:s2+$0x16600];
	v8 =	vmul.f32 v62, v6  }
0x11d: {  	v21 =	vld [tilespmem:s2+$0x16610];
	[tilespmem:s2+$0x1C5C0] =	vst v12;
	v2 =	vmul.f32 v2, v6  }
0x11e: {  	v22 =	vld [tilespmem:s2+$0x16620];
	v5 =	vmul.f32 v63, v6;
	[tilespmem:s2+$0x1C5D0] =	vst v8  }
0x11f: {  	v24 =	vld [tilespmem:s2+$0x16900];
	[tilespmem:s2+$0x1C5F0] =	vst v2;
	v2 =	vmul.f32 v13, v3  }
0x120: {  	v19 =	vor.u32 $0x8, v1;
	v26 =	vld [tilespmem:s2+$0x16910];
	[tilespmem:s2+$0x1C5E0] =	vst v5;
	v18 =	vmul.f32 v15, v3  }
0x121: {  	v5 =	vld.idx.msk [tilespmem:v14+s21+$0x0], $0xffff;
	[tilespmem:s2+$0x1C8C0] =	vst v2;
	v2 =	vmul.f32 v16, v3  }
0x122: {  	v27 =	vld [tilespmem:s2+$0x16920];
	[tilespmem:s2+$0x1C8D0] =	vst v18;
	v3 =	vmul.f32 v17, v3  }
0x123: {  	[tilespmem:s2+$0x1C8E0] =	vst v2;
	v2 =	vld [tilespmem:s2+$0x16630]  }
0x124: {  	v28 =	vld [tilespmem:s2+$0x16930];
	[tilespmem:s2+$0x1C8F0] =	vst v3  }
0x125: {  	v3 =	vld.idx.msk [tilespmem:v19+s21+$0x0], $0xffff  }
0x126: {  	v31 =	vld [tilespmem:s2+$0x16640];
	v23 =	vmul.f32 v20, v5  }
0x127: {  	v25 =	vor.u32 $0xD, v4;
	v32 =	vld [tilespmem:s2+$0x16650];
	v7 =	vmul.f32 v21, v5  }
0x128: {  	v33 =	vld [tilespmem:s2+$0x16660];
	[tilespmem:s2+$0x1C600] =	vst v23;
	v2 =	vmul.f32 v2, v5  }
0x129: {  	v35 =	vld [tilespmem:s2+$0x16940];
	v6 =	vmul.f32 v22, v5;
	[tilespmem:s2+$0x1C610] =	vst v7  }
0x12a: {  	v37 =	vld [tilespmem:s2+$0x16950];
	[tilespmem:s2+$0x1C630] =	vst v2;
	v2 =	vmul.f32 v24, v3  }
0x12b: {  	v30 =	vor.u32 $0x9, v1;
	v39 =	vld [tilespmem:s2+$0x16970];
	[tilespmem:s2+$0x1C620] =	vst v6;
	v29 =	vmul.f32 v26, v3  }
0x12c: {  	v6 =	vld.idx.msk [tilespmem:v25+s21+$0x0], $0xffff;
	[tilespmem:s2+$0x1C900] =	vst v2;
	v2 =	vmul.f32 v27, v3  }
0x12d: {  	v42 =	vld [tilespmem:s2+$0x16680];
	[tilespmem:s2+$0x1C910] =	vst v29;
	v3 =	vmul.f32 v28, v3  }
0x12e: {  	[tilespmem:s2+$0x1C920] =	vst v2;
	v2 =	vld [tilespmem:s2+$0x16670]  }
0x12f: {  	v44 =	vld [tilespmem:s2+$0x166A0];
	[tilespmem:s2+$0x1C930] =	vst v3  }
0x130: {  	v3 =	vld.idx.msk [tilespmem:v30+s21+$0x0], $0xffff  }
0x131: {  	v38 =	vld [tilespmem:s2+$0x16960];
	v34 =	vmul.f32 v31, v6  }
0x132: {  	s9 =	sor.u32 $0x20, s5;
	v36 =	vor.u32 $0xE, v4;
	v43 =	vld [tilespmem:s2+$0x16690];
	v8 =	vmul.f32 v32, v6  }
0x133: {  	s7 =	sshll.u32 s9, $0x6;
	v45 =	vld [tilespmem:s2+$0x166B0];
	[tilespmem:s2+$0x1C640] =	vst v34;
	v2 =	vmul.f32 v2, v6  }
0x134: {  	v48 =	vld [tilespmem:s7+$0x16300];
	v5 =	vmul.f32 v33, v6;
	[tilespmem:s2+$0x1C650] =	vst v8  }
0x135: {  	v46 =	vld [tilespmem:s2+$0x16980];
	[tilespmem:s2+$0x1C670] =	vst v2;
	v2 =	vmul.f32 v35, v3  }
0x136: {  	v41 =	vor.u32 $0xA, v1;
	v47 =	vld [tilespmem:s2+$0x169A0];
	[tilespmem:s2+$0x1C660] =	vst v5;
	v40 =	vmul.f32 v37, v3  }
0x137: {  	v5 =	vld.idx.msk [tilespmem:v36+s21+$0x0], $0xffff;
	[tilespmem:s2+$0x1C940] =	vst v2;
	v2 =	vmul.f32 v38, v3  }
0x138: {  	v50 =	vld [tilespmem:s7+$0x16310];
	[tilespmem:s2+$0x1C950] =	vst v40;
	v3 =	vmul.f32 v39, v3  }
0x139: {  	s10 =	sadd.s32 s18, s9;
	v52 =	vld [tilespmem:s7+$0x16320];
	[tilespmem:s2+$0x1C960] =	vst v2  }
0x13a: {  	v54 =	vld [tilespmem:s7+$0x16330];
	[tilespmem:s2+$0x1C970] =	vst v3;
	v3 =	vmov s10  }
0x13b: {  	s5 =	sor.u32 $0x30, s5;
	v9 =	vld.idx.msk [tilespmem:v41+s21+$0x0], $0xffff  }
0x13c: {  	s11 =	sadd.s32 s18, s5;
	s5 =	sshll.u32 s5, $0x6;
	v12 =	vld [tilespmem:s2+$0x16990];
	v2 =	vmul.f32 v42, v5  }
0x13d: {  	v58 =	vld [tilespmem:s5+$0x16300];
	v7 =	vmul.f32 v43, v5  }
0x13e: {  	v13 =	vld [tilespmem:s2+$0x169B0];
	v6 =	vmul.f32 v44, v5;
	[tilespmem:s2+$0x1C680] =	vst v2  }
0x13f: {  	v5 =	vmul.f32 v45, v5;
	[tilespmem:s2+$0x1C690] =	vst v7;
	v14 =	vld.idx.msk [tilespmem:v3+s21+$0x0], $0xffff  }
0x140: {  	v4 =	vor.u32 $0xF, v4;
	v61 =	vld [tilespmem:s5+$0x16310];
	[tilespmem:s2+$0x1C6A0] =	vst v6;
	v49 =	vmul.f32 v46, v9  }
0x141: {  	v63 =	vld [tilespmem:s5+$0x16320];
	[tilespmem:s2+$0x1C6B0] =	vst v5;
	v51 =	vmul.f32 v12, v9  }
0x142: {  	v17 =	vld [tilespmem:s5+$0x16330];
	v2 =	vmov s11;
	v53 =	vmul.f32 v47, v9;
	[tilespmem:s2+$0x1C980] =	vst v49  }
0x143: {  	v57 =	vor.u32 $0xB, v1;
	v33 =	vld [tilespmem:s2+$0x169C0];
	v55 =	vmul.f32 v13, v9;
	[tilespmem:s2+$0x1C990] =	vst v51  }
0x144: {  	v34 =	vld [tilespmem:s2+$0x169D0];
	[tilespmem:s2+$0x1C9A0] =	vst v53;
	v7 =	vmul.f32 v48, v14  }
0x145: {  	v60 =	vor.u32 $0x1, v3;
	v4 =	vld.idx.msk [tilespmem:v4+s21+$0x0], $0xffff;
	[tilespmem:s2+$0x1C9B0] =	vst v55;
	v59 =	vmul.f32 v50, v14  }
0x146: {  	v49 =	vld [tilespmem:s2+$0x169F0];
	v62 =	vmul.f32 v52, v14;
	[tilespmem:s7+$0x1C300] =	vst v7  }
0x147: {  	v56 =	vld.idx.msk [tilespmem:v2+s21+$0x0], $0xffff;
	v16 =	vmul.f32 v54, v14;
	[tilespmem:s7+$0x1C310] =	vst v59  }
0x148: {  	v6 =	vld.idx.msk [tilespmem:v57+s21+$0x0], $0xffff;
	[tilespmem:s7+$0x1C320] =	vst v62  }
0x149: {  	v48 =	vld [tilespmem:s2+$0x169E0];
	[tilespmem:s7+$0x1C330] =	vst v16  }
0x14a: {  	v7 =	vld.idx.msk [tilespmem:v60+s21+$0x0], $0xffff  }
0x14b: {  	v21 =	vld [tilespmem:s2+$0x16B40]  }
0x14c: {  	v23 =	vld [tilespmem:s2+$0x16B50]  }
0x14d: {  	v25 =	vld [tilespmem:s2+$0x16B60]  }
0x14e: {  	v26 =	vld [tilespmem:s2+$0x16B70]  }
0x14f: {  	v15 =	vld [tilespmem:s2+$0x16B80]  }
0x150: {  	v40 =	vld [tilespmem:s2+$0x16B90]  }
0x151: {  	v41 =	vld [tilespmem:s2+$0x16BA0]  }
0x152: {  	v42 =	vld [tilespmem:s2+$0x16BB0];
	v18 =	vmul.f32 v58, v56  }
0x153: {  	v20 =	vor.u32 $0x1, v2;
	v54 =	vld [tilespmem:s2+$0x16BC0];
	v19 =	vmul.f32 v61, v56  }
0x154: {  	v57 =	vld [tilespmem:s2+$0x16BE0];
	v22 =	vmul.f32 v63, v56;
	[tilespmem:s5+$0x1C300] =	vst v18  }
0x155: {  	v59 =	vld [tilespmem:s2+$0x16BF0];
	v24 =	vmul.f32 v17, v56;
	[tilespmem:s5+$0x1C310] =	vst v19  }
0x156: {  	v56 =	vld [tilespmem:s2+$0x16BD0];
	[tilespmem:s5+$0x1C320] =	vst v22  }
0x157: {  	v58 =	vmul.f32 v48, v6;
	v48 =	vld [tilespmem:s2+$0x16C60];
	[tilespmem:s5+$0x1C330] =	vst v24  }
0x158: {  	v8 =	vld.idx.msk [tilespmem:v20+s21+$0x0], $0xffff  }
0x159: {  	v28 =	vld [tilespmem:s2+$0x16F40]  }
0x15a: {  	v30 =	vld [tilespmem:s2+$0x16F50]  }
0x15b: {  	v31 =	vld [tilespmem:s2+$0x16F60];
	v27 =	vmul.f32 v21, v7  }
0x15c: {  	v29 =	vor.u32 $0x2, v3;
	v32 =	vld [tilespmem:s2+$0x16F70];
	v11 =	vmul.f32 v23, v7  }
0x15d: {  	v44 =	vld [tilespmem:s2+$0x16F80];
	v9 =	vmul.f32 v25, v7;
	[tilespmem:s2+$0x1CB40] =	vst v27  }
0x15e: {  	v16 =	vld [tilespmem:s2+$0x16F90];
	v5 =	vmul.f32 v26, v7;
	[tilespmem:s2+$0x1CB50] =	vst v11  }
0x15f: {  	v46 =	vld [tilespmem:s2+$0x16FA0];
	[tilespmem:s2+$0x1CB60] =	vst v9;
	v35 =	vmul.f32 v28, v8  }
0x160: {  	v38 =	vor.u32 $0x2, v2;
	v47 =	vld [tilespmem:s2+$0x16FB0];
	[tilespmem:s2+$0x1CB70] =	vst v5;
	v37 =	vmul.f32 v30, v8  }
0x161: {  	v36 =	vld.idx.msk [tilespmem:v29+s21+$0x0], $0xffff;
	v39 =	vmul.f32 v31, v8;
	[tilespmem:s2+$0x1CF40] =	vst v35  }
0x162: {  	v62 =	vld [tilespmem:s2+$0x16FC0];
	v7 =	vmul.f32 v32, v8;
	[tilespmem:s2+$0x1CF50] =	vst v37  }
0x163: {  	v19 =	vld [tilespmem:s2+$0x16FD0];
	[tilespmem:s2+$0x1CF60] =	vst v39  }
0x164: {  	v20 =	vld [tilespmem:s2+$0x16FE0];
	[tilespmem:s2+$0x1CF70] =	vst v7  }
0x165: {  	v7 =	vld.idx.msk [tilespmem:v38+s21+$0x0], $0xffff  }
0x166: {  	v22 =	vld [tilespmem:s2+$0x16FF0];
	v43 =	vmul.f32 v15, v36  }
0x167: {  	v45 =	vor.u32 $0x3, v3;
	[tilespmem:s2+$0x1C9E0] =	vst v58;
	v17 =	vld [tilespmem:s2+$0x17050];
	v10 =	vmul.f32 v40, v36  }
0x168: {  	v11 =	vmul.f32 v33, v6;
	v27 =	vld [tilespmem:s2+$0x16C00];
	v8 =	vmul.f32 v41, v36;
	[tilespmem:s2+$0x1CB80] =	vst v43  }
0x169: {  	v9 =	vmul.f32 v34, v6;
	v33 =	vld [tilespmem:s2+$0x17000];
	v5 =	vmul.f32 v42, v36;
	[tilespmem:s2+$0x1CB90] =	vst v10  }
0x16a: {  	v6 =	vmul.f32 v49, v6;
	v49 =	vld [tilespmem:s2+$0x16C70];
	[tilespmem:s2+$0x1CBA0] =	vst v8;
	v50 =	vmul.f32 v44, v7  }
0x16b: {  	v53 =	vor.u32 $0x3, v2;
	v29 =	vld [tilespmem:s2+$0x16C10];
	[tilespmem:s2+$0x1CBB0] =	vst v5;
	v52 =	vmul.f32 v16, v7  }
0x16c: {  	v51 =	vld.idx.msk [tilespmem:v45+s21+$0x0], $0xffff;
	v55 =	vmul.f32 v46, v7;
	[tilespmem:s2+$0x1CF80] =	vst v50  }
0x16d: {  	v30 =	vld [tilespmem:s2+$0x16C20];
	v7 =	vmul.f32 v47, v7;
	[tilespmem:s2+$0x1CF90] =	vst v52  }
0x16e: {  	v31 =	vld [tilespmem:s2+$0x16C30];
	[tilespmem:s2+$0x1CFA0] =	vst v55  }
0x16f: {  	v37 =	vld [tilespmem:s2+$0x17020];
	[tilespmem:s2+$0x1CFB0] =	vst v7  }
0x170: {  	[tilespmem:s2+$0x1C9C0] =	vst v11;
	v7 =	vld.idx.msk [tilespmem:v53+s21+$0x0], $0xffff  }
0x171: {  	v60 =	vor.u32 $0xC, v1;
	[tilespmem:s2+$0x1C9D0] =	vst v9;
	v39 =	vld [tilespmem:s2+$0x16A00];
	v61 =	vmul.f32 v54, v51  }
0x172: {  	v18 =	vor.u32 $0x4, v3;
	[tilespmem:s2+$0x1C9F0] =	vst v6;
	v38 =	vld [tilespmem:s2+$0x17030];
	v63 =	vmul.f32 v56, v51  }
0x173: {  	v36 =	vld [tilespmem:s2+$0x17010];
	v10 =	vmul.f32 v57, v51;
	[tilespmem:s2+$0x1CBC0] =	vst v61  }
0x174: {  	v40 =	vld [tilespmem:s2+$0x16A10];
	v21 =	vmul.f32 v59, v51;
	[tilespmem:s2+$0x1CBD0] =	vst v63  }
0x175: {  	v5 =	vld [tilespmem:s2+$0x166C0];
	[tilespmem:s2+$0x1CBE0] =	vst v10;
	v23 =	vmul.f32 v62, v7  }
0x176: {  	v26 =	vor.u32 $0x4, v2;
	v8 =	vld.idx.msk [tilespmem:v60+s21+$0x0], $0xffff;
	[tilespmem:s2+$0x1CBF0] =	vst v21;
	v25 =	vmul.f32 v19, v7  }
0x177: {  	v24 =	vld.idx.msk [tilespmem:v18+s21+$0x0], $0xffff;
	v28 =	vmul.f32 v20, v7;
	[tilespmem:s2+$0x1CFC0] =	vst v23  }
0x178: {  	v45 =	vld [tilespmem:s2+$0x16C40];
	v7 =	vmul.f32 v22, v7;
	[tilespmem:s2+$0x1CFD0] =	vst v25  }
0x179: {  	v47 =	vld [tilespmem:s2+$0x16C50];
	[tilespmem:s2+$0x1CFE0] =	vst v28  }
0x17a: {  	v53 =	vld [tilespmem:s2+$0x17060];
	[tilespmem:s2+$0x1CFF0] =	vst v7  }
0x17b: {  	v55 =	vmul.f32 v39, v8;
	v7 =	vld.idx.msk [tilespmem:v26+s21+$0x0], $0xffff  }
0x17c: {  	v39 =	vld [tilespmem:s2+$0x16CD0];
	v32 =	vmul.f32 v27, v24  }
0x17d: {  	v35 =	vor.u32 $0x5, v3;
	v51 =	vld [tilespmem:s2+$0x17040];
	[tilespmem:s2+$0x1CA00] =	vst v55;
	v34 =	vmul.f32 v29, v24  }
0x17e: {  	v54 =	vld [tilespmem:s2+$0x17070];
	v10 =	vmul.f32 v30, v24;
	[tilespmem:s2+$0x1CC00] =	vst v32  }
0x17f: {  	v56 =	vld [tilespmem:s2+$0x16A20];
	v6 =	vmul.f32 v31, v24;
	[tilespmem:s2+$0x1CC10] =	vst v34  }
0x180: {  	v57 =	vld [tilespmem:s2+$0x16A30];
	[tilespmem:s2+$0x1CC20] =	vst v10;
	v41 =	vmul.f32 v33, v7  }
0x181: {  	v44 =	vor.u32 $0x5, v2;
	v55 =	vld [tilespmem:s2+$0x16D00];
	[tilespmem:s2+$0x1CC30] =	vst v6;
	v43 =	vmul.f32 v36, v7  }
0x182: {  	v42 =	vld.idx.msk [tilespmem:v35+s21+$0x0], $0xffff;
	v46 =	vmul.f32 v37, v7;
	[tilespmem:s2+$0x1D000] =	vst v41  }
0x183: {  	v21 =	vld [tilespmem:s2+$0x16CB0];
	v7 =	vmul.f32 v38, v7;
	[tilespmem:s2+$0x1D010] =	vst v43  }
0x184: {  	v18 =	vld [tilespmem:s2+$0x16C90];
	[tilespmem:s2+$0x1D020] =	vst v46  }
0x185: {  	v62 =	vld [tilespmem:s2+$0x16C80];
	[tilespmem:s2+$0x1D030] =	vst v7  }
0x186: {  	v7 =	vld.idx.msk [tilespmem:v44+s21+$0x0], $0xffff  }
0x187: {  	v19 =	vld [tilespmem:s2+$0x16CA0];
	v50 =	vmul.f32 v45, v42  }
0x188: {  	v52 =	vor.u32 $0x6, v3;
	v22 =	vmul.f32 v57, v8;
	v57 =	vld [tilespmem:s2+$0x16D10];
	v11 =	vmul.f32 v47, v42  }
0x189: {  	v26 =	vld [tilespmem:s2+$0x17080];
	v9 =	vmul.f32 v48, v42;
	[tilespmem:s2+$0x1CC40] =	vst v50  }
0x18a: {  	v29 =	vld [tilespmem:s2+$0x17090];
	v6 =	vmul.f32 v49, v42;
	[tilespmem:s2+$0x1CC50] =	vst v11  }
0x18b: {  	v30 =	vld [tilespmem:s2+$0x170A0];
	[tilespmem:s2+$0x1CC60] =	vst v9;
	v58 =	vmul.f32 v51, v7  }
0x18c: {  	v61 =	vor.u32 $0x6, v2;
	v32 =	vld [tilespmem:s2+$0x170B0];
	[tilespmem:s2+$0x1CC70] =	vst v6;
	v60 =	vmul.f32 v17, v7  }
0x18d: {  	v59 =	vld.idx.msk [tilespmem:v52+s21+$0x0], $0xffff;
	v63 =	vmul.f32 v53, v7;
	[tilespmem:s2+$0x1D040] =	vst v58  }
0x18e: {  	v10 =	vmul.f32 v40, v8;
	v40 =	vld [tilespmem:s2+$0x16CE0];
	v7 =	vmul.f32 v54, v7;
	[tilespmem:s2+$0x1D050] =	vst v60  }
0x18f: {  	v20 =	vmul.f32 v56, v8;
	v37 =	vld [tilespmem:s2+$0x16CC0];
	[tilespmem:s2+$0x1D060] =	vst v63  }
0x190: {  	v41 =	vld [tilespmem:s2+$0x16CF0];
	[tilespmem:s2+$0x1D070] =	vst v7  }
0x191: {  	[tilespmem:s2+$0x1CA20] =	vst v20;
	v23 =	vld.idx.msk [tilespmem:v61+s21+$0x0], $0xffff  }
0x192: {  	[tilespmem:s2+$0x1CA30] =	vst v22;
	v43 =	vld [tilespmem:s2+$0x170C0];
	v25 =	vmul.f32 v62, v59  }
0x193: {  	v28 =	vor.u32 $0x7, v3;
	[tilespmem:s2+$0x1CA10] =	vst v10;
	v46 =	vld [tilespmem:s2+$0x170D0];
	v27 =	vmul.f32 v18, v59  }
0x194: {  	v24 =	vor.u32 $0xD, v1;
	v47 =	vld [tilespmem:s2+$0x170E0];
	v11 =	vmul.f32 v19, v59;
	[tilespmem:s2+$0x1CC80] =	vst v25  }
0x195: {  	v48 =	vld [tilespmem:s2+$0x170F0];
	v31 =	vmul.f32 v21, v59;
	[tilespmem:s2+$0x1CC90] =	vst v27  }
0x196: {  	v49 =	vld [tilespmem:s2+$0x16A40];
	[tilespmem:s2+$0x1CCA0] =	vst v11;
	v33 =	vmul.f32 v26, v23  }
0x197: {  	v36 =	vor.u32 $0x7, v2;
	v6 =	vld [tilespmem:s2+$0x166D0];
	[tilespmem:s2+$0x1CCB0] =	vst v31;
	v35 =	vmul.f32 v29, v23  }
0x198: {  	v34 =	vld.idx.msk [tilespmem:v28+s21+$0x0], $0xffff;
	v38 =	vmul.f32 v30, v23;
	[tilespmem:s2+$0x1D080] =	vst v33  }
0x199: {  	v9 =	vld.idx.msk [tilespmem:v24+s21+$0x0], $0xffff;
	v8 =	vmul.f32 v32, v23;
	[tilespmem:s2+$0x1D090] =	vst v35  }
0x19a: {  	v50 =	vld [tilespmem:s2+$0x16A50];
	[tilespmem:s2+$0x1D0A0] =	vst v38  }
0x19b: {  	v24 =	vld [tilespmem:s2+$0x16A70];
	[tilespmem:s2+$0x1D0B0] =	vst v8  }
0x19c: {  	v8 =	vld.idx.msk [tilespmem:v36+s21+$0x0], $0xffff  }
0x19d: {  	v20 =	vld [tilespmem:s2+$0x16E70];
	v42 =	vmul.f32 v37, v34  }
0x19e: {  	v45 =	vor.u32 $0x8, v3;
	v58 =	vld [tilespmem:s2+$0x16D20];
	v44 =	vmul.f32 v39, v34  }
0x19f: {  	v63 =	vld [tilespmem:s2+$0x17120];
	v11 =	vmul.f32 v40, v34;
	[tilespmem:s2+$0x1CCC0] =	vst v42  }
0x1a0: {  	v61 =	vld [tilespmem:s2+$0x17100];
	v7 =	vmul.f32 v41, v34;
	[tilespmem:s2+$0x1CCD0] =	vst v44  }
0x1a1: {  	v59 =	vld [tilespmem:s2+$0x16D30];
	[tilespmem:s2+$0x1CCE0] =	vst v11;
	v51 =	vmul.f32 v43, v8  }
0x1a2: {  	v54 =	vor.u32 $0x8, v2;
	v23 =	vld [tilespmem:s2+$0x16A60];
	[tilespmem:s2+$0x1CCF0] =	vst v7;
	v53 =	vmul.f32 v46, v8  }
0x1a3: {  	v52 =	vld.idx.msk [tilespmem:v45+s21+$0x0], $0xffff;
	v56 =	vmul.f32 v47, v8;
	[tilespmem:s2+$0x1D0C0] =	vst v51  }
0x1a4: {  	v18 =	vld [tilespmem:s2+$0x17110];
	v8 =	vmul.f32 v48, v8;
	[tilespmem:s2+$0x1D0D0] =	vst v53  }
0x1a5: {  	v21 =	vld [tilespmem:s2+$0x17130];
	[tilespmem:s2+$0x1D0E0] =	vst v56  }
0x1a6: {  	v19 =	vld [tilespmem:s2+$0x171D0];
	[tilespmem:s2+$0x1D0F0] =	vst v8  }
0x1a7: {  	v33 =	vmul.f32 v23, v9;
	v8 =	vld.idx.msk [tilespmem:v54+s21+$0x0], $0xffff  }
0x1a8: {  	v31 =	vld [tilespmem:s2+$0x16D50];
	v60 =	vmul.f32 v55, v52  }
0x1a9: {  	v62 =	vor.u32 $0x9, v3;
	v29 =	vld [tilespmem:s2+$0x16D40];
	[tilespmem:s2+$0x1CA60] =	vst v33;
	v12 =	vmul.f32 v57, v52  }
0x1aa: {  	v32 =	vld [tilespmem:s2+$0x16D60];
	v10 =	vmul.f32 v58, v52;
	[tilespmem:s2+$0x1CD00] =	vst v60  }
0x1ab: {  	v34 =	vld [tilespmem:s2+$0x16D70];
	v7 =	vmul.f32 v59, v52;
	[tilespmem:s2+$0x1CD10] =	vst v12  }
0x1ac: {  	v39 =	vld [tilespmem:s2+$0x17140];
	[tilespmem:s2+$0x1CD20] =	vst v10;
	v25 =	vmul.f32 v61, v8  }
0x1ad: {  	v28 =	vor.u32 $0x9, v2;
	v42 =	vld [tilespmem:s2+$0x17150];
	[tilespmem:s2+$0x1CD30] =	vst v7;
	v27 =	vmul.f32 v18, v8  }
0x1ae: {  	v26 =	vld.idx.msk [tilespmem:v62+s21+$0x0], $0xffff;
	v30 =	vmul.f32 v63, v8;
	[tilespmem:s2+$0x1D100] =	vst v25  }
0x1af: {  	v11 =	vmul.f32 v50, v9;
	v50 =	vld [tilespmem:s2+$0x16D80];
	v8 =	vmul.f32 v21, v8;
	[tilespmem:s2+$0x1D110] =	vst v27  }
0x1b0: {  	v22 =	vmul.f32 v49, v9;
	v45 =	vld [tilespmem:s2+$0x17170];
	[tilespmem:s2+$0x1D120] =	vst v30  }
0x1b1: {  	v35 =	vmul.f32 v24, v9;
	v33 =	vld [tilespmem:s2+$0x171E0];
	[tilespmem:s2+$0x1D130] =	vst v8  }
0x1b2: {  	[tilespmem:s2+$0x1CA40] =	vst v22;
	v36 =	vld.idx.msk [tilespmem:v28+s21+$0x0], $0xffff  }
0x1b3: {  	[tilespmem:s2+$0x1CA70] =	vst v35;
	v43 =	vld [tilespmem:s2+$0x17160];
	v38 =	vmul.f32 v29, v26  }
0x1b4: {  	v41 =	vor.u32 $0xA, v3;
	[tilespmem:s2+$0x1CA50] =	vst v11;
	v53 =	vld [tilespmem:s2+$0x16DA0];
	v40 =	vmul.f32 v31, v26  }
0x1b5: {  	v56 =	vld [tilespmem:s2+$0x17180];
	v12 =	vmul.f32 v32, v26;
	[tilespmem:s2+$0x1CD40] =	vst v38  }
0x1b6: {  	v37 =	vor.u32 $0xE, v1;
	v54 =	vld [tilespmem:s2+$0x16DB0];
	v44 =	vmul.f32 v34, v26;
	[tilespmem:s2+$0x1CD50] =	vst v40  }
0x1b7: {  	v52 =	vld [tilespmem:s2+$0x16D90];
	[tilespmem:s2+$0x1CD60] =	vst v12;
	v46 =	vmul.f32 v39, v36  }
0x1b8: {  	v49 =	vor.u32 $0xA, v2;
	v59 =	vld [tilespmem:s2+$0x17190];
	[tilespmem:s2+$0x1CD70] =	vst v44;
	v48 =	vmul.f32 v42, v36  }
0x1b9: {  	v47 =	vld.idx.msk [tilespmem:v41+s21+$0x0], $0xffff;
	v51 =	vmul.f32 v43, v36;
	[tilespmem:s2+$0x1D140] =	vst v46  }
0x1ba: {  	v7 =	vld [tilespmem:s2+$0x166E0];
	v9 =	vmul.f32 v45, v36;
	[tilespmem:s2+$0x1D150] =	vst v48  }
0x1bb: {  	v10 =	vld.idx.msk [tilespmem:v37+s21+$0x0], $0xffff;
	[tilespmem:s2+$0x1D160] =	vst v51  }
0x1bc: {  	v60 =	vld [tilespmem:s2+$0x171A0];
	[tilespmem:s2+$0x1D170] =	vst v9  }
0x1bd: {  	v9 =	vld.idx.msk [tilespmem:v49+s21+$0x0], $0xffff  }
0x1be: {  	v37 =	vld [tilespmem:s2+$0x16AB0];
	v55 =	vmul.f32 v50, v47  }
0x1bf: {  	v58 =	vor.u32 $0xB, v3;
	v62 =	vld [tilespmem:s2+$0x16A80];
	v57 =	vmul.f32 v52, v47  }
0x1c0: {  	v61 =	vld [tilespmem:s2+$0x171B0];
	v12 =	vmul.f32 v53, v47;
	[tilespmem:s2+$0x1CD80] =	vst v55  }
0x1c1: {  	v63 =	vld [tilespmem:s2+$0x16A90];
	v8 =	vmul.f32 v54, v47;
	[tilespmem:s2+$0x1CD90] =	vst v57  }
0x1c2: {  	v25 =	vld [tilespmem:s2+$0x16DC0];
	[tilespmem:s2+$0x1CDA0] =	vst v12;
	v21 =	vmul.f32 v56, v9  }
0x1c3: {  	v24 =	vor.u32 $0xB, v2;
	v27 =	vld [tilespmem:s2+$0x16DD0];
	[tilespmem:s2+$0x1CDB0] =	vst v8;
	v23 =	vmul.f32 v59, v9  }
0x1c4: {  	v22 =	vld.idx.msk [tilespmem:v58+s21+$0x0], $0xffff;
	v26 =	vmul.f32 v60, v9;
	[tilespmem:s2+$0x1D180] =	vst v21  }
0x1c5: {  	v28 =	vld [tilespmem:s2+$0x16DE0];
	v9 =	vmul.f32 v61, v9;
	[tilespmem:s2+$0x1D190] =	vst v23  }
0x1c6: {  	v29 =	vld [tilespmem:s2+$0x16DF0];
	[tilespmem:s2+$0x1D1A0] =	vst v26  }
0x1c7: {  	v31 =	vld [tilespmem:s2+$0x171C0];
	[tilespmem:s2+$0x1D1B0] =	vst v9  }
0x1c8: {  	v35 =	vmul.f32 v62, v10;
	v9 =	vld.idx.msk [tilespmem:v24+s21+$0x0], $0xffff  }
0x1c9: {  	v34 =	vld [tilespmem:s2+$0x171F0];
	v30 =	vmul.f32 v25, v22  }
0x1ca: {  	v32 =	vor.u32 $0xC, v3;
	v62 =	vld [tilespmem:s2+$0x16E50];
	[tilespmem:s2+$0x1CA80] =	vst v35;
	v13 =	vmul.f32 v27, v22  }
0x1cb: {  	v44 =	vld [tilespmem:s2+$0x16E20];
	v11 =	vmul.f32 v28, v22;
	[tilespmem:s2+$0x1CDC0] =	vst v30  }
0x1cc: {  	v35 =	vld [tilespmem:s2+$0x16E90];
	v8 =	vmul.f32 v29, v22;
	[tilespmem:s2+$0x1CDD0] =	vst v13  }
0x1cd: {  	v36 =	vld [tilespmem:s2+$0x16AA0];
	[tilespmem:s2+$0x1CDE0] =	vst v11;
	v38 =	vmul.f32 v31, v9  }
0x1ce: {  	v41 =	vor.u32 $0xC, v2;
	v42 =	vld [tilespmem:s2+$0x16E00];
	[tilespmem:s2+$0x1CDF0] =	vst v8;
	v40 =	vmul.f32 v19, v9  }
0x1cf: {  	v39 =	vld.idx.msk [tilespmem:v32+s21+$0x0], $0xffff;
	v16 =	vmul.f32 v33, v9;
	[tilespmem:s2+$0x1D1C0] =	vst v38  }
0x1d0: {  	v43 =	vld [tilespmem:s2+$0x16E10];
	v9 =	vmul.f32 v34, v9;
	[tilespmem:s2+$0x1D1D0] =	vst v40  }
0x1d1: {  	v45 =	vld [tilespmem:s2+$0x16E30];
	[tilespmem:s2+$0x1D1E0] =	vst v16  }
0x1d2: {  	v5 =	vmul.f32 v5, v4;
	v48 =	vld [tilespmem:s2+$0x17200];
	[tilespmem:s2+$0x1D1F0] =	vst v9  }
0x1d3: {  	v11 =	vmul.f32 v36, v10;
	v46 =	vld.idx.msk [tilespmem:v41+s21+$0x0], $0xffff  }
0x1d4: {  	[tilespmem:s2+$0x1C6C0] =	vst v5;
	v51 =	vld [tilespmem:s2+$0x17210];
	v47 =	vmul.f32 v42, v39  }
0x1d5: {  	v50 =	vor.u32 $0xD, v3;
	v53 =	vld [tilespmem:s2+$0x17220];
	[tilespmem:s2+$0x1CAA0] =	vst v11;
	v49 =	vmul.f32 v43, v39  }
0x1d6: {  	v55 =	vld [tilespmem:s2+$0x17230];
	v52 =	vmul.f32 v44, v39;
	[tilespmem:s2+$0x1CE00] =	vst v47  }
0x1d7: {  	v12 =	vmul.f32 v63, v10;
	v63 =	vld [tilespmem:s2+$0x16E60];
	v54 =	vmul.f32 v45, v39;
	[tilespmem:s2+$0x1CE10] =	vst v49  }
0x1d8: {  	v56 =	vld [tilespmem:s2+$0x166F0];
	[tilespmem:s2+$0x1CE20] =	vst v52;
	v57 =	vmul.f32 v48, v46  }
0x1d9: {  	v59 =	vor.u32 $0xD, v2;
	v60 =	vld [tilespmem:s2+$0x16E40];
	[tilespmem:s2+$0x1CE30] =	vst v54;
	v58 =	vmul.f32 v51, v46  }
0x1da: {  	v11 =	vld.idx.msk [tilespmem:v50+s21+$0x0], $0xffff;
	v61 =	vmul.f32 v53, v46;
	[tilespmem:s2+$0x1D200] =	vst v57  }
0x1db: {  	v26 =	vld [tilespmem:s2+$0x17260];
	v9 =	vmul.f32 v55, v46;
	[tilespmem:s2+$0x1D210] =	vst v58  }
0x1dc: {  	v6 =	vmul.f32 v6, v4;
	v22 =	vld [tilespmem:s2+$0x17240];
	[tilespmem:s2+$0x1D220] =	vst v61  }
0x1dd: {  	v25 =	vld [tilespmem:s2+$0x17250];
	[tilespmem:s2+$0x1D230] =	vst v9  }
0x1de: {  	[tilespmem:s2+$0x1C6D0] =	vst v6;
	v8 =	vmul.f32 v37, v10;
	v9 =	vld.idx.msk [tilespmem:v59+s21+$0x0], $0xffff  }
0x1df: {  	v1 =	vor.u32 $0xF, v1;
	[tilespmem:s2+$0x1CA90] =	vst v12;
	v27 =	vld [tilespmem:s2+$0x17270];
	v21 =	vmul.f32 v60, v11  }
0x1e0: {  	v24 =	vor.u32 $0xE, v3;
	v28 =	vld [tilespmem:s2+$0x16AC0];
	[tilespmem:s2+$0x1CAB0] =	vst v8;
	v23 =	vmul.f32 v62, v11  }
0x1e1: {  	v29 =	vld [tilespmem:s2+$0x16AD0];
	v10 =	vmul.f32 v63, v11;
	[tilespmem:s2+$0x1CE40] =	vst v21  }
0x1e2: {  	v36 =	vld [tilespmem:s2+$0x16EA0];
	v8 =	vmul.f32 v20, v11;
	[tilespmem:s2+$0x1CE50] =	vst v23  }
0x1e3: {  	v34 =	vld [tilespmem:s2+$0x16E80];
	[tilespmem:s2+$0x1CE60] =	vst v10;
	v30 =	vmul.f32 v22, v9  }
0x1e4: {  	v33 =	vor.u32 $0xE, v2;
	v1 =	vld.idx.msk [tilespmem:v1+s21+$0x0], $0xffff;
	[tilespmem:s2+$0x1CE70] =	vst v8;
	v32 =	vmul.f32 v25, v9  }
0x1e5: {  	v31 =	vld.idx.msk [tilespmem:v24+s21+$0x0], $0xffff;
	v12 =	vmul.f32 v26, v9;
	[tilespmem:s2+$0x1D240] =	vst v30  }
0x1e6: {  	v37 =	vld [tilespmem:s2+$0x16EB0];
	v9 =	vmul.f32 v27, v9;
	[tilespmem:s2+$0x1D250] =	vst v32  }
0x1e7: {  	v38 =	vmul.f32 v7, v4;
	v4 =	vmul.f32 v56, v4;
	v56 =	vld [tilespmem:s2+$0x16EE0];
	[tilespmem:s2+$0x1D260] =	vst v12  }
0x1e8: {  	v41 =	vld [tilespmem:s2+$0x17280];
	[tilespmem:s2+$0x1D270] =	vst v9  }
0x1e9: {  	[tilespmem:s2+$0x1C6E0] =	vst v38;
	v55 =	vmul.f32 v28, v1;
	v39 =	vld.idx.msk [tilespmem:v33+s21+$0x0], $0xffff  }
0x1ea: {  	v43 =	vld [tilespmem:s2+$0x17290];
	[tilespmem:s2+$0x1C6F0] =	vst v4;
	v40 =	vmul.f32 v34, v31  }
0x1eb: {  	v3 =	vor.u32 $0xF, v3;
	v45 =	vld [tilespmem:s2+$0x172A0];
	[tilespmem:s2+$0x1CAC0] =	vst v55;
	v42 =	vmul.f32 v35, v31  }
0x1ec: {  	v47 =	vld [tilespmem:s2+$0x172B0];
	v44 =	vmul.f32 v36, v31;
	[tilespmem:s2+$0x1CE80] =	vst v40  }
0x1ed: {  	v48 =	vld [tilespmem:s2+$0x16AE0];
	v46 =	vmul.f32 v37, v31;
	[tilespmem:s2+$0x1CE90] =	vst v42  }
0x1ee: {  	v49 =	vld [tilespmem:s2+$0x16AF0];
	[tilespmem:s2+$0x1CEA0] =	vst v44;
	v8 =	vmul.f32 v41, v39  }
0x1ef: {  	v2 =	vor.u32 $0xF, v2;
	v51 =	vld [tilespmem:s2+$0x16EC0];
	[tilespmem:s2+$0x1CEB0] =	vst v46;
	v50 =	vmul.f32 v43, v39  }
0x1f0: {  	v3 =	vld.idx.msk [tilespmem:v3+s21+$0x0], $0xffff;
	v52 =	vmul.f32 v45, v39;
	[tilespmem:s2+$0x1D280] =	vst v8  }
0x1f1: {  	v54 =	vld [tilespmem:s2+$0x16ED0];
	v53 =	vmul.f32 v47, v39;
	[tilespmem:s2+$0x1D290] =	vst v50  }
0x1f2: {  	v57 =	vld [tilespmem:s2+$0x16EF0];
	v6 =	vmul.f32 v48, v1;
	[tilespmem:s2+$0x1D2A0] =	vst v52  }
0x1f3: {  	v58 =	vld [tilespmem:s2+$0x172C0];
	v10 =	vmul.f32 v29, v1;
	[tilespmem:s2+$0x1D2B0] =	vst v53  }
0x1f4: {  	v1 =	vmul.f32 v49, v1;
	[tilespmem:s2+$0x1CAE0] =	vst v6;
	v2 =	vld.idx.msk [tilespmem:v2+s21+$0x0], $0xffff  }
0x1f5: {  	v60 =	vld [tilespmem:s2+$0x172D0];
	[tilespmem:s2+$0x1CAD0] =	vst v10;
	v59 =	vmul.f32 v51, v3  }
0x1f6: {  	v61 =	vld [tilespmem:s2+$0x172E0];
	[tilespmem:s2+$0x1CAF0] =	vst v1;
	v1 =	vmul.f32 v54, v3  }
0x1f7: {  	v63 =	vld [tilespmem:s2+$0x172F0];
	v62 =	vmul.f32 v56, v3;
	[tilespmem:s2+$0x1CEC0] =	vst v59  }
0x1f8: {  	[tilespmem:s2+$0x1CED0] =	vst v1;
	v1 =	vmul.f32 v57, v3  }
0x1f9: {  	p1 =	por p0, p0;
	[tilespmem:s2+$0x1CEE0] =	vst v62;
	v3 =	vmul.f32 v58, v2  }
.Ltmp3:
0x1fa: {  	[tilespmem:s2+$0x1CEF0] =	vst v1;
	v1 =	vmul.f32 v60, v2;
	(pc) =	sbr.rel @p1 .LBB2_5-.Ltmp3, $4  }
0x1fb: {  	[tilespmem:s2+$0x1D2C0] =	vst v3;
	v3 =	vmul.f32 v61, v2  }
0x1fc: {  	[tilespmem:s2+$0x1D2D0] =	vst v1;
	v1 =	vmul.f32 v63, v2  }
0x1fd: {  	[tilespmem:s2+$0x1D2E0] =	vst v3  }
0x1fe: {  	p0 =	por $0x0, $0x0;
	[tilespmem:s2+$0x1D2F0] =	vst v1;
	s2 =	simm.s32 $0x4  }
0x1ff: {  	s5 =	smul.u32 $0x600, s28;
	_ =	sdelay $0x1  }
0x200: {  	s2 =	sshra.s32 s5, $0x2  }
0x201: {  	s7 =	sadd.s32 $0x12100, s2  }
0x202: {  	[spmem:s3] =	stream.indirect.scatter.add.f32 [tilespmem:s30], [sflag:$0x4], $0x40, s7, s25, $0xb8;
	[tilespmem:$0x1E300] =	vst v63  }
0x203: {  	p0 =	seq.s32 s28, $0x15;
	_ =	swait.ge [sflag:s31], $0x2000  }
0x204: {  	s8 =	simm.s32 @!p0 $0x80;
	s5 =	sshra.s32 @!p0 s5, $0x2;
	[sflag:s31] =	ssyncset.done $0x0  }
0x205: {  	s9 =	simm.s32 @!p0 $0x16300;
	s7 =	sadd.s32 @!p0 $0x10180, s5;
	[sflag:s31] =	ssyncadd.s32 $0xFFFFE000  }
0x206: {  	[tilespmem:s9], [sflag:$0x1] =	stream.indirect.gather @!p0 [hbm4b:s1+s8], $0x40, s7, s8, $0xb8;
	[tilespmem:$0x1E300] =	vst v63  }
0x207: {  	_ =	swait.ge [sflag:s0], $0x2000  }
0x208: {  	p1 =	por $0x1, $0x1;
	[sflag:s0] =	ssyncset.done $0x0  }
0x209: {  	s7 =	sadd.s32 $0x80, s18;
	s8 =	simm.s32 $0x0;
	[sflag:s0] =	ssyncadd.s32 $0xFFFFE000  }
.LBB2_7:
0x20a: {  	s9 =	sshll.u32 s8, $0x4  }
0x20b: {  	s10 =	sadd.s32 s7, s9  }
0x20c: {  	v4 =	vmov s10;
	_ =	sdelay $0x2  }
0x20d: {  	s8 =	sshll.u32 s8, $0xA  }
0x20e: {  	v2 =	vld [tilespmem:s8+$0x18300]  }
0x20f: {  	v1 =	vld.idx.msk [tilespmem:v4+s21+$0x0], $0xffff  }
0x210: {  	v3 =	vld [tilespmem:s8+$0x18310]  }
0x211: {  	v5 =	vld [tilespmem:s8+$0x18320]  }
0x212: {  	v6 =	vld [tilespmem:s8+$0x18330];
	_ =	sdelay $0x1  }
0x213: {  	v2 =	vmul.f32 v2, v1  }
0x214: {  	v7 =	vor.u32 $0x1, v4;
	v3 =	vmul.f32 v3, v1  }
0x215: {  	[tilespmem:s8+$0x1C300] =	vst v2;
	v2 =	vmul.f32 v5, v1  }
0x216: {  	[tilespmem:s8+$0x1C310] =	vst v3;
	v1 =	vmul.f32 v6, v1  }
0x217: {  	[tilespmem:s8+$0x1C320] =	vst v2  }
0x218: {  	[tilespmem:s8+$0x1C330] =	vst v1;
	v2 =	vld [tilespmem:s8+$0x18340]  }
0x219: {  	v1 =	vld.idx.msk [tilespmem:v7+s21+$0x0], $0xffff  }
0x21a: {  	v3 =	vld [tilespmem:s8+$0x18350]  }
0x21b: {  	v45 =	vld [tilespmem:s8+$0x18360]  }
0x21c: {  	v46 =	vld [tilespmem:s8+$0x18370];
	_ =	sdelay $0x1  }
0x21d: {  	v2 =	vmul.f32 v2, v1  }
0x21e: {  	v47 =	vor.u32 $0x2, v4;
	v3 =	vmul.f32 v3, v1  }
0x21f: {  	[tilespmem:s8+$0x1C340] =	vst v2;
	v2 =	vmul.f32 v45, v1  }
0x220: {  	[tilespmem:s8+$0x1C350] =	vst v3;
	v1 =	vmul.f32 v46, v1  }
0x221: {  	[tilespmem:s8+$0x1C360] =	vst v2  }
0x222: {  	[tilespmem:s8+$0x1C370] =	vst v1;
	v2 =	vld [tilespmem:s8+$0x18380]  }
0x223: {  	v1 =	vld.idx.msk [tilespmem:v47+s21+$0x0], $0xffff  }
0x224: {  	v3 =	vld [tilespmem:s8+$0x18390]  }
0x225: {  	v48 =	vld [tilespmem:s8+$0x183A0]  }
0x226: {  	v49 =	vld [tilespmem:s8+$0x183B0];
	_ =	sdelay $0x1  }
0x227: {  	v2 =	vmul.f32 v2, v1  }
0x228: {  	v50 =	vor.u32 $0x3, v4;
	v3 =	vmul.f32 v3, v1  }
0x229: {  	[tilespmem:s8+$0x1C380] =	vst v2;
	v2 =	vmul.f32 v48, v1  }
0x22a: {  	[tilespmem:s8+$0x1C390] =	vst v3;
	v1 =	vmul.f32 v49, v1  }
0x22b: {  	[tilespmem:s8+$0x1C3A0] =	vst v2  }
0x22c: {  	[tilespmem:s8+$0x1C3B0] =	vst v1;
	v2 =	vld [tilespmem:s8+$0x183C0]  }
0x22d: {  	v1 =	vld.idx.msk [tilespmem:v50+s21+$0x0], $0xffff  }
0x22e: {  	v3 =	vld [tilespmem:s8+$0x183D0]  }
0x22f: {  	v51 =	vld [tilespmem:s8+$0x183E0]  }
0x230: {  	v52 =	vld [tilespmem:s8+$0x183F0];
	_ =	sdelay $0x1  }
0x231: {  	v2 =	vmul.f32 v2, v1  }
0x232: {  	v53 =	vor.u32 $0x4, v4;
	v3 =	vmul.f32 v3, v1  }
0x233: {  	[tilespmem:s8+$0x1C3C0] =	vst v2;
	v2 =	vmul.f32 v51, v1  }
0x234: {  	[tilespmem:s8+$0x1C3D0] =	vst v3;
	v1 =	vmul.f32 v52, v1  }
0x235: {  	[tilespmem:s8+$0x1C3E0] =	vst v2  }
0x236: {  	[tilespmem:s8+$0x1C3F0] =	vst v1;
	v2 =	vld [tilespmem:s8+$0x18400]  }
0x237: {  	v1 =	vld.idx.msk [tilespmem:v53+s21+$0x0], $0xffff  }
0x238: {  	v3 =	vld [tilespmem:s8+$0x18410]  }
0x239: {  	v54 =	vld [tilespmem:s8+$0x18420]  }
0x23a: {  	v55 =	vld [tilespmem:s8+$0x18430];
	_ =	sdelay $0x1  }
0x23b: {  	v2 =	vmul.f32 v2, v1  }
0x23c: {  	v56 =	vor.u32 $0x5, v4;
	v3 =	vmul.f32 v3, v1  }
0x23d: {  	[tilespmem:s8+$0x1C400] =	vst v2;
	v2 =	vmul.f32 v54, v1  }
0x23e: {  	[tilespmem:s8+$0x1C410] =	vst v3;
	v1 =	vmul.f32 v55, v1  }
0x23f: {  	[tilespmem:s8+$0x1C420] =	vst v2  }
0x240: {  	[tilespmem:s8+$0x1C430] =	vst v1;
	v2 =	vld [tilespmem:s8+$0x18440]  }
0x241: {  	v1 =	vld.idx.msk [tilespmem:v56+s21+$0x0], $0xffff  }
0x242: {  	v3 =	vld [tilespmem:s8+$0x18450]  }
0x243: {  	v57 =	vld [tilespmem:s8+$0x18460]  }
0x244: {  	v58 =	vld [tilespmem:s8+$0x18470];
	_ =	sdelay $0x1  }
0x245: {  	v2 =	vmul.f32 v2, v1  }
0x246: {  	v59 =	vor.u32 $0x6, v4;
	v3 =	vmul.f32 v3, v1  }
0x247: {  	[tilespmem:s8+$0x1C440] =	vst v2;
	v2 =	vmul.f32 v57, v1  }
0x248: {  	[tilespmem:s8+$0x1C450] =	vst v3;
	v1 =	vmul.f32 v58, v1  }
0x249: {  	[tilespmem:s8+$0x1C460] =	vst v2  }
0x24a: {  	[tilespmem:s8+$0x1C470] =	vst v1;
	v2 =	vld [tilespmem:s8+$0x18480]  }
0x24b: {  	v1 =	vld.idx.msk [tilespmem:v59+s21+$0x0], $0xffff  }
0x24c: {  	v3 =	vld [tilespmem:s8+$0x18490]  }
0x24d: {  	v60 =	vld [tilespmem:s8+$0x184A0]  }
0x24e: {  	v61 =	vld [tilespmem:s8+$0x184B0];
	_ =	sdelay $0x1  }
0x24f: {  	v2 =	vmul.f32 v2, v1  }
0x250: {  	v62 =	vor.u32 $0x7, v4;
	v3 =	vmul.f32 v3, v1  }
0x251: {  	[tilespmem:s8+$0x1C480] =	vst v2;
	v2 =	vmul.f32 v60, v1  }
0x252: {  	[tilespmem:s8+$0x1C490] =	vst v3;
	v1 =	vmul.f32 v61, v1  }
0x253: {  	[tilespmem:s8+$0x1C4A0] =	vst v2  }
0x254: {  	[tilespmem:s8+$0x1C4B0] =	vst v1;
	v2 =	vld [tilespmem:s8+$0x184C0]  }
0x255: {  	v1 =	vld.idx.msk [tilespmem:v62+s21+$0x0], $0xffff  }
0x256: {  	v3 =	vld [tilespmem:s8+$0x184D0]  }
0x257: {  	v63 =	vld [tilespmem:s8+$0x184E0]  }
0x258: {  	v9 =	vld [tilespmem:s8+$0x184F0];
	_ =	sdelay $0x1  }
0x259: {  	v2 =	vmul.f32 v2, v1  }
0x25a: {  	v10 =	vor.u32 $0x8, v4;
	v3 =	vmul.f32 v3, v1  }
0x25b: {  	[tilespmem:s8+$0x1C4C0] =	vst v2;
	v2 =	vmul.f32 v63, v1  }
0x25c: {  	[tilespmem:s8+$0x1C4D0] =	vst v3;
	v1 =	vmul.f32 v9, v1  }
0x25d: {  	[tilespmem:s8+$0x1C4E0] =	vst v2  }
0x25e: {  	v3 =	vld [tilespmem:s8+$0x18500];
	[tilespmem:s8+$0x1C4F0] =	vst v1  }
0x25f: {  	v2 =	vld.idx.msk [tilespmem:v10+s21+$0x0], $0xffff  }
0x260: {  	v11 =	vld [tilespmem:s8+$0x18510]  }
0x261: {  	s10 =	sor.u32 $0x10, s9  }
0x262: {  	s11 =	sadd.s32 s7, s10  }
0x263: {  	v1 =	vmov s11  }
0x264: {  	v3 =	vmul.f32 v3, v2  }
0x265: {  	v5 =	vmul.f32 v11, v2  }
0x266: {  	[tilespmem:s8+$0x1C500] =	vst v3  }
0x267: {  	[tilespmem:s8+$0x1C510] =	vst v5  }
0x268: {  	s10 =	sshll.u32 s10, $0x6;
	v3 =	vld.idx.msk [tilespmem:v1+s21+$0x0], $0xffff  }
0x269: {  	v5 =	vld [tilespmem:s10+$0x18300]  }
0x26a: {  	v12 =	vld [tilespmem:s10+$0x18310]  }
0x26b: {  	v13 =	vld [tilespmem:s10+$0x18320]  }
0x26c: {  	v8 =	vld [tilespmem:s10+$0x18330];
	_ =	sdelay $0x1  }
0x26d: {  	v5 =	vmul.f32 v5, v3  }
0x26e: {  	v9 =	vor.u32 $0x1, v1;
	v6 =	vmul.f32 v12, v3  }
0x26f: {  	v14 =	vmul.f32 v13, v3;
	[tilespmem:s10+$0x1C300] =	vst v5  }
0x270: {  	v3 =	vmul.f32 v8, v3;
	[tilespmem:s10+$0x1C310] =	vst v6  }
0x271: {  	[tilespmem:s10+$0x1C320] =	vst v14  }
0x272: {  	[tilespmem:s10+$0x1C330] =	vst v3  }
0x273: {  	v3 =	vld.idx.msk [tilespmem:v9+s21+$0x0], $0xffff  }
0x274: {  	v5 =	vld [tilespmem:s8+$0x18740]  }
0x275: {  	v6 =	vld [tilespmem:s8+$0x18750]  }
0x276: {  	v15 =	vld [tilespmem:s8+$0x18760]  }
0x277: {  	v16 =	vld [tilespmem:s8+$0x18770];
	_ =	sdelay $0x1  }
0x278: {  	v5 =	vmul.f32 v5, v3  }
0x279: {  	v17 =	vor.u32 $0x2, v1;
	v6 =	vmul.f32 v6, v3  }
0x27a: {  	v18 =	vmul.f32 v15, v3;
	[tilespmem:s8+$0x1C740] =	vst v5  }
0x27b: {  	v3 =	vmul.f32 v16, v3;
	[tilespmem:s8+$0x1C750] =	vst v6  }
0x27c: {  	[tilespmem:s8+$0x1C760] =	vst v18  }
0x27d: {  	v19 =	vld [tilespmem:s8+$0x18780];
	[tilespmem:s8+$0x1C770] =	vst v3  }
0x27e: {  	v3 =	vld.idx.msk [tilespmem:v17+s21+$0x0], $0xffff  }
0x27f: {  	v20 =	vld [tilespmem:s8+$0x18790]  }
0x280: {  	v21 =	vld [tilespmem:s8+$0x187A0]  }
0x281: {  	v22 =	vld [tilespmem:s8+$0x187B0];
	_ =	sdelay $0x1  }
0x282: {  	v5 =	vmul.f32 v19, v3  }
0x283: {  	v23 =	vor.u32 $0x3, v1;
	v6 =	vmul.f32 v20, v3  }
0x284: {  	v24 =	vmul.f32 v21, v3;
	[tilespmem:s8+$0x1C780] =	vst v5  }
0x285: {  	v3 =	vmul.f32 v22, v3;
	[tilespmem:s8+$0x1C790] =	vst v6  }
0x286: {  	[tilespmem:s8+$0x1C7A0] =	vst v24  }
0x287: {  	v25 =	vld [tilespmem:s8+$0x187C0];
	[tilespmem:s8+$0x1C7B0] =	vst v3  }
0x288: {  	v3 =	vld.idx.msk [tilespmem:v23+s21+$0x0], $0xffff  }
0x289: {  	v26 =	vld [tilespmem:s8+$0x187D0]  }
0x28a: {  	v27 =	vld [tilespmem:s8+$0x187E0]  }
0x28b: {  	v28 =	vld [tilespmem:s8+$0x187F0];
	_ =	sdelay $0x1  }
0x28c: {  	v5 =	vmul.f32 v25, v3  }
0x28d: {  	v29 =	vor.u32 $0x4, v1;
	v6 =	vmul.f32 v26, v3  }
0x28e: {  	v30 =	vmul.f32 v27, v3;
	[tilespmem:s8+$0x1C7C0] =	vst v5  }
0x28f: {  	v31 =	vld [tilespmem:s8+$0x18520];
	v3 =	vmul.f32 v28, v3;
	[tilespmem:s8+$0x1C7D0] =	vst v6  }
0x290: {  	v32 =	vld [tilespmem:s8+$0x18530];
	[tilespmem:s8+$0x1C7E0] =	vst v30  }
0x291: {  	v33 =	vld [tilespmem:s8+$0x18800];
	[tilespmem:s8+$0x1C7F0] =	vst v3  }
0x292: {  	v3 =	vld.idx.msk [tilespmem:v29+s21+$0x0], $0xffff  }
0x293: {  	v35 =	vld [tilespmem:s8+$0x18810]  }
0x294: {  	v34 =	vor.u32 $0x9, v4;
	v10 =	vld [tilespmem:s8+$0x18820]  }
0x295: {  	v36 =	vld [tilespmem:s8+$0x18830];
	v6 =	vmul.f32 v31, v2;
	v2 =	vmul.f32 v32, v2;
	_ =	sdelay $0x1  }
0x296: {  	v39 =	vld [tilespmem:s8+$0x18540];
	[tilespmem:s8+$0x1C530] =	vst v2;
	v2 =	vmul.f32 v33, v3  }
0x297: {  	v38 =	vor.u32 $0x5, v1;
	v40 =	vld [tilespmem:s8+$0x18550];
	[tilespmem:s8+$0x1C520] =	vst v6;
	v37 =	vmul.f32 v35, v3  }
0x298: {  	v6 =	vld.idx.msk [tilespmem:v34+s21+$0x0], $0xffff;
	[tilespmem:s8+$0x1C800] =	vst v2;
	v2 =	vmul.f32 v10, v3  }
0x299: {  	v41 =	vld [tilespmem:s8+$0x18560];
	[tilespmem:s8+$0x1C810] =	vst v37;
	v3 =	vmul.f32 v36, v3  }
0x29a: {  	[tilespmem:s8+$0x1C820] =	vst v2;
	v2 =	vld [tilespmem:s8+$0x18570]  }
0x29b: {  	v43 =	vld [tilespmem:s8+$0x18840];
	[tilespmem:s8+$0x1C830] =	vst v3  }
0x29c: {  	v3 =	vld.idx.msk [tilespmem:v38+s21+$0x0], $0xffff  }
0x29d: {  	v11 =	vld [tilespmem:s8+$0x18850];
	v42 =	vmul.f32 v39, v6  }
0x29e: {  	v45 =	vor.u32 $0xA, v4;
	v46 =	vld [tilespmem:s8+$0x18860];
	v44 =	vmul.f32 v40, v6  }
0x29f: {  	v47 =	vld [tilespmem:s8+$0x18870];
	[tilespmem:s8+$0x1C540] =	vst v42;
	v2 =	vmul.f32 v2, v6  }
0x2a0: {  	v50 =	vld [tilespmem:s8+$0x18580];
	v5 =	vmul.f32 v41, v6;
	[tilespmem:s8+$0x1C550] =	vst v44  }
0x2a1: {  	v51 =	vld [tilespmem:s8+$0x18590];
	[tilespmem:s8+$0x1C570] =	vst v2;
	v2 =	vmul.f32 v43, v3  }
0x2a2: {  	v49 =	vor.u32 $0x6, v1;
	v52 =	vld [tilespmem:s8+$0x185A0];
	[tilespmem:s8+$0x1C560] =	vst v5;
	v48 =	vmul.f32 v11, v3  }
0x2a3: {  	v5 =	vld.idx.msk [tilespmem:v45+s21+$0x0], $0xffff;
	[tilespmem:s8+$0x1C840] =	vst v2;
	v2 =	vmul.f32 v46, v3  }
0x2a4: {  	v61 =	vld [tilespmem:s8+$0x185C0];
	[tilespmem:s8+$0x1C850] =	vst v48;
	v3 =	vmul.f32 v47, v3  }
0x2a5: {  	[tilespmem:s8+$0x1C860] =	vst v2;
	v2 =	vld [tilespmem:s8+$0x185B0]  }
0x2a6: {  	v54 =	vld [tilespmem:s8+$0x18880];
	[tilespmem:s8+$0x1C870] =	vst v3  }
0x2a7: {  	v3 =	vld.idx.msk [tilespmem:v49+s21+$0x0], $0xffff  }
0x2a8: {  	v56 =	vld [tilespmem:s8+$0x18890];
	v53 =	vmul.f32 v50, v5  }
0x2a9: {  	v55 =	vor.u32 $0xB, v4;
	v57 =	vld [tilespmem:s8+$0x188A0];
	v7 =	vmul.f32 v51, v5  }
0x2aa: {  	v58 =	vld [tilespmem:s8+$0x188B0];
	[tilespmem:s8+$0x1C580] =	vst v53;
	v2 =	vmul.f32 v2, v5  }
0x2ab: {  	v62 =	vld [tilespmem:s8+$0x185D0];
	v6 =	vmul.f32 v52, v5;
	[tilespmem:s8+$0x1C590] =	vst v7  }
0x2ac: {  	v63 =	vld [tilespmem:s8+$0x185E0];
	[tilespmem:s8+$0x1C5B0] =	vst v2;
	v2 =	vmul.f32 v54, v3  }
0x2ad: {  	v60 =	vor.u32 $0x7, v1;
	v13 =	vld [tilespmem:s8+$0x188C0];
	[tilespmem:s8+$0x1C5A0] =	vst v6;
	v59 =	vmul.f32 v56, v3  }
0x2ae: {  	v6 =	vld.idx.msk [tilespmem:v55+s21+$0x0], $0xffff;
	[tilespmem:s8+$0x1C880] =	vst v2;
	v2 =	vmul.f32 v57, v3  }
0x2af: {  	v15 =	vld [tilespmem:s8+$0x188D0];
	[tilespmem:s8+$0x1C890] =	vst v59;
	v3 =	vmul.f32 v58, v3  }
0x2b0: {  	[tilespmem:s8+$0x1C8A0] =	vst v2;
	v2 =	vld [tilespmem:s8+$0x185F0]  }
0x2b1: {  	v16 =	vld [tilespmem:s8+$0x188E0];
	[tilespmem:s8+$0x1C8B0] =	vst v3  }
0x2b2: {  	v3 =	vld.idx.msk [tilespmem:v60+s21+$0x0], $0xffff  }
0x2b3: {  	v17 =	vld [tilespmem:s8+$0x188F0];
	v12 =	vmul.f32 v61, v6  }
0x2b4: {  	v14 =	vor.u32 $0xC, v4;
	v20 =	vld [tilespmem:s8+$0x18600];
	v8 =	vmul.f32 v62, v6  }
0x2b5: {  	v21 =	vld [tilespmem:s8+$0x18610];
	[tilespmem:s8+$0x1C5C0] =	vst v12;
	v2 =	vmul.f32 v2, v6  }
0x2b6: {  	v22 =	vld [tilespmem:s8+$0x18620];
	v5 =	vmul.f32 v63, v6;
	[tilespmem:s8+$0x1C5D0] =	vst v8  }
0x2b7: {  	v24 =	vld [tilespmem:s8+$0x18900];
	[tilespmem:s8+$0x1C5F0] =	vst v2;
	v2 =	vmul.f32 v13, v3  }
0x2b8: {  	v19 =	vor.u32 $0x8, v1;
	v26 =	vld [tilespmem:s8+$0x18910];
	[tilespmem:s8+$0x1C5E0] =	vst v5;
	v18 =	vmul.f32 v15, v3  }
0x2b9: {  	v5 =	vld.idx.msk [tilespmem:v14+s21+$0x0], $0xffff;
	[tilespmem:s8+$0x1C8C0] =	vst v2;
	v2 =	vmul.f32 v16, v3  }
0x2ba: {  	v27 =	vld [tilespmem:s8+$0x18920];
	[tilespmem:s8+$0x1C8D0] =	vst v18;
	v3 =	vmul.f32 v17, v3  }
0x2bb: {  	[tilespmem:s8+$0x1C8E0] =	vst v2;
	v2 =	vld [tilespmem:s8+$0x18630]  }
0x2bc: {  	v28 =	vld [tilespmem:s8+$0x18930];
	[tilespmem:s8+$0x1C8F0] =	vst v3  }
0x2bd: {  	v3 =	vld.idx.msk [tilespmem:v19+s21+$0x0], $0xffff  }
0x2be: {  	v31 =	vld [tilespmem:s8+$0x18640];
	v23 =	vmul.f32 v20, v5  }
0x2bf: {  	v25 =	vor.u32 $0xD, v4;
	v32 =	vld [tilespmem:s8+$0x18650];
	v7 =	vmul.f32 v21, v5  }
0x2c0: {  	v33 =	vld [tilespmem:s8+$0x18660];
	[tilespmem:s8+$0x1C600] =	vst v23;
	v2 =	vmul.f32 v2, v5  }
0x2c1: {  	v35 =	vld [tilespmem:s8+$0x18940];
	v6 =	vmul.f32 v22, v5;
	[tilespmem:s8+$0x1C610] =	vst v7  }
0x2c2: {  	v37 =	vld [tilespmem:s8+$0x18950];
	[tilespmem:s8+$0x1C630] =	vst v2;
	v2 =	vmul.f32 v24, v3  }
0x2c3: {  	v30 =	vor.u32 $0x9, v1;
	v39 =	vld [tilespmem:s8+$0x18970];
	[tilespmem:s8+$0x1C620] =	vst v6;
	v29 =	vmul.f32 v26, v3  }
0x2c4: {  	v6 =	vld.idx.msk [tilespmem:v25+s21+$0x0], $0xffff;
	[tilespmem:s8+$0x1C900] =	vst v2;
	v2 =	vmul.f32 v27, v3  }
0x2c5: {  	v42 =	vld [tilespmem:s8+$0x18680];
	[tilespmem:s8+$0x1C910] =	vst v29;
	v3 =	vmul.f32 v28, v3  }
0x2c6: {  	[tilespmem:s8+$0x1C920] =	vst v2;
	v2 =	vld [tilespmem:s8+$0x18670]  }
0x2c7: {  	v44 =	vld [tilespmem:s8+$0x186A0];
	[tilespmem:s8+$0x1C930] =	vst v3  }
0x2c8: {  	v3 =	vld.idx.msk [tilespmem:v30+s21+$0x0], $0xffff  }
0x2c9: {  	v38 =	vld [tilespmem:s8+$0x18960];
	v34 =	vmul.f32 v31, v6  }
0x2ca: {  	s10 =	sor.u32 $0x20, s9;
	v36 =	vor.u32 $0xE, v4;
	v43 =	vld [tilespmem:s8+$0x18690];
	v8 =	vmul.f32 v32, v6  }
0x2cb: {  	s11 =	sadd.s32 s7, s10;
	s10 =	sshll.u32 s10, $0x6;
	v45 =	vld [tilespmem:s8+$0x186B0];
	[tilespmem:s8+$0x1C640] =	vst v34;
	v2 =	vmul.f32 v2, v6  }
0x2cc: {  	v48 =	vld [tilespmem:s10+$0x18300];
	v5 =	vmul.f32 v33, v6;
	[tilespmem:s8+$0x1C650] =	vst v8  }
0x2cd: {  	v46 =	vld [tilespmem:s8+$0x18980];
	[tilespmem:s8+$0x1C670] =	vst v2;
	v2 =	vmul.f32 v35, v3  }
0x2ce: {  	v41 =	vor.u32 $0xA, v1;
	v47 =	vld [tilespmem:s8+$0x189A0];
	[tilespmem:s8+$0x1C660] =	vst v5;
	v40 =	vmul.f32 v37, v3  }
0x2cf: {  	v5 =	vld.idx.msk [tilespmem:v36+s21+$0x0], $0xffff;
	[tilespmem:s8+$0x1C940] =	vst v2;
	v2 =	vmul.f32 v38, v3  }
0x2d0: {  	v50 =	vld [tilespmem:s10+$0x18310];
	[tilespmem:s8+$0x1C950] =	vst v40;
	v3 =	vmul.f32 v39, v3  }
0x2d1: {  	v52 =	vld [tilespmem:s10+$0x18320];
	[tilespmem:s8+$0x1C960] =	vst v2  }
0x2d2: {  	v54 =	vld [tilespmem:s10+$0x18330];
	[tilespmem:s8+$0x1C970] =	vst v3;
	v3 =	vmov s11  }
0x2d3: {  	v9 =	vld.idx.msk [tilespmem:v41+s21+$0x0], $0xffff  }
0x2d4: {  	v12 =	vld [tilespmem:s8+$0x18990];
	v2 =	vmul.f32 v42, v5  }
0x2d5: {  	v13 =	vld [tilespmem:s8+$0x189B0];
	v7 =	vmul.f32 v43, v5  }
0x2d6: {  	v33 =	vld [tilespmem:s8+$0x189C0];
	v6 =	vmul.f32 v44, v5;
	[tilespmem:s8+$0x1C680] =	vst v2  }
0x2d7: {  	s9 =	sor.u32 $0x30, s9;
	v5 =	vmul.f32 v45, v5;
	[tilespmem:s8+$0x1C690] =	vst v7;
	v14 =	vld.idx.msk [tilespmem:v3+s21+$0x0], $0xffff  }
0x2d8: {  	v4 =	vor.u32 $0xF, v4;
	v34 =	vld [tilespmem:s8+$0x189D0];
	s11 =	sadd.s32 s7, s9;
	s9 =	sshll.u32 s9, $0x6;
	[tilespmem:s8+$0x1C6A0] =	vst v6;
	v49 =	vmul.f32 v46, v9  }
0x2d9: {  	v58 =	vld [tilespmem:s9+$0x18300];
	[tilespmem:s8+$0x1C6B0] =	vst v5;
	v51 =	vmul.f32 v12, v9  }
0x2da: {  	v61 =	vld [tilespmem:s9+$0x18310];
	v2 =	vmov s11;
	v53 =	vmul.f32 v47, v9;
	[tilespmem:s8+$0x1C980] =	vst v49  }
0x2db: {  	v57 =	vor.u32 $0xB, v1;
	v63 =	vld [tilespmem:s9+$0x18320];
	v55 =	vmul.f32 v13, v9;
	[tilespmem:s8+$0x1C990] =	vst v51  }
0x2dc: {  	v17 =	vld [tilespmem:s9+$0x18330];
	[tilespmem:s8+$0x1C9A0] =	vst v53;
	v7 =	vmul.f32 v48, v14  }
0x2dd: {  	v60 =	vor.u32 $0x1, v3;
	v4 =	vld.idx.msk [tilespmem:v4+s21+$0x0], $0xffff;
	[tilespmem:s8+$0x1C9B0] =	vst v55;
	v59 =	vmul.f32 v50, v14  }
0x2de: {  	v49 =	vld [tilespmem:s8+$0x189F0];
	v62 =	vmul.f32 v52, v14;
	[tilespmem:s10+$0x1C300] =	vst v7  }
0x2df: {  	v56 =	vld.idx.msk [tilespmem:v2+s21+$0x0], $0xffff;
	v16 =	vmul.f32 v54, v14;
	[tilespmem:s10+$0x1C310] =	vst v59  }
0x2e0: {  	v6 =	vld.idx.msk [tilespmem:v57+s21+$0x0], $0xffff;
	[tilespmem:s10+$0x1C320] =	vst v62  }
0x2e1: {  	v48 =	vld [tilespmem:s8+$0x189E0];
	[tilespmem:s10+$0x1C330] =	vst v16  }
0x2e2: {  	v7 =	vld.idx.msk [tilespmem:v60+s21+$0x0], $0xffff  }
0x2e3: {  	v21 =	vld [tilespmem:s8+$0x18B40]  }
0x2e4: {  	v23 =	vld [tilespmem:s8+$0x18B50]  }
0x2e5: {  	v25 =	vld [tilespmem:s8+$0x18B60]  }
0x2e6: {  	v26 =	vld [tilespmem:s8+$0x18B70]  }
0x2e7: {  	v15 =	vld [tilespmem:s8+$0x18B80]  }
0x2e8: {  	v40 =	vld [tilespmem:s8+$0x18B90]  }
0x2e9: {  	v41 =	vld [tilespmem:s8+$0x18BA0]  }
0x2ea: {  	v42 =	vld [tilespmem:s8+$0x18BB0];
	v18 =	vmul.f32 v58, v56  }
0x2eb: {  	v20 =	vor.u32 $0x1, v2;
	v54 =	vld [tilespmem:s8+$0x18BC0];
	v19 =	vmul.f32 v61, v56  }
0x2ec: {  	v57 =	vld [tilespmem:s8+$0x18BE0];
	v22 =	vmul.f32 v63, v56;
	[tilespmem:s9+$0x1C300] =	vst v18  }
0x2ed: {  	v59 =	vld [tilespmem:s8+$0x18BF0];
	v24 =	vmul.f32 v17, v56;
	[tilespmem:s9+$0x1C310] =	vst v19  }
0x2ee: {  	v56 =	vld [tilespmem:s8+$0x18BD0];
	[tilespmem:s9+$0x1C320] =	vst v22  }
0x2ef: {  	v58 =	vmul.f32 v48, v6;
	v48 =	vld [tilespmem:s8+$0x18C60];
	[tilespmem:s9+$0x1C330] =	vst v24  }
0x2f0: {  	v8 =	vld.idx.msk [tilespmem:v20+s21+$0x0], $0xffff  }
0x2f1: {  	v28 =	vld [tilespmem:s8+$0x18F40]  }
0x2f2: {  	v30 =	vld [tilespmem:s8+$0x18F50]  }
0x2f3: {  	v31 =	vld [tilespmem:s8+$0x18F60];
	v27 =	vmul.f32 v21, v7  }
0x2f4: {  	v29 =	vor.u32 $0x2, v3;
	v32 =	vld [tilespmem:s8+$0x18F70];
	v11 =	vmul.f32 v23, v7  }
0x2f5: {  	v44 =	vld [tilespmem:s8+$0x18F80];
	v9 =	vmul.f32 v25, v7;
	[tilespmem:s8+$0x1CB40] =	vst v27  }
0x2f6: {  	v16 =	vld [tilespmem:s8+$0x18F90];
	v5 =	vmul.f32 v26, v7;
	[tilespmem:s8+$0x1CB50] =	vst v11  }
0x2f7: {  	v46 =	vld [tilespmem:s8+$0x18FA0];
	[tilespmem:s8+$0x1CB60] =	vst v9;
	v35 =	vmul.f32 v28, v8  }
0x2f8: {  	v38 =	vor.u32 $0x2, v2;
	v47 =	vld [tilespmem:s8+$0x18FB0];
	[tilespmem:s8+$0x1CB70] =	vst v5;
	v37 =	vmul.f32 v30, v8  }
0x2f9: {  	v36 =	vld.idx.msk [tilespmem:v29+s21+$0x0], $0xffff;
	v39 =	vmul.f32 v31, v8;
	[tilespmem:s8+$0x1CF40] =	vst v35  }
0x2fa: {  	v62 =	vld [tilespmem:s8+$0x18FC0];
	v7 =	vmul.f32 v32, v8;
	[tilespmem:s8+$0x1CF50] =	vst v37  }
0x2fb: {  	v19 =	vld [tilespmem:s8+$0x18FD0];
	[tilespmem:s8+$0x1CF60] =	vst v39  }
0x2fc: {  	v20 =	vld [tilespmem:s8+$0x18FE0];
	[tilespmem:s8+$0x1CF70] =	vst v7  }
0x2fd: {  	v7 =	vld.idx.msk [tilespmem:v38+s21+$0x0], $0xffff  }
0x2fe: {  	v22 =	vld [tilespmem:s8+$0x18FF0];
	v43 =	vmul.f32 v15, v36  }
0x2ff: {  	v45 =	vor.u32 $0x3, v3;
	[tilespmem:s8+$0x1C9E0] =	vst v58;
	v17 =	vld [tilespmem:s8+$0x19050];
	v10 =	vmul.f32 v40, v36  }
0x300: {  	v11 =	vmul.f32 v33, v6;
	v27 =	vld [tilespmem:s8+$0x18C00];
	v8 =	vmul.f32 v41, v36;
	[tilespmem:s8+$0x1CB80] =	vst v43  }
0x301: {  	v9 =	vmul.f32 v34, v6;
	v33 =	vld [tilespmem:s8+$0x19000];
	v5 =	vmul.f32 v42, v36;
	[tilespmem:s8+$0x1CB90] =	vst v10  }
0x302: {  	v6 =	vmul.f32 v49, v6;
	v49 =	vld [tilespmem:s8+$0x18C70];
	[tilespmem:s8+$0x1CBA0] =	vst v8;
	v50 =	vmul.f32 v44, v7  }
0x303: {  	v53 =	vor.u32 $0x3, v2;
	v29 =	vld [tilespmem:s8+$0x18C10];
	[tilespmem:s8+$0x1CBB0] =	vst v5;
	v52 =	vmul.f32 v16, v7  }
0x304: {  	v51 =	vld.idx.msk [tilespmem:v45+s21+$0x0], $0xffff;
	v55 =	vmul.f32 v46, v7;
	[tilespmem:s8+$0x1CF80] =	vst v50  }
0x305: {  	v30 =	vld [tilespmem:s8+$0x18C20];
	v7 =	vmul.f32 v47, v7;
	[tilespmem:s8+$0x1CF90] =	vst v52  }
0x306: {  	v31 =	vld [tilespmem:s8+$0x18C30];
	[tilespmem:s8+$0x1CFA0] =	vst v55  }
0x307: {  	v37 =	vld [tilespmem:s8+$0x19020];
	[tilespmem:s8+$0x1CFB0] =	vst v7  }
0x308: {  	[tilespmem:s8+$0x1C9C0] =	vst v11;
	v7 =	vld.idx.msk [tilespmem:v53+s21+$0x0], $0xffff  }
0x309: {  	v60 =	vor.u32 $0xC, v1;
	[tilespmem:s8+$0x1C9D0] =	vst v9;
	v39 =	vld [tilespmem:s8+$0x18A00];
	v61 =	vmul.f32 v54, v51  }
0x30a: {  	v18 =	vor.u32 $0x4, v3;
	[tilespmem:s8+$0x1C9F0] =	vst v6;
	v38 =	vld [tilespmem:s8+$0x19030];
	v63 =	vmul.f32 v56, v51  }
0x30b: {  	v36 =	vld [tilespmem:s8+$0x19010];
	v10 =	vmul.f32 v57, v51;
	[tilespmem:s8+$0x1CBC0] =	vst v61  }
0x30c: {  	v40 =	vld [tilespmem:s8+$0x18A10];
	v21 =	vmul.f32 v59, v51;
	[tilespmem:s8+$0x1CBD0] =	vst v63  }
0x30d: {  	v5 =	vld [tilespmem:s8+$0x186C0];
	[tilespmem:s8+$0x1CBE0] =	vst v10;
	v23 =	vmul.f32 v62, v7  }
0x30e: {  	v26 =	vor.u32 $0x4, v2;
	v8 =	vld.idx.msk [tilespmem:v60+s21+$0x0], $0xffff;
	[tilespmem:s8+$0x1CBF0] =	vst v21;
	v25 =	vmul.f32 v19, v7  }
0x30f: {  	v24 =	vld.idx.msk [tilespmem:v18+s21+$0x0], $0xffff;
	v28 =	vmul.f32 v20, v7;
	[tilespmem:s8+$0x1CFC0] =	vst v23  }
0x310: {  	v45 =	vld [tilespmem:s8+$0x18C40];
	v7 =	vmul.f32 v22, v7;
	[tilespmem:s8+$0x1CFD0] =	vst v25  }
0x311: {  	v47 =	vld [tilespmem:s8+$0x18C50];
	[tilespmem:s8+$0x1CFE0] =	vst v28  }
0x312: {  	v53 =	vld [tilespmem:s8+$0x19060];
	[tilespmem:s8+$0x1CFF0] =	vst v7  }
0x313: {  	v55 =	vmul.f32 v39, v8;
	v7 =	vld.idx.msk [tilespmem:v26+s21+$0x0], $0xffff  }
0x314: {  	v39 =	vld [tilespmem:s8+$0x18CD0];
	v32 =	vmul.f32 v27, v24  }
0x315: {  	v35 =	vor.u32 $0x5, v3;
	v51 =	vld [tilespmem:s8+$0x19040];
	[tilespmem:s8+$0x1CA00] =	vst v55;
	v34 =	vmul.f32 v29, v24  }
0x316: {  	v54 =	vld [tilespmem:s8+$0x19070];
	v10 =	vmul.f32 v30, v24;
	[tilespmem:s8+$0x1CC00] =	vst v32  }
0x317: {  	v56 =	vld [tilespmem:s8+$0x18A20];
	v6 =	vmul.f32 v31, v24;
	[tilespmem:s8+$0x1CC10] =	vst v34  }
0x318: {  	v57 =	vld [tilespmem:s8+$0x18A30];
	[tilespmem:s8+$0x1CC20] =	vst v10;
	v41 =	vmul.f32 v33, v7  }
0x319: {  	v44 =	vor.u32 $0x5, v2;
	v55 =	vld [tilespmem:s8+$0x18D00];
	[tilespmem:s8+$0x1CC30] =	vst v6;
	v43 =	vmul.f32 v36, v7  }
0x31a: {  	v42 =	vld.idx.msk [tilespmem:v35+s21+$0x0], $0xffff;
	v46 =	vmul.f32 v37, v7;
	[tilespmem:s8+$0x1D000] =	vst v41  }
0x31b: {  	v21 =	vld [tilespmem:s8+$0x18CB0];
	v7 =	vmul.f32 v38, v7;
	[tilespmem:s8+$0x1D010] =	vst v43  }
0x31c: {  	v18 =	vld [tilespmem:s8+$0x18C90];
	[tilespmem:s8+$0x1D020] =	vst v46  }
0x31d: {  	v62 =	vld [tilespmem:s8+$0x18C80];
	[tilespmem:s8+$0x1D030] =	vst v7  }
0x31e: {  	v7 =	vld.idx.msk [tilespmem:v44+s21+$0x0], $0xffff  }
0x31f: {  	v19 =	vld [tilespmem:s8+$0x18CA0];
	v50 =	vmul.f32 v45, v42  }
0x320: {  	v52 =	vor.u32 $0x6, v3;
	v22 =	vmul.f32 v57, v8;
	v57 =	vld [tilespmem:s8+$0x18D10];
	v11 =	vmul.f32 v47, v42  }
0x321: {  	v26 =	vld [tilespmem:s8+$0x19080];
	v9 =	vmul.f32 v48, v42;
	[tilespmem:s8+$0x1CC40] =	vst v50  }
0x322: {  	v29 =	vld [tilespmem:s8+$0x19090];
	v6 =	vmul.f32 v49, v42;
	[tilespmem:s8+$0x1CC50] =	vst v11  }
0x323: {  	v30 =	vld [tilespmem:s8+$0x190A0];
	[tilespmem:s8+$0x1CC60] =	vst v9;
	v58 =	vmul.f32 v51, v7  }
0x324: {  	v61 =	vor.u32 $0x6, v2;
	v32 =	vld [tilespmem:s8+$0x190B0];
	[tilespmem:s8+$0x1CC70] =	vst v6;
	v60 =	vmul.f32 v17, v7  }
0x325: {  	v59 =	vld.idx.msk [tilespmem:v52+s21+$0x0], $0xffff;
	v63 =	vmul.f32 v53, v7;
	[tilespmem:s8+$0x1D040] =	vst v58  }
0x326: {  	v10 =	vmul.f32 v40, v8;
	v40 =	vld [tilespmem:s8+$0x18CE0];
	v7 =	vmul.f32 v54, v7;
	[tilespmem:s8+$0x1D050] =	vst v60  }
0x327: {  	v20 =	vmul.f32 v56, v8;
	v37 =	vld [tilespmem:s8+$0x18CC0];
	[tilespmem:s8+$0x1D060] =	vst v63  }
0x328: {  	v41 =	vld [tilespmem:s8+$0x18CF0];
	[tilespmem:s8+$0x1D070] =	vst v7  }
0x329: {  	[tilespmem:s8+$0x1CA20] =	vst v20;
	v23 =	vld.idx.msk [tilespmem:v61+s21+$0x0], $0xffff  }
0x32a: {  	[tilespmem:s8+$0x1CA30] =	vst v22;
	v43 =	vld [tilespmem:s8+$0x190C0];
	v25 =	vmul.f32 v62, v59  }
0x32b: {  	v28 =	vor.u32 $0x7, v3;
	[tilespmem:s8+$0x1CA10] =	vst v10;
	v46 =	vld [tilespmem:s8+$0x190D0];
	v27 =	vmul.f32 v18, v59  }
0x32c: {  	v24 =	vor.u32 $0xD, v1;
	v47 =	vld [tilespmem:s8+$0x190E0];
	v11 =	vmul.f32 v19, v59;
	[tilespmem:s8+$0x1CC80] =	vst v25  }
0x32d: {  	v48 =	vld [tilespmem:s8+$0x190F0];
	v31 =	vmul.f32 v21, v59;
	[tilespmem:s8+$0x1CC90] =	vst v27  }
0x32e: {  	v49 =	vld [tilespmem:s8+$0x18A40];
	[tilespmem:s8+$0x1CCA0] =	vst v11;
	v33 =	vmul.f32 v26, v23  }
0x32f: {  	v36 =	vor.u32 $0x7, v2;
	v6 =	vld [tilespmem:s8+$0x186D0];
	[tilespmem:s8+$0x1CCB0] =	vst v31;
	v35 =	vmul.f32 v29, v23  }
0x330: {  	v34 =	vld.idx.msk [tilespmem:v28+s21+$0x0], $0xffff;
	v38 =	vmul.f32 v30, v23;
	[tilespmem:s8+$0x1D080] =	vst v33  }
0x331: {  	v9 =	vld.idx.msk [tilespmem:v24+s21+$0x0], $0xffff;
	v8 =	vmul.f32 v32, v23;
	[tilespmem:s8+$0x1D090] =	vst v35  }
0x332: {  	v50 =	vld [tilespmem:s8+$0x18A50];
	[tilespmem:s8+$0x1D0A0] =	vst v38  }
0x333: {  	v24 =	vld [tilespmem:s8+$0x18A70];
	[tilespmem:s8+$0x1D0B0] =	vst v8  }
0x334: {  	v8 =	vld.idx.msk [tilespmem:v36+s21+$0x0], $0xffff  }
0x335: {  	v20 =	vld [tilespmem:s8+$0x18E70];
	v42 =	vmul.f32 v37, v34  }
0x336: {  	v45 =	vor.u32 $0x8, v3;
	v58 =	vld [tilespmem:s8+$0x18D20];
	v44 =	vmul.f32 v39, v34  }
0x337: {  	v63 =	vld [tilespmem:s8+$0x19120];
	v11 =	vmul.f32 v40, v34;
	[tilespmem:s8+$0x1CCC0] =	vst v42  }
0x338: {  	v61 =	vld [tilespmem:s8+$0x19100];
	v7 =	vmul.f32 v41, v34;
	[tilespmem:s8+$0x1CCD0] =	vst v44  }
0x339: {  	v59 =	vld [tilespmem:s8+$0x18D30];
	[tilespmem:s8+$0x1CCE0] =	vst v11;
	v51 =	vmul.f32 v43, v8  }
0x33a: {  	v54 =	vor.u32 $0x8, v2;
	v23 =	vld [tilespmem:s8+$0x18A60];
	[tilespmem:s8+$0x1CCF0] =	vst v7;
	v53 =	vmul.f32 v46, v8  }
0x33b: {  	v52 =	vld.idx.msk [tilespmem:v45+s21+$0x0], $0xffff;
	v56 =	vmul.f32 v47, v8;
	[tilespmem:s8+$0x1D0C0] =	vst v51  }
0x33c: {  	v18 =	vld [tilespmem:s8+$0x19110];
	v8 =	vmul.f32 v48, v8;
	[tilespmem:s8+$0x1D0D0] =	vst v53  }
0x33d: {  	v21 =	vld [tilespmem:s8+$0x19130];
	[tilespmem:s8+$0x1D0E0] =	vst v56  }
0x33e: {  	v19 =	vld [tilespmem:s8+$0x191D0];
	[tilespmem:s8+$0x1D0F0] =	vst v8  }
0x33f: {  	v33 =	vmul.f32 v23, v9;
	v8 =	vld.idx.msk [tilespmem:v54+s21+$0x0], $0xffff  }
0x340: {  	v31 =	vld [tilespmem:s8+$0x18D50];
	v60 =	vmul.f32 v55, v52  }
0x341: {  	v62 =	vor.u32 $0x9, v3;
	v29 =	vld [tilespmem:s8+$0x18D40];
	[tilespmem:s8+$0x1CA60] =	vst v33;
	v12 =	vmul.f32 v57, v52  }
0x342: {  	v32 =	vld [tilespmem:s8+$0x18D60];
	v10 =	vmul.f32 v58, v52;
	[tilespmem:s8+$0x1CD00] =	vst v60  }
0x343: {  	v34 =	vld [tilespmem:s8+$0x18D70];
	v7 =	vmul.f32 v59, v52;
	[tilespmem:s8+$0x1CD10] =	vst v12  }
0x344: {  	v39 =	vld [tilespmem:s8+$0x19140];
	[tilespmem:s8+$0x1CD20] =	vst v10;
	v25 =	vmul.f32 v61, v8  }
0x345: {  	v28 =	vor.u32 $0x9, v2;
	v42 =	vld [tilespmem:s8+$0x19150];
	[tilespmem:s8+$0x1CD30] =	vst v7;
	v27 =	vmul.f32 v18, v8  }
0x346: {  	v26 =	vld.idx.msk [tilespmem:v62+s21+$0x0], $0xffff;
	v30 =	vmul.f32 v63, v8;
	[tilespmem:s8+$0x1D100] =	vst v25  }
0x347: {  	v11 =	vmul.f32 v50, v9;
	v50 =	vld [tilespmem:s8+$0x18D80];
	v8 =	vmul.f32 v21, v8;
	[tilespmem:s8+$0x1D110] =	vst v27  }
0x348: {  	v22 =	vmul.f32 v49, v9;
	v45 =	vld [tilespmem:s8+$0x19170];
	[tilespmem:s8+$0x1D120] =	vst v30  }
0x349: {  	v35 =	vmul.f32 v24, v9;
	v33 =	vld [tilespmem:s8+$0x191E0];
	[tilespmem:s8+$0x1D130] =	vst v8  }
0x34a: {  	[tilespmem:s8+$0x1CA40] =	vst v22;
	v36 =	vld.idx.msk [tilespmem:v28+s21+$0x0], $0xffff  }
0x34b: {  	[tilespmem:s8+$0x1CA70] =	vst v35;
	v43 =	vld [tilespmem:s8+$0x19160];
	v38 =	vmul.f32 v29, v26  }
0x34c: {  	v41 =	vor.u32 $0xA, v3;
	[tilespmem:s8+$0x1CA50] =	vst v11;
	v53 =	vld [tilespmem:s8+$0x18DA0];
	v40 =	vmul.f32 v31, v26  }
0x34d: {  	v56 =	vld [tilespmem:s8+$0x19180];
	v12 =	vmul.f32 v32, v26;
	[tilespmem:s8+$0x1CD40] =	vst v38  }
0x34e: {  	v37 =	vor.u32 $0xE, v1;
	v54 =	vld [tilespmem:s8+$0x18DB0];
	v44 =	vmul.f32 v34, v26;
	[tilespmem:s8+$0x1CD50] =	vst v40  }
0x34f: {  	v52 =	vld [tilespmem:s8+$0x18D90];
	[tilespmem:s8+$0x1CD60] =	vst v12;
	v46 =	vmul.f32 v39, v36  }
0x350: {  	v49 =	vor.u32 $0xA, v2;
	v59 =	vld [tilespmem:s8+$0x19190];
	[tilespmem:s8+$0x1CD70] =	vst v44;
	v48 =	vmul.f32 v42, v36  }
0x351: {  	v47 =	vld.idx.msk [tilespmem:v41+s21+$0x0], $0xffff;
	v51 =	vmul.f32 v43, v36;
	[tilespmem:s8+$0x1D140] =	vst v46  }
0x352: {  	v7 =	vld [tilespmem:s8+$0x186E0];
	v9 =	vmul.f32 v45, v36;
	[tilespmem:s8+$0x1D150] =	vst v48  }
0x353: {  	v10 =	vld.idx.msk [tilespmem:v37+s21+$0x0], $0xffff;
	[tilespmem:s8+$0x1D160] =	vst v51  }
0x354: {  	v60 =	vld [tilespmem:s8+$0x191A0];
	[tilespmem:s8+$0x1D170] =	vst v9  }
0x355: {  	v9 =	vld.idx.msk [tilespmem:v49+s21+$0x0], $0xffff  }
0x356: {  	v37 =	vld [tilespmem:s8+$0x18AB0];
	v55 =	vmul.f32 v50, v47  }
0x357: {  	v58 =	vor.u32 $0xB, v3;
	v62 =	vld [tilespmem:s8+$0x18A80];
	v57 =	vmul.f32 v52, v47  }
0x358: {  	v61 =	vld [tilespmem:s8+$0x191B0];
	v12 =	vmul.f32 v53, v47;
	[tilespmem:s8+$0x1CD80] =	vst v55  }
0x359: {  	v63 =	vld [tilespmem:s8+$0x18A90];
	v8 =	vmul.f32 v54, v47;
	[tilespmem:s8+$0x1CD90] =	vst v57  }
0x35a: {  	v25 =	vld [tilespmem:s8+$0x18DC0];
	[tilespmem:s8+$0x1CDA0] =	vst v12;
	v21 =	vmul.f32 v56, v9  }
0x35b: {  	v24 =	vor.u32 $0xB, v2;
	v27 =	vld [tilespmem:s8+$0x18DD0];
	[tilespmem:s8+$0x1CDB0] =	vst v8;
	v23 =	vmul.f32 v59, v9  }
0x35c: {  	v22 =	vld.idx.msk [tilespmem:v58+s21+$0x0], $0xffff;
	v26 =	vmul.f32 v60, v9;
	[tilespmem:s8+$0x1D180] =	vst v21  }
0x35d: {  	v28 =	vld [tilespmem:s8+$0x18DE0];
	v9 =	vmul.f32 v61, v9;
	[tilespmem:s8+$0x1D190] =	vst v23  }
0x35e: {  	v29 =	vld [tilespmem:s8+$0x18DF0];
	[tilespmem:s8+$0x1D1A0] =	vst v26  }
0x35f: {  	v31 =	vld [tilespmem:s8+$0x191C0];
	[tilespmem:s8+$0x1D1B0] =	vst v9  }
0x360: {  	v35 =	vmul.f32 v62, v10;
	v9 =	vld.idx.msk [tilespmem:v24+s21+$0x0], $0xffff  }
0x361: {  	v34 =	vld [tilespmem:s8+$0x191F0];
	v30 =	vmul.f32 v25, v22  }
0x362: {  	v32 =	vor.u32 $0xC, v3;
	v62 =	vld [tilespmem:s8+$0x18E50];
	[tilespmem:s8+$0x1CA80] =	vst v35;
	v13 =	vmul.f32 v27, v22  }
0x363: {  	v44 =	vld [tilespmem:s8+$0x18E20];
	v11 =	vmul.f32 v28, v22;
	[tilespmem:s8+$0x1CDC0] =	vst v30  }
0x364: {  	v35 =	vld [tilespmem:s8+$0x18E90];
	v8 =	vmul.f32 v29, v22;
	[tilespmem:s8+$0x1CDD0] =	vst v13  }
0x365: {  	v36 =	vld [tilespmem:s8+$0x18AA0];
	[tilespmem:s8+$0x1CDE0] =	vst v11;
	v38 =	vmul.f32 v31, v9  }
0x366: {  	v41 =	vor.u32 $0xC, v2;
	v42 =	vld [tilespmem:s8+$0x18E00];
	[tilespmem:s8+$0x1CDF0] =	vst v8;
	v40 =	vmul.f32 v19, v9  }
0x367: {  	v39 =	vld.idx.msk [tilespmem:v32+s21+$0x0], $0xffff;
	v16 =	vmul.f32 v33, v9;
	[tilespmem:s8+$0x1D1C0] =	vst v38  }
0x368: {  	v43 =	vld [tilespmem:s8+$0x18E10];
	v9 =	vmul.f32 v34, v9;
	[tilespmem:s8+$0x1D1D0] =	vst v40  }
0x369: {  	v45 =	vld [tilespmem:s8+$0x18E30];
	[tilespmem:s8+$0x1D1E0] =	vst v16  }
0x36a: {  	v5 =	vmul.f32 v5, v4;
	v48 =	vld [tilespmem:s8+$0x19200];
	[tilespmem:s8+$0x1D1F0] =	vst v9  }
0x36b: {  	v11 =	vmul.f32 v36, v10;
	v46 =	vld.idx.msk [tilespmem:v41+s21+$0x0], $0xffff  }
0x36c: {  	[tilespmem:s8+$0x1C6C0] =	vst v5;
	v51 =	vld [tilespmem:s8+$0x19210];
	v47 =	vmul.f32 v42, v39  }
0x36d: {  	v50 =	vor.u32 $0xD, v3;
	v53 =	vld [tilespmem:s8+$0x19220];
	[tilespmem:s8+$0x1CAA0] =	vst v11;
	v49 =	vmul.f32 v43, v39  }
0x36e: {  	v55 =	vld [tilespmem:s8+$0x19230];
	v52 =	vmul.f32 v44, v39;
	[tilespmem:s8+$0x1CE00] =	vst v47  }
0x36f: {  	v12 =	vmul.f32 v63, v10;
	v63 =	vld [tilespmem:s8+$0x18E60];
	v54 =	vmul.f32 v45, v39;
	[tilespmem:s8+$0x1CE10] =	vst v49  }
0x370: {  	v56 =	vld [tilespmem:s8+$0x186F0];
	[tilespmem:s8+$0x1CE20] =	vst v52;
	v57 =	vmul.f32 v48, v46  }
0x371: {  	v59 =	vor.u32 $0xD, v2;
	v60 =	vld [tilespmem:s8+$0x18E40];
	[tilespmem:s8+$0x1CE30] =	vst v54;
	v58 =	vmul.f32 v51, v46  }
0x372: {  	v11 =	vld.idx.msk [tilespmem:v50+s21+$0x0], $0xffff;
	v61 =	vmul.f32 v53, v46;
	[tilespmem:s8+$0x1D200] =	vst v57  }
0x373: {  	v26 =	vld [tilespmem:s8+$0x19260];
	v9 =	vmul.f32 v55, v46;
	[tilespmem:s8+$0x1D210] =	vst v58  }
0x374: {  	v6 =	vmul.f32 v6, v4;
	v22 =	vld [tilespmem:s8+$0x19240];
	[tilespmem:s8+$0x1D220] =	vst v61  }
0x375: {  	v25 =	vld [tilespmem:s8+$0x19250];
	[tilespmem:s8+$0x1D230] =	vst v9  }
0x376: {  	[tilespmem:s8+$0x1C6D0] =	vst v6;
	v8 =	vmul.f32 v37, v10;
	v9 =	vld.idx.msk [tilespmem:v59+s21+$0x0], $0xffff  }
0x377: {  	v1 =	vor.u32 $0xF, v1;
	[tilespmem:s8+$0x1CA90] =	vst v12;
	v27 =	vld [tilespmem:s8+$0x19270];
	v21 =	vmul.f32 v60, v11  }
0x378: {  	v24 =	vor.u32 $0xE, v3;
	v28 =	vld [tilespmem:s8+$0x18AC0];
	[tilespmem:s8+$0x1CAB0] =	vst v8;
	v23 =	vmul.f32 v62, v11  }
0x379: {  	v29 =	vld [tilespmem:s8+$0x18AD0];
	v10 =	vmul.f32 v63, v11;
	[tilespmem:s8+$0x1CE40] =	vst v21  }
0x37a: {  	v36 =	vld [tilespmem:s8+$0x18EA0];
	v8 =	vmul.f32 v20, v11;
	[tilespmem:s8+$0x1CE50] =	vst v23  }
0x37b: {  	v34 =	vld [tilespmem:s8+$0x18E80];
	[tilespmem:s8+$0x1CE60] =	vst v10;
	v30 =	vmul.f32 v22, v9  }
0x37c: {  	v33 =	vor.u32 $0xE, v2;
	v1 =	vld.idx.msk [tilespmem:v1+s21+$0x0], $0xffff;
	[tilespmem:s8+$0x1CE70] =	vst v8;
	v32 =	vmul.f32 v25, v9  }
0x37d: {  	v31 =	vld.idx.msk [tilespmem:v24+s21+$0x0], $0xffff;
	v12 =	vmul.f32 v26, v9;
	[tilespmem:s8+$0x1D240] =	vst v30  }
0x37e: {  	v37 =	vld [tilespmem:s8+$0x18EB0];
	v9 =	vmul.f32 v27, v9;
	[tilespmem:s8+$0x1D250] =	vst v32  }
0x37f: {  	v38 =	vmul.f32 v7, v4;
	v4 =	vmul.f32 v56, v4;
	v56 =	vld [tilespmem:s8+$0x18EE0];
	[tilespmem:s8+$0x1D260] =	vst v12  }
0x380: {  	v41 =	vld [tilespmem:s8+$0x19280];
	[tilespmem:s8+$0x1D270] =	vst v9  }
0x381: {  	[tilespmem:s8+$0x1C6E0] =	vst v38;
	v55 =	vmul.f32 v28, v1;
	v39 =	vld.idx.msk [tilespmem:v33+s21+$0x0], $0xffff  }
0x382: {  	v43 =	vld [tilespmem:s8+$0x19290];
	[tilespmem:s8+$0x1C6F0] =	vst v4;
	v40 =	vmul.f32 v34, v31  }
0x383: {  	v3 =	vor.u32 $0xF, v3;
	v45 =	vld [tilespmem:s8+$0x192A0];
	[tilespmem:s8+$0x1CAC0] =	vst v55;
	v42 =	vmul.f32 v35, v31  }
0x384: {  	v47 =	vld [tilespmem:s8+$0x192B0];
	v44 =	vmul.f32 v36, v31;
	[tilespmem:s8+$0x1CE80] =	vst v40  }
0x385: {  	v48 =	vld [tilespmem:s8+$0x18AE0];
	v46 =	vmul.f32 v37, v31;
	[tilespmem:s8+$0x1CE90] =	vst v42  }
0x386: {  	v49 =	vld [tilespmem:s8+$0x18AF0];
	[tilespmem:s8+$0x1CEA0] =	vst v44;
	v8 =	vmul.f32 v41, v39  }
0x387: {  	v2 =	vor.u32 $0xF, v2;
	v51 =	vld [tilespmem:s8+$0x18EC0];
	[tilespmem:s8+$0x1CEB0] =	vst v46;
	v50 =	vmul.f32 v43, v39  }
0x388: {  	v3 =	vld.idx.msk [tilespmem:v3+s21+$0x0], $0xffff;
	v52 =	vmul.f32 v45, v39;
	[tilespmem:s8+$0x1D280] =	vst v8  }
0x389: {  	v54 =	vld [tilespmem:s8+$0x18ED0];
	v53 =	vmul.f32 v47, v39;
	[tilespmem:s8+$0x1D290] =	vst v50  }
0x38a: {  	v57 =	vld [tilespmem:s8+$0x18EF0];
	v6 =	vmul.f32 v48, v1;
	[tilespmem:s8+$0x1D2A0] =	vst v52  }
0x38b: {  	v58 =	vld [tilespmem:s8+$0x192C0];
	v10 =	vmul.f32 v29, v1;
	[tilespmem:s8+$0x1D2B0] =	vst v53  }
0x38c: {  	v1 =	vmul.f32 v49, v1;
	[tilespmem:s8+$0x1CAE0] =	vst v6;
	v2 =	vld.idx.msk [tilespmem:v2+s21+$0x0], $0xffff  }
0x38d: {  	v60 =	vld [tilespmem:s8+$0x192D0];
	[tilespmem:s8+$0x1CAD0] =	vst v10;
	v59 =	vmul.f32 v51, v3  }
0x38e: {  	v61 =	vld [tilespmem:s8+$0x192E0];
	[tilespmem:s8+$0x1CAF0] =	vst v1;
	v1 =	vmul.f32 v54, v3  }
0x38f: {  	v63 =	vld [tilespmem:s8+$0x192F0];
	v62 =	vmul.f32 v56, v3;
	[tilespmem:s8+$0x1CEC0] =	vst v59  }
0x390: {  	[tilespmem:s8+$0x1CED0] =	vst v1;
	v1 =	vmul.f32 v57, v3  }
0x391: {  	p2 =	por p1, p1;
	[tilespmem:s8+$0x1CEE0] =	vst v62;
	v3 =	vmul.f32 v58, v2  }
.Ltmp4:
0x392: {  	[tilespmem:s8+$0x1CEF0] =	vst v1;
	v1 =	vmul.f32 v60, v2;
	(pc) =	sbr.rel @p2 .LBB2_7-.Ltmp4, $4  }
0x393: {  	[tilespmem:s8+$0x1D2C0] =	vst v3;
	v3 =	vmul.f32 v61, v2  }
0x394: {  	[tilespmem:s8+$0x1D2D0] =	vst v1;
	v1 =	vmul.f32 v63, v2  }
0x395: {  	[tilespmem:s8+$0x1D2E0] =	vst v3  }
0x396: {  	p1 =	por $0x0, $0x0;
	[tilespmem:s8+$0x1D2F0] =	vst v1;
	s8 =	simm.s32 $0x4  }
0x397: {  	s7 =	sadd.s32 $0x12100, s7  }
0x398: {  	[spmem:s3] =	stream.indirect.scatter.add.f32 [tilespmem:s30], [sflag:$0x4], $0x40, s7, s25, $0xb8;
	[tilespmem:$0x1E300] =	vst v63  }
0x399: {  	_ =	swait.ge [sflag:s31], $0x2000  }
0x39a: {  	s5 =	sadd.s32 @!p0 $0x10200, s5;
	[sflag:s31] =	ssyncset.done $0x0  }
0x39b: {  	s8 =	simm.s32 @!p0 $0x18300;
	s7 =	simm.s32 @!p0 $0x80;
	[sflag:s31] =	ssyncadd.s32 $0xFFFFE000  }
0x39c: {  	[tilespmem:s8], [sflag:$0x2] =	stream.indirect.gather @!p0 [hbm4b:s1+s7], $0x40, s5, s7, $0xb8;
	[tilespmem:$0x1E300] =	vst v63  }
0x39d: {  	_ =	swait.ge [sflag:s20], $0x2000  }
0x39e: {  	p1 =	por $0x1, $0x1;
	[sflag:s20] =	ssyncset.done $0x0  }
0x39f: {  	s5 =	sadd.s32 $0x100, s18;
	s7 =	simm.s32 $0x0;
	[sflag:s20] =	ssyncadd.s32 $0xFFFFE000  }
.LBB2_9:
0x3a0: {  	s8 =	sshll.u32 s7, $0x4  }
0x3a1: {  	s9 =	sadd.s32 s5, s8  }
0x3a2: {  	v4 =	vmov s9;
	_ =	sdelay $0x2  }
0x3a3: {  	s7 =	sshll.u32 s7, $0xA  }
0x3a4: {  	v2 =	vld [tilespmem:s7+$0x1A300]  }
0x3a5: {  	v1 =	vld.idx.msk [tilespmem:v4+s21+$0x0], $0xffff  }
0x3a6: {  	v3 =	vld [tilespmem:s7+$0x1A310]  }
0x3a7: {  	v5 =	vld [tilespmem:s7+$0x1A320]  }
0x3a8: {  	v6 =	vld [tilespmem:s7+$0x1A330];
	_ =	sdelay $0x1  }
0x3a9: {  	v2 =	vmul.f32 v2, v1  }
0x3aa: {  	v7 =	vor.u32 $0x1, v4;
	v3 =	vmul.f32 v3, v1  }
0x3ab: {  	[tilespmem:s7+$0x1C300] =	vst v2;
	v2 =	vmul.f32 v5, v1  }
0x3ac: {  	[tilespmem:s7+$0x1C310] =	vst v3;
	v1 =	vmul.f32 v6, v1  }
0x3ad: {  	[tilespmem:s7+$0x1C320] =	vst v2  }
0x3ae: {  	[tilespmem:s7+$0x1C330] =	vst v1;
	v2 =	vld [tilespmem:s7+$0x1A340]  }
0x3af: {  	v1 =	vld.idx.msk [tilespmem:v7+s21+$0x0], $0xffff  }
0x3b0: {  	v3 =	vld [tilespmem:s7+$0x1A350]  }
0x3b1: {  	v45 =	vld [tilespmem:s7+$0x1A360]  }
0x3b2: {  	v46 =	vld [tilespmem:s7+$0x1A370];
	_ =	sdelay $0x1  }
0x3b3: {  	v2 =	vmul.f32 v2, v1  }
0x3b4: {  	v47 =	vor.u32 $0x2, v4;
	v3 =	vmul.f32 v3, v1  }
0x3b5: {  	[tilespmem:s7+$0x1C340] =	vst v2;
	v2 =	vmul.f32 v45, v1  }
0x3b6: {  	[tilespmem:s7+$0x1C350] =	vst v3;
	v1 =	vmul.f32 v46, v1  }
0x3b7: {  	[tilespmem:s7+$0x1C360] =	vst v2  }
0x3b8: {  	[tilespmem:s7+$0x1C370] =	vst v1;
	v2 =	vld [tilespmem:s7+$0x1A380]  }
0x3b9: {  	v1 =	vld.idx.msk [tilespmem:v47+s21+$0x0], $0xffff  }
0x3ba: {  	v3 =	vld [tilespmem:s7+$0x1A390]  }
0x3bb: {  	v48 =	vld [tilespmem:s7+$0x1A3A0]  }
0x3bc: {  	v49 =	vld [tilespmem:s7+$0x1A3B0];
	_ =	sdelay $0x1  }
0x3bd: {  	v2 =	vmul.f32 v2, v1  }
0x3be: {  	v50 =	vor.u32 $0x3, v4;
	v3 =	vmul.f32 v3, v1  }
0x3bf: {  	[tilespmem:s7+$0x1C380] =	vst v2;
	v2 =	vmul.f32 v48, v1  }
0x3c0: {  	[tilespmem:s7+$0x1C390] =	vst v3;
	v1 =	vmul.f32 v49, v1  }
0x3c1: {  	[tilespmem:s7+$0x1C3A0] =	vst v2  }
0x3c2: {  	[tilespmem:s7+$0x1C3B0] =	vst v1;
	v2 =	vld [tilespmem:s7+$0x1A3C0]  }
0x3c3: {  	v1 =	vld.idx.msk [tilespmem:v50+s21+$0x0], $0xffff  }
0x3c4: {  	v3 =	vld [tilespmem:s7+$0x1A3D0]  }
0x3c5: {  	v51 =	vld [tilespmem:s7+$0x1A3E0]  }
0x3c6: {  	v52 =	vld [tilespmem:s7+$0x1A3F0];
	_ =	sdelay $0x1  }
0x3c7: {  	v2 =	vmul.f32 v2, v1  }
0x3c8: {  	v53 =	vor.u32 $0x4, v4;
	v3 =	vmul.f32 v3, v1  }
0x3c9: {  	[tilespmem:s7+$0x1C3C0] =	vst v2;
	v2 =	vmul.f32 v51, v1  }
0x3ca: {  	[tilespmem:s7+$0x1C3D0] =	vst v3;
	v1 =	vmul.f32 v52, v1  }
0x3cb: {  	[tilespmem:s7+$0x1C3E0] =	vst v2  }
0x3cc: {  	[tilespmem:s7+$0x1C3F0] =	vst v1;
	v2 =	vld [tilespmem:s7+$0x1A400]  }
0x3cd: {  	v1 =	vld.idx.msk [tilespmem:v53+s21+$0x0], $0xffff  }
0x3ce: {  	v3 =	vld [tilespmem:s7+$0x1A410]  }
0x3cf: {  	v54 =	vld [tilespmem:s7+$0x1A420]  }
0x3d0: {  	v55 =	vld [tilespmem:s7+$0x1A430];
	_ =	sdelay $0x1  }
0x3d1: {  	v2 =	vmul.f32 v2, v1  }
0x3d2: {  	v56 =	vor.u32 $0x5, v4;
	v3 =	vmul.f32 v3, v1  }
0x3d3: {  	[tilespmem:s7+$0x1C400] =	vst v2;
	v2 =	vmul.f32 v54, v1  }
0x3d4: {  	[tilespmem:s7+$0x1C410] =	vst v3;
	v1 =	vmul.f32 v55, v1  }
0x3d5: {  	[tilespmem:s7+$0x1C420] =	vst v2  }
0x3d6: {  	[tilespmem:s7+$0x1C430] =	vst v1;
	v2 =	vld [tilespmem:s7+$0x1A440]  }
0x3d7: {  	v1 =	vld.idx.msk [tilespmem:v56+s21+$0x0], $0xffff  }
0x3d8: {  	v3 =	vld [tilespmem:s7+$0x1A450]  }
0x3d9: {  	v57 =	vld [tilespmem:s7+$0x1A460]  }
0x3da: {  	v58 =	vld [tilespmem:s7+$0x1A470];
	_ =	sdelay $0x1  }
0x3db: {  	v2 =	vmul.f32 v2, v1  }
0x3dc: {  	v59 =	vor.u32 $0x6, v4;
	v3 =	vmul.f32 v3, v1  }
0x3dd: {  	[tilespmem:s7+$0x1C440] =	vst v2;
	v2 =	vmul.f32 v57, v1  }
0x3de: {  	[tilespmem:s7+$0x1C450] =	vst v3;
	v1 =	vmul.f32 v58, v1  }
0x3df: {  	[tilespmem:s7+$0x1C460] =	vst v2  }
0x3e0: {  	[tilespmem:s7+$0x1C470] =	vst v1;
	v2 =	vld [tilespmem:s7+$0x1A480]  }
0x3e1: {  	v1 =	vld.idx.msk [tilespmem:v59+s21+$0x0], $0xffff  }
0x3e2: {  	v3 =	vld [tilespmem:s7+$0x1A490]  }
0x3e3: {  	v60 =	vld [tilespmem:s7+$0x1A4A0]  }
0x3e4: {  	v61 =	vld [tilespmem:s7+$0x1A4B0];
	_ =	sdelay $0x1  }
0x3e5: {  	v2 =	vmul.f32 v2, v1  }
0x3e6: {  	v62 =	vor.u32 $0x7, v4;
	v3 =	vmul.f32 v3, v1  }
0x3e7: {  	[tilespmem:s7+$0x1C480] =	vst v2;
	v2 =	vmul.f32 v60, v1  }
0x3e8: {  	[tilespmem:s7+$0x1C490] =	vst v3;
	v1 =	vmul.f32 v61, v1  }
0x3e9: {  	[tilespmem:s7+$0x1C4A0] =	vst v2  }
0x3ea: {  	[tilespmem:s7+$0x1C4B0] =	vst v1;
	v2 =	vld [tilespmem:s7+$0x1A4C0]  }
0x3eb: {  	v1 =	vld.idx.msk [tilespmem:v62+s21+$0x0], $0xffff  }
0x3ec: {  	v3 =	vld [tilespmem:s7+$0x1A4D0]  }
0x3ed: {  	v63 =	vld [tilespmem:s7+$0x1A4E0]  }
0x3ee: {  	v9 =	vld [tilespmem:s7+$0x1A4F0];
	_ =	sdelay $0x1  }
0x3ef: {  	v2 =	vmul.f32 v2, v1  }
0x3f0: {  	v10 =	vor.u32 $0x8, v4;
	v3 =	vmul.f32 v3, v1  }
0x3f1: {  	[tilespmem:s7+$0x1C4C0] =	vst v2;
	v2 =	vmul.f32 v63, v1  }
0x3f2: {  	[tilespmem:s7+$0x1C4D0] =	vst v3;
	v1 =	vmul.f32 v9, v1  }
0x3f3: {  	[tilespmem:s7+$0x1C4E0] =	vst v2  }
0x3f4: {  	v3 =	vld [tilespmem:s7+$0x1A500];
	[tilespmem:s7+$0x1C4F0] =	vst v1  }
0x3f5: {  	v2 =	vld.idx.msk [tilespmem:v10+s21+$0x0], $0xffff  }
0x3f6: {  	v11 =	vld [tilespmem:s7+$0x1A510]  }
0x3f7: {  	s18 =	sor.u32 $0x10, s8  }
0x3f8: {  	s10 =	sadd.s32 s5, s18  }
0x3f9: {  	v1 =	vmov s10  }
0x3fa: {  	v3 =	vmul.f32 v3, v2  }
0x3fb: {  	v5 =	vmul.f32 v11, v2  }
0x3fc: {  	[tilespmem:s7+$0x1C500] =	vst v3  }
0x3fd: {  	[tilespmem:s7+$0x1C510] =	vst v5  }
0x3fe: {  	s9 =	sshll.u32 s18, $0x6;
	v3 =	vld.idx.msk [tilespmem:v1+s21+$0x0], $0xffff  }
0x3ff: {  	v5 =	vld [tilespmem:s9+$0x1A300]  }
0x400: {  	v12 =	vld [tilespmem:s9+$0x1A310]  }
0x401: {  	v13 =	vld [tilespmem:s9+$0x1A320]  }
0x402: {  	v8 =	vld [tilespmem:s9+$0x1A330];
	_ =	sdelay $0x1  }
0x403: {  	v5 =	vmul.f32 v5, v3  }
0x404: {  	v9 =	vor.u32 $0x1, v1;
	v6 =	vmul.f32 v12, v3  }
0x405: {  	v14 =	vmul.f32 v13, v3;
	[tilespmem:s9+$0x1C300] =	vst v5  }
0x406: {  	v3 =	vmul.f32 v8, v3;
	[tilespmem:s9+$0x1C310] =	vst v6  }
0x407: {  	[tilespmem:s9+$0x1C320] =	vst v14  }
0x408: {  	[tilespmem:s9+$0x1C330] =	vst v3  }
0x409: {  	v3 =	vld.idx.msk [tilespmem:v9+s21+$0x0], $0xffff  }
0x40a: {  	v5 =	vld [tilespmem:s7+$0x1A740]  }
0x40b: {  	v6 =	vld [tilespmem:s7+$0x1A750]  }
0x40c: {  	v15 =	vld [tilespmem:s7+$0x1A760]  }
0x40d: {  	v16 =	vld [tilespmem:s7+$0x1A770];
	_ =	sdelay $0x1  }
0x40e: {  	v5 =	vmul.f32 v5, v3  }
0x40f: {  	v17 =	vor.u32 $0x2, v1;
	v6 =	vmul.f32 v6, v3  }
0x410: {  	v18 =	vmul.f32 v15, v3;
	[tilespmem:s7+$0x1C740] =	vst v5  }
0x411: {  	v3 =	vmul.f32 v16, v3;
	[tilespmem:s7+$0x1C750] =	vst v6  }
0x412: {  	[tilespmem:s7+$0x1C760] =	vst v18  }
0x413: {  	v19 =	vld [tilespmem:s7+$0x1A780];
	[tilespmem:s7+$0x1C770] =	vst v3  }
0x414: {  	v3 =	vld.idx.msk [tilespmem:v17+s21+$0x0], $0xffff  }
0x415: {  	v20 =	vld [tilespmem:s7+$0x1A790]  }
0x416: {  	v21 =	vld [tilespmem:s7+$0x1A7A0]  }
0x417: {  	v22 =	vld [tilespmem:s7+$0x1A7B0];
	_ =	sdelay $0x1  }
0x418: {  	v5 =	vmul.f32 v19, v3  }
0x419: {  	v23 =	vor.u32 $0x3, v1;
	v6 =	vmul.f32 v20, v3  }
0x41a: {  	v24 =	vmul.f32 v21, v3;
	[tilespmem:s7+$0x1C780] =	vst v5  }
0x41b: {  	v3 =	vmul.f32 v22, v3;
	[tilespmem:s7+$0x1C790] =	vst v6  }
0x41c: {  	[tilespmem:s7+$0x1C7A0] =	vst v24  }
0x41d: {  	v25 =	vld [tilespmem:s7+$0x1A7C0];
	[tilespmem:s7+$0x1C7B0] =	vst v3  }
0x41e: {  	v3 =	vld.idx.msk [tilespmem:v23+s21+$0x0], $0xffff  }
0x41f: {  	v26 =	vld [tilespmem:s7+$0x1A7D0]  }
0x420: {  	v27 =	vld [tilespmem:s7+$0x1A7E0]  }
0x421: {  	v28 =	vld [tilespmem:s7+$0x1A7F0];
	_ =	sdelay $0x1  }
0x422: {  	v5 =	vmul.f32 v25, v3  }
0x423: {  	v29 =	vor.u32 $0x4, v1;
	v6 =	vmul.f32 v26, v3  }
0x424: {  	v30 =	vmul.f32 v27, v3;
	[tilespmem:s7+$0x1C7C0] =	vst v5  }
0x425: {  	v31 =	vld [tilespmem:s7+$0x1A520];
	v3 =	vmul.f32 v28, v3;
	[tilespmem:s7+$0x1C7D0] =	vst v6  }
0x426: {  	v32 =	vld [tilespmem:s7+$0x1A530];
	[tilespmem:s7+$0x1C7E0] =	vst v30  }
0x427: {  	v33 =	vld [tilespmem:s7+$0x1A800];
	[tilespmem:s7+$0x1C7F0] =	vst v3  }
0x428: {  	v3 =	vld.idx.msk [tilespmem:v29+s21+$0x0], $0xffff  }
0x429: {  	v35 =	vld [tilespmem:s7+$0x1A810]  }
0x42a: {  	v34 =	vor.u32 $0x9, v4;
	v10 =	vld [tilespmem:s7+$0x1A820]  }
0x42b: {  	v36 =	vld [tilespmem:s7+$0x1A830];
	v6 =	vmul.f32 v31, v2;
	v2 =	vmul.f32 v32, v2;
	_ =	sdelay $0x1  }
0x42c: {  	v39 =	vld [tilespmem:s7+$0x1A540];
	[tilespmem:s7+$0x1C530] =	vst v2;
	v2 =	vmul.f32 v33, v3  }
0x42d: {  	v38 =	vor.u32 $0x5, v1;
	v40 =	vld [tilespmem:s7+$0x1A550];
	[tilespmem:s7+$0x1C520] =	vst v6;
	v37 =	vmul.f32 v35, v3  }
0x42e: {  	v6 =	vld.idx.msk [tilespmem:v34+s21+$0x0], $0xffff;
	[tilespmem:s7+$0x1C800] =	vst v2;
	v2 =	vmul.f32 v10, v3  }
0x42f: {  	v41 =	vld [tilespmem:s7+$0x1A560];
	[tilespmem:s7+$0x1C810] =	vst v37;
	v3 =	vmul.f32 v36, v3  }
0x430: {  	[tilespmem:s7+$0x1C820] =	vst v2;
	v2 =	vld [tilespmem:s7+$0x1A570]  }
0x431: {  	v43 =	vld [tilespmem:s7+$0x1A840];
	[tilespmem:s7+$0x1C830] =	vst v3  }
0x432: {  	v3 =	vld.idx.msk [tilespmem:v38+s21+$0x0], $0xffff  }
0x433: {  	v11 =	vld [tilespmem:s7+$0x1A850];
	v42 =	vmul.f32 v39, v6  }
0x434: {  	v45 =	vor.u32 $0xA, v4;
	v46 =	vld [tilespmem:s7+$0x1A860];
	v44 =	vmul.f32 v40, v6  }
0x435: {  	v47 =	vld [tilespmem:s7+$0x1A870];
	[tilespmem:s7+$0x1C540] =	vst v42;
	v2 =	vmul.f32 v2, v6  }
0x436: {  	v50 =	vld [tilespmem:s7+$0x1A580];
	v5 =	vmul.f32 v41, v6;
	[tilespmem:s7+$0x1C550] =	vst v44  }
0x437: {  	v51 =	vld [tilespmem:s7+$0x1A590];
	[tilespmem:s7+$0x1C570] =	vst v2;
	v2 =	vmul.f32 v43, v3  }
0x438: {  	v49 =	vor.u32 $0x6, v1;
	v52 =	vld [tilespmem:s7+$0x1A5A0];
	[tilespmem:s7+$0x1C560] =	vst v5;
	v48 =	vmul.f32 v11, v3  }
0x439: {  	v5 =	vld.idx.msk [tilespmem:v45+s21+$0x0], $0xffff;
	[tilespmem:s7+$0x1C840] =	vst v2;
	v2 =	vmul.f32 v46, v3  }
0x43a: {  	v61 =	vld [tilespmem:s7+$0x1A5C0];
	[tilespmem:s7+$0x1C850] =	vst v48;
	v3 =	vmul.f32 v47, v3  }
0x43b: {  	[tilespmem:s7+$0x1C860] =	vst v2;
	v2 =	vld [tilespmem:s7+$0x1A5B0]  }
0x43c: {  	v54 =	vld [tilespmem:s7+$0x1A880];
	[tilespmem:s7+$0x1C870] =	vst v3  }
0x43d: {  	v3 =	vld.idx.msk [tilespmem:v49+s21+$0x0], $0xffff  }
0x43e: {  	v56 =	vld [tilespmem:s7+$0x1A890];
	v53 =	vmul.f32 v50, v5  }
0x43f: {  	v55 =	vor.u32 $0xB, v4;
	v57 =	vld [tilespmem:s7+$0x1A8A0];
	v7 =	vmul.f32 v51, v5  }
0x440: {  	v58 =	vld [tilespmem:s7+$0x1A8B0];
	[tilespmem:s7+$0x1C580] =	vst v53;
	v2 =	vmul.f32 v2, v5  }
0x441: {  	v62 =	vld [tilespmem:s7+$0x1A5D0];
	v6 =	vmul.f32 v52, v5;
	[tilespmem:s7+$0x1C590] =	vst v7  }
0x442: {  	v63 =	vld [tilespmem:s7+$0x1A5E0];
	[tilespmem:s7+$0x1C5B0] =	vst v2;
	v2 =	vmul.f32 v54, v3  }
0x443: {  	v60 =	vor.u32 $0x7, v1;
	v13 =	vld [tilespmem:s7+$0x1A8C0];
	[tilespmem:s7+$0x1C5A0] =	vst v6;
	v59 =	vmul.f32 v56, v3  }
0x444: {  	v6 =	vld.idx.msk [tilespmem:v55+s21+$0x0], $0xffff;
	[tilespmem:s7+$0x1C880] =	vst v2;
	v2 =	vmul.f32 v57, v3  }
0x445: {  	v15 =	vld [tilespmem:s7+$0x1A8D0];
	[tilespmem:s7+$0x1C890] =	vst v59;
	v3 =	vmul.f32 v58, v3  }
0x446: {  	[tilespmem:s7+$0x1C8A0] =	vst v2;
	v2 =	vld [tilespmem:s7+$0x1A5F0]  }
0x447: {  	v16 =	vld [tilespmem:s7+$0x1A8E0];
	[tilespmem:s7+$0x1C8B0] =	vst v3  }
0x448: {  	v3 =	vld.idx.msk [tilespmem:v60+s21+$0x0], $0xffff  }
0x449: {  	v17 =	vld [tilespmem:s7+$0x1A8F0];
	v12 =	vmul.f32 v61, v6  }
0x44a: {  	v14 =	vor.u32 $0xC, v4;
	v20 =	vld [tilespmem:s7+$0x1A600];
	v8 =	vmul.f32 v62, v6  }
0x44b: {  	v21 =	vld [tilespmem:s7+$0x1A610];
	[tilespmem:s7+$0x1C5C0] =	vst v12;
	v2 =	vmul.f32 v2, v6  }
0x44c: {  	v22 =	vld [tilespmem:s7+$0x1A620];
	v5 =	vmul.f32 v63, v6;
	[tilespmem:s7+$0x1C5D0] =	vst v8  }
0x44d: {  	v24 =	vld [tilespmem:s7+$0x1A900];
	[tilespmem:s7+$0x1C5F0] =	vst v2;
	v2 =	vmul.f32 v13, v3  }
0x44e: {  	v19 =	vor.u32 $0x8, v1;
	v26 =	vld [tilespmem:s7+$0x1A910];
	[tilespmem:s7+$0x1C5E0] =	vst v5;
	v18 =	vmul.f32 v15, v3  }
0x44f: {  	v5 =	vld.idx.msk [tilespmem:v14+s21+$0x0], $0xffff;
	[tilespmem:s7+$0x1C8C0] =	vst v2;
	v2 =	vmul.f32 v16, v3  }
0x450: {  	v27 =	vld [tilespmem:s7+$0x1A920];
	[tilespmem:s7+$0x1C8D0] =	vst v18;
	v3 =	vmul.f32 v17, v3  }
0x451: {  	[tilespmem:s7+$0x1C8E0] =	vst v2;
	v2 =	vld [tilespmem:s7+$0x1A630]  }
0x452: {  	v28 =	vld [tilespmem:s7+$0x1A930];
	[tilespmem:s7+$0x1C8F0] =	vst v3  }
0x453: {  	v3 =	vld.idx.msk [tilespmem:v19+s21+$0x0], $0xffff  }
0x454: {  	v31 =	vld [tilespmem:s7+$0x1A640];
	v23 =	vmul.f32 v20, v5  }
0x455: {  	v25 =	vor.u32 $0xD, v4;
	v32 =	vld [tilespmem:s7+$0x1A650];
	v7 =	vmul.f32 v21, v5  }
0x456: {  	v33 =	vld [tilespmem:s7+$0x1A660];
	[tilespmem:s7+$0x1C600] =	vst v23;
	v2 =	vmul.f32 v2, v5  }
0x457: {  	v35 =	vld [tilespmem:s7+$0x1A940];
	v6 =	vmul.f32 v22, v5;
	[tilespmem:s7+$0x1C610] =	vst v7  }
0x458: {  	v37 =	vld [tilespmem:s7+$0x1A950];
	[tilespmem:s7+$0x1C630] =	vst v2;
	v2 =	vmul.f32 v24, v3  }
0x459: {  	v30 =	vor.u32 $0x9, v1;
	v39 =	vld [tilespmem:s7+$0x1A970];
	[tilespmem:s7+$0x1C620] =	vst v6;
	v29 =	vmul.f32 v26, v3  }
0x45a: {  	v6 =	vld.idx.msk [tilespmem:v25+s21+$0x0], $0xffff;
	[tilespmem:s7+$0x1C900] =	vst v2;
	v2 =	vmul.f32 v27, v3  }
0x45b: {  	v42 =	vld [tilespmem:s7+$0x1A680];
	[tilespmem:s7+$0x1C910] =	vst v29;
	v3 =	vmul.f32 v28, v3  }
0x45c: {  	[tilespmem:s7+$0x1C920] =	vst v2;
	v2 =	vld [tilespmem:s7+$0x1A670]  }
0x45d: {  	v44 =	vld [tilespmem:s7+$0x1A6A0];
	[tilespmem:s7+$0x1C930] =	vst v3  }
0x45e: {  	v3 =	vld.idx.msk [tilespmem:v30+s21+$0x0], $0xffff  }
0x45f: {  	v38 =	vld [tilespmem:s7+$0x1A960];
	v34 =	vmul.f32 v31, v6  }
0x460: {  	s9 =	sor.u32 $0x20, s8;
	v36 =	vor.u32 $0xE, v4;
	v43 =	vld [tilespmem:s7+$0x1A690];
	v8 =	vmul.f32 v32, v6  }
0x461: {  	s11 =	sadd.s32 s5, s9;
	s9 =	sshll.u32 s9, $0x6;
	v45 =	vld [tilespmem:s7+$0x1A6B0];
	[tilespmem:s7+$0x1C640] =	vst v34;
	v2 =	vmul.f32 v2, v6  }
0x462: {  	v48 =	vld [tilespmem:s9+$0x1A300];
	v5 =	vmul.f32 v33, v6;
	[tilespmem:s7+$0x1C650] =	vst v8  }
0x463: {  	v46 =	vld [tilespmem:s7+$0x1A980];
	[tilespmem:s7+$0x1C670] =	vst v2;
	v2 =	vmul.f32 v35, v3  }
0x464: {  	v41 =	vor.u32 $0xA, v1;
	v47 =	vld [tilespmem:s7+$0x1A9A0];
	[tilespmem:s7+$0x1C660] =	vst v5;
	v40 =	vmul.f32 v37, v3  }
0x465: {  	v5 =	vld.idx.msk [tilespmem:v36+s21+$0x0], $0xffff;
	[tilespmem:s7+$0x1C940] =	vst v2;
	v2 =	vmul.f32 v38, v3  }
0x466: {  	v50 =	vld [tilespmem:s9+$0x1A310];
	[tilespmem:s7+$0x1C950] =	vst v40;
	v3 =	vmul.f32 v39, v3  }
0x467: {  	v52 =	vld [tilespmem:s9+$0x1A320];
	[tilespmem:s7+$0x1C960] =	vst v2  }
0x468: {  	v54 =	vld [tilespmem:s9+$0x1A330];
	[tilespmem:s7+$0x1C970] =	vst v3;
	v3 =	vmov s11  }
0x469: {  	s8 =	sor.u32 $0x30, s8;
	v9 =	vld.idx.msk [tilespmem:v41+s21+$0x0], $0xffff  }
0x46a: {  	s18 =	sadd.s32 s5, s8;
	s8 =	sshll.u32 s8, $0x6;
	v12 =	vld [tilespmem:s7+$0x1A990];
	v2 =	vmul.f32 v42, v5  }
0x46b: {  	v58 =	vld [tilespmem:s8+$0x1A300];
	v7 =	vmul.f32 v43, v5  }
0x46c: {  	v13 =	vld [tilespmem:s7+$0x1A9B0];
	v6 =	vmul.f32 v44, v5;
	[tilespmem:s7+$0x1C680] =	vst v2  }
0x46d: {  	v5 =	vmul.f32 v45, v5;
	[tilespmem:s7+$0x1C690] =	vst v7;
	v14 =	vld.idx.msk [tilespmem:v3+s21+$0x0], $0xffff  }
0x46e: {  	v4 =	vor.u32 $0xF, v4;
	v61 =	vld [tilespmem:s8+$0x1A310];
	[tilespmem:s7+$0x1C6A0] =	vst v6;
	v49 =	vmul.f32 v46, v9  }
0x46f: {  	v63 =	vld [tilespmem:s8+$0x1A320];
	[tilespmem:s7+$0x1C6B0] =	vst v5;
	v51 =	vmul.f32 v12, v9  }
0x470: {  	v17 =	vld [tilespmem:s8+$0x1A330];
	v2 =	vmov s18;
	v53 =	vmul.f32 v47, v9;
	[tilespmem:s7+$0x1C980] =	vst v49  }
0x471: {  	v57 =	vor.u32 $0xB, v1;
	v33 =	vld [tilespmem:s7+$0x1A9C0];
	v55 =	vmul.f32 v13, v9;
	[tilespmem:s7+$0x1C990] =	vst v51  }
0x472: {  	v34 =	vld [tilespmem:s7+$0x1A9D0];
	[tilespmem:s7+$0x1C9A0] =	vst v53;
	v7 =	vmul.f32 v48, v14  }
0x473: {  	v60 =	vor.u32 $0x1, v3;
	v4 =	vld.idx.msk [tilespmem:v4+s21+$0x0], $0xffff;
	[tilespmem:s7+$0x1C9B0] =	vst v55;
	v59 =	vmul.f32 v50, v14  }
0x474: {  	v49 =	vld [tilespmem:s7+$0x1A9F0];
	v62 =	vmul.f32 v52, v14;
	[tilespmem:s9+$0x1C300] =	vst v7  }
0x475: {  	v56 =	vld.idx.msk [tilespmem:v2+s21+$0x0], $0xffff;
	v16 =	vmul.f32 v54, v14;
	[tilespmem:s9+$0x1C310] =	vst v59  }
0x476: {  	v6 =	vld.idx.msk [tilespmem:v57+s21+$0x0], $0xffff;
	[tilespmem:s9+$0x1C320] =	vst v62  }
0x477: {  	v48 =	vld [tilespmem:s7+$0x1A9E0];
	[tilespmem:s9+$0x1C330] =	vst v16  }
0x478: {  	v7 =	vld.idx.msk [tilespmem:v60+s21+$0x0], $0xffff  }
0x479: {  	v21 =	vld [tilespmem:s7+$0x1AB40]  }
0x47a: {  	v23 =	vld [tilespmem:s7+$0x1AB50]  }
0x47b: {  	v25 =	vld [tilespmem:s7+$0x1AB60]  }
0x47c: {  	v26 =	vld [tilespmem:s7+$0x1AB70]  }
0x47d: {  	v15 =	vld [tilespmem:s7+$0x1AB80]  }
0x47e: {  	v40 =	vld [tilespmem:s7+$0x1AB90]  }
0x47f: {  	v41 =	vld [tilespmem:s7+$0x1ABA0]  }
0x480: {  	v42 =	vld [tilespmem:s7+$0x1ABB0];
	v18 =	vmul.f32 v58, v56  }
0x481: {  	v20 =	vor.u32 $0x1, v2;
	v54 =	vld [tilespmem:s7+$0x1ABC0];
	v19 =	vmul.f32 v61, v56  }
0x482: {  	v57 =	vld [tilespmem:s7+$0x1ABE0];
	v22 =	vmul.f32 v63, v56;
	[tilespmem:s8+$0x1C300] =	vst v18  }
0x483: {  	v59 =	vld [tilespmem:s7+$0x1ABF0];
	v24 =	vmul.f32 v17, v56;
	[tilespmem:s8+$0x1C310] =	vst v19  }
0x484: {  	v56 =	vld [tilespmem:s7+$0x1ABD0];
	[tilespmem:s8+$0x1C320] =	vst v22  }
0x485: {  	v58 =	vmul.f32 v48, v6;
	v48 =	vld [tilespmem:s7+$0x1AC60];
	[tilespmem:s8+$0x1C330] =	vst v24  }
0x486: {  	v8 =	vld.idx.msk [tilespmem:v20+s21+$0x0], $0xffff  }
0x487: {  	v28 =	vld [tilespmem:s7+$0x1AF40]  }
0x488: {  	v30 =	vld [tilespmem:s7+$0x1AF50]  }
0x489: {  	v31 =	vld [tilespmem:s7+$0x1AF60];
	v27 =	vmul.f32 v21, v7  }
0x48a: {  	v29 =	vor.u32 $0x2, v3;
	v32 =	vld [tilespmem:s7+$0x1AF70];
	v11 =	vmul.f32 v23, v7  }
0x48b: {  	v44 =	vld [tilespmem:s7+$0x1AF80];
	v9 =	vmul.f32 v25, v7;
	[tilespmem:s7+$0x1CB40] =	vst v27  }
0x48c: {  	v16 =	vld [tilespmem:s7+$0x1AF90];
	v5 =	vmul.f32 v26, v7;
	[tilespmem:s7+$0x1CB50] =	vst v11  }
0x48d: {  	v46 =	vld [tilespmem:s7+$0x1AFA0];
	[tilespmem:s7+$0x1CB60] =	vst v9;
	v35 =	vmul.f32 v28, v8  }
0x48e: {  	v38 =	vor.u32 $0x2, v2;
	v47 =	vld [tilespmem:s7+$0x1AFB0];
	[tilespmem:s7+$0x1CB70] =	vst v5;
	v37 =	vmul.f32 v30, v8  }
0x48f: {  	v36 =	vld.idx.msk [tilespmem:v29+s21+$0x0], $0xffff;
	v39 =	vmul.f32 v31, v8;
	[tilespmem:s7+$0x1CF40] =	vst v35  }
0x490: {  	v62 =	vld [tilespmem:s7+$0x1AFC0];
	v7 =	vmul.f32 v32, v8;
	[tilespmem:s7+$0x1CF50] =	vst v37  }
0x491: {  	v19 =	vld [tilespmem:s7+$0x1AFD0];
	[tilespmem:s7+$0x1CF60] =	vst v39  }
0x492: {  	v20 =	vld [tilespmem:s7+$0x1AFE0];
	[tilespmem:s7+$0x1CF70] =	vst v7  }
0x493: {  	v7 =	vld.idx.msk [tilespmem:v38+s21+$0x0], $0xffff  }
0x494: {  	v22 =	vld [tilespmem:s7+$0x1AFF0];
	v43 =	vmul.f32 v15, v36  }
0x495: {  	v45 =	vor.u32 $0x3, v3;
	[tilespmem:s7+$0x1C9E0] =	vst v58;
	v17 =	vld [tilespmem:s7+$0x1B050];
	v10 =	vmul.f32 v40, v36  }
0x496: {  	v11 =	vmul.f32 v33, v6;
	v27 =	vld [tilespmem:s7+$0x1AC00];
	v8 =	vmul.f32 v41, v36;
	[tilespmem:s7+$0x1CB80] =	vst v43  }
0x497: {  	v9 =	vmul.f32 v34, v6;
	v33 =	vld [tilespmem:s7+$0x1B000];
	v5 =	vmul.f32 v42, v36;
	[tilespmem:s7+$0x1CB90] =	vst v10  }
0x498: {  	v6 =	vmul.f32 v49, v6;
	v49 =	vld [tilespmem:s7+$0x1AC70];
	[tilespmem:s7+$0x1CBA0] =	vst v8;
	v50 =	vmul.f32 v44, v7  }
0x499: {  	v53 =	vor.u32 $0x3, v2;
	v29 =	vld [tilespmem:s7+$0x1AC10];
	[tilespmem:s7+$0x1CBB0] =	vst v5;
	v52 =	vmul.f32 v16, v7  }
0x49a: {  	v51 =	vld.idx.msk [tilespmem:v45+s21+$0x0], $0xffff;
	v55 =	vmul.f32 v46, v7;
	[tilespmem:s7+$0x1CF80] =	vst v50  }
0x49b: {  	v30 =	vld [tilespmem:s7+$0x1AC20];
	v7 =	vmul.f32 v47, v7;
	[tilespmem:s7+$0x1CF90] =	vst v52  }
0x49c: {  	v31 =	vld [tilespmem:s7+$0x1AC30];
	[tilespmem:s7+$0x1CFA0] =	vst v55  }
0x49d: {  	v37 =	vld [tilespmem:s7+$0x1B020];
	[tilespmem:s7+$0x1CFB0] =	vst v7  }
0x49e: {  	[tilespmem:s7+$0x1C9C0] =	vst v11;
	v7 =	vld.idx.msk [tilespmem:v53+s21+$0x0], $0xffff  }
0x49f: {  	v60 =	vor.u32 $0xC, v1;
	[tilespmem:s7+$0x1C9D0] =	vst v9;
	v39 =	vld [tilespmem:s7+$0x1AA00];
	v61 =	vmul.f32 v54, v51  }
0x4a0: {  	v18 =	vor.u32 $0x4, v3;
	[tilespmem:s7+$0x1C9F0] =	vst v6;
	v38 =	vld [tilespmem:s7+$0x1B030];
	v63 =	vmul.f32 v56, v51  }
0x4a1: {  	v36 =	vld [tilespmem:s7+$0x1B010];
	v10 =	vmul.f32 v57, v51;
	[tilespmem:s7+$0x1CBC0] =	vst v61  }
0x4a2: {  	v40 =	vld [tilespmem:s7+$0x1AA10];
	v21 =	vmul.f32 v59, v51;
	[tilespmem:s7+$0x1CBD0] =	vst v63  }
0x4a3: {  	v5 =	vld [tilespmem:s7+$0x1A6C0];
	[tilespmem:s7+$0x1CBE0] =	vst v10;
	v23 =	vmul.f32 v62, v7  }
0x4a4: {  	v26 =	vor.u32 $0x4, v2;
	v8 =	vld.idx.msk [tilespmem:v60+s21+$0x0], $0xffff;
	[tilespmem:s7+$0x1CBF0] =	vst v21;
	v25 =	vmul.f32 v19, v7  }
0x4a5: {  	v24 =	vld.idx.msk [tilespmem:v18+s21+$0x0], $0xffff;
	v28 =	vmul.f32 v20, v7;
	[tilespmem:s7+$0x1CFC0] =	vst v23  }
0x4a6: {  	v45 =	vld [tilespmem:s7+$0x1AC40];
	v7 =	vmul.f32 v22, v7;
	[tilespmem:s7+$0x1CFD0] =	vst v25  }
0x4a7: {  	v47 =	vld [tilespmem:s7+$0x1AC50];
	[tilespmem:s7+$0x1CFE0] =	vst v28  }
0x4a8: {  	v53 =	vld [tilespmem:s7+$0x1B060];
	[tilespmem:s7+$0x1CFF0] =	vst v7  }
0x4a9: {  	v55 =	vmul.f32 v39, v8;
	v7 =	vld.idx.msk [tilespmem:v26+s21+$0x0], $0xffff  }
0x4aa: {  	v39 =	vld [tilespmem:s7+$0x1ACD0];
	v32 =	vmul.f32 v27, v24  }
0x4ab: {  	v35 =	vor.u32 $0x5, v3;
	v51 =	vld [tilespmem:s7+$0x1B040];
	[tilespmem:s7+$0x1CA00] =	vst v55;
	v34 =	vmul.f32 v29, v24  }
0x4ac: {  	v54 =	vld [tilespmem:s7+$0x1B070];
	v10 =	vmul.f32 v30, v24;
	[tilespmem:s7+$0x1CC00] =	vst v32  }
0x4ad: {  	v56 =	vld [tilespmem:s7+$0x1AA20];
	v6 =	vmul.f32 v31, v24;
	[tilespmem:s7+$0x1CC10] =	vst v34  }
0x4ae: {  	v57 =	vld [tilespmem:s7+$0x1AA30];
	[tilespmem:s7+$0x1CC20] =	vst v10;
	v41 =	vmul.f32 v33, v7  }
0x4af: {  	v44 =	vor.u32 $0x5, v2;
	v55 =	vld [tilespmem:s7+$0x1AD00];
	[tilespmem:s7+$0x1CC30] =	vst v6;
	v43 =	vmul.f32 v36, v7  }
0x4b0: {  	v42 =	vld.idx.msk [tilespmem:v35+s21+$0x0], $0xffff;
	v46 =	vmul.f32 v37, v7;
	[tilespmem:s7+$0x1D000] =	vst v41  }
0x4b1: {  	v21 =	vld [tilespmem:s7+$0x1ACB0];
	v7 =	vmul.f32 v38, v7;
	[tilespmem:s7+$0x1D010] =	vst v43  }
0x4b2: {  	v18 =	vld [tilespmem:s7+$0x1AC90];
	[tilespmem:s7+$0x1D020] =	vst v46  }
0x4b3: {  	v62 =	vld [tilespmem:s7+$0x1AC80];
	[tilespmem:s7+$0x1D030] =	vst v7  }
0x4b4: {  	v7 =	vld.idx.msk [tilespmem:v44+s21+$0x0], $0xffff  }
0x4b5: {  	v19 =	vld [tilespmem:s7+$0x1ACA0];
	v50 =	vmul.f32 v45, v42  }
0x4b6: {  	v52 =	vor.u32 $0x6, v3;
	v22 =	vmul.f32 v57, v8;
	v57 =	vld [tilespmem:s7+$0x1AD10];
	v11 =	vmul.f32 v47, v42  }
0x4b7: {  	v26 =	vld [tilespmem:s7+$0x1B080];
	v9 =	vmul.f32 v48, v42;
	[tilespmem:s7+$0x1CC40] =	vst v50  }
0x4b8: {  	v29 =	vld [tilespmem:s7+$0x1B090];
	v6 =	vmul.f32 v49, v42;
	[tilespmem:s7+$0x1CC50] =	vst v11  }
0x4b9: {  	v30 =	vld [tilespmem:s7+$0x1B0A0];
	[tilespmem:s7+$0x1CC60] =	vst v9;
	v58 =	vmul.f32 v51, v7  }
0x4ba: {  	v61 =	vor.u32 $0x6, v2;
	v32 =	vld [tilespmem:s7+$0x1B0B0];
	[tilespmem:s7+$0x1CC70] =	vst v6;
	v60 =	vmul.f32 v17, v7  }
0x4bb: {  	v59 =	vld.idx.msk [tilespmem:v52+s21+$0x0], $0xffff;
	v63 =	vmul.f32 v53, v7;
	[tilespmem:s7+$0x1D040] =	vst v58  }
0x4bc: {  	v10 =	vmul.f32 v40, v8;
	v40 =	vld [tilespmem:s7+$0x1ACE0];
	v7 =	vmul.f32 v54, v7;
	[tilespmem:s7+$0x1D050] =	vst v60  }
0x4bd: {  	v20 =	vmul.f32 v56, v8;
	v37 =	vld [tilespmem:s7+$0x1ACC0];
	[tilespmem:s7+$0x1D060] =	vst v63  }
0x4be: {  	v41 =	vld [tilespmem:s7+$0x1ACF0];
	[tilespmem:s7+$0x1D070] =	vst v7  }
0x4bf: {  	[tilespmem:s7+$0x1CA20] =	vst v20;
	v23 =	vld.idx.msk [tilespmem:v61+s21+$0x0], $0xffff  }
0x4c0: {  	[tilespmem:s7+$0x1CA30] =	vst v22;
	v43 =	vld [tilespmem:s7+$0x1B0C0];
	v25 =	vmul.f32 v62, v59  }
0x4c1: {  	v28 =	vor.u32 $0x7, v3;
	[tilespmem:s7+$0x1CA10] =	vst v10;
	v46 =	vld [tilespmem:s7+$0x1B0D0];
	v27 =	vmul.f32 v18, v59  }
0x4c2: {  	v24 =	vor.u32 $0xD, v1;
	v47 =	vld [tilespmem:s7+$0x1B0E0];
	v11 =	vmul.f32 v19, v59;
	[tilespmem:s7+$0x1CC80] =	vst v25  }
0x4c3: {  	v48 =	vld [tilespmem:s7+$0x1B0F0];
	v31 =	vmul.f32 v21, v59;
	[tilespmem:s7+$0x1CC90] =	vst v27  }
0x4c4: {  	v49 =	vld [tilespmem:s7+$0x1AA40];
	[tilespmem:s7+$0x1CCA0] =	vst v11;
	v33 =	vmul.f32 v26, v23  }
0x4c5: {  	v36 =	vor.u32 $0x7, v2;
	v6 =	vld [tilespmem:s7+$0x1A6D0];
	[tilespmem:s7+$0x1CCB0] =	vst v31;
	v35 =	vmul.f32 v29, v23  }
0x4c6: {  	v34 =	vld.idx.msk [tilespmem:v28+s21+$0x0], $0xffff;
	v38 =	vmul.f32 v30, v23;
	[tilespmem:s7+$0x1D080] =	vst v33  }
0x4c7: {  	v9 =	vld.idx.msk [tilespmem:v24+s21+$0x0], $0xffff;
	v8 =	vmul.f32 v32, v23;
	[tilespmem:s7+$0x1D090] =	vst v35  }
0x4c8: {  	v50 =	vld [tilespmem:s7+$0x1AA50];
	[tilespmem:s7+$0x1D0A0] =	vst v38  }
0x4c9: {  	v24 =	vld [tilespmem:s7+$0x1AA70];
	[tilespmem:s7+$0x1D0B0] =	vst v8  }
0x4ca: {  	v8 =	vld.idx.msk [tilespmem:v36+s21+$0x0], $0xffff  }
0x4cb: {  	v20 =	vld [tilespmem:s7+$0x1AE70];
	v42 =	vmul.f32 v37, v34  }
0x4cc: {  	v45 =	vor.u32 $0x8, v3;
	v58 =	vld [tilespmem:s7+$0x1AD20];
	v44 =	vmul.f32 v39, v34  }
0x4cd: {  	v63 =	vld [tilespmem:s7+$0x1B120];
	v11 =	vmul.f32 v40, v34;
	[tilespmem:s7+$0x1CCC0] =	vst v42  }
0x4ce: {  	v61 =	vld [tilespmem:s7+$0x1B100];
	v7 =	vmul.f32 v41, v34;
	[tilespmem:s7+$0x1CCD0] =	vst v44  }
0x4cf: {  	v59 =	vld [tilespmem:s7+$0x1AD30];
	[tilespmem:s7+$0x1CCE0] =	vst v11;
	v51 =	vmul.f32 v43, v8  }
0x4d0: {  	v54 =	vor.u32 $0x8, v2;
	v23 =	vld [tilespmem:s7+$0x1AA60];
	[tilespmem:s7+$0x1CCF0] =	vst v7;
	v53 =	vmul.f32 v46, v8  }
0x4d1: {  	v52 =	vld.idx.msk [tilespmem:v45+s21+$0x0], $0xffff;
	v56 =	vmul.f32 v47, v8;
	[tilespmem:s7+$0x1D0C0] =	vst v51  }
0x4d2: {  	v18 =	vld [tilespmem:s7+$0x1B110];
	v8 =	vmul.f32 v48, v8;
	[tilespmem:s7+$0x1D0D0] =	vst v53  }
0x4d3: {  	v21 =	vld [tilespmem:s7+$0x1B130];
	[tilespmem:s7+$0x1D0E0] =	vst v56  }
0x4d4: {  	v19 =	vld [tilespmem:s7+$0x1B1D0];
	[tilespmem:s7+$0x1D0F0] =	vst v8  }
0x4d5: {  	v33 =	vmul.f32 v23, v9;
	v8 =	vld.idx.msk [tilespmem:v54+s21+$0x0], $0xffff  }
0x4d6: {  	v31 =	vld [tilespmem:s7+$0x1AD50];
	v60 =	vmul.f32 v55, v52  }
0x4d7: {  	v62 =	vor.u32 $0x9, v3;
	v29 =	vld [tilespmem:s7+$0x1AD40];
	[tilespmem:s7+$0x1CA60] =	vst v33;
	v12 =	vmul.f32 v57, v52  }
0x4d8: {  	v32 =	vld [tilespmem:s7+$0x1AD60];
	v10 =	vmul.f32 v58, v52;
	[tilespmem:s7+$0x1CD00] =	vst v60  }
0x4d9: {  	v34 =	vld [tilespmem:s7+$0x1AD70];
	v7 =	vmul.f32 v59, v52;
	[tilespmem:s7+$0x1CD10] =	vst v12  }
0x4da: {  	v39 =	vld [tilespmem:s7+$0x1B140];
	[tilespmem:s7+$0x1CD20] =	vst v10;
	v25 =	vmul.f32 v61, v8  }
0x4db: {  	v28 =	vor.u32 $0x9, v2;
	v42 =	vld [tilespmem:s7+$0x1B150];
	[tilespmem:s7+$0x1CD30] =	vst v7;
	v27 =	vmul.f32 v18, v8  }
0x4dc: {  	v26 =	vld.idx.msk [tilespmem:v62+s21+$0x0], $0xffff;
	v30 =	vmul.f32 v63, v8;
	[tilespmem:s7+$0x1D100] =	vst v25  }
0x4dd: {  	v11 =	vmul.f32 v50, v9;
	v50 =	vld [tilespmem:s7+$0x1AD80];
	v8 =	vmul.f32 v21, v8;
	[tilespmem:s7+$0x1D110] =	vst v27  }
0x4de: {  	v22 =	vmul.f32 v49, v9;
	v45 =	vld [tilespmem:s7+$0x1B170];
	[tilespmem:s7+$0x1D120] =	vst v30  }
0x4df: {  	v35 =	vmul.f32 v24, v9;
	v33 =	vld [tilespmem:s7+$0x1B1E0];
	[tilespmem:s7+$0x1D130] =	vst v8  }
0x4e0: {  	[tilespmem:s7+$0x1CA40] =	vst v22;
	v36 =	vld.idx.msk [tilespmem:v28+s21+$0x0], $0xffff  }
0x4e1: {  	[tilespmem:s7+$0x1CA70] =	vst v35;
	v43 =	vld [tilespmem:s7+$0x1B160];
	v38 =	vmul.f32 v29, v26  }
0x4e2: {  	v41 =	vor.u32 $0xA, v3;
	[tilespmem:s7+$0x1CA50] =	vst v11;
	v53 =	vld [tilespmem:s7+$0x1ADA0];
	v40 =	vmul.f32 v31, v26  }
0x4e3: {  	v56 =	vld [tilespmem:s7+$0x1B180];
	v12 =	vmul.f32 v32, v26;
	[tilespmem:s7+$0x1CD40] =	vst v38  }
0x4e4: {  	v37 =	vor.u32 $0xE, v1;
	v54 =	vld [tilespmem:s7+$0x1ADB0];
	v44 =	vmul.f32 v34, v26;
	[tilespmem:s7+$0x1CD50] =	vst v40  }
0x4e5: {  	v52 =	vld [tilespmem:s7+$0x1AD90];
	[tilespmem:s7+$0x1CD60] =	vst v12;
	v46 =	vmul.f32 v39, v36  }
0x4e6: {  	v49 =	vor.u32 $0xA, v2;
	v59 =	vld [tilespmem:s7+$0x1B190];
	[tilespmem:s7+$0x1CD70] =	vst v44;
	v48 =	vmul.f32 v42, v36  }
0x4e7: {  	v47 =	vld.idx.msk [tilespmem:v41+s21+$0x0], $0xffff;
	v51 =	vmul.f32 v43, v36;
	[tilespmem:s7+$0x1D140] =	vst v46  }
0x4e8: {  	v7 =	vld [tilespmem:s7+$0x1A6E0];
	v9 =	vmul.f32 v45, v36;
	[tilespmem:s7+$0x1D150] =	vst v48  }
0x4e9: {  	v10 =	vld.idx.msk [tilespmem:v37+s21+$0x0], $0xffff;
	[tilespmem:s7+$0x1D160] =	vst v51  }
0x4ea: {  	v60 =	vld [tilespmem:s7+$0x1B1A0];
	[tilespmem:s7+$0x1D170] =	vst v9  }
0x4eb: {  	v9 =	vld.idx.msk [tilespmem:v49+s21+$0x0], $0xffff  }
0x4ec: {  	v37 =	vld [tilespmem:s7+$0x1AAB0];
	v55 =	vmul.f32 v50, v47  }
0x4ed: {  	v58 =	vor.u32 $0xB, v3;
	v62 =	vld [tilespmem:s7+$0x1AA80];
	v57 =	vmul.f32 v52, v47  }
0x4ee: {  	v61 =	vld [tilespmem:s7+$0x1B1B0];
	v12 =	vmul.f32 v53, v47;
	[tilespmem:s7+$0x1CD80] =	vst v55  }
0x4ef: {  	v63 =	vld [tilespmem:s7+$0x1AA90];
	v8 =	vmul.f32 v54, v47;
	[tilespmem:s7+$0x1CD90] =	vst v57  }
0x4f0: {  	v25 =	vld [tilespmem:s7+$0x1ADC0];
	[tilespmem:s7+$0x1CDA0] =	vst v12;
	v21 =	vmul.f32 v56, v9  }
0x4f1: {  	v24 =	vor.u32 $0xB, v2;
	v27 =	vld [tilespmem:s7+$0x1ADD0];
	[tilespmem:s7+$0x1CDB0] =	vst v8;
	v23 =	vmul.f32 v59, v9  }
0x4f2: {  	v22 =	vld.idx.msk [tilespmem:v58+s21+$0x0], $0xffff;
	v26 =	vmul.f32 v60, v9;
	[tilespmem:s7+$0x1D180] =	vst v21  }
0x4f3: {  	v28 =	vld [tilespmem:s7+$0x1ADE0];
	v9 =	vmul.f32 v61, v9;
	[tilespmem:s7+$0x1D190] =	vst v23  }
0x4f4: {  	v29 =	vld [tilespmem:s7+$0x1ADF0];
	[tilespmem:s7+$0x1D1A0] =	vst v26  }
0x4f5: {  	v31 =	vld [tilespmem:s7+$0x1B1C0];
	[tilespmem:s7+$0x1D1B0] =	vst v9  }
0x4f6: {  	v35 =	vmul.f32 v62, v10;
	v9 =	vld.idx.msk [tilespmem:v24+s21+$0x0], $0xffff  }
0x4f7: {  	v34 =	vld [tilespmem:s7+$0x1B1F0];
	v30 =	vmul.f32 v25, v22  }
0x4f8: {  	v32 =	vor.u32 $0xC, v3;
	v62 =	vld [tilespmem:s7+$0x1AE50];
	[tilespmem:s7+$0x1CA80] =	vst v35;
	v13 =	vmul.f32 v27, v22  }
0x4f9: {  	v44 =	vld [tilespmem:s7+$0x1AE20];
	v11 =	vmul.f32 v28, v22;
	[tilespmem:s7+$0x1CDC0] =	vst v30  }
0x4fa: {  	v35 =	vld [tilespmem:s7+$0x1AE90];
	v8 =	vmul.f32 v29, v22;
	[tilespmem:s7+$0x1CDD0] =	vst v13  }
0x4fb: {  	v36 =	vld [tilespmem:s7+$0x1AAA0];
	[tilespmem:s7+$0x1CDE0] =	vst v11;
	v38 =	vmul.f32 v31, v9  }
0x4fc: {  	v41 =	vor.u32 $0xC, v2;
	v42 =	vld [tilespmem:s7+$0x1AE00];
	[tilespmem:s7+$0x1CDF0] =	vst v8;
	v40 =	vmul.f32 v19, v9  }
0x4fd: {  	v39 =	vld.idx.msk [tilespmem:v32+s21+$0x0], $0xffff;
	v16 =	vmul.f32 v33, v9;
	[tilespmem:s7+$0x1D1C0] =	vst v38  }
0x4fe: {  	v43 =	vld [tilespmem:s7+$0x1AE10];
	v9 =	vmul.f32 v34, v9;
	[tilespmem:s7+$0x1D1D0] =	vst v40  }
0x4ff: {  	v45 =	vld [tilespmem:s7+$0x1AE30];
	[tilespmem:s7+$0x1D1E0] =	vst v16  }
0x500: {  	v5 =	vmul.f32 v5, v4;
	v48 =	vld [tilespmem:s7+$0x1B200];
	[tilespmem:s7+$0x1D1F0] =	vst v9  }
0x501: {  	v11 =	vmul.f32 v36, v10;
	v46 =	vld.idx.msk [tilespmem:v41+s21+$0x0], $0xffff  }
0x502: {  	[tilespmem:s7+$0x1C6C0] =	vst v5;
	v51 =	vld [tilespmem:s7+$0x1B210];
	v47 =	vmul.f32 v42, v39  }
0x503: {  	v50 =	vor.u32 $0xD, v3;
	v53 =	vld [tilespmem:s7+$0x1B220];
	[tilespmem:s7+$0x1CAA0] =	vst v11;
	v49 =	vmul.f32 v43, v39  }
0x504: {  	v55 =	vld [tilespmem:s7+$0x1B230];
	v52 =	vmul.f32 v44, v39;
	[tilespmem:s7+$0x1CE00] =	vst v47  }
0x505: {  	v12 =	vmul.f32 v63, v10;
	v63 =	vld [tilespmem:s7+$0x1AE60];
	v54 =	vmul.f32 v45, v39;
	[tilespmem:s7+$0x1CE10] =	vst v49  }
0x506: {  	v56 =	vld [tilespmem:s7+$0x1A6F0];
	[tilespmem:s7+$0x1CE20] =	vst v52;
	v57 =	vmul.f32 v48, v46  }
0x507: {  	v59 =	vor.u32 $0xD, v2;
	v60 =	vld [tilespmem:s7+$0x1AE40];
	[tilespmem:s7+$0x1CE30] =	vst v54;
	v58 =	vmul.f32 v51, v46  }
0x508: {  	v11 =	vld.idx.msk [tilespmem:v50+s21+$0x0], $0xffff;
	v61 =	vmul.f32 v53, v46;
	[tilespmem:s7+$0x1D200] =	vst v57  }
0x509: {  	v26 =	vld [tilespmem:s7+$0x1B260];
	v9 =	vmul.f32 v55, v46;
	[tilespmem:s7+$0x1D210] =	vst v58  }
0x50a: {  	v6 =	vmul.f32 v6, v4;
	v22 =	vld [tilespmem:s7+$0x1B240];
	[tilespmem:s7+$0x1D220] =	vst v61  }
0x50b: {  	v25 =	vld [tilespmem:s7+$0x1B250];
	[tilespmem:s7+$0x1D230] =	vst v9  }
0x50c: {  	[tilespmem:s7+$0x1C6D0] =	vst v6;
	v8 =	vmul.f32 v37, v10;
	v9 =	vld.idx.msk [tilespmem:v59+s21+$0x0], $0xffff  }
0x50d: {  	v1 =	vor.u32 $0xF, v1;
	[tilespmem:s7+$0x1CA90] =	vst v12;
	v27 =	vld [tilespmem:s7+$0x1B270];
	v21 =	vmul.f32 v60, v11  }
0x50e: {  	v24 =	vor.u32 $0xE, v3;
	v28 =	vld [tilespmem:s7+$0x1AAC0];
	[tilespmem:s7+$0x1CAB0] =	vst v8;
	v23 =	vmul.f32 v62, v11  }
0x50f: {  	v29 =	vld [tilespmem:s7+$0x1AAD0];
	v10 =	vmul.f32 v63, v11;
	[tilespmem:s7+$0x1CE40] =	vst v21  }
0x510: {  	v36 =	vld [tilespmem:s7+$0x1AEA0];
	v8 =	vmul.f32 v20, v11;
	[tilespmem:s7+$0x1CE50] =	vst v23  }
0x511: {  	v34 =	vld [tilespmem:s7+$0x1AE80];
	[tilespmem:s7+$0x1CE60] =	vst v10;
	v30 =	vmul.f32 v22, v9  }
0x512: {  	v33 =	vor.u32 $0xE, v2;
	v1 =	vld.idx.msk [tilespmem:v1+s21+$0x0], $0xffff;
	[tilespmem:s7+$0x1CE70] =	vst v8;
	v32 =	vmul.f32 v25, v9  }
0x513: {  	v31 =	vld.idx.msk [tilespmem:v24+s21+$0x0], $0xffff;
	v12 =	vmul.f32 v26, v9;
	[tilespmem:s7+$0x1D240] =	vst v30  }
0x514: {  	v37 =	vld [tilespmem:s7+$0x1AEB0];
	v9 =	vmul.f32 v27, v9;
	[tilespmem:s7+$0x1D250] =	vst v32  }
0x515: {  	v38 =	vmul.f32 v7, v4;
	v4 =	vmul.f32 v56, v4;
	v56 =	vld [tilespmem:s7+$0x1AEE0];
	[tilespmem:s7+$0x1D260] =	vst v12  }
0x516: {  	v41 =	vld [tilespmem:s7+$0x1B280];
	[tilespmem:s7+$0x1D270] =	vst v9  }
0x517: {  	[tilespmem:s7+$0x1C6E0] =	vst v38;
	v55 =	vmul.f32 v28, v1;
	v39 =	vld.idx.msk [tilespmem:v33+s21+$0x0], $0xffff  }
0x518: {  	v43 =	vld [tilespmem:s7+$0x1B290];
	[tilespmem:s7+$0x1C6F0] =	vst v4;
	v40 =	vmul.f32 v34, v31  }
0x519: {  	v3 =	vor.u32 $0xF, v3;
	v45 =	vld [tilespmem:s7+$0x1B2A0];
	[tilespmem:s7+$0x1CAC0] =	vst v55;
	v42 =	vmul.f32 v35, v31  }
0x51a: {  	v47 =	vld [tilespmem:s7+$0x1B2B0];
	v44 =	vmul.f32 v36, v31;
	[tilespmem:s7+$0x1CE80] =	vst v40  }
0x51b: {  	v48 =	vld [tilespmem:s7+$0x1AAE0];
	v46 =	vmul.f32 v37, v31;
	[tilespmem:s7+$0x1CE90] =	vst v42  }
0x51c: {  	v49 =	vld [tilespmem:s7+$0x1AAF0];
	[tilespmem:s7+$0x1CEA0] =	vst v44;
	v8 =	vmul.f32 v41, v39  }
0x51d: {  	v2 =	vor.u32 $0xF, v2;
	v51 =	vld [tilespmem:s7+$0x1AEC0];
	[tilespmem:s7+$0x1CEB0] =	vst v46;
	v50 =	vmul.f32 v43, v39  }
0x51e: {  	v3 =	vld.idx.msk [tilespmem:v3+s21+$0x0], $0xffff;
	v52 =	vmul.f32 v45, v39;
	[tilespmem:s7+$0x1D280] =	vst v8  }
0x51f: {  	v54 =	vld [tilespmem:s7+$0x1AED0];
	v53 =	vmul.f32 v47, v39;
	[tilespmem:s7+$0x1D290] =	vst v50  }
0x520: {  	v57 =	vld [tilespmem:s7+$0x1AEF0];
	v6 =	vmul.f32 v48, v1;
	[tilespmem:s7+$0x1D2A0] =	vst v52  }
0x521: {  	v58 =	vld [tilespmem:s7+$0x1B2C0];
	v10 =	vmul.f32 v29, v1;
	[tilespmem:s7+$0x1D2B0] =	vst v53  }
0x522: {  	v1 =	vmul.f32 v49, v1;
	[tilespmem:s7+$0x1CAE0] =	vst v6;
	v2 =	vld.idx.msk [tilespmem:v2+s21+$0x0], $0xffff  }
0x523: {  	v60 =	vld [tilespmem:s7+$0x1B2D0];
	[tilespmem:s7+$0x1CAD0] =	vst v10;
	v59 =	vmul.f32 v51, v3  }
0x524: {  	v61 =	vld [tilespmem:s7+$0x1B2E0];
	[tilespmem:s7+$0x1CAF0] =	vst v1;
	v1 =	vmul.f32 v54, v3  }
0x525: {  	v63 =	vld [tilespmem:s7+$0x1B2F0];
	v62 =	vmul.f32 v56, v3;
	[tilespmem:s7+$0x1CEC0] =	vst v59  }
0x526: {  	[tilespmem:s7+$0x1CED0] =	vst v1;
	v1 =	vmul.f32 v57, v3  }
0x527: {  	p2 =	por p1, p1;
	[tilespmem:s7+$0x1CEE0] =	vst v62;
	v3 =	vmul.f32 v58, v2  }
.Ltmp5:
0x528: {  	[tilespmem:s7+$0x1CEF0] =	vst v1;
	v1 =	vmul.f32 v60, v2;
	(pc) =	sbr.rel @p2 .LBB2_9-.Ltmp5, $4  }
0x529: {  	[tilespmem:s7+$0x1D2C0] =	vst v3;
	v3 =	vmul.f32 v61, v2  }
0x52a: {  	[tilespmem:s7+$0x1D2D0] =	vst v1;
	v1 =	vmul.f32 v63, v2  }
0x52b: {  	[tilespmem:s7+$0x1D2E0] =	vst v3  }
0x52c: {  	p1 =	por $0x0, $0x0;
	[tilespmem:s7+$0x1D2F0] =	vst v1;
	s7 =	simm.s32 $0x4  }
.Ltmp6:
0x52d: {  	s5 =	sadd.s32 $0x12100, s5;
	(pc) =	sbr.rel @p0 .LBB2_12-.Ltmp6, $4  }
0x52e: {  	[spmem:s3] =	stream.indirect.scatter.add.f32 [tilespmem:s30], [sflag:$0x4], $0x40, s5, s25, $0xb8;
	[tilespmem:$0x1E300] =	vst v63  }
0x52f: {  	_ =	swait.ge [sflag:s31], $0x2000  }
0x530: {  	[sflag:s31] =	ssyncset.done $0x0  }
0x531: {  	[sflag:s31] =	ssyncadd.s32 $0xFFFFE000  }
.Ltmp7:
0x532: {  	(pc) =	sbr.rel .LBB2_4-.Ltmp7, $3  }
0x533: {  	_ =	sdelay $0x1  }
0x534: {  	s2 =	sadd.s32 $0x10280, s2;
	s28 =	sadd.s32 $0x1, s28  }
0x535: {  	[tilespmem:s24], [sflag:$0x3] =	stream.indirect.gather [hbm4b:s1+s25], $0x40, s2, s25, $0xb8;
	[tilespmem:$0x1E300] =	vst v63  }
.LBB2_13:
0x536: {  	_ =	sfence.sel $0x180000  }
0x537: {  	[bflag:$0x0] =	sbarrier.arrive $0xFFFF  }
0x538: {  	_ =	strace $0x90000047  }
0x539: {  	s0 =	stileid.u32;
	[bflag:$0x2] =	sbarrier.arrive $0xFFFF  }
0x53a: {  	p0 =	sne.s32 s0, $0x0;
	s0 =	rddreg [dreg:$0x3]  }
0x53b: {  	s0 =	sadd.s32 @!p0 $0x100000, s0  }
0x53c: {  	[sflag:s0] =	ssyncadd.tile.s32 @!p0 $0x1;
	_ =	shalt  }
.Lfunc_end2:
_tile_overlayer_lowered:
.L_overlay_start_2:
0x53d: {  	(tag) =	ssettag $0x2  }
0x53e: {  	s0 =	rddreg [dreg:$0x0];
	s2 =	stileid.u32  }
0x53f: {  	s1 =	rddreg [dreg:$0x1];
	p0 =	sne.s32 s2, $0x0  }
0x540: {  	s3 =	rddreg [dreg:$0x2];
	[bflag:$0x3] =	sbarrier.arrive $0xFFFF;
	s2 =	simm.s32 @!p0 $0x1C05  }
0x541: {  	[timem:s3], [sflag:s2] =	dma.local @!p0 [hbm:s0], s1  }
0x542: {  	s0 =	simm.s32 @!p0 $0x5  }
0x543: {  	_ =	swait.ge @!p0 [sflag:s0], s1  }
0x544: {  	s1 =	ssub.s32 @!p0 $0x0, s1;
	[sflag:s0] =	ssyncset.done @!p0 $0x0  }
0x545: {  	[sflag:s0] =	ssyncadd.s32 @!p0 s1  }
0x546: {  	[bflag:$0x3] =	sbarrier.arrive $0xFFFF  }
0x547: {  	_ =	shalt  }

</sc_bundles>
